<compile_context>
chip_gen: v7x
topology: tpu7x:2x2x1
jax: 0.10.2.dev20260603
libtpu: 0.0.44.dev20260713+nightly
codegen_flags: <defaults>
</compile_context>

<pallas_src>
import jax
import jax.numpy as jnp
from jax import lax
from jax.experimental import pallas as pl
from jax.experimental.pallas import tpu as pltpu
from jax.experimental.pallas import tpu_sc as plsc

BATCH = 16384
EMBED = 16
NUM = 1000000
_NC = 2
_NS = 16
_NW = _NC * _NS
_CHUNK = BATCH // _NW
_PASS = _CHUNK // 2

_SLAB = 1024
_SLABP = 1033
_NSLAB = 976
_MAIN = _NSLAB * _SLAB
_TAILW = 640
_TAIL0 = NUM - _TAILW


def _shuffle(slab_v, osl_v):
    row_iota = lax.iota(jnp.int32, 16)
    zeros = jnp.full((16,), 0, jnp.int32)

    @plsc.parallel_loop(0, _SLAB // 16, unroll=2)
    def step(r):
        c0 = r * 16
        vs = [plsc.load_gather(slab_v, [row_iota, zeros + (c0 + s)])
              for s in range(16)]
        for s in range(16):
            osl_v[r * 2 + (s >> 3), pl.ds((s & 7) * 16, 16)] = vs[s]


def _fire(uft_hbm, ift_hbm, u_b, i_b, sem, sl):
    c0 = sl * _SLAB
    pltpu.async_copy(
        uft_hbm.at[:, pl.ds(c0, _SLAB)], u_b.at[:, pl.ds(0, _SLAB)], sem)
    pltpu.async_copy(
        ift_hbm.at[:, pl.ds(c0, _SLAB)], i_b.at[:, pl.ds(0, _SLAB)], sem)


def _drain(uft_hbm, ift_hbm, u_b, i_b, sem, sl):
    c0 = sl * _SLAB
    pltpu.make_async_copy(
        uft_hbm.at[:, pl.ds(c0, _SLAB)], u_b.at[:, pl.ds(0, _SLAB)],
        sem).wait()
    pltpu.make_async_copy(
        ift_hbm.at[:, pl.ds(c0, _SLAB)], i_b.at[:, pl.ds(0, _SLAB)],
        sem).wait()


def _detrans_body(uft_hbm, ift_hbm, usup_hbm, isup_hbm,
                  u_s0, i_s0, u_s1, i_s1, uo_v, io_v, sem0, sem1, semw):
    wid = lax.axis_index("s") * _NC + lax.axis_index("c")
    bufs = ((u_s0, i_s0, sem0), (u_s1, i_s1, sem1))
    nrow = _SLAB // 8

    def _drain_writes(sl_prev):
        r0p = sl_prev * nrow
        pltpu.make_async_copy(
            uo_v, usup_hbm.at[pl.ds(r0p, nrow)], semw).wait()
        pltpu.make_async_copy(
            io_v, isup_hbm.at[pl.ds(r0p, nrow)], semw).wait()

    _fire(uft_hbm, ift_hbm, u_s0, i_s0, sem0, wid)

    def pair(k, carry):
        for e in range(2):
            j = k * 2 + e
            sl = j * _NW + wid
            u_b, i_b, sem = bufs[e]
            nu_b, ni_b, nsem = bufs[e ^ 1]

            @pl.when(sl < _NSLAB)
            def _(sl=sl, u_b=u_b, i_b=i_b, sem=sem,
                  nu_b=nu_b, ni_b=ni_b, nsem=nsem):
                _drain(uft_hbm, ift_hbm, u_b, i_b, sem, sl)

                @pl.when(sl + _NW < _NSLAB)
                def _():
                    _fire(uft_hbm, ift_hbm, nu_b, ni_b, nsem, sl + _NW)

                @pl.when(sl >= _NW)
                def _():
                    _drain_writes(sl - _NW)

                r0 = sl * nrow
                _shuffle(u_b, uo_v)
                pltpu.async_copy(uo_v, usup_hbm.at[pl.ds(r0, nrow)], semw)
                _shuffle(i_b, io_v)
                pltpu.async_copy(io_v, isup_hbm.at[pl.ds(r0, nrow)], semw)

        return carry

    lax.fori_loop(0, ((_NSLAB + _NW - 1) // _NW + 1) // 2, pair, 0)
    _drain_writes(((_NSLAB - 1 - wid) // _NW) * _NW + wid)


def _gather_body(uid_hbm, iid_hbm, uf_hbm, if_hbm, ut_hbm, it_hbm,
                 ub_hbm, ib_hbm, gb_hbm,
                 pred_hbm, cvr_hbm,
                 uid_v, iid_v, usup_v, isup_v, u_rows, i_rows, ut_v, it_v,
                 ub_v, ib_v, pred_v, cvr_v, gb_v, sem):
    wid = lax.axis_index("s") * _NC + lax.axis_index("c")
    base = wid * _CHUNK

    pltpu.sync_copy(uid_hbm.at[pl.ds(base, _CHUNK)], uid_v)
    pltpu.sync_copy(iid_hbm.at[pl.ds(base, _CHUNK)], iid_v)
    pltpu.sync_copy(gb_hbm, gb_v)
    pltpu.sync_copy(ut_hbm, ut_v)
    pltpu.sync_copy(it_hbm, it_v)

    def supidx(j, carry):
        s = j * 16
        usup_v[pl.ds(s, 16)] = lax.shift_right_logical(uid_v[pl.ds(s, 16)], 3)
        isup_v[pl.ds(s, 16)] = lax.shift_right_logical(iid_v[pl.ds(s, 16)], 3)
        return carry

    lax.fori_loop(0, _CHUNK // 16, supidx, 0)

    cp_ub = pltpu.async_copy(ub_hbm.at[uid_v], ub_v, sem)
    cp_ib = pltpu.async_copy(ib_hbm.at[iid_v], ib_v, sem)

    gb_vec = gb_v[...]

    for p in range(2):
        cp_u = pltpu.async_copy(
            uf_hbm.at[usup_v.at[pl.ds(p * _PASS, _PASS)]], u_rows, sem)
        cp_i = pltpu.async_copy(
            if_hbm.at[isup_v.at[pl.ds(p * _PASS, _PASS)]], i_rows, sem)
        cp_u.wait()
        cp_i.wait()
        if p == 0:
            cp_ub.wait()
            cp_ib.wait()

        def block(j, carry):
            b16 = p * _PASS + j * 16
            row_idx = lax.iota(jnp.int32, 16) + j * 16
            uid_b = uid_v[pl.ds(b16, 16)]
            iid_b = iid_v[pl.ds(b16, 16)]
            ucol = (uid_b & 7) * 16
            icol = (iid_b & 7) * 16
            ut_col = jnp.maximum(uid_b - _TAIL0, 0)
            it_col = jnp.maximum(iid_b - _TAIL0, 0)
            u_tail = uid_b >= _MAIN
            i_tail = iid_b >= _MAIN
            acc = ub_v[pl.ds(b16, 16)] + ib_v[pl.ds(b16, 16)] + gb_vec
            for d in range(EMBED):
                dvec = jnp.full((16,), d, jnp.int32)
                um = plsc.load_gather(u_rows, [row_idx, ucol + d])
                im = plsc.load_gather(i_rows, [row_idx, icol + d])
                ut = plsc.load_gather(ut_v, [dvec, ut_col])
                it = plsc.load_gather(it_v, [dvec, it_col])
                uu = jnp.where(u_tail, ut, um)
                ii = jnp.where(i_tail, it, im)
                acc = acc + uu * ii
            pred_v[pl.ds(b16, 16)] = acc
            cvr_v[pl.ds(b16, 16)] = 1.0 / (1.0 + jnp.exp(-acc))
            return carry

        lax.fori_loop(0, _PASS // 16, block, 0)

    pltpu.sync_copy(pred_v, pred_hbm.at[pl.ds(base, _CHUNK)])
    pltpu.sync_copy(cvr_v, cvr_hbm.at[pl.ds(base, _CHUNK)])


@jax.jit
def _run(user_id, item_id, user_factors, item_factors, user_bias, item_bias,
         gb16):
    f32 = jnp.float32
    mesh = plsc.VectorSubcoreMesh(core_axis_name="c", subcore_axis_name="s")
    params = pltpu.CompilerParams(
        needs_layout_passes=False, disable_bounds_checks=True)

    detrans = pl.kernel(
        _detrans_body,
        out_type=(jax.ShapeDtypeStruct((NUM // 8, 8 * EMBED), f32),
                  jax.ShapeDtypeStruct((NUM // 8, 8 * EMBED), f32)),
        mesh=mesh,
        compiler_params=params,
        scratch_types=[
            pltpu.VMEM((EMBED, _SLABP), f32),
            pltpu.VMEM((EMBED, _SLABP), f32),
            pltpu.VMEM((EMBED, _SLABP), f32),
            pltpu.VMEM((EMBED, _SLABP), f32),
            pltpu.VMEM((_SLAB // 8, 128), f32),
            pltpu.VMEM((_SLAB // 8, 128), f32),
            pltpu.SemaphoreType.DMA,
            pltpu.SemaphoreType.DMA,
            pltpu.SemaphoreType.DMA,
        ],
    )
    usup, isup = detrans(user_factors.T, item_factors.T)

    gather = pl.kernel(
        _gather_body,
        out_type=(jax.ShapeDtypeStruct((BATCH,), f32),
                  jax.ShapeDtypeStruct((BATCH,), f32)),
        mesh=mesh,
        compiler_params=params,
        scratch_types=[
            pltpu.VMEM((_CHUNK,), jnp.int32),
            pltpu.VMEM((_CHUNK,), jnp.int32),
            pltpu.VMEM((_CHUNK,), jnp.int32),
            pltpu.VMEM((_CHUNK,), jnp.int32),
            pltpu.VMEM((_PASS, 128), f32),
            pltpu.VMEM((_PASS, 128), f32),
            pltpu.VMEM((EMBED, _TAILW), f32),
            pltpu.VMEM((EMBED, _TAILW), f32),
            pltpu.VMEM((_CHUNK,), f32),
            pltpu.VMEM((_CHUNK,), f32),
            pltpu.VMEM((_CHUNK,), f32),
            pltpu.VMEM((_CHUNK,), f32),
            pltpu.VMEM((16,), f32),
            pltpu.SemaphoreType.DMA,
        ],
    )
    ut = user_factors[_TAIL0:].T
    it = item_factors[_TAIL0:].T
    return gather(user_id, item_id, usup, isup, ut, it,
                  user_bias, item_bias, gb16)


def kernel(user_id, item_id, user_factors, item_factors, user_bias,
           item_bias, global_bias):
    gb16 = jnp.broadcast_to(global_bias.astype(jnp.float32), (16,))
    pred, cvr = _run(user_id.astype(jnp.int32), item_id.astype(jnp.int32),
                     user_factors, item_factors, user_bias, item_bias, gb16)
    return (pred, cvr)

# --- scband reference (transcript-rebuilt; emitter-appended) ---
"""Pipeline reference for scband-dr-fm-12506944766552 (READ-ONLY COPY).

The authoritative reference and input builder live on the scoring server;
editing this copy changes nothing except your own understanding.
"""

import jax, jax.numpy as jnp
import numpy as np

NUM_USER = 1000000
NUM_ITEM = 1000000
EMBED = 16
BATCH = 16384

def setup_inputs(seed: int = 0) -> dict:
    key = jax.random.key(seed)
    k1, k2, k3, k4, k5, k6, k7 = jax.random.split(key, 7)
    user_id = jax.random.randint(k1, (BATCH,), 0, NUM_USER, dtype=jnp.int64) if jax.config.jax_enable_x64 else jax.random.randint(k1, (BATCH,), 0, NUM_USER, dtype=jnp.int32)
    item_id = jax.random.randint(k2, (BATCH,), 0, NUM_ITEM, dtype=jnp.int64) if jax.config.jax_enable_x64 else jax.random.randint(k2, (BATCH,), 0, NUM_ITEM, dtype=jnp.int32)
    user_factors = jax.random.normal(k3, (NUM_USER, EMBED), dtype=jnp.float32) * 0.3
    item_factors = jax.random.normal(k4, (NUM_ITEM, EMBED), dtype=jnp.float32) * 0.3
    user_bias = jax.random.normal(k5, (NUM_USER,), dtype=jnp.float32)
    item_bias = jax.random.normal(k6, (NUM_ITEM,), dtype=jnp.float32)
    global_bias = jax.random.normal(k7, (1,), dtype=jnp.float32)
    return {"user_id": user_id, "item_id": item_id,
            "user_factors": user_factors, "item_factors": item_factors,
            "user_bias": user_bias, "item_bias": item_bias,
            "global_bias": global_bias}

def reference(user_id, item_id, user_factors, item_factors, user_bias, item_bias, global_bias):
    user_feature = jnp.take(user_factors, user_id, axis=0)
    item_feature = jnp.take(item_factors, item_id, axis=0)
    pred = (user_feature * item_feature).sum(axis=1)
    pred = pred + user_bias[user_id] + item_bias[item_id] + global_bias
    cvr = jax.nn.sigmoid(pred)
    return (pred, cvr)

if __name__ == "__main__":
    import jax
    _d = setup_inputs()
    print(jax.jit(kernel)(*tuple(_d.values())))

</pallas_src>

<mosaic_0001>
#map = affine_map<(d0, d1) -> (0, 0)>
module attributes {stable_mosaic.version = 14 : i64} {
  func.func @_detrans_body(%arg0: i32, %arg1: i32, %arg2: memref<16x1000000xf32, #tpu.memory_space<hbm>>, %arg3: memref<16x1000000xf32, #tpu.memory_space<hbm>>, %arg4: memref<125000x128xf32, #tpu.memory_space<hbm>>, %arg5: memref<125000x128xf32, #tpu.memory_space<hbm>>, %arg6: memref<16x1033xf32, #tpu.memory_space<vmem>>, %arg7: memref<16x1033xf32, #tpu.memory_space<vmem>>, %arg8: memref<16x1033xf32, #tpu.memory_space<vmem>>, %arg9: memref<16x1033xf32, #tpu.memory_space<vmem>>, %arg10: memref<128x128xf32, #tpu.memory_space<vmem>>, %arg11: memref<128x128xf32, #tpu.memory_space<vmem>>, %arg12: memref<!tpu.dma_semaphore, #tpu.memory_space<semaphore_mem>>, %arg13: memref<!tpu.dma_semaphore, #tpu.memory_space<semaphore_mem>>, %arg14: memref<!tpu.dma_semaphore, #tpu.memory_space<semaphore_mem>>) attributes {dimension_semantics = [#tpu.dimension_semantics<core_parallel>, #tpu.dimension_semantics<subcore_parallel>], iteration_bounds = array<i64: 2, 16>, scalar_prefetch = 0 : i64, scratch_operands = 9 : i64, tpu.core_type = #tpu.core_type<sc_vector_subcore>, window_params = [{transform_indices = #map}, {transform_indices = #map}, {transform_indices = #map}, {transform_indices = #map}]} {
    %mul3A = arith.constant 2 : i32
    %mul3A_0 = arith.muli %arg1, %mul3A : i32
    %add3A = arith.addi %mul3A_0, %arg0 : i32
    %mul3A_1 = arith.constant 1024 : i32
    %mul3A_2 = arith.muli %add3A, %mul3A_1 : i32
    %dma_start3A = arith.constant 0 : i32
    %dma_start3A_3 = arith.constant 0 : i32
    %dma_start3A_4 = tpu.memref_slice %arg6[%dma_start3A, %dma_start3A_3] : memref<16x1033xf32, #tpu.memory_space<vmem>> -> memref<16x1024xf32, #tpu.memory_space<vmem>>
    %dma_start3A_5 = arith.constant 0 : i32
    %dma_start3A_6 = tpu.memref_slice %arg2[%dma_start3A_5, %mul3A_2] : memref<16x1000000xf32, #tpu.memory_space<hbm>> -> memref<16x1024xf32, #tpu.memory_space<hbm>>
    %dma_start3A_7 = arith.constant 0 : i32
    %dma_start3A_8 = arith.constant 0 : i32
    %dma_start3A_9 = tpu.memref_slice %arg6[%dma_start3A_7, %dma_start3A_8] : memref<16x1033xf32, #tpu.memory_space<vmem>> -> memref<16x1024xf32, #tpu.memory_space<vmem>>
    %dma_start3A_10 = arith.constant 0 : i32
    %dma_start3A_11 = tpu.memref_slice %arg2[%dma_start3A_10, %mul3A_2] : memref<16x1000000xf32, #tpu.memory_space<hbm>> -> memref<16x1024xf32, #tpu.memory_space<hbm>>
    tpu.enqueue_dma source(%dma_start3A_11 : memref<16x1024xf32, #tpu.memory_space<hbm>>) target(%dma_start3A_9 : memref<16x1024xf32, #tpu.memory_space<vmem>>) target_semaphore(%arg12 : memref<!tpu.dma_semaphore, #tpu.memory_space<semaphore_mem>>)
    %dma_start3A_12 = arith.constant 0 : i32
    %dma_start3A_13 = arith.constant 0 : i32
    %dma_start3A_14 = tpu.memref_slice %arg7[%dma_start3A_12, %dma_start3A_13] : memref<16x1033xf32, #tpu.memory_space<vmem>> -> memref<16x1024xf32, #tpu.memory_space<vmem>>
    %dma_start3A_15 = arith.constant 0 : i32
    %dma_start3A_16 = tpu.memref_slice %arg3[%dma_start3A_15, %mul3A_2] : memref<16x1000000xf32, #tpu.memory_space<hbm>> -> memref<16x1024xf32, #tpu.memory_space<hbm>>
    %dma_start3A_17 = arith.constant 0 : i32
    %dma_start3A_18 = arith.constant 0 : i32
    %dma_start3A_19 = tpu.memref_slice %arg7[%dma_start3A_17, %dma_start3A_18] : memref<16x1033xf32, #tpu.memory_space<vmem>> -> memref<16x1024xf32, #tpu.memory_space<vmem>>
    %dma_start3A_20 = arith.constant 0 : i32
    %dma_start3A_21 = tpu.memref_slice %arg3[%dma_start3A_20, %mul3A_2] : memref<16x1000000xf32, #tpu.memory_space<hbm>> -> memref<16x1024xf32, #tpu.memory_space<hbm>>
    tpu.enqueue_dma source(%dma_start3A_21 : memref<16x1024xf32, #tpu.memory_space<hbm>>) target(%dma_start3A_19 : memref<16x1024xf32, #tpu.memory_space<vmem>>) target_semaphore(%arg12 : memref<!tpu.dma_semaphore, #tpu.memory_space<semaphore_mem>>)
    %scan3A = arith.constant 0 : i32
    %scan3A_22 = arith.constant 0 : i32
    %scan3A_23 = arith.constant 16 : i32
    %scan3A_24 = arith.addi %scan3A_22, %scan3A_23 : i32
    %scan3A_25 = arith.constant 1 : i32
    scf.for %scan3A_57 = %scan3A_22 to %scan3A_24 step %scan3A_25  : i32 {
      %mul3A_58 = arith.constant 2 : i32
      %mul3A_59 = arith.muli %scan3A_57, %mul3A_58 : i32
      %add3A_60 = arith.constant 0 : i32
      %add3A_61 = arith.addi %mul3A_59, %add3A_60 : i32
      %mul3A_62 = arith.constant 32 : i32
      %mul3A_63 = arith.muli %add3A_61, %mul3A_62 : i32
      %add3A_64 = arith.addi %mul3A_63, %add3A : i32
      %lt3A = arith.constant 976 : i32
      %lt3A_65 = arith.cmpi slt, %add3A_64, %lt3A : i32
      %convert_element_type3A = arith.extui %lt3A_65 : i1 to i32
      %cond3A = arith.constant 0 : i32
      %cond3A_66 = arith.cmpi ne, %convert_element_type3A, %cond3A : i32
      scf.if %cond3A_66 {
        %mul3A_79 = arith.constant 1024 : i32
        %mul3A_80 = arith.muli %add3A_64, %mul3A_79 : i32
        %dma_wait3A_81 = arith.constant 0 : i32
        %dma_wait3A_82 = arith.constant 0 : i32
        %dma_wait3A_83 = tpu.memref_slice %arg6[%dma_wait3A_81, %dma_wait3A_82] : memref<16x1033xf32, #tpu.memory_space<vmem>> -> memref<16x1024xf32, #tpu.memory_space<vmem>>
        %dma_wait3A_84 = arith.constant 0 : i32
        %dma_wait3A_85 = tpu.memref_slice %arg2[%dma_wait3A_84, %mul3A_80] : memref<16x1000000xf32, #tpu.memory_space<hbm>> -> memref<16x1024xf32, #tpu.memory_space<hbm>>
        %dma_wait3A_86 = arith.constant 0 : i32
        %dma_wait3A_87 = arith.constant 0 : i32
        %dma_wait3A_88 = tpu.memref_slice %arg6[%dma_wait3A_86, %dma_wait3A_87] : memref<16x1033xf32, #tpu.memory_space<vmem>> -> memref<16x1024xf32, #tpu.memory_space<vmem>>
        %dma_wait3A_89 = arith.constant 0 : i32
        %dma_wait3A_90 = tpu.memref_slice %arg2[%dma_wait3A_89, %mul3A_80] : memref<16x1000000xf32, #tpu.memory_space<hbm>> -> memref<16x1024xf32, #tpu.memory_space<hbm>>
        tpu.wait_dma2 semaphore(%arg12 : memref<!tpu.dma_semaphore, #tpu.memory_space<semaphore_mem>>) src(%dma_wait3A_90 : memref<16x1024xf32, #tpu.memory_space<hbm>>) dst(%dma_wait3A_88 : memref<16x1024xf32, #tpu.memory_space<vmem>>)
        %dma_wait3A_91 = arith.constant 0 : i32
        %dma_wait3A_92 = arith.constant 0 : i32
        %dma_wait3A_93 = tpu.memref_slice %arg7[%dma_wait3A_91, %dma_wait3A_92] : memref<16x1033xf32, #tpu.memory_space<vmem>> -> memref<16x1024xf32, #tpu.memory_space<vmem>>
        %dma_wait3A_94 = arith.constant 0 : i32
        %dma_wait3A_95 = tpu.memref_slice %arg3[%dma_wait3A_94, %mul3A_80] : memref<16x1000000xf32, #tpu.memory_space<hbm>> -> memref<16x1024xf32, #tpu.memory_space<hbm>>
        %dma_wait3A_96 = arith.constant 0 : i32
        %dma_wait3A_97 = arith.constant 0 : i32
        %dma_wait3A_98 = tpu.memref_slice %arg7[%dma_wait3A_96, %dma_wait3A_97] : memref<16x1033xf32, #tpu.memory_space<vmem>> -> memref<16x1024xf32, #tpu.memory_space<vmem>>
        %dma_wait3A_99 = arith.constant 0 : i32
        %dma_wait3A_100 = tpu.memref_slice %arg3[%dma_wait3A_99, %mul3A_80] : memref<16x1000000xf32, #tpu.memory_space<hbm>> -> memref<16x1024xf32, #tpu.memory_space<hbm>>
        tpu.wait_dma2 semaphore(%arg12 : memref<!tpu.dma_semaphore, #tpu.memory_space<semaphore_mem>>) src(%dma_wait3A_100 : memref<16x1024xf32, #tpu.memory_space<hbm>>) dst(%dma_wait3A_98 : memref<16x1024xf32, #tpu.memory_space<vmem>>)
        %add3A_101 = arith.constant 32 : i32
        %add3A_102 = arith.addi %add3A_64, %add3A_101 : i32
        %lt3A_103 = arith.constant 976 : i32
        %lt3A_104 = arith.cmpi slt, %add3A_102, %lt3A_103 : i32
        %convert_element_type3A_105 = arith.extui %lt3A_104 : i1 to i32
        %cond3A_106 = arith.constant 0 : i32
        %cond3A_107 = arith.cmpi ne, %convert_element_type3A_105, %cond3A_106 : i32
        scf.if %cond3A_107 {
          %add3A_131 = arith.constant 32 : i32
          %add3A_132 = arith.addi %add3A_64, %add3A_131 : i32
          %mul3A_133 = arith.constant 1024 : i32
          %mul3A_134 = arith.muli %add3A_132, %mul3A_133 : i32
          %dma_start3A_135 = arith.constant 0 : i32
          %dma_start3A_136 = arith.constant 0 : i32
          %dma_start3A_137 = tpu.memref_slice %arg8[%dma_start3A_135, %dma_start3A_136] : memref<16x1033xf32, #tpu.memory_space<vmem>> -> memref<16x1024xf32, #tpu.memory_space<vmem>>
          %dma_start3A_138 = arith.constant 0 : i32
          %dma_start3A_139 = tpu.memref_slice %arg2[%dma_start3A_138, %mul3A_134] : memref<16x1000000xf32, #tpu.memory_space<hbm>> -> memref<16x1024xf32, #tpu.memory_space<hbm>>
          %dma_start3A_140 = arith.constant 0 : i32
          %dma_start3A_141 = arith.constant 0 : i32
          %dma_start3A_142 = tpu.memref_slice %arg8[%dma_start3A_140, %dma_start3A_141] : memref<16x1033xf32, #tpu.memory_space<vmem>> -> memref<16x1024xf32, #tpu.memory_space<vmem>>
          %dma_start3A_143 = arith.constant 0 : i32
          %dma_start3A_144 = tpu.memref_slice %arg2[%dma_start3A_143, %mul3A_134] : memref<16x1000000xf32, #tpu.memory_space<hbm>> -> memref<16x1024xf32, #tpu.memory_space<hbm>>
          tpu.enqueue_dma source(%dma_start3A_144 : memref<16x1024xf32, #tpu.memory_space<hbm>>) target(%dma_start3A_142 : memref<16x1024xf32, #tpu.memory_space<vmem>>) target_semaphore(%arg13 : memref<!tpu.dma_semaphore, #tpu.memory_space<semaphore_mem>>)
          %dma_start3A_145 = arith.constant 0 : i32
          %dma_start3A_146 = arith.constant 0 : i32
          %dma_start3A_147 = tpu.memref_slice %arg9[%dma_start3A_145, %dma_start3A_146] : memref<16x1033xf32, #tpu.memory_space<vmem>> -> memref<16x1024xf32, #tpu.memory_space<vmem>>
          %dma_start3A_148 = arith.constant 0 : i32
          %dma_start3A_149 = tpu.memref_slice %arg3[%dma_start3A_148, %mul3A_134] : memref<16x1000000xf32, #tpu.memory_space<hbm>> -> memref<16x1024xf32, #tpu.memory_space<hbm>>
          %dma_start3A_150 = arith.constant 0 : i32
          %dma_start3A_151 = arith.constant 0 : i32
          %dma_start3A_152 = tpu.memref_slice %arg9[%dma_start3A_150, %dma_start3A_151] : memref<16x1033xf32, #tpu.memory_space<vmem>> -> memref<16x1024xf32, #tpu.memory_space<vmem>>
          %dma_start3A_153 = arith.constant 0 : i32
          %dma_start3A_154 = tpu.memref_slice %arg3[%dma_start3A_153, %mul3A_134] : memref<16x1000000xf32, #tpu.memory_space<hbm>> -> memref<16x1024xf32, #tpu.memory_space<hbm>>
          tpu.enqueue_dma source(%dma_start3A_154 : memref<16x1024xf32, #tpu.memory_space<hbm>>) target(%dma_start3A_152 : memref<16x1024xf32, #tpu.memory_space<vmem>>) target_semaphore(%arg13 : memref<!tpu.dma_semaphore, #tpu.memory_space<semaphore_mem>>)
        } else {
        }
        %ge3A = arith.constant 32 : i32
        %ge3A_108 = arith.cmpi sge, %add3A_64, %ge3A : i32
        %convert_element_type3A_109 = arith.extui %ge3A_108 : i1 to i32
        %cond3A_110 = arith.constant 0 : i32
        %cond3A_111 = arith.cmpi ne, %convert_element_type3A_109, %cond3A_110 : i32
        scf.if %cond3A_111 {
          %sub3A_131 = arith.constant 32 : i32
          %sub3A_132 = arith.subi %add3A_64, %sub3A_131 : i32
          %mul3A_133 = arith.constant 128 : i32
          %mul3A_134 = arith.muli %sub3A_132, %mul3A_133 : i32
          %dma_wait3A_135 = arith.constant 0 : i32
          %dma_wait3A_136 = tpu.memref_slice %arg4[%mul3A_134, %dma_wait3A_135] : memref<125000x128xf32, #tpu.memory_space<hbm>> -> memref<128x128xf32, #tpu.memory_space<hbm>>
          %dma_wait3A_137 = arith.constant 0 : i32
          %dma_wait3A_138 = tpu.memref_slice %arg4[%mul3A_134, %dma_wait3A_137] : memref<125000x128xf32, #tpu.memory_space<hbm>> -> memref<128x128xf32, #tpu.memory_space<hbm>>
          tpu.wait_dma2 semaphore(%arg14 : memref<!tpu.dma_semaphore, #tpu.memory_space<semaphore_mem>>) src(%arg10 : memref<128x128xf32, #tpu.memory_space<vmem>>) dst(%dma_wait3A_138 : memref<128x128xf32, #tpu.memory_space<hbm>>)
          %dma_wait3A_139 = arith.constant 0 : i32
          %dma_wait3A_140 = tpu.memref_slice %arg5[%mul3A_134, %dma_wait3A_139] : memref<125000x128xf32, #tpu.memory_space<hbm>> -> memref<128x128xf32, #tpu.memory_space<hbm>>
          %dma_wait3A_141 = arith.constant 0 : i32
          %dma_wait3A_142 = tpu.memref_slice %arg5[%mul3A_134, %dma_wait3A_141] : memref<125000x128xf32, #tpu.memory_space<hbm>> -> memref<128x128xf32, #tpu.memory_space<hbm>>
          tpu.wait_dma2 semaphore(%arg14 : memref<!tpu.dma_semaphore, #tpu.memory_space<semaphore_mem>>) src(%arg11 : memref<128x128xf32, #tpu.memory_space<vmem>>) dst(%dma_wait3A_142 : memref<128x128xf32, #tpu.memory_space<hbm>>)
        } else {
        }
        %mul3A_112 = arith.constant 128 : i32
        %mul3A_113 = arith.muli %add3A_64, %mul3A_112 : i32
        %iota3A = tpu.iota {dimensions = array<i32: 0>} : vector<16xi32>
        %broadcast_in_dim3A = arith.constant 0 : i32
        %broadcast_in_dim3A_114 = vector.broadcast %broadcast_in_dim3A : i32 to vector<16xi32>
        %parallel_loop3A = arith.constant 0 : i32
        %parallel_loop3A_115 = arith.constant 64 : i32
        %parallel_loop3A_116 = arith.constant 1 : i32
        scf.for %parallel_loop3A_131 = %parallel_loop3A to %parallel_loop3A_115 step %parallel_loop3A_116  : i32 {
          %parallel_loop3A_132 = arith.constant 16 : i32
          %parallel_loop3A_133 = arith.muli %parallel_loop3A_131, %parallel_loop3A_132 : i32
          %parallel_loop3A_134 = arith.constant 0 : i32
          %parallel_loop3A_135 = arith.addi %parallel_loop3A_133, %parallel_loop3A_134 : i32
          %parallel_loop3A_136 = vector.broadcast %parallel_loop3A_135 : i32 to vector<16xi32>
          %parallel_loop3A_137 = arith.addi %broadcast_in_dim3A_114, %parallel_loop3A_136 : vector<16xi32>
          %parallel_loop3A_138 = tpu.vector_load_idx %arg6[%iota3A, %parallel_loop3A_137] : memref<16x1033xf32, #tpu.memory_space<vmem>>[vector<16xi32>, vector<16xi32>], vector<16xf32>,
          %parallel_loop3A_139 = arith.constant 1 : i32
          %parallel_loop3A_140 = arith.addi %parallel_loop3A_133, %parallel_loop3A_139 : i32
          %parallel_loop3A_141 = vector.broadcast %parallel_loop3A_140 : i32 to vector<16xi32>
          %parallel_loop3A_142 = arith.addi %broadcast_in_dim3A_114, %parallel_loop3A_141 : vector<16xi32>
          %parallel_loop3A_143 = tpu.vector_load_idx %arg6[%iota3A, %parallel_loop3A_142] : memref<16x1033xf32, #tpu.memory_space<vmem>>[vector<16xi32>, vector<16xi32>], vector<16xf32>,
          %parallel_loop3A_144 = arith.constant 2 : i32
          %parallel_loop3A_145 = arith.addi %parallel_loop3A_133, %parallel_loop3A_144 : i32
          %parallel_loop3A_146 = vector.broadcast %parallel_loop3A_145 : i32 to vector<16xi32>
          %parallel_loop3A_147 = arith.addi %broadcast_in_dim3A_114, %parallel_loop3A_146 : vector<16xi32>
          %parallel_loop3A_148 = tpu.vector_load_idx %arg6[%iota3A, %parallel_loop3A_147] : memref<16x1033xf32, #tpu.memory_space<vmem>>[vector<16xi32>, vector<16xi32>], vector<16xf32>,
          %parallel_loop3A_149 = arith.constant 3 : i32
          %parallel_loop3A_150 = arith.addi %parallel_loop3A_133, %parallel_loop3A_149 : i32
          %parallel_loop3A_151 = vector.broadcast %parallel_loop3A_150 : i32 to vector<16xi32>
          %parallel_loop3A_152 = arith.addi %broadcast_in_dim3A_114, %parallel_loop3A_151 : vector<16xi32>
          %parallel_loop3A_153 = tpu.vector_load_idx %arg6[%iota3A, %parallel_loop3A_152] : memref<16x1033xf32, #tpu.memory_space<vmem>>[vector<16xi32>, vector<16xi32>], vector<16xf32>,
          %parallel_loop3A_154 = arith.constant 4 : i32
          %parallel_loop3A_155 = arith.addi %parallel_loop3A_133, %parallel_loop3A_154 : i32
          %parallel_loop3A_156 = vector.broadcast %parallel_loop3A_155 : i32 to vector<16xi32>
          %parallel_loop3A_157 = arith.addi %broadcast_in_dim3A_114, %parallel_loop3A_156 : vector<16xi32>
          %parallel_loop3A_158 = tpu.vector_load_idx %arg6[%iota3A, %parallel_loop3A_157] : memref<16x1033xf32, #tpu.memory_space<vmem>>[vector<16xi32>, vector<16xi32>], vector<16xf32>,
          %parallel_loop3A_159 = arith.constant 5 : i32
          %parallel_loop3A_160 = arith.addi %parallel_loop3A_133, %parallel_loop3A_159 : i32
          %parallel_loop3A_161 = vector.broadcast %parallel_loop3A_160 : i32 to vector<16xi32>
          %parallel_loop3A_162 = arith.addi %broadcast_in_dim3A_114, %parallel_loop3A_161 : vector<16xi32>
          %parallel_loop3A_163 = tpu.vector_load_idx %arg6[%iota3A, %parallel_loop3A_162] : memref<16x1033xf32, #tpu.memory_space<vmem>>[vector<16xi32>, vector<16xi32>], vector<16xf32>,
          %parallel_loop3A_164 = arith.constant 6 : i32
          %parallel_loop3A_165 = arith.addi %parallel_loop3A_133, %parallel_loop3A_164 : i32
          %parallel_loop3A_166 = vector.broadcast %parallel_loop3A_165 : i32 to vector<16xi32>
          %parallel_loop3A_167 = arith.addi %broadcast_in_dim3A_114, %parallel_loop3A_166 : vector<16xi32>
          %parallel_loop3A_168 = tpu.vector_load_idx %arg6[%iota3A, %parallel_loop3A_167] : memref<16x1033xf32, #tpu.memory_space<vmem>>[vector<16xi32>, vector<16xi32>], vector<16xf32>,
          %parallel_loop3A_169 = arith.constant 7 : i32
          %parallel_loop3A_170 = arith.addi %parallel_loop3A_133, %parallel_loop3A_169 : i32
          %parallel_loop3A_171 = vector.broadcast %parallel_loop3A_170 : i32 to vector<16xi32>
          %parallel_loop3A_172 = arith.addi %broadcast_in_dim3A_114, %parallel_loop3A_171 : vector<16xi32>
          %parallel_loop3A_173 = tpu.vector_load_idx %arg6[%iota3A, %parallel_loop3A_172] : memref<16x1033xf32, #tpu.memory_space<vmem>>[vector<16xi32>, vector<16xi32>], vector<16xf32>,
          %parallel_loop3A_174 = arith.constant 8 : i32
          %parallel_loop3A_175 = arith.addi %parallel_loop3A_133, %parallel_loop3A_174 : i32
          %parallel_loop3A_176 = vector.broadcast %parallel_loop3A_175 : i32 to vector<16xi32>
          %parallel_loop3A_177 = arith.addi %broadcast_in_dim3A_114, %parallel_loop3A_176 : vector<16xi32>
          %parallel_loop3A_178 = tpu.vector_load_idx %arg6[%iota3A, %parallel_loop3A_177] : memref<16x1033xf32, #tpu.memory_space<vmem>>[vector<16xi32>, vector<16xi32>], vector<16xf32>,
          %parallel_loop3A_179 = arith.constant 9 : i32
          %parallel_loop3A_180 = arith.addi %parallel_loop3A_133, %parallel_loop3A_179 : i32
          %parallel_loop3A_181 = vector.broadcast %parallel_loop3A_180 : i32 to vector<16xi32>
          %parallel_loop3A_182 = arith.addi %broadcast_in_dim3A_114, %parallel_loop3A_181 : vector<16xi32>
          %parallel_loop3A_183 = tpu.vector_load_idx %arg6[%iota3A, %parallel_loop3A_182] : memref<16x1033xf32, #tpu.memory_space<vmem>>[vector<16xi32>, vector<16xi32>], vector<16xf32>,
          %parallel_loop3A_184 = arith.constant 10 : i32
          %parallel_loop3A_185 = arith.addi %parallel_loop3A_133, %parallel_loop3A_184 : i32
          %parallel_loop3A_186 = vector.broadcast %parallel_loop3A_185 : i32 to vector<16xi32>
          %parallel_loop3A_187 = arith.addi %broadcast_in_dim3A_114, %parallel_loop3A_186 : vector<16xi32>
          %parallel_loop3A_188 = tpu.vector_load_idx %arg6[%iota3A, %parallel_loop3A_187] : memref<16x1033xf32, #tpu.memory_space<vmem>>[vector<16xi32>, vector<16xi32>], vector<16xf32>,
          %parallel_loop3A_189 = arith.constant 11 : i32
          %parallel_loop3A_190 = arith.addi %parallel_loop3A_133, %parallel_loop3A_189 : i32
          %parallel_loop3A_191 = vector.broadcast %parallel_loop3A_190 : i32 to vector<16xi32>
          %parallel_loop3A_192 = arith.addi %broadcast_in_dim3A_114, %parallel_loop3A_191 : vector<16xi32>
          %parallel_loop3A_193 = tpu.vector_load_idx %arg6[%iota3A, %parallel_loop3A_192] : memref<16x1033xf32, #tpu.memory_space<vmem>>[vector<16xi32>, vector<16xi32>], vector<16xf32>,
          %parallel_loop3A_194 = arith.constant 12 : i32
          %parallel_loop3A_195 = arith.addi %parallel_loop3A_133, %parallel_loop3A_194 : i32
          %parallel_loop3A_196 = vector.broadcast %parallel_loop3A_195 : i32 to vector<16xi32>
          %parallel_loop3A_197 = arith.addi %broadcast_in_dim3A_114, %parallel_loop3A_196 : vector<16xi32>
          %parallel_loop3A_198 = tpu.vector_load_idx %arg6[%iota3A, %parallel_loop3A_197] : memref<16x1033xf32, #tpu.memory_space<vmem>>[vector<16xi32>, vector<16xi32>], vector<16xf32>,
          %parallel_loop3A_199 = arith.constant 13 : i32
          %parallel_loop3A_200 = arith.addi %parallel_loop3A_133, %parallel_loop3A_199 : i32
          %parallel_loop3A_201 = vector.broadcast %parallel_loop3A_200 : i32 to vector<16xi32>
          %parallel_loop3A_202 = arith.addi %broadcast_in_dim3A_114, %parallel_loop3A_201 : vector<16xi32>
          %parallel_loop3A_203 = tpu.vector_load_idx %arg6[%iota3A, %parallel_loop3A_202] : memref<16x1033xf32, #tpu.memory_space<vmem>>[vector<16xi32>, vector<16xi32>], vector<16xf32>,
          %parallel_loop3A_204 = arith.constant 14 : i32
          %parallel_loop3A_205 = arith.addi %parallel_loop3A_133, %parallel_loop3A_204 : i32
          %parallel_loop3A_206 = vector.broadcast %parallel_loop3A_205 : i32 to vector<16xi32>
          %parallel_loop3A_207 = arith.addi %broadcast_in_dim3A_114, %parallel_loop3A_206 : vector<16xi32>
          %parallel_loop3A_208 = tpu.vector_load_idx %arg6[%iota3A, %parallel_loop3A_207] : memref<16x1033xf32, #tpu.memory_space<vmem>>[vector<16xi32>, vector<16xi32>], vector<16xf32>,
          %parallel_loop3A_209 = arith.constant 15 : i32
          %parallel_loop3A_210 = arith.addi %parallel_loop3A_133, %parallel_loop3A_209 : i32
          %parallel_loop3A_211 = vector.broadcast %parallel_loop3A_210 : i32 to vector<16xi32>
          %parallel_loop3A_212 = arith.addi %broadcast_in_dim3A_114, %parallel_loop3A_211 : vector<16xi32>
          %parallel_loop3A_213 = tpu.vector_load_idx %arg6[%iota3A, %parallel_loop3A_212] : memref<16x1033xf32, #tpu.memory_space<vmem>>[vector<16xi32>, vector<16xi32>], vector<16xf32>,
          %parallel_loop3A_214 = arith.constant 2 : i32
          %parallel_loop3A_215 = arith.muli %parallel_loop3A_131, %parallel_loop3A_214 : i32
          %parallel_loop3A_216 = arith.constant 0 : i32
          %parallel_loop3A_217 = arith.addi %parallel_loop3A_215, %parallel_loop3A_216 : i32
          %parallel_loop3A_218 = arith.index_cast %parallel_loop3A_217 : i32 to index
          %parallel_loop3A_219 = arith.constant 0 : index
          %parallel_loop3A_220 = tpu.vector_load %arg10[%parallel_loop3A_218, %parallel_loop3A_219] {strides = array<i32>} : memref<128x128xf32, #tpu.memory_space<vmem>>, vector<16xf32>,
          tpu.vector_store %arg10[%parallel_loop3A_218, %parallel_loop3A_219], %parallel_loop3A_138 {strides = array<i32>} : memref<128x128xf32, #tpu.memory_space<vmem>>, vector<16xf32>,
          %parallel_loop3A_221 = arith.constant 2 : i32
          %parallel_loop3A_222 = arith.muli %parallel_loop3A_131, %parallel_loop3A_221 : i32
          %parallel_loop3A_223 = arith.constant 0 : i32
          %parallel_loop3A_224 = arith.addi %parallel_loop3A_222, %parallel_loop3A_223 : i32
          %parallel_loop3A_225 = arith.index_cast %parallel_loop3A_224 : i32 to index
          %parallel_loop3A_226 = arith.constant 16 : index
          %parallel_loop3A_227 = tpu.vector_load %arg10[%parallel_loop3A_225, %parallel_loop3A_226] {strides = array<i32>} : memref<128x128xf32, #tpu.memory_space<vmem>>, vector<16xf32>,
          tpu.vector_store %arg10[%parallel_loop3A_225, %parallel_loop3A_226], %parallel_loop3A_143 {strides = array<i32>} : memref<128x128xf32, #tpu.memory_space<vmem>>, vector<16xf32>,
          %parallel_loop3A_228 = arith.constant 2 : i32
          %parallel_loop3A_229 = arith.muli %parallel_loop3A_131, %parallel_loop3A_228 : i32
          %parallel_loop3A_230 = arith.constant 0 : i32
          %parallel_loop3A_231 = arith.addi %parallel_loop3A_229, %parallel_loop3A_230 : i32
          %parallel_loop3A_232 = arith.index_cast %parallel_loop3A_231 : i32 to index
          %parallel_loop3A_233 = arith.constant 32 : index
          %parallel_loop3A_234 = tpu.vector_load %arg10[%parallel_loop3A_232, %parallel_loop3A_233] {strides = array<i32>} : memref<128x128xf32, #tpu.memory_space<vmem>>, vector<16xf32>,
          tpu.vector_store %arg10[%parallel_loop3A_232, %parallel_loop3A_233], %parallel_loop3A_148 {strides = array<i32>} : memref<128x128xf32, #tpu.memory_space<vmem>>, vector<16xf32>,
          %parallel_loop3A_235 = arith.constant 2 : i32
          %parallel_loop3A_236 = arith.muli %parallel_loop3A_131, %parallel_loop3A_235 : i32
          %parallel_loop3A_237 = arith.constant 0 : i32
          %parallel_loop3A_238 = arith.addi %parallel_loop3A_236, %parallel_loop3A_237 : i32
          %parallel_loop3A_239 = arith.index_cast %parallel_loop3A_238 : i32 to index
          %parallel_loop3A_240 = arith.constant 48 : index
          %parallel_loop3A_241 = tpu.vector_load %arg10[%parallel_loop3A_239, %parallel_loop3A_240] {strides = array<i32>} : memref<128x128xf32, #tpu.memory_space<vmem>>, vector<16xf32>,
          tpu.vector_store %arg10[%parallel_loop3A_239, %parallel_loop3A_240], %parallel_loop3A_153 {strides = array<i32>} : memref<128x128xf32, #tpu.memory_space<vmem>>, vector<16xf32>,
          %parallel_loop3A_242 = arith.constant 2 : i32
          %parallel_loop3A_243 = arith.muli %parallel_loop3A_131, %parallel_loop3A_242 : i32
          %parallel_loop3A_244 = arith.constant 0 : i32
          %parallel_loop3A_245 = arith.addi %parallel_loop3A_243, %parallel_loop3A_244 : i32
          %parallel_loop3A_246 = arith.index_cast %parallel_loop3A_245 : i32 to index
          %parallel_loop3A_247 = arith.constant 64 : index
          %parallel_loop3A_248 = tpu.vector_load %arg10[%parallel_loop3A_246, %parallel_loop3A_247] {strides = array<i32>} : memref<128x128xf32, #tpu.memory_space<vmem>>, vector<16xf32>,
          tpu.vector_store %arg10[%parallel_loop3A_246, %parallel_loop3A_247], %parallel_loop3A_158 {strides = array<i32>} : memref<128x128xf32, #tpu.memory_space<vmem>>, vector<16xf32>,
          %parallel_loop3A_249 = arith.constant 2 : i32
          %parallel_loop3A_250 = arith.muli %parallel_loop3A_131, %parallel_loop3A_249 : i32
          %parallel_loop3A_251 = arith.constant 0 : i32
          %parallel_loop3A_252 = arith.addi %parallel_loop3A_250, %parallel_loop3A_251 : i32
          %parallel_loop3A_253 = arith.index_cast %parallel_loop3A_252 : i32 to index
          %parallel_loop3A_254 = arith.constant 80 : index
          %parallel_loop3A_255 = tpu.vector_load %arg10[%parallel_loop3A_253, %parallel_loop3A_254] {strides = array<i32>} : memref<128x128xf32, #tpu.memory_space<vmem>>, vector<16xf32>,
          tpu.vector_store %arg10[%parallel_loop3A_253, %parallel_loop3A_254], %parallel_loop3A_163 {strides = array<i32>} : memref<128x128xf32, #tpu.memory_space<vmem>>, vector<16xf32>,
          %parallel_loop3A_256 = arith.constant 2 : i32
          %parallel_loop3A_257 = arith.muli %parallel_loop3A_131, %parallel_loop3A_256 : i32
          %parallel_loop3A_258 = arith.constant 0 : i32
          %parallel_loop3A_259 = arith.addi %parallel_loop3A_257, %parallel_loop3A_258 : i32
          %parallel_loop3A_260 = arith.index_cast %parallel_loop3A_259 : i32 to index
          %parallel_loop3A_261 = arith.constant 96 : index
          %parallel_loop3A_262 = tpu.vector_load %arg10[%parallel_loop3A_260, %parallel_loop3A_261] {strides = array<i32>} : memref<128x128xf32, #tpu.memory_space<vmem>>, vector<16xf32>,
          tpu.vector_store %arg10[%parallel_loop3A_260, %parallel_loop3A_261], %parallel_loop3A_168 {strides = array<i32>} : memref<128x128xf32, #tpu.memory_space<vmem>>, vector<16xf32>,
          %parallel_loop3A_263 = arith.constant 2 : i32
          %parallel_loop3A_264 = arith.muli %parallel_loop3A_131, %parallel_loop3A_263 : i32
          %parallel_loop3A_265 = arith.constant 0 : i32
          %parallel_loop3A_266 = arith.addi %parallel_loop3A_264, %parallel_loop3A_265 : i32
          %parallel_loop3A_267 = arith.index_cast %parallel_loop3A_266 : i32 to index
          %parallel_loop3A_268 = arith.constant 112 : index
          %parallel_loop3A_269 = tpu.vector_load %arg10[%parallel_loop3A_267, %parallel_loop3A_268] {strides = array<i32>} : memref<128x128xf32, #tpu.memory_space<vmem>>, vector<16xf32>,
          tpu.vector_store %arg10[%parallel_loop3A_267, %parallel_loop3A_268], %parallel_loop3A_173 {strides = array<i32>} : memref<128x128xf32, #tpu.memory_space<vmem>>, vector<16xf32>,
          %parallel_loop3A_270 = arith.constant 2 : i32
          %parallel_loop3A_271 = arith.muli %parallel_loop3A_131, %parallel_loop3A_270 : i32
          %parallel_loop3A_272 = arith.constant 1 : i32
          %parallel_loop3A_273 = arith.addi %parallel_loop3A_271, %parallel_loop3A_272 : i32
          %parallel_loop3A_274 = arith.index_cast %parallel_loop3A_273 : i32 to index
          %parallel_loop3A_275 = arith.constant 0 : index
          %parallel_loop3A_276 = tpu.vector_load %arg10[%parallel_loop3A_274, %parallel_loop3A_275] {strides = array<i32>} : memref<128x128xf32, #tpu.memory_space<vmem>>, vector<16xf32>,
          tpu.vector_store %arg10[%parallel_loop3A_274, %parallel_loop3A_275], %parallel_loop3A_178 {strides = array<i32>} : memref<128x128xf32, #tpu.memory_space<vmem>>, vector<16xf32>,
          %parallel_loop3A_277 = arith.constant 2 : i32
          %parallel_loop3A_278 = arith.muli %parallel_loop3A_131, %parallel_loop3A_277 : i32
          %parallel_loop3A_279 = arith.constant 1 : i32
          %parallel_loop3A_280 = arith.addi %parallel_loop3A_278, %parallel_loop3A_279 : i32
          %parallel_loop3A_281 = arith.index_cast %parallel_loop3A_280 : i32 to index
          %parallel_loop3A_282 = arith.constant 16 : index
          %parallel_loop3A_283 = tpu.vector_load %arg10[%parallel_loop3A_281, %parallel_loop3A_282] {strides = array<i32>} : memref<128x128xf32, #tpu.memory_space<vmem>>, vector<16xf32>,
          tpu.vector_store %arg10[%parallel_loop3A_281, %parallel_loop3A_282], %parallel_loop3A_183 {strides = array<i32>} : memref<128x128xf32, #tpu.memory_space<vmem>>, vector<16xf32>,
          %parallel_loop3A_284 = arith.constant 2 : i32
          %parallel_loop3A_285 = arith.muli %parallel_loop3A_131, %parallel_loop3A_284 : i32
          %parallel_loop3A_286 = arith.constant 1 : i32
          %parallel_loop3A_287 = arith.addi %parallel_loop3A_285, %parallel_loop3A_286 : i32
          %parallel_loop3A_288 = arith.index_cast %parallel_loop3A_287 : i32 to index
          %parallel_loop3A_289 = arith.constant 32 : index
          %parallel_loop3A_290 = tpu.vector_load %arg10[%parallel_loop3A_288, %parallel_loop3A_289] {strides = array<i32>} : memref<128x128xf32, #tpu.memory_space<vmem>>, vector<16xf32>,
          tpu.vector_store %arg10[%parallel_loop3A_288, %parallel_loop3A_289], %parallel_loop3A_188 {strides = array<i32>} : memref<128x128xf32, #tpu.memory_space<vmem>>, vector<16xf32>,
          %parallel_loop3A_291 = arith.constant 2 : i32
          %parallel_loop3A_292 = arith.muli %parallel_loop3A_131, %parallel_loop3A_291 : i32
          %parallel_loop3A_293 = arith.constant 1 : i32
          %parallel_loop3A_294 = arith.addi %parallel_loop3A_292, %parallel_loop3A_293 : i32
          %parallel_loop3A_295 = arith.index_cast %parallel_loop3A_294 : i32 to index
          %parallel_loop3A_296 = arith.constant 48 : index
          %parallel_loop3A_297 = tpu.vector_load %arg10[%parallel_loop3A_295, %parallel_loop3A_296] {strides = array<i32>} : memref<128x128xf32, #tpu.memory_space<vmem>>, vector<16xf32>,
          tpu.vector_store %arg10[%parallel_loop3A_295, %parallel_loop3A_296], %parallel_loop3A_193 {strides = array<i32>} : memref<128x128xf32, #tpu.memory_space<vmem>>, vector<16xf32>,
          %parallel_loop3A_298 = arith.constant 2 : i32
          %parallel_loop3A_299 = arith.muli %parallel_loop3A_131, %parallel_loop3A_298 : i32
          %parallel_loop3A_300 = arith.constant 1 : i32
          %parallel_loop3A_301 = arith.addi %parallel_loop3A_299, %parallel_loop3A_300 : i32
          %parallel_loop3A_302 = arith.index_cast %parallel_loop3A_301 : i32 to index
          %parallel_loop3A_303 = arith.constant 64 : index
          %parallel_loop3A_304 = tpu.vector_load %arg10[%parallel_loop3A_302, %parallel_loop3A_303] {strides = array<i32>} : memref<128x128xf32, #tpu.memory_space<vmem>>, vector<16xf32>,
          tpu.vector_store %arg10[%parallel_loop3A_302, %parallel_loop3A_303], %parallel_loop3A_198 {strides = array<i32>} : memref<128x128xf32, #tpu.memory_space<vmem>>, vector<16xf32>,
          %parallel_loop3A_305 = arith.constant 2 : i32
          %parallel_loop3A_306 = arith.muli %parallel_loop3A_131, %parallel_loop3A_305 : i32
          %parallel_loop3A_307 = arith.constant 1 : i32
          %parallel_loop3A_308 = arith.addi %parallel_loop3A_306, %parallel_loop3A_307 : i32
          %parallel_loop3A_309 = arith.index_cast %parallel_loop3A_308 : i32 to index
          %parallel_loop3A_310 = arith.constant 80 : index
          %parallel_loop3A_311 = tpu.vector_load %arg10[%parallel_loop3A_309, %parallel_loop3A_310] {strides = array<i32>} : memref<128x128xf32, #tpu.memory_space<vmem>>, vector<16xf32>,
          tpu.vector_store %arg10[%parallel_loop3A_309, %parallel_loop3A_310], %parallel_loop3A_203 {strides = array<i32>} : memref<128x128xf32, #tpu.memory_space<vmem>>, vector<16xf32>,
          %parallel_loop3A_312 = arith.constant 2 : i32
          %parallel_loop3A_313 = arith.muli %parallel_loop3A_131, %parallel_loop3A_312 : i32
          %parallel_loop3A_314 = arith.constant 1 : i32
          %parallel_loop3A_315 = arith.addi %parallel_loop3A_313, %parallel_loop3A_314 : i32
          %parallel_loop3A_316 = arith.index_cast %parallel_loop3A_315 : i32 to index
          %parallel_loop3A_317 = arith.constant 96 : index
          %parallel_loop3A_318 = tpu.vector_load %arg10[%parallel_loop3A_316, %parallel_loop3A_317] {strides = array<i32>} : memref<128x128xf32, #tpu.memory_space<vmem>>, vector<16xf32>,
          tpu.vector_store %arg10[%parallel_loop3A_316, %parallel_loop3A_317], %parallel_loop3A_208 {strides = array<i32>} : memref<128x128xf32, #tpu.memory_space<vmem>>, vector<16xf32>,
          %parallel_loop3A_319 = arith.constant 2 : i32
          %parallel_loop3A_320 = arith.muli %parallel_loop3A_131, %parallel_loop3A_319 : i32
          %parallel_loop3A_321 = arith.constant 1 : i32
          %parallel_loop3A_322 = arith.addi %parallel_loop3A_320, %parallel_loop3A_321 : i32
          %parallel_loop3A_323 = arith.index_cast %parallel_loop3A_322 : i32 to index
          %parallel_loop3A_324 = arith.constant 112 : index
          %parallel_loop3A_325 = tpu.vector_load %arg10[%parallel_loop3A_323, %parallel_loop3A_324] {strides = array<i32>} : memref<128x128xf32, #tpu.memory_space<vmem>>, vector<16xf32>,
          tpu.vector_store %arg10[%parallel_loop3A_323, %parallel_loop3A_324], %parallel_loop3A_213 {strides = array<i32>} : memref<128x128xf32, #tpu.memory_space<vmem>>, vector<16xf32>,
        } {sc.loop_unroll_factor = 2 : i64, sc.parallel_access}
        %dma_start3A_117 = arith.constant 0 : i32
        %dma_start3A_118 = tpu.memref_slice %arg4[%mul3A_113, %dma_start3A_117] : memref<125000x128xf32, #tpu.memory_space<hbm>> -> memref<128x128xf32, #tpu.memory_space<hbm>>
        %dma_start3A_119 = arith.constant 0 : i32
        %dma_start3A_120 = tpu.memref_slice %arg4[%mul3A_113, %dma_start3A_119] : memref<125000x128xf32, #tpu.memory_space<hbm>> -> memref<128x128xf32, #tpu.memory_space<hbm>>
        tpu.enqueue_dma source(%arg10 : memref<128x128xf32, #tpu.memory_space<vmem>>) target(%dma_start3A_120 : memref<128x128xf32, #tpu.memory_space<hbm>>) target_semaphore(%arg14 : memref<!tpu.dma_semaphore, #tpu.memory_space<semaphore_mem>>)
        %iota3A_121 = tpu.iota {dimensions = array<i32: 0>} : vector<16xi32>
        %broadcast_in_dim3A_122 = arith.constant 0 : i32
        %broadcast_in_dim3A_123 = vector.broadcast %broadcast_in_dim3A_122 : i32 to vector<16xi32>
        %parallel_loop3A_124 = arith.constant 0 : i32
        %parallel_loop3A_125 = arith.constant 64 : i32
        %parallel_loop3A_126 = arith.constant 1 : i32
        scf.for %parallel_loop3A_131 = %parallel_loop3A_124 to %parallel_loop3A_125 step %parallel_loop3A_126  : i32 {
          %parallel_loop3A_132 = arith.constant 16 : i32
          %parallel_loop3A_133 = arith.muli %parallel_loop3A_131, %parallel_loop3A_132 : i32
          %parallel_loop3A_134 = arith.constant 0 : i32
          %parallel_loop3A_135 = arith.addi %parallel_loop3A_133, %parallel_loop3A_134 : i32
          %parallel_loop3A_136 = vector.broadcast %parallel_loop3A_135 : i32 to vector<16xi32>
          %parallel_loop3A_137 = arith.addi %broadcast_in_dim3A_123, %parallel_loop3A_136 : vector<16xi32>
          %parallel_loop3A_138 = tpu.vector_load_idx %arg7[%iota3A_121, %parallel_loop3A_137] : memref<16x1033xf32, #tpu.memory_space<vmem>>[vector<16xi32>, vector<16xi32>], vector<16xf32>,
          %parallel_loop3A_139 = arith.constant 1 : i32
          %parallel_loop3A_140 = arith.addi %parallel_loop3A_133, %parallel_loop3A_139 : i32
          %parallel_loop3A_141 = vector.broadcast %parallel_loop3A_140 : i32 to vector<16xi32>
          %parallel_loop3A_142 = arith.addi %broadcast_in_dim3A_123, %parallel_loop3A_141 : vector<16xi32>
          %parallel_loop3A_143 = tpu.vector_load_idx %arg7[%iota3A_121, %parallel_loop3A_142] : memref<16x1033xf32, #tpu.memory_space<vmem>>[vector<16xi32>, vector<16xi32>], vector<16xf32>,
          %parallel_loop3A_144 = arith.constant 2 : i32
          %parallel_loop3A_145 = arith.addi %parallel_loop3A_133, %parallel_loop3A_144 : i32
          %parallel_loop3A_146 = vector.broadcast %parallel_loop3A_145 : i32 to vector<16xi32>
          %parallel_loop3A_147 = arith.addi %broadcast_in_dim3A_123, %parallel_loop3A_146 : vector<16xi32>
          %parallel_loop3A_148 = tpu.vector_load_idx %arg7[%iota3A_121, %parallel_loop3A_147] : memref<16x1033xf32, #tpu.memory_space<vmem>>[vector<16xi32>, vector<16xi32>], vector<16xf32>,
          %parallel_loop3A_149 = arith.constant 3 : i32
          %parallel_loop3A_150 = arith.addi %parallel_loop3A_133, %parallel_loop3A_149 : i32
          %parallel_loop3A_151 = vector.broadcast %parallel_loop3A_150 : i32 to vector<16xi32>
          %parallel_loop3A_152 = arith.addi %broadcast_in_dim3A_123, %parallel_loop3A_151 : vector<16xi32>
          %parallel_loop3A_153 = tpu.vector_load_idx %arg7[%iota3A_121, %parallel_loop3A_152] : memref<16x1033xf32, #tpu.memory_space<vmem>>[vector<16xi32>, vector<16xi32>], vector<16xf32>,
          %parallel_loop3A_154 = arith.constant 4 : i32
          %parallel_loop3A_155 = arith.addi %parallel_loop3A_133, %parallel_loop3A_154 : i32
          %parallel_loop3A_156 = vector.broadcast %parallel_loop3A_155 : i32 to vector<16xi32>
          %parallel_loop3A_157 = arith.addi %broadcast_in_dim3A_123, %parallel_loop3A_156 : vector<16xi32>
          %parallel_loop3A_158 = tpu.vector_load_idx %arg7[%iota3A_121, %parallel_loop3A_157] : memref<16x1033xf32, #tpu.memory_space<vmem>>[vector<16xi32>, vector<16xi32>], vector<16xf32>,
          %parallel_loop3A_159 = arith.constant 5 : i32
          %parallel_loop3A_160 = arith.addi %parallel_loop3A_133, %parallel_loop3A_159 : i32
          %parallel_loop3A_161 = vector.broadcast %parallel_loop3A_160 : i32 to vector<16xi32>
          %parallel_loop3A_162 = arith.addi %broadcast_in_dim3A_123, %parallel_loop3A_161 : vector<16xi32>
          %parallel_loop3A_163 = tpu.vector_load_idx %arg7[%iota3A_121, %parallel_loop3A_162] : memref<16x1033xf32, #tpu.memory_space<vmem>>[vector<16xi32>, vector<16xi32>], vector<16xf32>,
          %parallel_loop3A_164 = arith.constant 6 : i32
          %parallel_loop3A_165 = arith.addi %parallel_loop3A_133, %parallel_loop3A_164 : i32
          %parallel_loop3A_166 = vector.broadcast %parallel_loop3A_165 : i32 to vector<16xi32>
          %parallel_loop3A_167 = arith.addi %broadcast_in_dim3A_123, %parallel_loop3A_166 : vector<16xi32>
          %parallel_loop3A_168 = tpu.vector_load_idx %arg7[%iota3A_121, %parallel_loop3A_167] : memref<16x1033xf32, #tpu.memory_space<vmem>>[vector<16xi32>, vector<16xi32>], vector<16xf32>,
          %parallel_loop3A_169 = arith.constant 7 : i32
          %parallel_loop3A_170 = arith.addi %parallel_loop3A_133, %parallel_loop3A_169 : i32
          %parallel_loop3A_171 = vector.broadcast %parallel_loop3A_170 : i32 to vector<16xi32>
          %parallel_loop3A_172 = arith.addi %broadcast_in_dim3A_123, %parallel_loop3A_171 : vector<16xi32>
          %parallel_loop3A_173 = tpu.vector_load_idx %arg7[%iota3A_121, %parallel_loop3A_172] : memref<16x1033xf32, #tpu.memory_space<vmem>>[vector<16xi32>, vector<16xi32>], vector<16xf32>,
          %parallel_loop3A_174 = arith.constant 8 : i32
          %parallel_loop3A_175 = arith.addi %parallel_loop3A_133, %parallel_loop3A_174 : i32
          %parallel_loop3A_176 = vector.broadcast %parallel_loop3A_175 : i32 to vector<16xi32>
          %parallel_loop3A_177 = arith.addi %broadcast_in_dim3A_123, %parallel_loop3A_176 : vector<16xi32>
          %parallel_loop3A_178 = tpu.vector_load_idx %arg7[%iota3A_121, %parallel_loop3A_177] : memref<16x1033xf32, #tpu.memory_space<vmem>>[vector<16xi32>, vector<16xi32>], vector<16xf32>,
          %parallel_loop3A_179 = arith.constant 9 : i32
          %parallel_loop3A_180 = arith.addi %parallel_loop3A_133, %parallel_loop3A_179 : i32
          %parallel_loop3A_181 = vector.broadcast %parallel_loop3A_180 : i32 to vector<16xi32>
          %parallel_loop3A_182 = arith.addi %broadcast_in_dim3A_123, %parallel_loop3A_181 : vector<16xi32>
          %parallel_loop3A_183 = tpu.vector_load_idx %arg7[%iota3A_121, %parallel_loop3A_182] : memref<16x1033xf32, #tpu.memory_space<vmem>>[vector<16xi32>, vector<16xi32>], vector<16xf32>,
          %parallel_loop3A_184 = arith.constant 10 : i32
          %parallel_loop3A_185 = arith.addi %parallel_loop3A_133, %parallel_loop3A_184 : i32
          %parallel_loop3A_186 = vector.broadcast %parallel_loop3A_185 : i32 to vector<16xi32>
          %parallel_loop3A_187 = arith.addi %broadcast_in_dim3A_123, %parallel_loop3A_186 : vector<16xi32>
          %parallel_loop3A_188 = tpu.vector_load_idx %arg7[%iota3A_121, %parallel_loop3A_187] : memref<16x1033xf32, #tpu.memory_space<vmem>>[vector<16xi32>, vector<16xi32>], vector<16xf32>,
          %parallel_loop3A_189 = arith.constant 11 : i32
          %parallel_loop3A_190 = arith.addi %parallel_loop3A_133, %parallel_loop3A_189 : i32
          %parallel_loop3A_191 = vector.broadcast %parallel_loop3A_190 : i32 to vector<16xi32>
          %parallel_loop3A_192 = arith.addi %broadcast_in_dim3A_123, %parallel_loop3A_191 : vector<16xi32>
          %parallel_loop3A_193 = tpu.vector_load_idx %arg7[%iota3A_121, %parallel_loop3A_192] : memref<16x1033xf32, #tpu.memory_space<vmem>>[vector<16xi32>, vector<16xi32>], vector<16xf32>,
          %parallel_loop3A_194 = arith.constant 12 : i32
          %parallel_loop3A_195 = arith.addi %parallel_loop3A_133, %parallel_loop3A_194 : i32
          %parallel_loop3A_196 = vector.broadcast %parallel_loop3A_195 : i32 to vector<16xi32>
          %parallel_loop3A_197 = arith.addi %broadcast_in_dim3A_123, %parallel_loop3A_196 : vector<16xi32>
          %parallel_loop3A_198 = tpu.vector_load_idx %arg7[%iota3A_121, %parallel_loop3A_197] : memref<16x1033xf32, #tpu.memory_space<vmem>>[vector<16xi32>, vector<16xi32>], vector<16xf32>,
          %parallel_loop3A_199 = arith.constant 13 : i32
          %parallel_loop3A_200 = arith.addi %parallel_loop3A_133, %parallel_loop3A_199 : i32
          %parallel_loop3A_201 = vector.broadcast %parallel_loop3A_200 : i32 to vector<16xi32>
          %parallel_loop3A_202 = arith.addi %broadcast_in_dim3A_123, %parallel_loop3A_201 : vector<16xi32>
          %parallel_loop3A_203 = tpu.vector_load_idx %arg7[%iota3A_121, %parallel_loop3A_202] : memref<16x1033xf32, #tpu.memory_space<vmem>>[vector<16xi32>, vector<16xi32>], vector<16xf32>,
          %parallel_loop3A_204 = arith.constant 14 : i32
          %parallel_loop3A_205 = arith.addi %parallel_loop3A_133, %parallel_loop3A_204 : i32
          %parallel_loop3A_206 = vector.broadcast %parallel_loop3A_205 : i32 to vector<16xi32>
          %parallel_loop3A_207 = arith.addi %broadcast_in_dim3A_123, %parallel_loop3A_206 : vector<16xi32>
          %parallel_loop3A_208 = tpu.vector_load_idx %arg7[%iota3A_121, %parallel_loop3A_207] : memref<16x1033xf32, #tpu.memory_space<vmem>>[vector<16xi32>, vector<16xi32>], vector<16xf32>,
          %parallel_loop3A_209 = arith.constant 15 : i32
          %parallel_loop3A_210 = arith.addi %parallel_loop3A_133, %parallel_loop3A_209 : i32
          %parallel_loop3A_211 = vector.broadcast %parallel_loop3A_210 : i32 to vector<16xi32>
          %parallel_loop3A_212 = arith.addi %broadcast_in_dim3A_123, %parallel_loop3A_211 : vector<16xi32>
          %parallel_loop3A_213 = tpu.vector_load_idx %arg7[%iota3A_121, %parallel_loop3A_212] : memref<16x1033xf32, #tpu.memory_space<vmem>>[vector<16xi32>, vector<16xi32>], vector<16xf32>,
          %parallel_loop3A_214 = arith.constant 2 : i32
          %parallel_loop3A_215 = arith.muli %parallel_loop3A_131, %parallel_loop3A_214 : i32
          %parallel_loop3A_216 = arith.constant 0 : i32
          %parallel_loop3A_217 = arith.addi %parallel_loop3A_215, %parallel_loop3A_216 : i32
          %parallel_loop3A_218 = arith.index_cast %parallel_loop3A_217 : i32 to index
          %parallel_loop3A_219 = arith.constant 0 : index
          %parallel_loop3A_220 = tpu.vector_load %arg11[%parallel_loop3A_218, %parallel_loop3A_219] {strides = array<i32>} : memref<128x128xf32, #tpu.memory_space<vmem>>, vector<16xf32>,
          tpu.vector_store %arg11[%parallel_loop3A_218, %parallel_loop3A_219], %parallel_loop3A_138 {strides = array<i32>} : memref<128x128xf32, #tpu.memory_space<vmem>>, vector<16xf32>,
          %parallel_loop3A_221 = arith.constant 2 : i32
          %parallel_loop3A_222 = arith.muli %parallel_loop3A_131, %parallel_loop3A_221 : i32
          %parallel_loop3A_223 = arith.constant 0 : i32
          %parallel_loop3A_224 = arith.addi %parallel_loop3A_222, %parallel_loop3A_223 : i32
          %parallel_loop3A_225 = arith.index_cast %parallel_loop3A_224 : i32 to index
          %parallel_loop3A_226 = arith.constant 16 : index
          %parallel_loop3A_227 = tpu.vector_load %arg11[%parallel_loop3A_225, %parallel_loop3A_226] {strides = array<i32>} : memref<128x128xf32, #tpu.memory_space<vmem>>, vector<16xf32>,
          tpu.vector_store %arg11[%parallel_loop3A_225, %parallel_loop3A_226], %parallel_loop3A_143 {strides = array<i32>} : memref<128x128xf32, #tpu.memory_space<vmem>>, vector<16xf32>,
          %parallel_loop3A_228 = arith.constant 2 : i32
          %parallel_loop3A_229 = arith.muli %parallel_loop3A_131, %parallel_loop3A_228 : i32
          %parallel_loop3A_230 = arith.constant 0 : i32
          %parallel_loop3A_231 = arith.addi %parallel_loop3A_229, %parallel_loop3A_230 : i32
          %parallel_loop3A_232 = arith.index_cast %parallel_loop3A_231 : i32 to index
          %parallel_loop3A_233 = arith.constant 32 : index
          %parallel_loop3A_234 = tpu.vector_load %arg11[%parallel_loop3A_232, %parallel_loop3A_233] {strides = array<i32>} : memref<128x128xf32, #tpu.memory_space<vmem>>, vector<16xf32>,
          tpu.vector_store %arg11[%parallel_loop3A_232, %parallel_loop3A_233], %parallel_loop3A_148 {strides = array<i32>} : memref<128x128xf32, #tpu.memory_space<vmem>>, vector<16xf32>,
          %parallel_loop3A_235 = arith.constant 2 : i32
          %parallel_loop3A_236 = arith.muli %parallel_loop3A_131, %parallel_loop3A_235 : i32
          %parallel_loop3A_237 = arith.constant 0 : i32
          %parallel_loop3A_238 = arith.addi %parallel_loop3A_236, %parallel_loop3A_237 : i32
          %parallel_loop3A_239 = arith.index_cast %parallel_loop3A_238 : i32 to index
          %parallel_loop3A_240 = arith.constant 48 : index
          %parallel_loop3A_241 = tpu.vector_load %arg11[%parallel_loop3A_239, %parallel_loop3A_240] {strides = array<i32>} : memref<128x128xf32, #tpu.memory_space<vmem>>, vector<16xf32>,
          tpu.vector_store %arg11[%parallel_loop3A_239, %parallel_loop3A_240], %parallel_loop3A_153 {strides = array<i32>} : memref<128x128xf32, #tpu.memory_space<vmem>>, vector<16xf32>,
          %parallel_loop3A_242 = arith.constant 2 : i32
          %parallel_loop3A_243 = arith.muli %parallel_loop3A_131, %parallel_loop3A_242 : i32
          %parallel_loop3A_244 = arith.constant 0 : i32
          %parallel_loop3A_245 = arith.addi %parallel_loop3A_243, %parallel_loop3A_244 : i32
          %parallel_loop3A_246 = arith.index_cast %parallel_loop3A_245 : i32 to index
          %parallel_loop3A_247 = arith.constant 64 : index
          %parallel_loop3A_248 = tpu.vector_load %arg11[%parallel_loop3A_246, %parallel_loop3A_247] {strides = array<i32>} : memref<128x128xf32, #tpu.memory_space<vmem>>, vector<16xf32>,
          tpu.vector_store %arg11[%parallel_loop3A_246, %parallel_loop3A_247], %parallel_loop3A_158 {strides = array<i32>} : memref<128x128xf32, #tpu.memory_space<vmem>>, vector<16xf32>,
          %parallel_loop3A_249 = arith.constant 2 : i32
          %parallel_loop3A_250 = arith.muli %parallel_loop3A_131, %parallel_loop3A_249 : i32
          %parallel_loop3A_251 = arith.constant 0 : i32
          %parallel_loop3A_252 = arith.addi %parallel_loop3A_250, %parallel_loop3A_251 : i32
          %parallel_loop3A_253 = arith.index_cast %parallel_loop3A_252 : i32 to index
          %parallel_loop3A_254 = arith.constant 80 : index
          %parallel_loop3A_255 = tpu.vector_load %arg11[%parallel_loop3A_253, %parallel_loop3A_254] {strides = array<i32>} : memref<128x128xf32, #tpu.memory_space<vmem>>, vector<16xf32>,
          tpu.vector_store %arg11[%parallel_loop3A_253, %parallel_loop3A_254], %parallel_loop3A_163 {strides = array<i32>} : memref<128x128xf32, #tpu.memory_space<vmem>>, vector<16xf32>,
          %parallel_loop3A_256 = arith.constant 2 : i32
          %parallel_loop3A_257 = arith.muli %parallel_loop3A_131, %parallel_loop3A_256 : i32
          %parallel_loop3A_258 = arith.constant 0 : i32
          %parallel_loop3A_259 = arith.addi %parallel_loop3A_257, %parallel_loop3A_258 : i32
          %parallel_loop3A_260 = arith.index_cast %parallel_loop3A_259 : i32 to index
          %parallel_loop3A_261 = arith.constant 96 : index
          %parallel_loop3A_262 = tpu.vector_load %arg11[%parallel_loop3A_260, %parallel_loop3A_261] {strides = array<i32>} : memref<128x128xf32, #tpu.memory_space<vmem>>, vector<16xf32>,
          tpu.vector_store %arg11[%parallel_loop3A_260, %parallel_loop3A_261], %parallel_loop3A_168 {strides = array<i32>} : memref<128x128xf32, #tpu.memory_space<vmem>>, vector<16xf32>,
          %parallel_loop3A_263 = arith.constant 2 : i32
          %parallel_loop3A_264 = arith.muli %parallel_loop3A_131, %parallel_loop3A_263 : i32
          %parallel_loop3A_265 = arith.constant 0 : i32
          %parallel_loop3A_266 = arith.addi %parallel_loop3A_264, %parallel_loop3A_265 : i32
          %parallel_loop3A_267 = arith.index_cast %parallel_loop3A_266 : i32 to index
          %parallel_loop3A_268 = arith.constant 112 : index
          %parallel_loop3A_269 = tpu.vector_load %arg11[%parallel_loop3A_267, %parallel_loop3A_268] {strides = array<i32>} : memref<128x128xf32, #tpu.memory_space<vmem>>, vector<16xf32>,
          tpu.vector_store %arg11[%parallel_loop3A_267, %parallel_loop3A_268], %parallel_loop3A_173 {strides = array<i32>} : memref<128x128xf32, #tpu.memory_space<vmem>>, vector<16xf32>,
          %parallel_loop3A_270 = arith.constant 2 : i32
          %parallel_loop3A_271 = arith.muli %parallel_loop3A_131, %parallel_loop3A_270 : i32
          %parallel_loop3A_272 = arith.constant 1 : i32
          %parallel_loop3A_273 = arith.addi %parallel_loop3A_271, %parallel_loop3A_272 : i32
          %parallel_loop3A_274 = arith.index_cast %parallel_loop3A_273 : i32 to index
          %parallel_loop3A_275 = arith.constant 0 : index
          %parallel_loop3A_276 = tpu.vector_load %arg11[%parallel_loop3A_274, %parallel_loop3A_275] {strides = array<i32>} : memref<128x128xf32, #tpu.memory_space<vmem>>, vector<16xf32>,
          tpu.vector_store %arg11[%parallel_loop3A_274, %parallel_loop3A_275], %parallel_loop3A_178 {strides = array<i32>} : memref<128x128xf32, #tpu.memory_space<vmem>>, vector<16xf32>,
          %parallel_loop3A_277 = arith.constant 2 : i32
          %parallel_loop3A_278 = arith.muli %parallel_loop3A_131, %parallel_loop3A_277 : i32
          %parallel_loop3A_279 = arith.constant 1 : i32
          %parallel_loop3A_280 = arith.addi %parallel_loop3A_278, %parallel_loop3A_279 : i32
          %parallel_loop3A_281 = arith.index_cast %parallel_loop3A_280 : i32 to index
          %parallel_loop3A_282 = arith.constant 16 : index
          %parallel_loop3A_283 = tpu.vector_load %arg11[%parallel_loop3A_281, %parallel_loop3A_282] {strides = array<i32>} : memref<128x128xf32, #tpu.memory_space<vmem>>, vector<16xf32>,
          tpu.vector_store %arg11[%parallel_loop3A_281, %parallel_loop3A_282], %parallel_loop3A_183 {strides = array<i32>} : memref<128x128xf32, #tpu.memory_space<vmem>>, vector<16xf32>,
          %parallel_loop3A_284 = arith.constant 2 : i32
          %parallel_loop3A_285 = arith.muli %parallel_loop3A_131, %parallel_loop3A_284 : i32
          %parallel_loop3A_286 = arith.constant 1 : i32
          %parallel_loop3A_287 = arith.addi %parallel_loop3A_285, %parallel_loop3A_286 : i32
          %parallel_loop3A_288 = arith.index_cast %parallel_loop3A_287 : i32 to index
          %parallel_loop3A_289 = arith.constant 32 : index
          %parallel_loop3A_290 = tpu.vector_load %arg11[%parallel_loop3A_288, %parallel_loop3A_289] {strides = array<i32>} : memref<128x128xf32, #tpu.memory_space<vmem>>, vector<16xf32>,
          tpu.vector_store %arg11[%parallel_loop3A_288, %parallel_loop3A_289], %parallel_loop3A_188 {strides = array<i32>} : memref<128x128xf32, #tpu.memory_space<vmem>>, vector<16xf32>,
          %parallel_loop3A_291 = arith.constant 2 : i32
          %parallel_loop3A_292 = arith.muli %parallel_loop3A_131, %parallel_loop3A_291 : i32
          %parallel_loop3A_293 = arith.constant 1 : i32
          %parallel_loop3A_294 = arith.addi %parallel_loop3A_292, %parallel_loop3A_293 : i32
          %parallel_loop3A_295 = arith.index_cast %parallel_loop3A_294 : i32 to index
          %parallel_loop3A_296 = arith.constant 48 : index
          %parallel_loop3A_297 = tpu.vector_load %arg11[%parallel_loop3A_295, %parallel_loop3A_296] {strides = array<i32>} : memref<128x128xf32, #tpu.memory_space<vmem>>, vector<16xf32>,
          tpu.vector_store %arg11[%parallel_loop3A_295, %parallel_loop3A_296], %parallel_loop3A_193 {strides = array<i32>} : memref<128x128xf32, #tpu.memory_space<vmem>>, vector<16xf32>,
          %parallel_loop3A_298 = arith.constant 2 : i32
          %parallel_loop3A_299 = arith.muli %parallel_loop3A_131, %parallel_loop3A_298 : i32
          %parallel_loop3A_300 = arith.constant 1 : i32
          %parallel_loop3A_301 = arith.addi %parallel_loop3A_299, %parallel_loop3A_300 : i32
          %parallel_loop3A_302 = arith.index_cast %parallel_loop3A_301 : i32 to index
          %parallel_loop3A_303 = arith.constant 64 : index
          %parallel_loop3A_304 = tpu.vector_load %arg11[%parallel_loop3A_302, %parallel_loop3A_303] {strides = array<i32>} : memref<128x128xf32, #tpu.memory_space<vmem>>, vector<16xf32>,
          tpu.vector_store %arg11[%parallel_loop3A_302, %parallel_loop3A_303], %parallel_loop3A_198 {strides = array<i32>} : memref<128x128xf32, #tpu.memory_space<vmem>>, vector<16xf32>,
          %parallel_loop3A_305 = arith.constant 2 : i32
          %parallel_loop3A_306 = arith.muli %parallel_loop3A_131, %parallel_loop3A_305 : i32
          %parallel_loop3A_307 = arith.constant 1 : i32
          %parallel_loop3A_308 = arith.addi %parallel_loop3A_306, %parallel_loop3A_307 : i32
          %parallel_loop3A_309 = arith.index_cast %parallel_loop3A_308 : i32 to index
          %parallel_loop3A_310 = arith.constant 80 : index
          %parallel_loop3A_311 = tpu.vector_load %arg11[%parallel_loop3A_309, %parallel_loop3A_310] {strides = array<i32>} : memref<128x128xf32, #tpu.memory_space<vmem>>, vector<16xf32>,
          tpu.vector_store %arg11[%parallel_loop3A_309, %parallel_loop3A_310], %parallel_loop3A_203 {strides = array<i32>} : memref<128x128xf32, #tpu.memory_space<vmem>>, vector<16xf32>,
          %parallel_loop3A_312 = arith.constant 2 : i32
          %parallel_loop3A_313 = arith.muli %parallel_loop3A_131, %parallel_loop3A_312 : i32
          %parallel_loop3A_314 = arith.constant 1 : i32
          %parallel_loop3A_315 = arith.addi %parallel_loop3A_313, %parallel_loop3A_314 : i32
          %parallel_loop3A_316 = arith.index_cast %parallel_loop3A_315 : i32 to index
          %parallel_loop3A_317 = arith.constant 96 : index
          %parallel_loop3A_318 = tpu.vector_load %arg11[%parallel_loop3A_316, %parallel_loop3A_317] {strides = array<i32>} : memref<128x128xf32, #tpu.memory_space<vmem>>, vector<16xf32>,
          tpu.vector_store %arg11[%parallel_loop3A_316, %parallel_loop3A_317], %parallel_loop3A_208 {strides = array<i32>} : memref<128x128xf32, #tpu.memory_space<vmem>>, vector<16xf32>,
          %parallel_loop3A_319 = arith.constant 2 : i32
          %parallel_loop3A_320 = arith.muli %parallel_loop3A_131, %parallel_loop3A_319 : i32
          %parallel_loop3A_321 = arith.constant 1 : i32
          %parallel_loop3A_322 = arith.addi %parallel_loop3A_320, %parallel_loop3A_321 : i32
          %parallel_loop3A_323 = arith.index_cast %parallel_loop3A_322 : i32 to index
          %parallel_loop3A_324 = arith.constant 112 : index
          %parallel_loop3A_325 = tpu.vector_load %arg11[%parallel_loop3A_323, %parallel_loop3A_324] {strides = array<i32>} : memref<128x128xf32, #tpu.memory_space<vmem>>, vector<16xf32>,
          tpu.vector_store %arg11[%parallel_loop3A_323, %parallel_loop3A_324], %parallel_loop3A_213 {strides = array<i32>} : memref<128x128xf32, #tpu.memory_space<vmem>>, vector<16xf32>,
        } {sc.loop_unroll_factor = 2 : i64, sc.parallel_access}
        %dma_start3A_127 = arith.constant 0 : i32
        %dma_start3A_128 = tpu.memref_slice %arg5[%mul3A_113, %dma_start3A_127] : memref<125000x128xf32, #tpu.memory_space<hbm>> -> memref<128x128xf32, #tpu.memory_space<hbm>>
        %dma_start3A_129 = arith.constant 0 : i32
        %dma_start3A_130 = tpu.memref_slice %arg5[%mul3A_113, %dma_start3A_129] : memref<125000x128xf32, #tpu.memory_space<hbm>> -> memref<128x128xf32, #tpu.memory_space<hbm>>
        tpu.enqueue_dma source(%arg11 : memref<128x128xf32, #tpu.memory_space<vmem>>) target(%dma_start3A_130 : memref<128x128xf32, #tpu.memory_space<hbm>>) target_semaphore(%arg14 : memref<!tpu.dma_semaphore, #tpu.memory_space<semaphore_mem>>)
      } else {
      }
      %mul3A_67 = arith.constant 2 : i32
      %mul3A_68 = arith.muli %scan3A_57, %mul3A_67 : i32
      %add3A_69 = arith.constant 1 : i32
      %add3A_70 = arith.addi %mul3A_68, %add3A_69 : i32
      %mul3A_71 = arith.constant 32 : i32
      %mul3A_72 = arith.muli %add3A_70, %mul3A_71 : i32
      %add3A_73 = arith.addi %mul3A_72, %add3A : i32
      %lt3A_74 = arith.constant 976 : i32
      %lt3A_75 = arith.cmpi slt, %add3A_73, %lt3A_74 : i32
      %convert_element_type3A_76 = arith.extui %lt3A_75 : i1 to i32
      %cond3A_77 = arith.constant 0 : i32
      %cond3A_78 = arith.cmpi ne, %convert_element_type3A_76, %cond3A_77 : i32
      scf.if %cond3A_78 {
        %mul3A_79 = arith.constant 1024 : i32
        %mul3A_80 = arith.muli %add3A_73, %mul3A_79 : i32
        %dma_wait3A_81 = arith.constant 0 : i32
        %dma_wait3A_82 = arith.constant 0 : i32
        %dma_wait3A_83 = tpu.memref_slice %arg8[%dma_wait3A_81, %dma_wait3A_82] : memref<16x1033xf32, #tpu.memory_space<vmem>> -> memref<16x1024xf32, #tpu.memory_space<vmem>>
        %dma_wait3A_84 = arith.constant 0 : i32
        %dma_wait3A_85 = tpu.memref_slice %arg2[%dma_wait3A_84, %mul3A_80] : memref<16x1000000xf32, #tpu.memory_space<hbm>> -> memref<16x1024xf32, #tpu.memory_space<hbm>>
        %dma_wait3A_86 = arith.constant 0 : i32
        %dma_wait3A_87 = arith.constant 0 : i32
        %dma_wait3A_88 = tpu.memref_slice %arg8[%dma_wait3A_86, %dma_wait3A_87] : memref<16x1033xf32, #tpu.memory_space<vmem>> -> memref<16x1024xf32, #tpu.memory_space<vmem>>
        %dma_wait3A_89 = arith.constant 0 : i32
        %dma_wait3A_90 = tpu.memref_slice %arg2[%dma_wait3A_89, %mul3A_80] : memref<16x1000000xf32, #tpu.memory_space<hbm>> -> memref<16x1024xf32, #tpu.memory_space<hbm>>
        tpu.wait_dma2 semaphore(%arg13 : memref<!tpu.dma_semaphore, #tpu.memory_space<semaphore_mem>>) src(%dma_wait3A_90 : memref<16x1024xf32, #tpu.memory_space<hbm>>) dst(%dma_wait3A_88 : memref<16x1024xf32, #tpu.memory_space<vmem>>)
        %dma_wait3A_91 = arith.constant 0 : i32
        %dma_wait3A_92 = arith.constant 0 : i32
        %dma_wait3A_93 = tpu.memref_slice %arg9[%dma_wait3A_91, %dma_wait3A_92] : memref<16x1033xf32, #tpu.memory_space<vmem>> -> memref<16x1024xf32, #tpu.memory_space<vmem>>
        %dma_wait3A_94 = arith.constant 0 : i32
        %dma_wait3A_95 = tpu.memref_slice %arg3[%dma_wait3A_94, %mul3A_80] : memref<16x1000000xf32, #tpu.memory_space<hbm>> -> memref<16x1024xf32, #tpu.memory_space<hbm>>
        %dma_wait3A_96 = arith.constant 0 : i32
        %dma_wait3A_97 = arith.constant 0 : i32
        %dma_wait3A_98 = tpu.memref_slice %arg9[%dma_wait3A_96, %dma_wait3A_97] : memref<16x1033xf32, #tpu.memory_space<vmem>> -> memref<16x1024xf32, #tpu.memory_space<vmem>>
        %dma_wait3A_99 = arith.constant 0 : i32
        %dma_wait3A_100 = tpu.memref_slice %arg3[%dma_wait3A_99, %mul3A_80] : memref<16x1000000xf32, #tpu.memory_space<hbm>> -> memref<16x1024xf32, #tpu.memory_space<hbm>>
        tpu.wait_dma2 semaphore(%arg13 : memref<!tpu.dma_semaphore, #tpu.memory_space<semaphore_mem>>) src(%dma_wait3A_100 : memref<16x1024xf32, #tpu.memory_space<hbm>>) dst(%dma_wait3A_98 : memref<16x1024xf32, #tpu.memory_space<vmem>>)
        %add3A_101 = arith.constant 32 : i32
        %add3A_102 = arith.addi %add3A_73, %add3A_101 : i32
        %lt3A_103 = arith.constant 976 : i32
        %lt3A_104 = arith.cmpi slt, %add3A_102, %lt3A_103 : i32
        %convert_element_type3A_105 = arith.extui %lt3A_104 : i1 to i32
        %cond3A_106 = arith.constant 0 : i32
        %cond3A_107 = arith.cmpi ne, %convert_element_type3A_105, %cond3A_106 : i32
        scf.if %cond3A_107 {
          %add3A_131 = arith.constant 32 : i32
          %add3A_132 = arith.addi %add3A_73, %add3A_131 : i32
          %mul3A_133 = arith.constant 1024 : i32
          %mul3A_134 = arith.muli %add3A_132, %mul3A_133 : i32
          %dma_start3A_135 = arith.constant 0 : i32
          %dma_start3A_136 = arith.constant 0 : i32
          %dma_start3A_137 = tpu.memref_slice %arg6[%dma_start3A_135, %dma_start3A_136] : memref<16x1033xf32, #tpu.memory_space<vmem>> -> memref<16x1024xf32, #tpu.memory_space<vmem>>
          %dma_start3A_138 = arith.constant 0 : i32
          %dma_start3A_139 = tpu.memref_slice %arg2[%dma_start3A_138, %mul3A_134] : memref<16x1000000xf32, #tpu.memory_space<hbm>> -> memref<16x1024xf32, #tpu.memory_space<hbm>>
          %dma_start3A_140 = arith.constant 0 : i32
          %dma_start3A_141 = arith.constant 0 : i32
          %dma_start3A_142 = tpu.memref_slice %arg6[%dma_start3A_140, %dma_start3A_141] : memref<16x1033xf32, #tpu.memory_space<vmem>> -> memref<16x1024xf32, #tpu.memory_space<vmem>>
          %dma_start3A_143 = arith.constant 0 : i32
          %dma_start3A_144 = tpu.memref_slice %arg2[%dma_start3A_143, %mul3A_134] : memref<16x1000000xf32, #tpu.memory_space<hbm>> -> memref<16x1024xf32, #tpu.memory_space<hbm>>
          tpu.enqueue_dma source(%dma_start3A_144 : memref<16x1024xf32, #tpu.memory_space<hbm>>) target(%dma_start3A_142 : memref<16x1024xf32, #tpu.memory_space<vmem>>) target_semaphore(%arg12 : memref<!tpu.dma_semaphore, #tpu.memory_space<semaphore_mem>>)
          %dma_start3A_145 = arith.constant 0 : i32
          %dma_start3A_146 = arith.constant 0 : i32
          %dma_start3A_147 = tpu.memref_slice %arg7[%dma_start3A_145, %dma_start3A_146] : memref<16x1033xf32, #tpu.memory_space<vmem>> -> memref<16x1024xf32, #tpu.memory_space<vmem>>
          %dma_start3A_148 = arith.constant 0 : i32
          %dma_start3A_149 = tpu.memref_slice %arg3[%dma_start3A_148, %mul3A_134] : memref<16x1000000xf32, #tpu.memory_space<hbm>> -> memref<16x1024xf32, #tpu.memory_space<hbm>>
          %dma_start3A_150 = arith.constant 0 : i32
          %dma_start3A_151 = arith.constant 0 : i32
          %dma_start3A_152 = tpu.memref_slice %arg7[%dma_start3A_150, %dma_start3A_151] : memref<16x1033xf32, #tpu.memory_space<vmem>> -> memref<16x1024xf32, #tpu.memory_space<vmem>>
          %dma_start3A_153 = arith.constant 0 : i32
          %dma_start3A_154 = tpu.memref_slice %arg3[%dma_start3A_153, %mul3A_134] : memref<16x1000000xf32, #tpu.memory_space<hbm>> -> memref<16x1024xf32, #tpu.memory_space<hbm>>
          tpu.enqueue_dma source(%dma_start3A_154 : memref<16x1024xf32, #tpu.memory_space<hbm>>) target(%dma_start3A_152 : memref<16x1024xf32, #tpu.memory_space<vmem>>) target_semaphore(%arg12 : memref<!tpu.dma_semaphore, #tpu.memory_space<semaphore_mem>>)
        } else {
        }
        %ge3A = arith.constant 32 : i32
        %ge3A_108 = arith.cmpi sge, %add3A_73, %ge3A : i32
        %convert_element_type3A_109 = arith.extui %ge3A_108 : i1 to i32
        %cond3A_110 = arith.constant 0 : i32
        %cond3A_111 = arith.cmpi ne, %convert_element_type3A_109, %cond3A_110 : i32
        scf.if %cond3A_111 {
          %sub3A_131 = arith.constant 32 : i32
          %sub3A_132 = arith.subi %add3A_73, %sub3A_131 : i32
          %mul3A_133 = arith.constant 128 : i32
          %mul3A_134 = arith.muli %sub3A_132, %mul3A_133 : i32
          %dma_wait3A_135 = arith.constant 0 : i32
          %dma_wait3A_136 = tpu.memref_slice %arg4[%mul3A_134, %dma_wait3A_135] : memref<125000x128xf32, #tpu.memory_space<hbm>> -> memref<128x128xf32, #tpu.memory_space<hbm>>
          %dma_wait3A_137 = arith.constant 0 : i32
          %dma_wait3A_138 = tpu.memref_slice %arg4[%mul3A_134, %dma_wait3A_137] : memref<125000x128xf32, #tpu.memory_space<hbm>> -> memref<128x128xf32, #tpu.memory_space<hbm>>
          tpu.wait_dma2 semaphore(%arg14 : memref<!tpu.dma_semaphore, #tpu.memory_space<semaphore_mem>>) src(%arg10 : memref<128x128xf32, #tpu.memory_space<vmem>>) dst(%dma_wait3A_138 : memref<128x128xf32, #tpu.memory_space<hbm>>)
          %dma_wait3A_139 = arith.constant 0 : i32
          %dma_wait3A_140 = tpu.memref_slice %arg5[%mul3A_134, %dma_wait3A_139] : memref<125000x128xf32, #tpu.memory_space<hbm>> -> memref<128x128xf32, #tpu.memory_space<hbm>>
          %dma_wait3A_141 = arith.constant 0 : i32
          %dma_wait3A_142 = tpu.memref_slice %arg5[%mul3A_134, %dma_wait3A_141] : memref<125000x128xf32, #tpu.memory_space<hbm>> -> memref<128x128xf32, #tpu.memory_space<hbm>>
          tpu.wait_dma2 semaphore(%arg14 : memref<!tpu.dma_semaphore, #tpu.memory_space<semaphore_mem>>) src(%arg11 : memref<128x128xf32, #tpu.memory_space<vmem>>) dst(%dma_wait3A_142 : memref<128x128xf32, #tpu.memory_space<hbm>>)
        } else {
        }
        %mul3A_112 = arith.constant 128 : i32
        %mul3A_113 = arith.muli %add3A_73, %mul3A_112 : i32
        %iota3A = tpu.iota {dimensions = array<i32: 0>} : vector<16xi32>
        %broadcast_in_dim3A = arith.constant 0 : i32
        %broadcast_in_dim3A_114 = vector.broadcast %broadcast_in_dim3A : i32 to vector<16xi32>
        %parallel_loop3A = arith.constant 0 : i32
        %parallel_loop3A_115 = arith.constant 64 : i32
        %parallel_loop3A_116 = arith.constant 1 : i32
        scf.for %parallel_loop3A_131 = %parallel_loop3A to %parallel_loop3A_115 step %parallel_loop3A_116  : i32 {
          %parallel_loop3A_132 = arith.constant 16 : i32
          %parallel_loop3A_133 = arith.muli %parallel_loop3A_131, %parallel_loop3A_132 : i32
          %parallel_loop3A_134 = arith.constant 0 : i32
          %parallel_loop3A_135 = arith.addi %parallel_loop3A_133, %parallel_loop3A_134 : i32
          %parallel_loop3A_136 = vector.broadcast %parallel_loop3A_135 : i32 to vector<16xi32>
          %parallel_loop3A_137 = arith.addi %broadcast_in_dim3A_114, %parallel_loop3A_136 : vector<16xi32>
          %parallel_loop3A_138 = tpu.vector_load_idx %arg8[%iota3A, %parallel_loop3A_137] : memref<16x1033xf32, #tpu.memory_space<vmem>>[vector<16xi32>, vector<16xi32>], vector<16xf32>,
          %parallel_loop3A_139 = arith.constant 1 : i32
          %parallel_loop3A_140 = arith.addi %parallel_loop3A_133, %parallel_loop3A_139 : i32
          %parallel_loop3A_141 = vector.broadcast %parallel_loop3A_140 : i32 to vector<16xi32>
          %parallel_loop3A_142 = arith.addi %broadcast_in_dim3A_114, %parallel_loop3A_141 : vector<16xi32>
          %parallel_loop3A_143 = tpu.vector_load_idx %arg8[%iota3A, %parallel_loop3A_142] : memref<16x1033xf32, #tpu.memory_space<vmem>>[vector<16xi32>, vector<16xi32>], vector<16xf32>,
          %parallel_loop3A_144 = arith.constant 2 : i32
          %parallel_loop3A_145 = arith.addi %parallel_loop3A_133, %parallel_loop3A_144 : i32
          %parallel_loop3A_146 = vector.broadcast %parallel_loop3A_145 : i32 to vector<16xi32>
          %parallel_loop3A_147 = arith.addi %broadcast_in_dim3A_114, %parallel_loop3A_146 : vector<16xi32>
          %parallel_loop3A_148 = tpu.vector_load_idx %arg8[%iota3A, %parallel_loop3A_147] : memref<16x1033xf32, #tpu.memory_space<vmem>>[vector<16xi32>, vector<16xi32>], vector<16xf32>,
          %parallel_loop3A_149 = arith.constant 3 : i32
          %parallel_loop3A_150 = arith.addi %parallel_loop3A_133, %parallel_loop3A_149 : i32
          %parallel_loop3A_151 = vector.broadcast %parallel_loop3A_150 : i32 to vector<16xi32>
          %parallel_loop3A_152 = arith.addi %broadcast_in_dim3A_114, %parallel_loop3A_151 : vector<16xi32>
          %parallel_loop3A_153 = tpu.vector_load_idx %arg8[%iota3A, %parallel_loop3A_152] : memref<16x1033xf32, #tpu.memory_space<vmem>>[vector<16xi32>, vector<16xi32>], vector<16xf32>,
          %parallel_loop3A_154 = arith.constant 4 : i32
          %parallel_loop3A_155 = arith.addi %parallel_loop3A_133, %parallel_loop3A_154 : i32
          %parallel_loop3A_156 = vector.broadcast %parallel_loop3A_155 : i32 to vector<16xi32>
          %parallel_loop3A_157 = arith.addi %broadcast_in_dim3A_114, %parallel_loop3A_156 : vector<16xi32>
          %parallel_loop3A_158 = tpu.vector_load_idx %arg8[%iota3A, %parallel_loop3A_157] : memref<16x1033xf32, #tpu.memory_space<vmem>>[vector<16xi32>, vector<16xi32>], vector<16xf32>,
          %parallel_loop3A_159 = arith.constant 5 : i32
          %parallel_loop3A_160 = arith.addi %parallel_loop3A_133, %parallel_loop3A_159 : i32
          %parallel_loop3A_161 = vector.broadcast %parallel_loop3A_160 : i32 to vector<16xi32>
          %parallel_loop3A_162 = arith.addi %broadcast_in_dim3A_114, %parallel_loop3A_161 : vector<16xi32>
          %parallel_loop3A_163 = tpu.vector_load_idx %arg8[%iota3A, %parallel_loop3A_162] : memref<16x1033xf32, #tpu.memory_space<vmem>>[vector<16xi32>, vector<16xi32>], vector<16xf32>,
          %parallel_loop3A_164 = arith.constant 6 : i32
          %parallel_loop3A_165 = arith.addi %parallel_loop3A_133, %parallel_loop3A_164 : i32
          %parallel_loop3A_166 = vector.broadcast %parallel_loop3A_165 : i32 to vector<16xi32>
          %parallel_loop3A_167 = arith.addi %broadcast_in_dim3A_114, %parallel_loop3A_166 : vector<16xi32>
          %parallel_loop3A_168 = tpu.vector_load_idx %arg8[%iota3A, %parallel_loop3A_167] : memref<16x1033xf32, #tpu.memory_space<vmem>>[vector<16xi32>, vector<16xi32>], vector<16xf32>,
          %parallel_loop3A_169 = arith.constant 7 : i32
          %parallel_loop3A_170 = arith.addi %parallel_loop3A_133, %parallel_loop3A_169 : i32
          %parallel_loop3A_171 = vector.broadcast %parallel_loop3A_170 : i32 to vector<16xi32>
          %parallel_loop3A_172 = arith.addi %broadcast_in_dim3A_114, %parallel_loop3A_171 : vector<16xi32>
          %parallel_loop3A_173 = tpu.vector_load_idx %arg8[%iota3A, %parallel_loop3A_172] : memref<16x1033xf32, #tpu.memory_space<vmem>>[vector<16xi32>, vector<16xi32>], vector<16xf32>,
          %parallel_loop3A_174 = arith.constant 8 : i32
          %parallel_loop3A_175 = arith.addi %parallel_loop3A_133, %parallel_loop3A_174 : i32
          %parallel_loop3A_176 = vector.broadcast %parallel_loop3A_175 : i32 to vector<16xi32>
          %parallel_loop3A_177 = arith.addi %broadcast_in_dim3A_114, %parallel_loop3A_176 : vector<16xi32>
          %parallel_loop3A_178 = tpu.vector_load_idx %arg8[%iota3A, %parallel_loop3A_177] : memref<16x1033xf32, #tpu.memory_space<vmem>>[vector<16xi32>, vector<16xi32>], vector<16xf32>,
          %parallel_loop3A_179 = arith.constant 9 : i32
          %parallel_loop3A_180 = arith.addi %parallel_loop3A_133, %parallel_loop3A_179 : i32
          %parallel_loop3A_181 = vector.broadcast %parallel_loop3A_180 : i32 to vector<16xi32>
          %parallel_loop3A_182 = arith.addi %broadcast_in_dim3A_114, %parallel_loop3A_181 : vector<16xi32>
          %parallel_loop3A_183 = tpu.vector_load_idx %arg8[%iota3A, %parallel_loop3A_182] : memref<16x1033xf32, #tpu.memory_space<vmem>>[vector<16xi32>, vector<16xi32>], vector<16xf32>,
          %parallel_loop3A_184 = arith.constant 10 : i32
          %parallel_loop3A_185 = arith.addi %parallel_loop3A_133, %parallel_loop3A_184 : i32
          %parallel_loop3A_186 = vector.broadcast %parallel_loop3A_185 : i32 to vector<16xi32>
          %parallel_loop3A_187 = arith.addi %broadcast_in_dim3A_114, %parallel_loop3A_186 : vector<16xi32>
          %parallel_loop3A_188 = tpu.vector_load_idx %arg8[%iota3A, %parallel_loop3A_187] : memref<16x1033xf32, #tpu.memory_space<vmem>>[vector<16xi32>, vector<16xi32>], vector<16xf32>,
          %parallel_loop3A_189 = arith.constant 11 : i32
          %parallel_loop3A_190 = arith.addi %parallel_loop3A_133, %parallel_loop3A_189 : i32
          %parallel_loop3A_191 = vector.broadcast %parallel_loop3A_190 : i32 to vector<16xi32>
          %parallel_loop3A_192 = arith.addi %broadcast_in_dim3A_114, %parallel_loop3A_191 : vector<16xi32>
          %parallel_loop3A_193 = tpu.vector_load_idx %arg8[%iota3A, %parallel_loop3A_192] : memref<16x1033xf32, #tpu.memory_space<vmem>>[vector<16xi32>, vector<16xi32>], vector<16xf32>,
          %parallel_loop3A_194 = arith.constant 12 : i32
          %parallel_loop3A_195 = arith.addi %parallel_loop3A_133, %parallel_loop3A_194 : i32
          %parallel_loop3A_196 = vector.broadcast %parallel_loop3A_195 : i32 to vector<16xi32>
          %parallel_loop3A_197 = arith.addi %broadcast_in_dim3A_114, %parallel_loop3A_196 : vector<16xi32>
          %parallel_loop3A_198 = tpu.vector_load_idx %arg8[%iota3A, %parallel_loop3A_197] : memref<16x1033xf32, #tpu.memory_space<vmem>>[vector<16xi32>, vector<16xi32>], vector<16xf32>,
          %parallel_loop3A_199 = arith.constant 13 : i32
          %parallel_loop3A_200 = arith.addi %parallel_loop3A_133, %parallel_loop3A_199 : i32
          %parallel_loop3A_201 = vector.broadcast %parallel_loop3A_200 : i32 to vector<16xi32>
          %parallel_loop3A_202 = arith.addi %broadcast_in_dim3A_114, %parallel_loop3A_201 : vector<16xi32>
          %parallel_loop3A_203 = tpu.vector_load_idx %arg8[%iota3A, %parallel_loop3A_202] : memref<16x1033xf32, #tpu.memory_space<vmem>>[vector<16xi32>, vector<16xi32>], vector<16xf32>,
          %parallel_loop3A_204 = arith.constant 14 : i32
          %parallel_loop3A_205 = arith.addi %parallel_loop3A_133, %parallel_loop3A_204 : i32
          %parallel_loop3A_206 = vector.broadcast %parallel_loop3A_205 : i32 to vector<16xi32>
          %parallel_loop3A_207 = arith.addi %broadcast_in_dim3A_114, %parallel_loop3A_206 : vector<16xi32>
          %parallel_loop3A_208 = tpu.vector_load_idx %arg8[%iota3A, %parallel_loop3A_207] : memref<16x1033xf32, #tpu.memory_space<vmem>>[vector<16xi32>, vector<16xi32>], vector<16xf32>,
          %parallel_loop3A_209 = arith.constant 15 : i32
          %parallel_loop3A_210 = arith.addi %parallel_loop3A_133, %parallel_loop3A_209 : i32
          %parallel_loop3A_211 = vector.broadcast %parallel_loop3A_210 : i32 to vector<16xi32>
          %parallel_loop3A_212 = arith.addi %broadcast_in_dim3A_114, %parallel_loop3A_211 : vector<16xi32>
          %parallel_loop3A_213 = tpu.vector_load_idx %arg8[%iota3A, %parallel_loop3A_212] : memref<16x1033xf32, #tpu.memory_space<vmem>>[vector<16xi32>, vector<16xi32>], vector<16xf32>,
          %parallel_loop3A_214 = arith.constant 2 : i32
          %parallel_loop3A_215 = arith.muli %parallel_loop3A_131, %parallel_loop3A_214 : i32
          %parallel_loop3A_216 = arith.constant 0 : i32
          %parallel_loop3A_217 = arith.addi %parallel_loop3A_215, %parallel_loop3A_216 : i32
          %parallel_loop3A_218 = arith.index_cast %parallel_loop3A_217 : i32 to index
          %parallel_loop3A_219 = arith.constant 0 : index
          %parallel_loop3A_220 = tpu.vector_load %arg10[%parallel_loop3A_218, %parallel_loop3A_219] {strides = array<i32>} : memref<128x128xf32, #tpu.memory_space<vmem>>, vector<16xf32>,
          tpu.vector_store %arg10[%parallel_loop3A_218, %parallel_loop3A_219], %parallel_loop3A_138 {strides = array<i32>} : memref<128x128xf32, #tpu.memory_space<vmem>>, vector<16xf32>,
          %parallel_loop3A_221 = arith.constant 2 : i32
          %parallel_loop3A_222 = arith.muli %parallel_loop3A_131, %parallel_loop3A_221 : i32
          %parallel_loop3A_223 = arith.constant 0 : i32
          %parallel_loop3A_224 = arith.addi %parallel_loop3A_222, %parallel_loop3A_223 : i32
          %parallel_loop3A_225 = arith.index_cast %parallel_loop3A_224 : i32 to index
          %parallel_loop3A_226 = arith.constant 16 : index
          %parallel_loop3A_227 = tpu.vector_load %arg10[%parallel_loop3A_225, %parallel_loop3A_226] {strides = array<i32>} : memref<128x128xf32, #tpu.memory_space<vmem>>, vector<16xf32>,
          tpu.vector_store %arg10[%parallel_loop3A_225, %parallel_loop3A_226], %parallel_loop3A_143 {strides = array<i32>} : memref<128x128xf32, #tpu.memory_space<vmem>>, vector<16xf32>,
          %parallel_loop3A_228 = arith.constant 2 : i32
          %parallel_loop3A_229 = arith.muli %parallel_loop3A_131, %parallel_loop3A_228 : i32
          %parallel_loop3A_230 = arith.constant 0 : i32
          %parallel_loop3A_231 = arith.addi %parallel_loop3A_229, %parallel_loop3A_230 : i32
          %parallel_loop3A_232 = arith.index_cast %parallel_loop3A_231 : i32 to index
          %parallel_loop3A_233 = arith.constant 32 : index
          %parallel_loop3A_234 = tpu.vector_load %arg10[%parallel_loop3A_232, %parallel_loop3A_233] {strides = array<i32>} : memref<128x128xf32, #tpu.memory_space<vmem>>, vector<16xf32>,
          tpu.vector_store %arg10[%parallel_loop3A_232, %parallel_loop3A_233], %parallel_loop3A_148 {strides = array<i32>} : memref<128x128xf32, #tpu.memory_space<vmem>>, vector<16xf32>,
          %parallel_loop3A_235 = arith.constant 2 : i32
          %parallel_loop3A_236 = arith.muli %parallel_loop3A_131, %parallel_loop3A_235 : i32
          %parallel_loop3A_237 = arith.constant 0 : i32
          %parallel_loop3A_238 = arith.addi %parallel_loop3A_236, %parallel_loop3A_237 : i32
          %parallel_loop3A_239 = arith.index_cast %parallel_loop3A_238 : i32 to index
          %parallel_loop3A_240 = arith.constant 48 : index
          %parallel_loop3A_241 = tpu.vector_load %arg10[%parallel_loop3A_239, %parallel_loop3A_240] {strides = array<i32>} : memref<128x128xf32, #tpu.memory_space<vmem>>, vector<16xf32>,
          tpu.vector_store %arg10[%parallel_loop3A_239, %parallel_loop3A_240], %parallel_loop3A_153 {strides = array<i32>} : memref<128x128xf32, #tpu.memory_space<vmem>>, vector<16xf32>,
          %parallel_loop3A_242 = arith.constant 2 : i32
          %parallel_loop3A_243 = arith.muli %parallel_loop3A_131, %parallel_loop3A_242 : i32
          %parallel_loop3A_244 = arith.constant 0 : i32
          %parallel_loop3A_245 = arith.addi %parallel_loop3A_243, %parallel_loop3A_244 : i32
          %parallel_loop3A_246 = arith.index_cast %parallel_loop3A_245 : i32 to index
          %parallel_loop3A_247 = arith.constant 64 : index
          %parallel_loop3A_248 = tpu.vector_load %arg10[%parallel_loop3A_246, %parallel_loop3A_247] {strides = array<i32>} : memref<128x128xf32, #tpu.memory_space<vmem>>, vector<16xf32>,
          tpu.vector_store %arg10[%parallel_loop3A_246, %parallel_loop3A_247], %parallel_loop3A_158 {strides = array<i32>} : memref<128x128xf32, #tpu.memory_space<vmem>>, vector<16xf32>,
          %parallel_loop3A_249 = arith.constant 2 : i32
          %parallel_loop3A_250 = arith.muli %parallel_loop3A_131, %parallel_loop3A_249 : i32
          %parallel_loop3A_251 = arith.constant 0 : i32
          %parallel_loop3A_252 = arith.addi %parallel_loop3A_250, %parallel_loop3A_251 : i32
          %parallel_loop3A_253 = arith.index_cast %parallel_loop3A_252 : i32 to index
          %parallel_loop3A_254 = arith.constant 80 : index
          %parallel_loop3A_255 = tpu.vector_load %arg10[%parallel_loop3A_253, %parallel_loop3A_254] {strides = array<i32>} : memref<128x128xf32, #tpu.memory_space<vmem>>, vector<16xf32>,
          tpu.vector_store %arg10[%parallel_loop3A_253, %parallel_loop3A_254], %parallel_loop3A_163 {strides = array<i32>} : memref<128x128xf32, #tpu.memory_space<vmem>>, vector<16xf32>,
          %parallel_loop3A_256 = arith.constant 2 : i32
          %parallel_loop3A_257 = arith.muli %parallel_loop3A_131, %parallel_loop3A_256 : i32
          %parallel_loop3A_258 = arith.constant 0 : i32
          %parallel_loop3A_259 = arith.addi %parallel_loop3A_257, %parallel_loop3A_258 : i32
          %parallel_loop3A_260 = arith.index_cast %parallel_loop3A_259 : i32 to index
          %parallel_loop3A_261 = arith.constant 96 : index
          %parallel_loop3A_262 = tpu.vector_load %arg10[%parallel_loop3A_260, %parallel_loop3A_261] {strides = array<i32>} : memref<128x128xf32, #tpu.memory_space<vmem>>, vector<16xf32>,
          tpu.vector_store %arg10[%parallel_loop3A_260, %parallel_loop3A_261], %parallel_loop3A_168 {strides = array<i32>} : memref<128x128xf32, #tpu.memory_space<vmem>>, vector<16xf32>,
          %parallel_loop3A_263 = arith.constant 2 : i32
          %parallel_loop3A_264 = arith.muli %parallel_loop3A_131, %parallel_loop3A_263 : i32
          %parallel_loop3A_265 = arith.constant 0 : i32
          %parallel_loop3A_266 = arith.addi %parallel_loop3A_264, %parallel_loop3A_265 : i32
          %parallel_loop3A_267 = arith.index_cast %parallel_loop3A_266 : i32 to index
          %parallel_loop3A_268 = arith.constant 112 : index
          %parallel_loop3A_269 = tpu.vector_load %arg10[%parallel_loop3A_267, %parallel_loop3A_268] {strides = array<i32>} : memref<128x128xf32, #tpu.memory_space<vmem>>, vector<16xf32>,
          tpu.vector_store %arg10[%parallel_loop3A_267, %parallel_loop3A_268], %parallel_loop3A_173 {strides = array<i32>} : memref<128x128xf32, #tpu.memory_space<vmem>>, vector<16xf32>,
          %parallel_loop3A_270 = arith.constant 2 : i32
          %parallel_loop3A_271 = arith.muli %parallel_loop3A_131, %parallel_loop3A_270 : i32
          %parallel_loop3A_272 = arith.constant 1 : i32
          %parallel_loop3A_273 = arith.addi %parallel_loop3A_271, %parallel_loop3A_272 : i32
          %parallel_loop3A_274 = arith.index_cast %parallel_loop3A_273 : i32 to index
          %parallel_loop3A_275 = arith.constant 0 : index
          %parallel_loop3A_276 = tpu.vector_load %arg10[%parallel_loop3A_274, %parallel_loop3A_275] {strides = array<i32>} : memref<128x128xf32, #tpu.memory_space<vmem>>, vector<16xf32>,
          tpu.vector_store %arg10[%parallel_loop3A_274, %parallel_loop3A_275], %parallel_loop3A_178 {strides = array<i32>} : memref<128x128xf32, #tpu.memory_space<vmem>>, vector<16xf32>,
          %parallel_loop3A_277 = arith.constant 2 : i32
          %parallel_loop3A_278 = arith.muli %parallel_loop3A_131, %parallel_loop3A_277 : i32
          %parallel_loop3A_279 = arith.constant 1 : i32
          %parallel_loop3A_280 = arith.addi %parallel_loop3A_278, %parallel_loop3A_279 : i32
          %parallel_loop3A_281 = arith.index_cast %parallel_loop3A_280 : i32 to index
          %parallel_loop3A_282 = arith.constant 16 : index
          %parallel_loop3A_283 = tpu.vector_load %arg10[%parallel_loop3A_281, %parallel_loop3A_282] {strides = array<i32>} : memref<128x128xf32, #tpu.memory_space<vmem>>, vector<16xf32>,
          tpu.vector_store %arg10[%parallel_loop3A_281, %parallel_loop3A_282], %parallel_loop3A_183 {strides = array<i32>} : memref<128x128xf32, #tpu.memory_space<vmem>>, vector<16xf32>,
          %parallel_loop3A_284 = arith.constant 2 : i32
          %parallel_loop3A_285 = arith.muli %parallel_loop3A_131, %parallel_loop3A_284 : i32
          %parallel_loop3A_286 = arith.constant 1 : i32
          %parallel_loop3A_287 = arith.addi %parallel_loop3A_285, %parallel_loop3A_286 : i32
          %parallel_loop3A_288 = arith.index_cast %parallel_loop3A_287 : i32 to index
          %parallel_loop3A_289 = arith.constant 32 : index
          %parallel_loop3A_290 = tpu.vector_load %arg10[%parallel_loop3A_288, %parallel_loop3A_289] {strides = array<i32>} : memref<128x128xf32, #tpu.memory_space<vmem>>, vector<16xf32>,
          tpu.vector_store %arg10[%parallel_loop3A_288, %parallel_loop3A_289], %parallel_loop3A_188 {strides = array<i32>} : memref<128x128xf32, #tpu.memory_space<vmem>>, vector<16xf32>,
          %parallel_loop3A_291 = arith.constant 2 : i32
          %parallel_loop3A_292 = arith.muli %parallel_loop3A_131, %parallel_loop3A_291 : i32
          %parallel_loop3A_293 = arith.constant 1 : i32
          %parallel_loop3A_294 = arith.addi %parallel_loop3A_292, %parallel_loop3A_293 : i32
          %parallel_loop3A_295 = arith.index_cast %parallel_loop3A_294 : i32 to index
          %parallel_loop3A_296 = arith.constant 48 : index
          %parallel_loop3A_297 = tpu.vector_load %arg10[%parallel_loop3A_295, %parallel_loop3A_296] {strides = array<i32>} : memref<128x128xf32, #tpu.memory_space<vmem>>, vector<16xf32>,
          tpu.vector_store %arg10[%parallel_loop3A_295, %parallel_loop3A_296], %parallel_loop3A_193 {strides = array<i32>} : memref<128x128xf32, #tpu.memory_space<vmem>>, vector<16xf32>,
          %parallel_loop3A_298 = arith.constant 2 : i32
          %parallel_loop3A_299 = arith.muli %parallel_loop3A_131, %parallel_loop3A_298 : i32
          %parallel_loop3A_300 = arith.constant 1 : i32
          %parallel_loop3A_301 = arith.addi %parallel_loop3A_299, %parallel_loop3A_300 : i32
          %parallel_loop3A_302 = arith.index_cast %parallel_loop3A_301 : i32 to index
          %parallel_loop3A_303 = arith.constant 64 : index
          %parallel_loop3A_304 = tpu.vector_load %arg10[%parallel_loop3A_302, %parallel_loop3A_303] {strides = array<i32>} : memref<128x128xf32, #tpu.memory_space<vmem>>, vector<16xf32>,
          tpu.vector_store %arg10[%parallel_loop3A_302, %parallel_loop3A_303], %parallel_loop3A_198 {strides = array<i32>} : memref<128x128xf32, #tpu.memory_space<vmem>>, vector<16xf32>,
          %parallel_loop3A_305 = arith.constant 2 : i32
          %parallel_loop3A_306 = arith.muli %parallel_loop3A_131, %parallel_loop3A_305 : i32
          %parallel_loop3A_307 = arith.constant 1 : i32
          %parallel_loop3A_308 = arith.addi %parallel_loop3A_306, %parallel_loop3A_307 : i32
          %parallel_loop3A_309 = arith.index_cast %parallel_loop3A_308 : i32 to index
          %parallel_loop3A_310 = arith.constant 80 : index
          %parallel_loop3A_311 = tpu.vector_load %arg10[%parallel_loop3A_309, %parallel_loop3A_310] {strides = array<i32>} : memref<128x128xf32, #tpu.memory_space<vmem>>, vector<16xf32>,
          tpu.vector_store %arg10[%parallel_loop3A_309, %parallel_loop3A_310], %parallel_loop3A_203 {strides = array<i32>} : memref<128x128xf32, #tpu.memory_space<vmem>>, vector<16xf32>,
          %parallel_loop3A_312 = arith.constant 2 : i32
          %parallel_loop3A_313 = arith.muli %parallel_loop3A_131, %parallel_loop3A_312 : i32
          %parallel_loop3A_314 = arith.constant 1 : i32
          %parallel_loop3A_315 = arith.addi %parallel_loop3A_313, %parallel_loop3A_314 : i32
          %parallel_loop3A_316 = arith.index_cast %parallel_loop3A_315 : i32 to index
          %parallel_loop3A_317 = arith.constant 96 : index
          %parallel_loop3A_318 = tpu.vector_load %arg10[%parallel_loop3A_316, %parallel_loop3A_317] {strides = array<i32>} : memref<128x128xf32, #tpu.memory_space<vmem>>, vector<16xf32>,
          tpu.vector_store %arg10[%parallel_loop3A_316, %parallel_loop3A_317], %parallel_loop3A_208 {strides = array<i32>} : memref<128x128xf32, #tpu.memory_space<vmem>>, vector<16xf32>,
          %parallel_loop3A_319 = arith.constant 2 : i32
          %parallel_loop3A_320 = arith.muli %parallel_loop3A_131, %parallel_loop3A_319 : i32
          %parallel_loop3A_321 = arith.constant 1 : i32
          %parallel_loop3A_322 = arith.addi %parallel_loop3A_320, %parallel_loop3A_321 : i32
          %parallel_loop3A_323 = arith.index_cast %parallel_loop3A_322 : i32 to index
          %parallel_loop3A_324 = arith.constant 112 : index
          %parallel_loop3A_325 = tpu.vector_load %arg10[%parallel_loop3A_323, %parallel_loop3A_324] {strides = array<i32>} : memref<128x128xf32, #tpu.memory_space<vmem>>, vector<16xf32>,
          tpu.vector_store %arg10[%parallel_loop3A_323, %parallel_loop3A_324], %parallel_loop3A_213 {strides = array<i32>} : memref<128x128xf32, #tpu.memory_space<vmem>>, vector<16xf32>,
        } {sc.loop_unroll_factor = 2 : i64, sc.parallel_access}
        %dma_start3A_117 = arith.constant 0 : i32
        %dma_start3A_118 = tpu.memref_slice %arg4[%mul3A_113, %dma_start3A_117] : memref<125000x128xf32, #tpu.memory_space<hbm>> -> memref<128x128xf32, #tpu.memory_space<hbm>>
        %dma_start3A_119 = arith.constant 0 : i32
        %dma_start3A_120 = tpu.memref_slice %arg4[%mul3A_113, %dma_start3A_119] : memref<125000x128xf32, #tpu.memory_space<hbm>> -> memref<128x128xf32, #tpu.memory_space<hbm>>
        tpu.enqueue_dma source(%arg10 : memref<128x128xf32, #tpu.memory_space<vmem>>) target(%dma_start3A_120 : memref<128x128xf32, #tpu.memory_space<hbm>>) target_semaphore(%arg14 : memref<!tpu.dma_semaphore, #tpu.memory_space<semaphore_mem>>)
        %iota3A_121 = tpu.iota {dimensions = array<i32: 0>} : vector<16xi32>
        %broadcast_in_dim3A_122 = arith.constant 0 : i32
        %broadcast_in_dim3A_123 = vector.broadcast %broadcast_in_dim3A_122 : i32 to vector<16xi32>
        %parallel_loop3A_124 = arith.constant 0 : i32
        %parallel_loop3A_125 = arith.constant 64 : i32
        %parallel_loop3A_126 = arith.constant 1 : i32
        scf.for %parallel_loop3A_131 = %parallel_loop3A_124 to %parallel_loop3A_125 step %parallel_loop3A_126  : i32 {
          %parallel_loop3A_132 = arith.constant 16 : i32
          %parallel_loop3A_133 = arith.muli %parallel_loop3A_131, %parallel_loop3A_132 : i32
          %parallel_loop3A_134 = arith.constant 0 : i32
          %parallel_loop3A_135 = arith.addi %parallel_loop3A_133, %parallel_loop3A_134 : i32
          %parallel_loop3A_136 = vector.broadcast %parallel_loop3A_135 : i32 to vector<16xi32>
          %parallel_loop3A_137 = arith.addi %broadcast_in_dim3A_123, %parallel_loop3A_136 : vector<16xi32>
          %parallel_loop3A_138 = tpu.vector_load_idx %arg9[%iota3A_121, %parallel_loop3A_137] : memref<16x1033xf32, #tpu.memory_space<vmem>>[vector<16xi32>, vector<16xi32>], vector<16xf32>,
          %parallel_loop3A_139 = arith.constant 1 : i32
          %parallel_loop3A_140 = arith.addi %parallel_loop3A_133, %parallel_loop3A_139 : i32
          %parallel_loop3A_141 = vector.broadcast %parallel_loop3A_140 : i32 to vector<16xi32>
          %parallel_loop3A_142 = arith.addi %broadcast_in_dim3A_123, %parallel_loop3A_141 : vector<16xi32>
          %parallel_loop3A_143 = tpu.vector_load_idx %arg9[%iota3A_121, %parallel_loop3A_142] : memref<16x1033xf32, #tpu.memory_space<vmem>>[vector<16xi32>, vector<16xi32>], vector<16xf32>,
          %parallel_loop3A_144 = arith.constant 2 : i32
          %parallel_loop3A_145 = arith.addi %parallel_loop3A_133, %parallel_loop3A_144 : i32
          %parallel_loop3A_146 = vector.broadcast %parallel_loop3A_145 : i32 to vector<16xi32>
          %parallel_loop3A_147 = arith.addi %broadcast_in_dim3A_123, %parallel_loop3A_146 : vector<16xi32>
          %parallel_loop3A_148 = tpu.vector_load_idx %arg9[%iota3A_121, %parallel_loop3A_147] : memref<16x1033xf32, #tpu.memory_space<vmem>>[vector<16xi32>, vector<16xi32>], vector<16xf32>,
          %parallel_loop3A_149 = arith.constant 3 : i32
          %parallel_loop3A_150 = arith.addi %parallel_loop3A_133, %parallel_loop3A_149 : i32
          %parallel_loop3A_151 = vector.broadcast %parallel_loop3A_150 : i32 to vector<16xi32>
          %parallel_loop3A_152 = arith.addi %broadcast_in_dim3A_123, %parallel_loop3A_151 : vector<16xi32>
          %parallel_loop3A_153 = tpu.vector_load_idx %arg9[%iota3A_121, %parallel_loop3A_152] : memref<16x1033xf32, #tpu.memory_space<vmem>>[vector<16xi32>, vector<16xi32>], vector<16xf32>,
          %parallel_loop3A_154 = arith.constant 4 : i32
          %parallel_loop3A_155 = arith.addi %parallel_loop3A_133, %parallel_loop3A_154 : i32
          %parallel_loop3A_156 = vector.broadcast %parallel_loop3A_155 : i32 to vector<16xi32>
          %parallel_loop3A_157 = arith.addi %broadcast_in_dim3A_123, %parallel_loop3A_156 : vector<16xi32>
          %parallel_loop3A_158 = tpu.vector_load_idx %arg9[%iota3A_121, %parallel_loop3A_157] : memref<16x1033xf32, #tpu.memory_space<vmem>>[vector<16xi32>, vector<16xi32>], vector<16xf32>,
          %parallel_loop3A_159 = arith.constant 5 : i32
          %parallel_loop3A_160 = arith.addi %parallel_loop3A_133, %parallel_loop3A_159 : i32
          %parallel_loop3A_161 = vector.broadcast %parallel_loop3A_160 : i32 to vector<16xi32>
          %parallel_loop3A_162 = arith.addi %broadcast_in_dim3A_123, %parallel_loop3A_161 : vector<16xi32>
          %parallel_loop3A_163 = tpu.vector_load_idx %arg9[%iota3A_121, %parallel_loop3A_162] : memref<16x1033xf32, #tpu.memory_space<vmem>>[vector<16xi32>, vector<16xi32>], vector<16xf32>,
          %parallel_loop3A_164 = arith.constant 6 : i32
          %parallel_loop3A_165 = arith.addi %parallel_loop3A_133, %parallel_loop3A_164 : i32
          %parallel_loop3A_166 = vector.broadcast %parallel_loop3A_165 : i32 to vector<16xi32>
          %parallel_loop3A_167 = arith.addi %broadcast_in_dim3A_123, %parallel_loop3A_166 : vector<16xi32>
          %parallel_loop3A_168 = tpu.vector_load_idx %arg9[%iota3A_121, %parallel_loop3A_167] : memref<16x1033xf32, #tpu.memory_space<vmem>>[vector<16xi32>, vector<16xi32>], vector<16xf32>,
          %parallel_loop3A_169 = arith.constant 7 : i32
          %parallel_loop3A_170 = arith.addi %parallel_loop3A_133, %parallel_loop3A_169 : i32
          %parallel_loop3A_171 = vector.broadcast %parallel_loop3A_170 : i32 to vector<16xi32>
          %parallel_loop3A_172 = arith.addi %broadcast_in_dim3A_123, %parallel_loop3A_171 : vector<16xi32>
          %parallel_loop3A_173 = tpu.vector_load_idx %arg9[%iota3A_121, %parallel_loop3A_172] : memref<16x1033xf32, #tpu.memory_space<vmem>>[vector<16xi32>, vector<16xi32>], vector<16xf32>,
          %parallel_loop3A_174 = arith.constant 8 : i32
          %parallel_loop3A_175 = arith.addi %parallel_loop3A_133, %parallel_loop3A_174 : i32
          %parallel_loop3A_176 = vector.broadcast %parallel_loop3A_175 : i32 to vector<16xi32>
          %parallel_loop3A_177 = arith.addi %broadcast_in_dim3A_123, %parallel_loop3A_176 : vector<16xi32>
          %parallel_loop3A_178 = tpu.vector_load_idx %arg9[%iota3A_121, %parallel_loop3A_177] : memref<16x1033xf32, #tpu.memory_space<vmem>>[vector<16xi32>, vector<16xi32>], vector<16xf32>,
          %parallel_loop3A_179 = arith.constant 9 : i32
          %parallel_loop3A_180 = arith.addi %parallel_loop3A_133, %parallel_loop3A_179 : i32
          %parallel_loop3A_181 = vector.broadcast %parallel_loop3A_180 : i32 to vector<16xi32>
          %parallel_loop3A_182 = arith.addi %broadcast_in_dim3A_123, %parallel_loop3A_181 : vector<16xi32>
          %parallel_loop3A_183 = tpu.vector_load_idx %arg9[%iota3A_121, %parallel_loop3A_182] : memref<16x1033xf32, #tpu.memory_space<vmem>>[vector<16xi32>, vector<16xi32>], vector<16xf32>,
          %parallel_loop3A_184 = arith.constant 10 : i32
          %parallel_loop3A_185 = arith.addi %parallel_loop3A_133, %parallel_loop3A_184 : i32
          %parallel_loop3A_186 = vector.broadcast %parallel_loop3A_185 : i32 to vector<16xi32>
          %parallel_loop3A_187 = arith.addi %broadcast_in_dim3A_123, %parallel_loop3A_186 : vector<16xi32>
          %parallel_loop3A_188 = tpu.vector_load_idx %arg9[%iota3A_121, %parallel_loop3A_187] : memref<16x1033xf32, #tpu.memory_space<vmem>>[vector<16xi32>, vector<16xi32>], vector<16xf32>,
          %parallel_loop3A_189 = arith.constant 11 : i32
          %parallel_loop3A_190 = arith.addi %parallel_loop3A_133, %parallel_loop3A_189 : i32
          %parallel_loop3A_191 = vector.broadcast %parallel_loop3A_190 : i32 to vector<16xi32>
          %parallel_loop3A_192 = arith.addi %broadcast_in_dim3A_123, %parallel_loop3A_191 : vector<16xi32>
          %parallel_loop3A_193 = tpu.vector_load_idx %arg9[%iota3A_121, %parallel_loop3A_192] : memref<16x1033xf32, #tpu.memory_space<vmem>>[vector<16xi32>, vector<16xi32>], vector<16xf32>,
          %parallel_loop3A_194 = arith.constant 12 : i32
          %parallel_loop3A_195 = arith.addi %parallel_loop3A_133, %parallel_loop3A_194 : i32
          %parallel_loop3A_196 = vector.broadcast %parallel_loop3A_195 : i32 to vector<16xi32>
          %parallel_loop3A_197 = arith.addi %broadcast_in_dim3A_123, %parallel_loop3A_196 : vector<16xi32>
          %parallel_loop3A_198 = tpu.vector_load_idx %arg9[%iota3A_121, %parallel_loop3A_197] : memref<16x1033xf32, #tpu.memory_space<vmem>>[vector<16xi32>, vector<16xi32>], vector<16xf32>,
          %parallel_loop3A_199 = arith.constant 13 : i32
          %parallel_loop3A_200 = arith.addi %parallel_loop3A_133, %parallel_loop3A_199 : i32
          %parallel_loop3A_201 = vector.broadcast %parallel_loop3A_200 : i32 to vector<16xi32>
          %parallel_loop3A_202 = arith.addi %broadcast_in_dim3A_123, %parallel_loop3A_201 : vector<16xi32>
          %parallel_loop3A_203 = tpu.vector_load_idx %arg9[%iota3A_121, %parallel_loop3A_202] : memref<16x1033xf32, #tpu.memory_space<vmem>>[vector<16xi32>, vector<16xi32>], vector<16xf32>,
          %parallel_loop3A_204 = arith.constant 14 : i32
          %parallel_loop3A_205 = arith.addi %parallel_loop3A_133, %parallel_loop3A_204 : i32
          %parallel_loop3A_206 = vector.broadcast %parallel_loop3A_205 : i32 to vector<16xi32>
          %parallel_loop3A_207 = arith.addi %broadcast_in_dim3A_123, %parallel_loop3A_206 : vector<16xi32>
          %parallel_loop3A_208 = tpu.vector_load_idx %arg9[%iota3A_121, %parallel_loop3A_207] : memref<16x1033xf32, #tpu.memory_space<vmem>>[vector<16xi32>, vector<16xi32>], vector<16xf32>,
          %parallel_loop3A_209 = arith.constant 15 : i32
          %parallel_loop3A_210 = arith.addi %parallel_loop3A_133, %parallel_loop3A_209 : i32
          %parallel_loop3A_211 = vector.broadcast %parallel_loop3A_210 : i32 to vector<16xi32>
          %parallel_loop3A_212 = arith.addi %broadcast_in_dim3A_123, %parallel_loop3A_211 : vector<16xi32>
          %parallel_loop3A_213 = tpu.vector_load_idx %arg9[%iota3A_121, %parallel_loop3A_212] : memref<16x1033xf32, #tpu.memory_space<vmem>>[vector<16xi32>, vector<16xi32>], vector<16xf32>,
          %parallel_loop3A_214 = arith.constant 2 : i32
          %parallel_loop3A_215 = arith.muli %parallel_loop3A_131, %parallel_loop3A_214 : i32
          %parallel_loop3A_216 = arith.constant 0 : i32
          %parallel_loop3A_217 = arith.addi %parallel_loop3A_215, %parallel_loop3A_216 : i32
          %parallel_loop3A_218 = arith.index_cast %parallel_loop3A_217 : i32 to index
          %parallel_loop3A_219 = arith.constant 0 : index
          %parallel_loop3A_220 = tpu.vector_load %arg11[%parallel_loop3A_218, %parallel_loop3A_219] {strides = array<i32>} : memref<128x128xf32, #tpu.memory_space<vmem>>, vector<16xf32>,
          tpu.vector_store %arg11[%parallel_loop3A_218, %parallel_loop3A_219], %parallel_loop3A_138 {strides = array<i32>} : memref<128x128xf32, #tpu.memory_space<vmem>>, vector<16xf32>,
          %parallel_loop3A_221 = arith.constant 2 : i32
          %parallel_loop3A_222 = arith.muli %parallel_loop3A_131, %parallel_loop3A_221 : i32
          %parallel_loop3A_223 = arith.constant 0 : i32
          %parallel_loop3A_224 = arith.addi %parallel_loop3A_222, %parallel_loop3A_223 : i32
          %parallel_loop3A_225 = arith.index_cast %parallel_loop3A_224 : i32 to index
          %parallel_loop3A_226 = arith.constant 16 : index
          %parallel_loop3A_227 = tpu.vector_load %arg11[%parallel_loop3A_225, %parallel_loop3A_226] {strides = array<i32>} : memref<128x128xf32, #tpu.memory_space<vmem>>, vector<16xf32>,
          tpu.vector_store %arg11[%parallel_loop3A_225, %parallel_loop3A_226], %parallel_loop3A_143 {strides = array<i32>} : memref<128x128xf32, #tpu.memory_space<vmem>>, vector<16xf32>,
          %parallel_loop3A_228 = arith.constant 2 : i32
          %parallel_loop3A_229 = arith.muli %parallel_loop3A_131, %parallel_loop3A_228 : i32
          %parallel_loop3A_230 = arith.constant 0 : i32
          %parallel_loop3A_231 = arith.addi %parallel_loop3A_229, %parallel_loop3A_230 : i32
          %parallel_loop3A_232 = arith.index_cast %parallel_loop3A_231 : i32 to index
          %parallel_loop3A_233 = arith.constant 32 : index
          %parallel_loop3A_234 = tpu.vector_load %arg11[%parallel_loop3A_232, %parallel_loop3A_233] {strides = array<i32>} : memref<128x128xf32, #tpu.memory_space<vmem>>, vector<16xf32>,
          tpu.vector_store %arg11[%parallel_loop3A_232, %parallel_loop3A_233], %parallel_loop3A_148 {strides = array<i32>} : memref<128x128xf32, #tpu.memory_space<vmem>>, vector<16xf32>,
          %parallel_loop3A_235 = arith.constant 2 : i32
          %parallel_loop3A_236 = arith.muli %parallel_loop3A_131, %parallel_loop3A_235 : i32
          %parallel_loop3A_237 = arith.constant 0 : i32
          %parallel_loop3A_238 = arith.addi %parallel_loop3A_236, %parallel_loop3A_237 : i32
          %parallel_loop3A_239 = arith.index_cast %parallel_loop3A_238 : i32 to index
          %parallel_loop3A_240 = arith.constant 48 : index
          %parallel_loop3A_241 = tpu.vector_load %arg11[%parallel_loop3A_239, %parallel_loop3A_240] {strides = array<i32>} : memref<128x128xf32, #tpu.memory_space<vmem>>, vector<16xf32>,
          tpu.vector_store %arg11[%parallel_loop3A_239, %parallel_loop3A_240], %parallel_loop3A_153 {strides = array<i32>} : memref<128x128xf32, #tpu.memory_space<vmem>>, vector<16xf32>,
          %parallel_loop3A_242 = arith.constant 2 : i32
          %parallel_loop3A_243 = arith.muli %parallel_loop3A_131, %parallel_loop3A_242 : i32
          %parallel_loop3A_244 = arith.constant 0 : i32
          %parallel_loop3A_245 = arith.addi %parallel_loop3A_243, %parallel_loop3A_244 : i32
          %parallel_loop3A_246 = arith.index_cast %parallel_loop3A_245 : i32 to index
          %parallel_loop3A_247 = arith.constant 64 : index
          %parallel_loop3A_248 = tpu.vector_load %arg11[%parallel_loop3A_246, %parallel_loop3A_247] {strides = array<i32>} : memref<128x128xf32, #tpu.memory_space<vmem>>, vector<16xf32>,
          tpu.vector_store %arg11[%parallel_loop3A_246, %parallel_loop3A_247], %parallel_loop3A_158 {strides = array<i32>} : memref<128x128xf32, #tpu.memory_space<vmem>>, vector<16xf32>,
          %parallel_loop3A_249 = arith.constant 2 : i32
          %parallel_loop3A_250 = arith.muli %parallel_loop3A_131, %parallel_loop3A_249 : i32
          %parallel_loop3A_251 = arith.constant 0 : i32
          %parallel_loop3A_252 = arith.addi %parallel_loop3A_250, %parallel_loop3A_251 : i32
          %parallel_loop3A_253 = arith.index_cast %parallel_loop3A_252 : i32 to index
          %parallel_loop3A_254 = arith.constant 80 : index
          %parallel_loop3A_255 = tpu.vector_load %arg11[%parallel_loop3A_253, %parallel_loop3A_254] {strides = array<i32>} : memref<128x128xf32, #tpu.memory_space<vmem>>, vector<16xf32>,
          tpu.vector_store %arg11[%parallel_loop3A_253, %parallel_loop3A_254], %parallel_loop3A_163 {strides = array<i32>} : memref<128x128xf32, #tpu.memory_space<vmem>>, vector<16xf32>,
          %parallel_loop3A_256 = arith.constant 2 : i32
          %parallel_loop3A_257 = arith.muli %parallel_loop3A_131, %parallel_loop3A_256 : i32
          %parallel_loop3A_258 = arith.constant 0 : i32
          %parallel_loop3A_259 = arith.addi %parallel_loop3A_257, %parallel_loop3A_258 : i32
          %parallel_loop3A_260 = arith.index_cast %parallel_loop3A_259 : i32 to index
          %parallel_loop3A_261 = arith.constant 96 : index
          %parallel_loop3A_262 = tpu.vector_load %arg11[%parallel_loop3A_260, %parallel_loop3A_261] {strides = array<i32>} : memref<128x128xf32, #tpu.memory_space<vmem>>, vector<16xf32>,
          tpu.vector_store %arg11[%parallel_loop3A_260, %parallel_loop3A_261], %parallel_loop3A_168 {strides = array<i32>} : memref<128x128xf32, #tpu.memory_space<vmem>>, vector<16xf32>,
          %parallel_loop3A_263 = arith.constant 2 : i32
          %parallel_loop3A_264 = arith.muli %parallel_loop3A_131, %parallel_loop3A_263 : i32
          %parallel_loop3A_265 = arith.constant 0 : i32
          %parallel_loop3A_266 = arith.addi %parallel_loop3A_264, %parallel_loop3A_265 : i32
          %parallel_loop3A_267 = arith.index_cast %parallel_loop3A_266 : i32 to index
          %parallel_loop3A_268 = arith.constant 112 : index
          %parallel_loop3A_269 = tpu.vector_load %arg11[%parallel_loop3A_267, %parallel_loop3A_268] {strides = array<i32>} : memref<128x128xf32, #tpu.memory_space<vmem>>, vector<16xf32>,
          tpu.vector_store %arg11[%parallel_loop3A_267, %parallel_loop3A_268], %parallel_loop3A_173 {strides = array<i32>} : memref<128x128xf32, #tpu.memory_space<vmem>>, vector<16xf32>,
          %parallel_loop3A_270 = arith.constant 2 : i32
          %parallel_loop3A_271 = arith.muli %parallel_loop3A_131, %parallel_loop3A_270 : i32
          %parallel_loop3A_272 = arith.constant 1 : i32
          %parallel_loop3A_273 = arith.addi %parallel_loop3A_271, %parallel_loop3A_272 : i32
          %parallel_loop3A_274 = arith.index_cast %parallel_loop3A_273 : i32 to index
          %parallel_loop3A_275 = arith.constant 0 : index
          %parallel_loop3A_276 = tpu.vector_load %arg11[%parallel_loop3A_274, %parallel_loop3A_275] {strides = array<i32>} : memref<128x128xf32, #tpu.memory_space<vmem>>, vector<16xf32>,
          tpu.vector_store %arg11[%parallel_loop3A_274, %parallel_loop3A_275], %parallel_loop3A_178 {strides = array<i32>} : memref<128x128xf32, #tpu.memory_space<vmem>>, vector<16xf32>,
          %parallel_loop3A_277 = arith.constant 2 : i32
          %parallel_loop3A_278 = arith.muli %parallel_loop3A_131, %parallel_loop3A_277 : i32
          %parallel_loop3A_279 = arith.constant 1 : i32
          %parallel_loop3A_280 = arith.addi %parallel_loop3A_278, %parallel_loop3A_279 : i32
          %parallel_loop3A_281 = arith.index_cast %parallel_loop3A_280 : i32 to index
          %parallel_loop3A_282 = arith.constant 16 : index
          %parallel_loop3A_283 = tpu.vector_load %arg11[%parallel_loop3A_281, %parallel_loop3A_282] {strides = array<i32>} : memref<128x128xf32, #tpu.memory_space<vmem>>, vector<16xf32>,
          tpu.vector_store %arg11[%parallel_loop3A_281, %parallel_loop3A_282], %parallel_loop3A_183 {strides = array<i32>} : memref<128x128xf32, #tpu.memory_space<vmem>>, vector<16xf32>,
          %parallel_loop3A_284 = arith.constant 2 : i32
          %parallel_loop3A_285 = arith.muli %parallel_loop3A_131, %parallel_loop3A_284 : i32
          %parallel_loop3A_286 = arith.constant 1 : i32
          %parallel_loop3A_287 = arith.addi %parallel_loop3A_285, %parallel_loop3A_286 : i32
          %parallel_loop3A_288 = arith.index_cast %parallel_loop3A_287 : i32 to index
          %parallel_loop3A_289 = arith.constant 32 : index
          %parallel_loop3A_290 = tpu.vector_load %arg11[%parallel_loop3A_288, %parallel_loop3A_289] {strides = array<i32>} : memref<128x128xf32, #tpu.memory_space<vmem>>, vector<16xf32>,
          tpu.vector_store %arg11[%parallel_loop3A_288, %parallel_loop3A_289], %parallel_loop3A_188 {strides = array<i32>} : memref<128x128xf32, #tpu.memory_space<vmem>>, vector<16xf32>,
          %parallel_loop3A_291 = arith.constant 2 : i32
          %parallel_loop3A_292 = arith.muli %parallel_loop3A_131, %parallel_loop3A_291 : i32
          %parallel_loop3A_293 = arith.constant 1 : i32
          %parallel_loop3A_294 = arith.addi %parallel_loop3A_292, %parallel_loop3A_293 : i32
          %parallel_loop3A_295 = arith.index_cast %parallel_loop3A_294 : i32 to index
          %parallel_loop3A_296 = arith.constant 48 : index
          %parallel_loop3A_297 = tpu.vector_load %arg11[%parallel_loop3A_295, %parallel_loop3A_296] {strides = array<i32>} : memref<128x128xf32, #tpu.memory_space<vmem>>, vector<16xf32>,
          tpu.vector_store %arg11[%parallel_loop3A_295, %parallel_loop3A_296], %parallel_loop3A_193 {strides = array<i32>} : memref<128x128xf32, #tpu.memory_space<vmem>>, vector<16xf32>,
          %parallel_loop3A_298 = arith.constant 2 : i32
          %parallel_loop3A_299 = arith.muli %parallel_loop3A_131, %parallel_loop3A_298 : i32
          %parallel_loop3A_300 = arith.constant 1 : i32
          %parallel_loop3A_301 = arith.addi %parallel_loop3A_299, %parallel_loop3A_300 : i32
          %parallel_loop3A_302 = arith.index_cast %parallel_loop3A_301 : i32 to index
          %parallel_loop3A_303 = arith.constant 64 : index
          %parallel_loop3A_304 = tpu.vector_load %arg11[%parallel_loop3A_302, %parallel_loop3A_303] {strides = array<i32>} : memref<128x128xf32, #tpu.memory_space<vmem>>, vector<16xf32>,
          tpu.vector_store %arg11[%parallel_loop3A_302, %parallel_loop3A_303], %parallel_loop3A_198 {strides = array<i32>} : memref<128x128xf32, #tpu.memory_space<vmem>>, vector<16xf32>,
          %parallel_loop3A_305 = arith.constant 2 : i32
          %parallel_loop3A_306 = arith.muli %parallel_loop3A_131, %parallel_loop3A_305 : i32
          %parallel_loop3A_307 = arith.constant 1 : i32
          %parallel_loop3A_308 = arith.addi %parallel_loop3A_306, %parallel_loop3A_307 : i32
          %parallel_loop3A_309 = arith.index_cast %parallel_loop3A_308 : i32 to index
          %parallel_loop3A_310 = arith.constant 80 : index
          %parallel_loop3A_311 = tpu.vector_load %arg11[%parallel_loop3A_309, %parallel_loop3A_310] {strides = array<i32>} : memref<128x128xf32, #tpu.memory_space<vmem>>, vector<16xf32>,
          tpu.vector_store %arg11[%parallel_loop3A_309, %parallel_loop3A_310], %parallel_loop3A_203 {strides = array<i32>} : memref<128x128xf32, #tpu.memory_space<vmem>>, vector<16xf32>,
          %parallel_loop3A_312 = arith.constant 2 : i32
          %parallel_loop3A_313 = arith.muli %parallel_loop3A_131, %parallel_loop3A_312 : i32
          %parallel_loop3A_314 = arith.constant 1 : i32
          %parallel_loop3A_315 = arith.addi %parallel_loop3A_313, %parallel_loop3A_314 : i32
          %parallel_loop3A_316 = arith.index_cast %parallel_loop3A_315 : i32 to index
          %parallel_loop3A_317 = arith.constant 96 : index
          %parallel_loop3A_318 = tpu.vector_load %arg11[%parallel_loop3A_316, %parallel_loop3A_317] {strides = array<i32>} : memref<128x128xf32, #tpu.memory_space<vmem>>, vector<16xf32>,
          tpu.vector_store %arg11[%parallel_loop3A_316, %parallel_loop3A_317], %parallel_loop3A_208 {strides = array<i32>} : memref<128x128xf32, #tpu.memory_space<vmem>>, vector<16xf32>,
          %parallel_loop3A_319 = arith.constant 2 : i32
          %parallel_loop3A_320 = arith.muli %parallel_loop3A_131, %parallel_loop3A_319 : i32
          %parallel_loop3A_321 = arith.constant 1 : i32
          %parallel_loop3A_322 = arith.addi %parallel_loop3A_320, %parallel_loop3A_321 : i32
          %parallel_loop3A_323 = arith.index_cast %parallel_loop3A_322 : i32 to index
          %parallel_loop3A_324 = arith.constant 112 : index
          %parallel_loop3A_325 = tpu.vector_load %arg11[%parallel_loop3A_323, %parallel_loop3A_324] {strides = array<i32>} : memref<128x128xf32, #tpu.memory_space<vmem>>, vector<16xf32>,
          tpu.vector_store %arg11[%parallel_loop3A_323, %parallel_loop3A_324], %parallel_loop3A_213 {strides = array<i32>} : memref<128x128xf32, #tpu.memory_space<vmem>>, vector<16xf32>,
        } {sc.loop_unroll_factor = 2 : i64, sc.parallel_access}
        %dma_start3A_127 = arith.constant 0 : i32
        %dma_start3A_128 = tpu.memref_slice %arg5[%mul3A_113, %dma_start3A_127] : memref<125000x128xf32, #tpu.memory_space<hbm>> -> memref<128x128xf32, #tpu.memory_space<hbm>>
        %dma_start3A_129 = arith.constant 0 : i32
        %dma_start3A_130 = tpu.memref_slice %arg5[%mul3A_113, %dma_start3A_129] : memref<125000x128xf32, #tpu.memory_space<hbm>> -> memref<128x128xf32, #tpu.memory_space<hbm>>
        tpu.enqueue_dma source(%arg11 : memref<128x128xf32, #tpu.memory_space<vmem>>) target(%dma_start3A_130 : memref<128x128xf32, #tpu.memory_space<hbm>>) target_semaphore(%arg14 : memref<!tpu.dma_semaphore, #tpu.memory_space<semaphore_mem>>)
      } else {
      }
    }
    %scan3A_26 = arith.constant 16 : i32
    %sub3A = arith.constant 975 : i32
    %sub3A_27 = arith.subi %sub3A, %add3A : i32
    %jit3A = arith.constant 32 : i32
    %div3A = arith.divsi %sub3A_27, %jit3A : i32
    %sign3A = arith.constant 0 : i32
    %sign3A_28 = arith.cmpi sgt, %sub3A_27, %sign3A : i32
    %sign3A_29 = arith.extui %sign3A_28 : i1 to i32
    %sign3A_30 = arith.constant 0 : i32
    %sign3A_31 = arith.cmpi slt, %sub3A_27, %sign3A_30 : i32
    %sign3A_32 = arith.extui %sign3A_31 : i1 to i32
    %sign3A_33 = arith.subi %sign3A_29, %sign3A_32 : i32
    %sign3A_34 = arith.constant 0 : i32
    %sign3A_35 = arith.cmpi sgt, %jit3A, %sign3A_34 : i32
    %sign3A_36 = arith.extui %sign3A_35 : i1 to i32
    %sign3A_37 = arith.constant 0 : i32
    %sign3A_38 = arith.cmpi slt, %jit3A, %sign3A_37 : i32
    %sign3A_39 = arith.extui %sign3A_38 : i1 to i32
    %sign3A_40 = arith.subi %sign3A_36, %sign3A_39 : i32
    %ne3A = arith.cmpi ne, %sign3A_33, %sign3A_40 : i32
    %rem3A = arith.remsi %sub3A_27, %jit3A : i32
    %ne3A_41 = arith.constant 0 : i32
    %ne3A_42 = arith.cmpi ne, %rem3A, %ne3A_41 : i32
    %and3A = arith.andi %ne3A, %ne3A_42 : i1
    %sub3A_43 = arith.constant 1 : i32
    %sub3A_44 = arith.subi %div3A, %sub3A_43 : i32
    %select_n3A = arith.select %and3A, %sub3A_44, %div3A : i32
    %mul3A_45 = arith.constant 32 : i32
    %mul3A_46 = arith.muli %select_n3A, %mul3A_45 : i32
    %add3A_47 = arith.addi %mul3A_46, %add3A : i32
    %mul3A_48 = arith.constant 128 : i32
    %mul3A_49 = arith.muli %add3A_47, %mul3A_48 : i32
    %dma_wait3A = arith.constant 0 : i32
    %dma_wait3A_50 = tpu.memref_slice %arg4[%mul3A_49, %dma_wait3A] : memref<125000x128xf32, #tpu.memory_space<hbm>> -> memref<128x128xf32, #tpu.memory_space<hbm>>
    %dma_wait3A_51 = arith.constant 0 : i32
    %dma_wait3A_52 = tpu.memref_slice %arg4[%mul3A_49, %dma_wait3A_51] : memref<125000x128xf32, #tpu.memory_space<hbm>> -> memref<128x128xf32, #tpu.memory_space<hbm>>
    tpu.wait_dma2 semaphore(%arg14 : memref<!tpu.dma_semaphore, #tpu.memory_space<semaphore_mem>>) src(%arg10 : memref<128x128xf32, #tpu.memory_space<vmem>>) dst(%dma_wait3A_52 : memref<128x128xf32, #tpu.memory_space<hbm>>)
    %dma_wait3A_53 = arith.constant 0 : i32
    %dma_wait3A_54 = tpu.memref_slice %arg5[%mul3A_49, %dma_wait3A_53] : memref<125000x128xf32, #tpu.memory_space<hbm>> -> memref<128x128xf32, #tpu.memory_space<hbm>>
    %dma_wait3A_55 = arith.constant 0 : i32
    %dma_wait3A_56 = tpu.memref_slice %arg5[%mul3A_49, %dma_wait3A_55] : memref<125000x128xf32, #tpu.memory_space<hbm>> -> memref<128x128xf32, #tpu.memory_space<hbm>>
    tpu.wait_dma2 semaphore(%arg14 : memref<!tpu.dma_semaphore, #tpu.memory_space<semaphore_mem>>) src(%arg11 : memref<128x128xf32, #tpu.memory_space<vmem>>) dst(%dma_wait3A_56 : memref<128x128xf32, #tpu.memory_space<hbm>>)
    return
  }
}

#map = affine_map<(d0, d1) -> (0)>
#map1 = affine_map<(d0, d1) -> (0, 0)>
module attributes {stable_mosaic.version = 14 : i64} {
  func.func @_gather_body(%arg0: i32, %arg1: i32, %arg2: memref<16384xi32, #tpu.memory_space<hbm>>, %arg3: memref<16384xi32, #tpu.memory_space<hbm>>, %arg4: memref<125000x128xf32, #tpu.memory_space<hbm>>, %arg5: memref<125000x128xf32, #tpu.memory_space<hbm>>, %arg6: memref<16x640xf32, #tpu.memory_space<hbm>>, %arg7: memref<16x640xf32, #tpu.memory_space<hbm>>, %arg8: memref<1000000xf32, #tpu.memory_space<hbm>>, %arg9: memref<1000000xf32, #tpu.memory_space<hbm>>, %arg10: memref<16xf32, #tpu.memory_space<hbm>>, %arg11: memref<16384xf32, #tpu.memory_space<hbm>>, %arg12: memref<16384xf32, #tpu.memory_space<hbm>>, %arg13: memref<512xi32, #tpu.memory_space<vmem>>, %arg14: memref<512xi32, #tpu.memory_space<vmem>>, %arg15: memref<512xi32, #tpu.memory_space<vmem>>, %arg16: memref<512xi32, #tpu.memory_space<vmem>>, %arg17: memref<256x128xf32, #tpu.memory_space<vmem>>, %arg18: memref<256x128xf32, #tpu.memory_space<vmem>>, %arg19: memref<16x640xf32, #tpu.memory_space<vmem>>, %arg20: memref<16x640xf32, #tpu.memory_space<vmem>>, %arg21: memref<512xf32, #tpu.memory_space<vmem>>, %arg22: memref<512xf32, #tpu.memory_space<vmem>>, %arg23: memref<512xf32, #tpu.memory_space<vmem>>, %arg24: memref<512xf32, #tpu.memory_space<vmem>>, %arg25: memref<16xf32, #tpu.memory_space<vmem>>, %arg26: memref<!tpu.dma_semaphore, #tpu.memory_space<semaphore_mem>>) attributes {dimension_semantics = [#tpu.dimension_semantics<core_parallel>, #tpu.dimension_semantics<subcore_parallel>], iteration_bounds = array<i64: 2, 16>, scalar_prefetch = 0 : i64, scratch_operands = 14 : i64, tpu.core_type = #tpu.core_type<sc_vector_subcore>, window_params = [{transform_indices = #map}, {transform_indices = #map}, {transform_indices = #map1}, {transform_indices = #map1}, {transform_indices = #map1}, {transform_indices = #map1}, {transform_indices = #map}, {transform_indices = #map}, {transform_indices = #map}, {transform_indices = #map}, {transform_indices = #map}]} {
    %mul3A = arith.constant 2 : i32
    %mul3A_0 = arith.muli %arg1, %mul3A : i32
    %add3A = arith.addi %mul3A_0, %arg0 : i32
    %mul3A_1 = arith.constant 512 : i32
    %mul3A_2 = arith.muli %add3A, %mul3A_1 : i32
    "tpu.region"() ({
      %run_scoped3A = tpu.sem_alloc : memref<!tpu.dma_semaphore, #tpu.memory_space<semaphore_mem>>
      %dma_start3A_67 = tpu.memref_slice %arg2[%mul3A_2] : memref<16384xi32, #tpu.memory_space<hbm>> -> memref<512xi32, #tpu.memory_space<hbm>>
      %dma_start3A_68 = tpu.memref_slice %arg2[%mul3A_2] : memref<16384xi32, #tpu.memory_space<hbm>> -> memref<512xi32, #tpu.memory_space<hbm>>
      tpu.enqueue_dma source(%dma_start3A_68 : memref<512xi32, #tpu.memory_space<hbm>>) target(%arg13 : memref<512xi32, #tpu.memory_space<vmem>>) target_semaphore(%run_scoped3A : memref<!tpu.dma_semaphore, #tpu.memory_space<semaphore_mem>>)
      %dma_wait3A_69 = tpu.memref_slice %arg2[%mul3A_2] : memref<16384xi32, #tpu.memory_space<hbm>> -> memref<512xi32, #tpu.memory_space<hbm>>
      %dma_wait3A_70 = tpu.memref_slice %arg2[%mul3A_2] : memref<16384xi32, #tpu.memory_space<hbm>> -> memref<512xi32, #tpu.memory_space<hbm>>
      tpu.wait_dma2 semaphore(%run_scoped3A : memref<!tpu.dma_semaphore, #tpu.memory_space<semaphore_mem>>) src(%dma_wait3A_70 : memref<512xi32, #tpu.memory_space<hbm>>) dst(%arg13 : memref<512xi32, #tpu.memory_space<vmem>>)
      tpu.yield
    }) : () -> ()
    "tpu.region"() ({
      %run_scoped3A = tpu.sem_alloc : memref<!tpu.dma_semaphore, #tpu.memory_space<semaphore_mem>>
      %dma_start3A_67 = tpu.memref_slice %arg3[%mul3A_2] : memref<16384xi32, #tpu.memory_space<hbm>> -> memref<512xi32, #tpu.memory_space<hbm>>
      %dma_start3A_68 = tpu.memref_slice %arg3[%mul3A_2] : memref<16384xi32, #tpu.memory_space<hbm>> -> memref<512xi32, #tpu.memory_space<hbm>>
      tpu.enqueue_dma source(%dma_start3A_68 : memref<512xi32, #tpu.memory_space<hbm>>) target(%arg14 : memref<512xi32, #tpu.memory_space<vmem>>) target_semaphore(%run_scoped3A : memref<!tpu.dma_semaphore, #tpu.memory_space<semaphore_mem>>)
      %dma_wait3A_69 = tpu.memref_slice %arg3[%mul3A_2] : memref<16384xi32, #tpu.memory_space<hbm>> -> memref<512xi32, #tpu.memory_space<hbm>>
      %dma_wait3A_70 = tpu.memref_slice %arg3[%mul3A_2] : memref<16384xi32, #tpu.memory_space<hbm>> -> memref<512xi32, #tpu.memory_space<hbm>>
      tpu.wait_dma2 semaphore(%run_scoped3A : memref<!tpu.dma_semaphore, #tpu.memory_space<semaphore_mem>>) src(%dma_wait3A_70 : memref<512xi32, #tpu.memory_space<hbm>>) dst(%arg14 : memref<512xi32, #tpu.memory_space<vmem>>)
      tpu.yield
    }) : () -> ()
    "tpu.region"() ({
      %run_scoped3A = tpu.sem_alloc : memref<!tpu.dma_semaphore, #tpu.memory_space<semaphore_mem>>
      tpu.enqueue_dma source(%arg10 : memref<16xf32, #tpu.memory_space<hbm>>) target(%arg25 : memref<16xf32, #tpu.memory_space<vmem>>) target_semaphore(%run_scoped3A : memref<!tpu.dma_semaphore, #tpu.memory_space<semaphore_mem>>)
      tpu.wait_dma2 semaphore(%run_scoped3A : memref<!tpu.dma_semaphore, #tpu.memory_space<semaphore_mem>>) src(%arg10 : memref<16xf32, #tpu.memory_space<hbm>>) dst(%arg25 : memref<16xf32, #tpu.memory_space<vmem>>)
      tpu.yield
    }) : () -> ()
    "tpu.region"() ({
      %run_scoped3A = tpu.sem_alloc : memref<!tpu.dma_semaphore, #tpu.memory_space<semaphore_mem>>
      tpu.enqueue_dma source(%arg6 : memref<16x640xf32, #tpu.memory_space<hbm>>) target(%arg19 : memref<16x640xf32, #tpu.memory_space<vmem>>) target_semaphore(%run_scoped3A : memref<!tpu.dma_semaphore, #tpu.memory_space<semaphore_mem>>)
      tpu.wait_dma2 semaphore(%run_scoped3A : memref<!tpu.dma_semaphore, #tpu.memory_space<semaphore_mem>>) src(%arg6 : memref<16x640xf32, #tpu.memory_space<hbm>>) dst(%arg19 : memref<16x640xf32, #tpu.memory_space<vmem>>)
      tpu.yield
    }) : () -> ()
    "tpu.region"() ({
      %run_scoped3A = tpu.sem_alloc : memref<!tpu.dma_semaphore, #tpu.memory_space<semaphore_mem>>
      tpu.enqueue_dma source(%arg7 : memref<16x640xf32, #tpu.memory_space<hbm>>) target(%arg20 : memref<16x640xf32, #tpu.memory_space<vmem>>) target_semaphore(%run_scoped3A : memref<!tpu.dma_semaphore, #tpu.memory_space<semaphore_mem>>)
      tpu.wait_dma2 semaphore(%run_scoped3A : memref<!tpu.dma_semaphore, #tpu.memory_space<semaphore_mem>>) src(%arg7 : memref<16x640xf32, #tpu.memory_space<hbm>>) dst(%arg20 : memref<16x640xf32, #tpu.memory_space<vmem>>)
      tpu.yield
    }) : () -> ()
    %scan3A = arith.constant 0 : i32
    %scan3A_3 = arith.constant 0 : i32
    %scan3A_4 = arith.constant 32 : i32
    %scan3A_5 = arith.addi %scan3A_3, %scan3A_4 : i32
    %scan3A_6 = arith.constant 1 : i32
    scf.for %scan3A_67 = %scan3A_3 to %scan3A_5 step %scan3A_6  : i32 {
      %mul3A_68 = arith.constant 16 : i32
      %mul3A_69 = arith.muli %scan3A_67, %mul3A_68 : i32
      %get3A_70 = arith.index_cast %mul3A_69 : i32 to index
      %get3A_71 = tpu.vector_load %arg13[%get3A_70] {strides = array<i32>} : memref<512xi32, #tpu.memory_space<vmem>>, vector<16xi32>,
      %shift_right_logical3A = arith.constant 3 : i32
      %shift_right_logical3A_72 = vector.broadcast %shift_right_logical3A : i32 to vector<16xi32>
      %shift_right_logical3A_73 = arith.shrui %get3A_71, %shift_right_logical3A_72 : vector<16xi32>
      %swap3A = arith.index_cast %mul3A_69 : i32 to index
      %swap3A_74 = tpu.vector_load %arg15[%swap3A] {strides = array<i32>} : memref<512xi32, #tpu.memory_space<vmem>>, vector<16xi32>,
      tpu.vector_store %arg15[%swap3A], %shift_right_logical3A_73 {strides = array<i32>} : memref<512xi32, #tpu.memory_space<vmem>>, vector<16xi32>,
      %get3A_75 = arith.index_cast %mul3A_69 : i32 to index
      %get3A_76 = tpu.vector_load %arg14[%get3A_75] {strides = array<i32>} : memref<512xi32, #tpu.memory_space<vmem>>, vector<16xi32>,
      %shift_right_logical3A_77 = arith.constant 3 : i32
      %shift_right_logical3A_78 = vector.broadcast %shift_right_logical3A_77 : i32 to vector<16xi32>
      %shift_right_logical3A_79 = arith.shrui %get3A_76, %shift_right_logical3A_78 : vector<16xi32>
      %swap3A_80 = arith.index_cast %mul3A_69 : i32 to index
      %swap3A_81 = tpu.vector_load %arg16[%swap3A_80] {strides = array<i32>} : memref<512xi32, #tpu.memory_space<vmem>>, vector<16xi32>,
      tpu.vector_store %arg16[%swap3A_80], %shift_right_logical3A_79 {strides = array<i32>} : memref<512xi32, #tpu.memory_space<vmem>>, vector<16xi32>,
    }
    %scan3A_7 = arith.constant 32 : i32
    %dma_start3A = arith.constant 0 : i32
    %dma_start3A_8 = tpu.memref_slice %arg8[%dma_start3A] : memref<1000000xf32, #tpu.memory_space<hbm>> -> memref<1000000xf32, #tpu.memory_space<hbm>>
    tpu.enqueue_indirect_dma source(%dma_start3A_8 : memref<1000000xf32, #tpu.memory_space<hbm>>) target(%arg21 : memref<512xf32, #tpu.memory_space<vmem>>) offsets(%arg13 : memref<512xi32, #tpu.memory_space<vmem>>) semaphore(%arg26 : memref<!tpu.dma_semaphore, #tpu.memory_space<semaphore_mem>>)
    %dma_start3A_9 = arith.constant 0 : i32
    %dma_start3A_10 = tpu.memref_slice %arg9[%dma_start3A_9] : memref<1000000xf32, #tpu.memory_space<hbm>> -> memref<1000000xf32, #tpu.memory_space<hbm>>
    tpu.enqueue_indirect_dma source(%dma_start3A_10 : memref<1000000xf32, #tpu.memory_space<hbm>>) target(%arg22 : memref<512xf32, #tpu.memory_space<vmem>>) offsets(%arg14 : memref<512xi32, #tpu.memory_space<vmem>>) semaphore(%arg26 : memref<!tpu.dma_semaphore, #tpu.memory_space<semaphore_mem>>)
    %get3A = arith.constant 0 : index
    %get3A_11 = tpu.vector_load %arg25[%get3A] {strides = array<i32>} : memref<16xf32, #tpu.memory_space<vmem>>, vector<16xf32>,
    %dma_start3A_12 = arith.constant 0 : i32
    %dma_start3A_13 = tpu.memref_slice %arg15[%dma_start3A_12] : memref<512xi32, #tpu.memory_space<vmem>> -> memref<256xi32, #tpu.memory_space<vmem>>
    %dma_start3A_14 = arith.constant 0 : i32
    %dma_start3A_15 = arith.constant 0 : i32
    %dma_start3A_16 = tpu.memref_slice %arg4[%dma_start3A_14, %dma_start3A_15] : memref<125000x128xf32, #tpu.memory_space<hbm>> -> memref<125000x128xf32, #tpu.memory_space<hbm>>
    tpu.enqueue_indirect_dma source(%dma_start3A_16 : memref<125000x128xf32, #tpu.memory_space<hbm>>) target(%arg17 : memref<256x128xf32, #tpu.memory_space<vmem>>) offsets(%dma_start3A_13 : memref<256xi32, #tpu.memory_space<vmem>>) semaphore(%arg26 : memref<!tpu.dma_semaphore, #tpu.memory_space<semaphore_mem>>)
    %dma_start3A_17 = arith.constant 0 : i32
    %dma_start3A_18 = tpu.memref_slice %arg16[%dma_start3A_17] : memref<512xi32, #tpu.memory_space<vmem>> -> memref<256xi32, #tpu.memory_space<vmem>>
    %dma_start3A_19 = arith.constant 0 : i32
    %dma_start3A_20 = arith.constant 0 : i32
    %dma_start3A_21 = tpu.memref_slice %arg5[%dma_start3A_19, %dma_start3A_20] : memref<125000x128xf32, #tpu.memory_space<hbm>> -> memref<125000x128xf32, #tpu.memory_space<hbm>>
    tpu.enqueue_indirect_dma source(%dma_start3A_21 : memref<125000x128xf32, #tpu.memory_space<hbm>>) target(%arg18 : memref<256x128xf32, #tpu.memory_space<vmem>>) offsets(%dma_start3A_18 : memref<256xi32, #tpu.memory_space<vmem>>) semaphore(%arg26 : memref<!tpu.dma_semaphore, #tpu.memory_space<semaphore_mem>>)
    %dma_wait3A = arith.constant 0 : i32
    %dma_wait3A_22 = tpu.memref_slice %arg15[%dma_wait3A] : memref<512xi32, #tpu.memory_space<vmem>> -> memref<256xi32, #tpu.memory_space<vmem>>
    %dma_wait3A_23 = arith.constant 0 : i32
    %dma_wait3A_24 = arith.constant 0 : i32
    %dma_wait3A_25 = tpu.memref_slice %arg4[%dma_wait3A_23, %dma_wait3A_24] : memref<125000x128xf32, #tpu.memory_space<hbm>> -> memref<125000x128xf32, #tpu.memory_space<hbm>>
    tpu.wait_indirect_dma semaphore(%arg26 : memref<!tpu.dma_semaphore, #tpu.memory_space<semaphore_mem>>) src(%dma_wait3A_25 : memref<125000x128xf32, #tpu.memory_space<hbm>>) dst(%arg17 : memref<256x128xf32, #tpu.memory_space<vmem>>)
    %dma_wait3A_26 = arith.constant 0 : i32
    %dma_wait3A_27 = tpu.memref_slice %arg16[%dma_wait3A_26] : memref<512xi32, #tpu.memory_space<vmem>> -> memref<256xi32, #tpu.memory_space<vmem>>
    %dma_wait3A_28 = arith.constant 0 : i32
    %dma_wait3A_29 = arith.constant 0 : i32
    %dma_wait3A_30 = tpu.memref_slice %arg5[%dma_wait3A_28, %dma_wait3A_29] : memref<125000x128xf32, #tpu.memory_space<hbm>> -> memref<125000x128xf32, #tpu.memory_space<hbm>>
    tpu.wait_indirect_dma semaphore(%arg26 : memref<!tpu.dma_semaphore, #tpu.memory_space<semaphore_mem>>) src(%dma_wait3A_30 : memref<125000x128xf32, #tpu.memory_space<hbm>>) dst(%arg18 : memref<256x128xf32, #tpu.memory_space<vmem>>)
    %dma_wait3A_31 = arith.constant 0 : i32
    %dma_wait3A_32 = tpu.memref_slice %arg8[%dma_wait3A_31] : memref<1000000xf32, #tpu.memory_space<hbm>> -> memref<1000000xf32, #tpu.memory_space<hbm>>
    tpu.wait_indirect_dma semaphore(%arg26 : memref<!tpu.dma_semaphore, #tpu.memory_space<semaphore_mem>>) src(%dma_wait3A_32 : memref<1000000xf32, #tpu.memory_space<hbm>>) dst(%arg21 : memref<512xf32, #tpu.memory_space<vmem>>)
    %dma_wait3A_33 = arith.constant 0 : i32
    %dma_wait3A_34 = tpu.memref_slice %arg9[%dma_wait3A_33] : memref<1000000xf32, #tpu.memory_space<hbm>> -> memref<1000000xf32, #tpu.memory_space<hbm>>
    tpu.wait_indirect_dma semaphore(%arg26 : memref<!tpu.dma_semaphore, #tpu.memory_space<semaphore_mem>>) src(%dma_wait3A_34 : memref<1000000xf32, #tpu.memory_space<hbm>>) dst(%arg22 : memref<512xf32, #tpu.memory_space<vmem>>)
    %scan3A_35 = arith.constant 0 : i32
    %scan3A_36 = arith.constant 0 : i32
    %scan3A_37 = arith.constant 16 : i32
    %scan3A_38 = arith.addi %scan3A_36, %scan3A_37 : i32
    %scan3A_39 = arith.constant 1 : i32
    scf.for %scan3A_67 = %scan3A_36 to %scan3A_38 step %scan3A_39  : i32 {
      %mul3A_68 = arith.constant 16 : i32
      %mul3A_69 = arith.muli %scan3A_67, %mul3A_68 : i32
      %add3A_70 = arith.constant 0 : i32
      %add3A_71 = arith.addi %add3A_70, %mul3A_69 : i32
      %iota3A = tpu.iota {dimensions = array<i32: 0>} : vector<16xi32>
      %mul3A_72 = arith.constant 16 : i32
      %mul3A_73 = arith.muli %scan3A_67, %mul3A_72 : i32
      %add3A_74 = vector.broadcast %mul3A_73 : i32 to vector<16xi32>
      %add3A_75 = arith.addi %iota3A, %add3A_74 : vector<16xi32>
      %get3A_76 = arith.index_cast %add3A_71 : i32 to index
      %get3A_77 = tpu.vector_load %arg13[%get3A_76] {strides = array<i32>} : memref<512xi32, #tpu.memory_space<vmem>>, vector<16xi32>,
      %get3A_78 = arith.index_cast %add3A_71 : i32 to index
      %get3A_79 = tpu.vector_load %arg14[%get3A_78] {strides = array<i32>} : memref<512xi32, #tpu.memory_space<vmem>>, vector<16xi32>,
      %and3A = arith.constant 7 : i32
      %and3A_80 = vector.broadcast %and3A : i32 to vector<16xi32>
      %and3A_81 = arith.andi %get3A_77, %and3A_80 : vector<16xi32>
      %mul3A_82 = arith.constant 16 : i32
      %mul3A_83 = vector.broadcast %mul3A_82 : i32 to vector<16xi32>
      %mul3A_84 = arith.muli %and3A_81, %mul3A_83 : vector<16xi32>
      %and3A_85 = arith.constant 7 : i32
      %and3A_86 = vector.broadcast %and3A_85 : i32 to vector<16xi32>
      %and3A_87 = arith.andi %get3A_79, %and3A_86 : vector<16xi32>
      %mul3A_88 = arith.constant 16 : i32
      %mul3A_89 = vector.broadcast %mul3A_88 : i32 to vector<16xi32>
      %mul3A_90 = arith.muli %and3A_87, %mul3A_89 : vector<16xi32>
      %sub3A = arith.constant 999360 : i32
      %sub3A_91 = vector.broadcast %sub3A : i32 to vector<16xi32>
      %sub3A_92 = arith.subi %get3A_77, %sub3A_91 : vector<16xi32>
      %max3A = arith.constant 0 : i32
      %max3A_93 = vector.broadcast %max3A : i32 to vector<16xi32>
      %max3A_94 = arith.maxsi %sub3A_92, %max3A_93 : vector<16xi32>
      %sub3A_95 = arith.constant 999360 : i32
      %sub3A_96 = vector.broadcast %sub3A_95 : i32 to vector<16xi32>
      %sub3A_97 = arith.subi %get3A_79, %sub3A_96 : vector<16xi32>
      %max3A_98 = arith.constant 0 : i32
      %max3A_99 = vector.broadcast %max3A_98 : i32 to vector<16xi32>
      %max3A_100 = arith.maxsi %sub3A_97, %max3A_99 : vector<16xi32>
      %ge3A = arith.constant 999424 : i32
      %ge3A_101 = vector.broadcast %ge3A : i32 to vector<16xi32>
      %ge3A_102 = arith.cmpi sge, %get3A_77, %ge3A_101 : vector<16xi32>
      %ge3A_103 = arith.constant 999424 : i32
      %ge3A_104 = vector.broadcast %ge3A_103 : i32 to vector<16xi32>
      %ge3A_105 = arith.cmpi sge, %get3A_79, %ge3A_104 : vector<16xi32>
      %get3A_106 = arith.index_cast %add3A_71 : i32 to index
      %get3A_107 = tpu.vector_load %arg21[%get3A_106] {strides = array<i32>} : memref<512xf32, #tpu.memory_space<vmem>>, vector<16xf32>,
      %get3A_108 = arith.index_cast %add3A_71 : i32 to index
      %get3A_109 = tpu.vector_load %arg22[%get3A_108] {strides = array<i32>} : memref<512xf32, #tpu.memory_space<vmem>>, vector<16xf32>,
      %add3A_110 = arith.addf %get3A_107, %get3A_109 : vector<16xf32>
      %add3A_111 = arith.addf %add3A_110, %get3A_11 : vector<16xf32>
      %broadcast_in_dim3A = arith.constant 0 : i32
      %broadcast_in_dim3A_112 = vector.broadcast %broadcast_in_dim3A : i32 to vector<16xi32>
      %add3A_113 = arith.constant 0 : i32
      %add3A_114 = vector.broadcast %add3A_113 : i32 to vector<16xi32>
      %add3A_115 = arith.addi %mul3A_84, %add3A_114 : vector<16xi32>
      %gather3A = tpu.vector_load_idx %arg17[%add3A_75, %add3A_115] : memref<256x128xf32, #tpu.memory_space<vmem>>[vector<16xi32>, vector<16xi32>], vector<16xf32>,
      %add3A_116 = arith.constant 0 : i32
      %add3A_117 = vector.broadcast %add3A_116 : i32 to vector<16xi32>
      %add3A_118 = arith.addi %mul3A_90, %add3A_117 : vector<16xi32>
      %gather3A_119 = tpu.vector_load_idx %arg18[%add3A_75, %add3A_118] : memref<256x128xf32, #tpu.memory_space<vmem>>[vector<16xi32>, vector<16xi32>], vector<16xf32>,
      %gather3A_120 = tpu.vector_load_idx %arg19[%broadcast_in_dim3A_112, %max3A_94] : memref<16x640xf32, #tpu.memory_space<vmem>>[vector<16xi32>, vector<16xi32>], vector<16xf32>,
      %gather3A_121 = tpu.vector_load_idx %arg20[%broadcast_in_dim3A_112, %max3A_100] : memref<16x640xf32, #tpu.memory_space<vmem>>[vector<16xi32>, vector<16xi32>], vector<16xf32>,
      %select_n3A = arith.select %ge3A_102, %gather3A_120, %gather3A : vector<16xi1>, vector<16xf32>
      %select_n3A_122 = arith.select %ge3A_105, %gather3A_121, %gather3A_119 : vector<16xi1>, vector<16xf32>
      %mul3A_123 = arith.mulf %select_n3A, %select_n3A_122 : vector<16xf32>
      %add3A_124 = arith.addf %add3A_111, %mul3A_123 : vector<16xf32>
      %broadcast_in_dim3A_125 = arith.constant 1 : i32
      %broadcast_in_dim3A_126 = vector.broadcast %broadcast_in_dim3A_125 : i32 to vector<16xi32>
      %add3A_127 = arith.constant 1 : i32
      %add3A_128 = vector.broadcast %add3A_127 : i32 to vector<16xi32>
      %add3A_129 = arith.addi %mul3A_84, %add3A_128 : vector<16xi32>
      %gather3A_130 = tpu.vector_load_idx %arg17[%add3A_75, %add3A_129] : memref<256x128xf32, #tpu.memory_space<vmem>>[vector<16xi32>, vector<16xi32>], vector<16xf32>,
      %add3A_131 = arith.constant 1 : i32
      %add3A_132 = vector.broadcast %add3A_131 : i32 to vector<16xi32>
      %add3A_133 = arith.addi %mul3A_90, %add3A_132 : vector<16xi32>
      %gather3A_134 = tpu.vector_load_idx %arg18[%add3A_75, %add3A_133] : memref<256x128xf32, #tpu.memory_space<vmem>>[vector<16xi32>, vector<16xi32>], vector<16xf32>,
      %gather3A_135 = tpu.vector_load_idx %arg19[%broadcast_in_dim3A_126, %max3A_94] : memref<16x640xf32, #tpu.memory_space<vmem>>[vector<16xi32>, vector<16xi32>], vector<16xf32>,
      %gather3A_136 = tpu.vector_load_idx %arg20[%broadcast_in_dim3A_126, %max3A_100] : memref<16x640xf32, #tpu.memory_space<vmem>>[vector<16xi32>, vector<16xi32>], vector<16xf32>,
      %select_n3A_137 = arith.select %ge3A_102, %gather3A_135, %gather3A_130 : vector<16xi1>, vector<16xf32>
      %select_n3A_138 = arith.select %ge3A_105, %gather3A_136, %gather3A_134 : vector<16xi1>, vector<16xf32>
      %mul3A_139 = arith.mulf %select_n3A_137, %select_n3A_138 : vector<16xf32>
      %add3A_140 = arith.addf %add3A_124, %mul3A_139 : vector<16xf32>
      %broadcast_in_dim3A_141 = arith.constant 2 : i32
      %broadcast_in_dim3A_142 = vector.broadcast %broadcast_in_dim3A_141 : i32 to vector<16xi32>
      %add3A_143 = arith.constant 2 : i32
      %add3A_144 = vector.broadcast %add3A_143 : i32 to vector<16xi32>
      %add3A_145 = arith.addi %mul3A_84, %add3A_144 : vector<16xi32>
      %gather3A_146 = tpu.vector_load_idx %arg17[%add3A_75, %add3A_145] : memref<256x128xf32, #tpu.memory_space<vmem>>[vector<16xi32>, vector<16xi32>], vector<16xf32>,
      %add3A_147 = arith.constant 2 : i32
      %add3A_148 = vector.broadcast %add3A_147 : i32 to vector<16xi32>
      %add3A_149 = arith.addi %mul3A_90, %add3A_148 : vector<16xi32>
      %gather3A_150 = tpu.vector_load_idx %arg18[%add3A_75, %add3A_149] : memref<256x128xf32, #tpu.memory_space<vmem>>[vector<16xi32>, vector<16xi32>], vector<16xf32>,
      %gather3A_151 = tpu.vector_load_idx %arg19[%broadcast_in_dim3A_142, %max3A_94] : memref<16x640xf32, #tpu.memory_space<vmem>>[vector<16xi32>, vector<16xi32>], vector<16xf32>,
      %gather3A_152 = tpu.vector_load_idx %arg20[%broadcast_in_dim3A_142, %max3A_100] : memref<16x640xf32, #tpu.memory_space<vmem>>[vector<16xi32>, vector<16xi32>], vector<16xf32>,
      %select_n3A_153 = arith.select %ge3A_102, %gather3A_151, %gather3A_146 : vector<16xi1>, vector<16xf32>
      %select_n3A_154 = arith.select %ge3A_105, %gather3A_152, %gather3A_150 : vector<16xi1>, vector<16xf32>
      %mul3A_155 = arith.mulf %select_n3A_153, %select_n3A_154 : vector<16xf32>
      %add3A_156 = arith.addf %add3A_140, %mul3A_155 : vector<16xf32>
      %broadcast_in_dim3A_157 = arith.constant 3 : i32
      %broadcast_in_dim3A_158 = vector.broadcast %broadcast_in_dim3A_157 : i32 to vector<16xi32>
      %add3A_159 = arith.constant 3 : i32
      %add3A_160 = vector.broadcast %add3A_159 : i32 to vector<16xi32>
      %add3A_161 = arith.addi %mul3A_84, %add3A_160 : vector<16xi32>
      %gather3A_162 = tpu.vector_load_idx %arg17[%add3A_75, %add3A_161] : memref<256x128xf32, #tpu.memory_space<vmem>>[vector<16xi32>, vector<16xi32>], vector<16xf32>,
      %add3A_163 = arith.constant 3 : i32
      %add3A_164 = vector.broadcast %add3A_163 : i32 to vector<16xi32>
      %add3A_165 = arith.addi %mul3A_90, %add3A_164 : vector<16xi32>
      %gather3A_166 = tpu.vector_load_idx %arg18[%add3A_75, %add3A_165] : memref<256x128xf32, #tpu.memory_space<vmem>>[vector<16xi32>, vector<16xi32>], vector<16xf32>,
      %gather3A_167 = tpu.vector_load_idx %arg19[%broadcast_in_dim3A_158, %max3A_94] : memref<16x640xf32, #tpu.memory_space<vmem>>[vector<16xi32>, vector<16xi32>], vector<16xf32>,
      %gather3A_168 = tpu.vector_load_idx %arg20[%broadcast_in_dim3A_158, %max3A_100] : memref<16x640xf32, #tpu.memory_space<vmem>>[vector<16xi32>, vector<16xi32>], vector<16xf32>,
      %select_n3A_169 = arith.select %ge3A_102, %gather3A_167, %gather3A_162 : vector<16xi1>, vector<16xf32>
      %select_n3A_170 = arith.select %ge3A_105, %gather3A_168, %gather3A_166 : vector<16xi1>, vector<16xf32>
      %mul3A_171 = arith.mulf %select_n3A_169, %select_n3A_170 : vector<16xf32>
      %add3A_172 = arith.addf %add3A_156, %mul3A_171 : vector<16xf32>
      %broadcast_in_dim3A_173 = arith.constant 4 : i32
      %broadcast_in_dim3A_174 = vector.broadcast %broadcast_in_dim3A_173 : i32 to vector<16xi32>
      %add3A_175 = arith.constant 4 : i32
      %add3A_176 = vector.broadcast %add3A_175 : i32 to vector<16xi32>
      %add3A_177 = arith.addi %mul3A_84, %add3A_176 : vector<16xi32>
      %gather3A_178 = tpu.vector_load_idx %arg17[%add3A_75, %add3A_177] : memref<256x128xf32, #tpu.memory_space<vmem>>[vector<16xi32>, vector<16xi32>], vector<16xf32>,
      %add3A_179 = arith.constant 4 : i32
      %add3A_180 = vector.broadcast %add3A_179 : i32 to vector<16xi32>
      %add3A_181 = arith.addi %mul3A_90, %add3A_180 : vector<16xi32>
      %gather3A_182 = tpu.vector_load_idx %arg18[%add3A_75, %add3A_181] : memref<256x128xf32, #tpu.memory_space<vmem>>[vector<16xi32>, vector<16xi32>], vector<16xf32>,
      %gather3A_183 = tpu.vector_load_idx %arg19[%broadcast_in_dim3A_174, %max3A_94] : memref<16x640xf32, #tpu.memory_space<vmem>>[vector<16xi32>, vector<16xi32>], vector<16xf32>,
      %gather3A_184 = tpu.vector_load_idx %arg20[%broadcast_in_dim3A_174, %max3A_100] : memref<16x640xf32, #tpu.memory_space<vmem>>[vector<16xi32>, vector<16xi32>], vector<16xf32>,
      %select_n3A_185 = arith.select %ge3A_102, %gather3A_183, %gather3A_178 : vector<16xi1>, vector<16xf32>
      %select_n3A_186 = arith.select %ge3A_105, %gather3A_184, %gather3A_182 : vector<16xi1>, vector<16xf32>
      %mul3A_187 = arith.mulf %select_n3A_185, %select_n3A_186 : vector<16xf32>
      %add3A_188 = arith.addf %add3A_172, %mul3A_187 : vector<16xf32>
      %broadcast_in_dim3A_189 = arith.constant 5 : i32
      %broadcast_in_dim3A_190 = vector.broadcast %broadcast_in_dim3A_189 : i32 to vector<16xi32>
      %add3A_191 = arith.constant 5 : i32
      %add3A_192 = vector.broadcast %add3A_191 : i32 to vector<16xi32>
      %add3A_193 = arith.addi %mul3A_84, %add3A_192 : vector<16xi32>
      %gather3A_194 = tpu.vector_load_idx %arg17[%add3A_75, %add3A_193] : memref<256x128xf32, #tpu.memory_space<vmem>>[vector<16xi32>, vector<16xi32>], vector<16xf32>,
      %add3A_195 = arith.constant 5 : i32
      %add3A_196 = vector.broadcast %add3A_195 : i32 to vector<16xi32>
      %add3A_197 = arith.addi %mul3A_90, %add3A_196 : vector<16xi32>
      %gather3A_198 = tpu.vector_load_idx %arg18[%add3A_75, %add3A_197] : memref<256x128xf32, #tpu.memory_space<vmem>>[vector<16xi32>, vector<16xi32>], vector<16xf32>,
      %gather3A_199 = tpu.vector_load_idx %arg19[%broadcast_in_dim3A_190, %max3A_94] : memref<16x640xf32, #tpu.memory_space<vmem>>[vector<16xi32>, vector<16xi32>], vector<16xf32>,
      %gather3A_200 = tpu.vector_load_idx %arg20[%broadcast_in_dim3A_190, %max3A_100] : memref<16x640xf32, #tpu.memory_space<vmem>>[vector<16xi32>, vector<16xi32>], vector<16xf32>,
      %select_n3A_201 = arith.select %ge3A_102, %gather3A_199, %gather3A_194 : vector<16xi1>, vector<16xf32>
      %select_n3A_202 = arith.select %ge3A_105, %gather3A_200, %gather3A_198 : vector<16xi1>, vector<16xf32>
      %mul3A_203 = arith.mulf %select_n3A_201, %select_n3A_202 : vector<16xf32>
      %add3A_204 = arith.addf %add3A_188, %mul3A_203 : vector<16xf32>
      %broadcast_in_dim3A_205 = arith.constant 6 : i32
      %broadcast_in_dim3A_206 = vector.broadcast %broadcast_in_dim3A_205 : i32 to vector<16xi32>
      %add3A_207 = arith.constant 6 : i32
      %add3A_208 = vector.broadcast %add3A_207 : i32 to vector<16xi32>
      %add3A_209 = arith.addi %mul3A_84, %add3A_208 : vector<16xi32>
      %gather3A_210 = tpu.vector_load_idx %arg17[%add3A_75, %add3A_209] : memref<256x128xf32, #tpu.memory_space<vmem>>[vector<16xi32>, vector<16xi32>], vector<16xf32>,
      %add3A_211 = arith.constant 6 : i32
      %add3A_212 = vector.broadcast %add3A_211 : i32 to vector<16xi32>
      %add3A_213 = arith.addi %mul3A_90, %add3A_212 : vector<16xi32>
      %gather3A_214 = tpu.vector_load_idx %arg18[%add3A_75, %add3A_213] : memref<256x128xf32, #tpu.memory_space<vmem>>[vector<16xi32>, vector<16xi32>], vector<16xf32>,
      %gather3A_215 = tpu.vector_load_idx %arg19[%broadcast_in_dim3A_206, %max3A_94] : memref<16x640xf32, #tpu.memory_space<vmem>>[vector<16xi32>, vector<16xi32>], vector<16xf32>,
      %gather3A_216 = tpu.vector_load_idx %arg20[%broadcast_in_dim3A_206, %max3A_100] : memref<16x640xf32, #tpu.memory_space<vmem>>[vector<16xi32>, vector<16xi32>], vector<16xf32>,
      %select_n3A_217 = arith.select %ge3A_102, %gather3A_215, %gather3A_210 : vector<16xi1>, vector<16xf32>
      %select_n3A_218 = arith.select %ge3A_105, %gather3A_216, %gather3A_214 : vector<16xi1>, vector<16xf32>
      %mul3A_219 = arith.mulf %select_n3A_217, %select_n3A_218 : vector<16xf32>
      %add3A_220 = arith.addf %add3A_204, %mul3A_219 : vector<16xf32>
      %broadcast_in_dim3A_221 = arith.constant 7 : i32
      %broadcast_in_dim3A_222 = vector.broadcast %broadcast_in_dim3A_221 : i32 to vector<16xi32>
      %add3A_223 = arith.constant 7 : i32
      %add3A_224 = vector.broadcast %add3A_223 : i32 to vector<16xi32>
      %add3A_225 = arith.addi %mul3A_84, %add3A_224 : vector<16xi32>
      %gather3A_226 = tpu.vector_load_idx %arg17[%add3A_75, %add3A_225] : memref<256x128xf32, #tpu.memory_space<vmem>>[vector<16xi32>, vector<16xi32>], vector<16xf32>,
      %add3A_227 = arith.constant 7 : i32
      %add3A_228 = vector.broadcast %add3A_227 : i32 to vector<16xi32>
      %add3A_229 = arith.addi %mul3A_90, %add3A_228 : vector<16xi32>
      %gather3A_230 = tpu.vector_load_idx %arg18[%add3A_75, %add3A_229] : memref<256x128xf32, #tpu.memory_space<vmem>>[vector<16xi32>, vector<16xi32>], vector<16xf32>,
      %gather3A_231 = tpu.vector_load_idx %arg19[%broadcast_in_dim3A_222, %max3A_94] : memref<16x640xf32, #tpu.memory_space<vmem>>[vector<16xi32>, vector<16xi32>], vector<16xf32>,
      %gather3A_232 = tpu.vector_load_idx %arg20[%broadcast_in_dim3A_222, %max3A_100] : memref<16x640xf32, #tpu.memory_space<vmem>>[vector<16xi32>, vector<16xi32>], vector<16xf32>,
      %select_n3A_233 = arith.select %ge3A_102, %gather3A_231, %gather3A_226 : vector<16xi1>, vector<16xf32>
      %select_n3A_234 = arith.select %ge3A_105, %gather3A_232, %gather3A_230 : vector<16xi1>, vector<16xf32>
      %mul3A_235 = arith.mulf %select_n3A_233, %select_n3A_234 : vector<16xf32>
      %add3A_236 = arith.addf %add3A_220, %mul3A_235 : vector<16xf32>
      %broadcast_in_dim3A_237 = arith.constant 8 : i32
      %broadcast_in_dim3A_238 = vector.broadcast %broadcast_in_dim3A_237 : i32 to vector<16xi32>
      %add3A_239 = arith.constant 8 : i32
      %add3A_240 = vector.broadcast %add3A_239 : i32 to vector<16xi32>
      %add3A_241 = arith.addi %mul3A_84, %add3A_240 : vector<16xi32>
      %gather3A_242 = tpu.vector_load_idx %arg17[%add3A_75, %add3A_241] : memref<256x128xf32, #tpu.memory_space<vmem>>[vector<16xi32>, vector<16xi32>], vector<16xf32>,
      %add3A_243 = arith.constant 8 : i32
      %add3A_244 = vector.broadcast %add3A_243 : i32 to vector<16xi32>
      %add3A_245 = arith.addi %mul3A_90, %add3A_244 : vector<16xi32>
      %gather3A_246 = tpu.vector_load_idx %arg18[%add3A_75, %add3A_245] : memref<256x128xf32, #tpu.memory_space<vmem>>[vector<16xi32>, vector<16xi32>], vector<16xf32>,
      %gather3A_247 = tpu.vector_load_idx %arg19[%broadcast_in_dim3A_238, %max3A_94] : memref<16x640xf32, #tpu.memory_space<vmem>>[vector<16xi32>, vector<16xi32>], vector<16xf32>,
      %gather3A_248 = tpu.vector_load_idx %arg20[%broadcast_in_dim3A_238, %max3A_100] : memref<16x640xf32, #tpu.memory_space<vmem>>[vector<16xi32>, vector<16xi32>], vector<16xf32>,
      %select_n3A_249 = arith.select %ge3A_102, %gather3A_247, %gather3A_242 : vector<16xi1>, vector<16xf32>
      %select_n3A_250 = arith.select %ge3A_105, %gather3A_248, %gather3A_246 : vector<16xi1>, vector<16xf32>
      %mul3A_251 = arith.mulf %select_n3A_249, %select_n3A_250 : vector<16xf32>
      %add3A_252 = arith.addf %add3A_236, %mul3A_251 : vector<16xf32>
      %broadcast_in_dim3A_253 = arith.constant 9 : i32
      %broadcast_in_dim3A_254 = vector.broadcast %broadcast_in_dim3A_253 : i32 to vector<16xi32>
      %add3A_255 = arith.constant 9 : i32
      %add3A_256 = vector.broadcast %add3A_255 : i32 to vector<16xi32>
      %add3A_257 = arith.addi %mul3A_84, %add3A_256 : vector<16xi32>
      %gather3A_258 = tpu.vector_load_idx %arg17[%add3A_75, %add3A_257] : memref<256x128xf32, #tpu.memory_space<vmem>>[vector<16xi32>, vector<16xi32>], vector<16xf32>,
      %add3A_259 = arith.constant 9 : i32
      %add3A_260 = vector.broadcast %add3A_259 : i32 to vector<16xi32>
      %add3A_261 = arith.addi %mul3A_90, %add3A_260 : vector<16xi32>
      %gather3A_262 = tpu.vector_load_idx %arg18[%add3A_75, %add3A_261] : memref<256x128xf32, #tpu.memory_space<vmem>>[vector<16xi32>, vector<16xi32>], vector<16xf32>,
      %gather3A_263 = tpu.vector_load_idx %arg19[%broadcast_in_dim3A_254, %max3A_94] : memref<16x640xf32, #tpu.memory_space<vmem>>[vector<16xi32>, vector<16xi32>], vector<16xf32>,
      %gather3A_264 = tpu.vector_load_idx %arg20[%broadcast_in_dim3A_254, %max3A_100] : memref<16x640xf32, #tpu.memory_space<vmem>>[vector<16xi32>, vector<16xi32>], vector<16xf32>,
      %select_n3A_265 = arith.select %ge3A_102, %gather3A_263, %gather3A_258 : vector<16xi1>, vector<16xf32>
      %select_n3A_266 = arith.select %ge3A_105, %gather3A_264, %gather3A_262 : vector<16xi1>, vector<16xf32>
      %mul3A_267 = arith.mulf %select_n3A_265, %select_n3A_266 : vector<16xf32>
      %add3A_268 = arith.addf %add3A_252, %mul3A_267 : vector<16xf32>
      %broadcast_in_dim3A_269 = arith.constant 10 : i32
      %broadcast_in_dim3A_270 = vector.broadcast %broadcast_in_dim3A_269 : i32 to vector<16xi32>
      %add3A_271 = arith.constant 10 : i32
      %add3A_272 = vector.broadcast %add3A_271 : i32 to vector<16xi32>
      %add3A_273 = arith.addi %mul3A_84, %add3A_272 : vector<16xi32>
      %gather3A_274 = tpu.vector_load_idx %arg17[%add3A_75, %add3A_273] : memref<256x128xf32, #tpu.memory_space<vmem>>[vector<16xi32>, vector<16xi32>], vector<16xf32>,
      %add3A_275 = arith.constant 10 : i32
      %add3A_276 = vector.broadcast %add3A_275 : i32 to vector<16xi32>
      %add3A_277 = arith.addi %mul3A_90, %add3A_276 : vector<16xi32>
      %gather3A_278 = tpu.vector_load_idx %arg18[%add3A_75, %add3A_277] : memref<256x128xf32, #tpu.memory_space<vmem>>[vector<16xi32>, vector<16xi32>], vector<16xf32>,
      %gather3A_279 = tpu.vector_load_idx %arg19[%broadcast_in_dim3A_270, %max3A_94] : memref<16x640xf32, #tpu.memory_space<vmem>>[vector<16xi32>, vector<16xi32>], vector<16xf32>,
      %gather3A_280 = tpu.vector_load_idx %arg20[%broadcast_in_dim3A_270, %max3A_100] : memref<16x640xf32, #tpu.memory_space<vmem>>[vector<16xi32>, vector<16xi32>], vector<16xf32>,
      %select_n3A_281 = arith.select %ge3A_102, %gather3A_279, %gather3A_274 : vector<16xi1>, vector<16xf32>
      %select_n3A_282 = arith.select %ge3A_105, %gather3A_280, %gather3A_278 : vector<16xi1>, vector<16xf32>
      %mul3A_283 = arith.mulf %select_n3A_281, %select_n3A_282 : vector<16xf32>
      %add3A_284 = arith.addf %add3A_268, %mul3A_283 : vector<16xf32>
      %broadcast_in_dim3A_285 = arith.constant 11 : i32
      %broadcast_in_dim3A_286 = vector.broadcast %broadcast_in_dim3A_285 : i32 to vector<16xi32>
      %add3A_287 = arith.constant 11 : i32
      %add3A_288 = vector.broadcast %add3A_287 : i32 to vector<16xi32>
      %add3A_289 = arith.addi %mul3A_84, %add3A_288 : vector<16xi32>
      %gather3A_290 = tpu.vector_load_idx %arg17[%add3A_75, %add3A_289] : memref<256x128xf32, #tpu.memory_space<vmem>>[vector<16xi32>, vector<16xi32>], vector<16xf32>,
      %add3A_291 = arith.constant 11 : i32
      %add3A_292 = vector.broadcast %add3A_291 : i32 to vector<16xi32>
      %add3A_293 = arith.addi %mul3A_90, %add3A_292 : vector<16xi32>
      %gather3A_294 = tpu.vector_load_idx %arg18[%add3A_75, %add3A_293] : memref<256x128xf32, #tpu.memory_space<vmem>>[vector<16xi32>, vector<16xi32>], vector<16xf32>,
      %gather3A_295 = tpu.vector_load_idx %arg19[%broadcast_in_dim3A_286, %max3A_94] : memref<16x640xf32, #tpu.memory_space<vmem>>[vector<16xi32>, vector<16xi32>], vector<16xf32>,
      %gather3A_296 = tpu.vector_load_idx %arg20[%broadcast_in_dim3A_286, %max3A_100] : memref<16x640xf32, #tpu.memory_space<vmem>>[vector<16xi32>, vector<16xi32>], vector<16xf32>,
      %select_n3A_297 = arith.select %ge3A_102, %gather3A_295, %gather3A_290 : vector<16xi1>, vector<16xf32>
      %select_n3A_298 = arith.select %ge3A_105, %gather3A_296, %gather3A_294 : vector<16xi1>, vector<16xf32>
      %mul3A_299 = arith.mulf %select_n3A_297, %select_n3A_298 : vector<16xf32>
      %add3A_300 = arith.addf %add3A_284, %mul3A_299 : vector<16xf32>
      %broadcast_in_dim3A_301 = arith.constant 12 : i32
      %broadcast_in_dim3A_302 = vector.broadcast %broadcast_in_dim3A_301 : i32 to vector<16xi32>
      %add3A_303 = arith.constant 12 : i32
      %add3A_304 = vector.broadcast %add3A_303 : i32 to vector<16xi32>
      %add3A_305 = arith.addi %mul3A_84, %add3A_304 : vector<16xi32>
      %gather3A_306 = tpu.vector_load_idx %arg17[%add3A_75, %add3A_305] : memref<256x128xf32, #tpu.memory_space<vmem>>[vector<16xi32>, vector<16xi32>], vector<16xf32>,
      %add3A_307 = arith.constant 12 : i32
      %add3A_308 = vector.broadcast %add3A_307 : i32 to vector<16xi32>
      %add3A_309 = arith.addi %mul3A_90, %add3A_308 : vector<16xi32>
      %gather3A_310 = tpu.vector_load_idx %arg18[%add3A_75, %add3A_309] : memref<256x128xf32, #tpu.memory_space<vmem>>[vector<16xi32>, vector<16xi32>], vector<16xf32>,
      %gather3A_311 = tpu.vector_load_idx %arg19[%broadcast_in_dim3A_302, %max3A_94] : memref<16x640xf32, #tpu.memory_space<vmem>>[vector<16xi32>, vector<16xi32>], vector<16xf32>,
      %gather3A_312 = tpu.vector_load_idx %arg20[%broadcast_in_dim3A_302, %max3A_100] : memref<16x640xf32, #tpu.memory_space<vmem>>[vector<16xi32>, vector<16xi32>], vector<16xf32>,
      %select_n3A_313 = arith.select %ge3A_102, %gather3A_311, %gather3A_306 : vector<16xi1>, vector<16xf32>
      %select_n3A_314 = arith.select %ge3A_105, %gather3A_312, %gather3A_310 : vector<16xi1>, vector<16xf32>
      %mul3A_315 = arith.mulf %select_n3A_313, %select_n3A_314 : vector<16xf32>
      %add3A_316 = arith.addf %add3A_300, %mul3A_315 : vector<16xf32>
      %broadcast_in_dim3A_317 = arith.constant 13 : i32
      %broadcast_in_dim3A_318 = vector.broadcast %broadcast_in_dim3A_317 : i32 to vector<16xi32>
      %add3A_319 = arith.constant 13 : i32
      %add3A_320 = vector.broadcast %add3A_319 : i32 to vector<16xi32>
      %add3A_321 = arith.addi %mul3A_84, %add3A_320 : vector<16xi32>
      %gather3A_322 = tpu.vector_load_idx %arg17[%add3A_75, %add3A_321] : memref<256x128xf32, #tpu.memory_space<vmem>>[vector<16xi32>, vector<16xi32>], vector<16xf32>,
      %add3A_323 = arith.constant 13 : i32
      %add3A_324 = vector.broadcast %add3A_323 : i32 to vector<16xi32>
      %add3A_325 = arith.addi %mul3A_90, %add3A_324 : vector<16xi32>
      %gather3A_326 = tpu.vector_load_idx %arg18[%add3A_75, %add3A_325] : memref<256x128xf32, #tpu.memory_space<vmem>>[vector<16xi32>, vector<16xi32>], vector<16xf32>,
      %gather3A_327 = tpu.vector_load_idx %arg19[%broadcast_in_dim3A_318, %max3A_94] : memref<16x640xf32, #tpu.memory_space<vmem>>[vector<16xi32>, vector<16xi32>], vector<16xf32>,
      %gather3A_328 = tpu.vector_load_idx %arg20[%broadcast_in_dim3A_318, %max3A_100] : memref<16x640xf32, #tpu.memory_space<vmem>>[vector<16xi32>, vector<16xi32>], vector<16xf32>,
      %select_n3A_329 = arith.select %ge3A_102, %gather3A_327, %gather3A_322 : vector<16xi1>, vector<16xf32>
      %select_n3A_330 = arith.select %ge3A_105, %gather3A_328, %gather3A_326 : vector<16xi1>, vector<16xf32>
      %mul3A_331 = arith.mulf %select_n3A_329, %select_n3A_330 : vector<16xf32>
      %add3A_332 = arith.addf %add3A_316, %mul3A_331 : vector<16xf32>
      %broadcast_in_dim3A_333 = arith.constant 14 : i32
      %broadcast_in_dim3A_334 = vector.broadcast %broadcast_in_dim3A_333 : i32 to vector<16xi32>
      %add3A_335 = arith.constant 14 : i32
      %add3A_336 = vector.broadcast %add3A_335 : i32 to vector<16xi32>
      %add3A_337 = arith.addi %mul3A_84, %add3A_336 : vector<16xi32>
      %gather3A_338 = tpu.vector_load_idx %arg17[%add3A_75, %add3A_337] : memref<256x128xf32, #tpu.memory_space<vmem>>[vector<16xi32>, vector<16xi32>], vector<16xf32>,
      %add3A_339 = arith.constant 14 : i32
      %add3A_340 = vector.broadcast %add3A_339 : i32 to vector<16xi32>
      %add3A_341 = arith.addi %mul3A_90, %add3A_340 : vector<16xi32>
      %gather3A_342 = tpu.vector_load_idx %arg18[%add3A_75, %add3A_341] : memref<256x128xf32, #tpu.memory_space<vmem>>[vector<16xi32>, vector<16xi32>], vector<16xf32>,
      %gather3A_343 = tpu.vector_load_idx %arg19[%broadcast_in_dim3A_334, %max3A_94] : memref<16x640xf32, #tpu.memory_space<vmem>>[vector<16xi32>, vector<16xi32>], vector<16xf32>,
      %gather3A_344 = tpu.vector_load_idx %arg20[%broadcast_in_dim3A_334, %max3A_100] : memref<16x640xf32, #tpu.memory_space<vmem>>[vector<16xi32>, vector<16xi32>], vector<16xf32>,
      %select_n3A_345 = arith.select %ge3A_102, %gather3A_343, %gather3A_338 : vector<16xi1>, vector<16xf32>
      %select_n3A_346 = arith.select %ge3A_105, %gather3A_344, %gather3A_342 : vector<16xi1>, vector<16xf32>
      %mul3A_347 = arith.mulf %select_n3A_345, %select_n3A_346 : vector<16xf32>
      %add3A_348 = arith.addf %add3A_332, %mul3A_347 : vector<16xf32>
      %broadcast_in_dim3A_349 = arith.constant 15 : i32
      %broadcast_in_dim3A_350 = vector.broadcast %broadcast_in_dim3A_349 : i32 to vector<16xi32>
      %add3A_351 = arith.constant 15 : i32
      %add3A_352 = vector.broadcast %add3A_351 : i32 to vector<16xi32>
      %add3A_353 = arith.addi %mul3A_84, %add3A_352 : vector<16xi32>
      %gather3A_354 = tpu.vector_load_idx %arg17[%add3A_75, %add3A_353] : memref<256x128xf32, #tpu.memory_space<vmem>>[vector<16xi32>, vector<16xi32>], vector<16xf32>,
      %add3A_355 = arith.constant 15 : i32
      %add3A_356 = vector.broadcast %add3A_355 : i32 to vector<16xi32>
      %add3A_357 = arith.addi %mul3A_90, %add3A_356 : vector<16xi32>
      %gather3A_358 = tpu.vector_load_idx %arg18[%add3A_75, %add3A_357] : memref<256x128xf32, #tpu.memory_space<vmem>>[vector<16xi32>, vector<16xi32>], vector<16xf32>,
      %gather3A_359 = tpu.vector_load_idx %arg19[%broadcast_in_dim3A_350, %max3A_94] : memref<16x640xf32, #tpu.memory_space<vmem>>[vector<16xi32>, vector<16xi32>], vector<16xf32>,
      %gather3A_360 = tpu.vector_load_idx %arg20[%broadcast_in_dim3A_350, %max3A_100] : memref<16x640xf32, #tpu.memory_space<vmem>>[vector<16xi32>, vector<16xi32>], vector<16xf32>,
      %select_n3A_361 = arith.select %ge3A_102, %gather3A_359, %gather3A_354 : vector<16xi1>, vector<16xf32>
      %select_n3A_362 = arith.select %ge3A_105, %gather3A_360, %gather3A_358 : vector<16xi1>, vector<16xf32>
      %mul3A_363 = arith.mulf %select_n3A_361, %select_n3A_362 : vector<16xf32>
      %add3A_364 = arith.addf %add3A_348, %mul3A_363 : vector<16xf32>
      %swap3A = arith.index_cast %add3A_71 : i32 to index
      %swap3A_365 = tpu.vector_load %arg23[%swap3A] {strides = array<i32>} : memref<512xf32, #tpu.memory_space<vmem>>, vector<16xf32>,
      tpu.vector_store %arg23[%swap3A], %add3A_364 {strides = array<i32>} : memref<512xf32, #tpu.memory_space<vmem>>, vector<16xf32>,
      %neg3A = arith.constant 0.000000e+00 : f32
      %neg3A_366 = vector.broadcast %neg3A : f32 to vector<16xf32>
      %neg3A_367 = arith.subf %neg3A_366, %add3A_364 : vector<16xf32>
      %exp3A = math.exp %neg3A_367 : vector<16xf32>
      %add3A_368 = arith.constant 1.000000e+00 : f32
      %add3A_369 = vector.broadcast %add3A_368 : f32 to vector<16xf32>
      %add3A_370 = arith.addf %add3A_369, %exp3A : vector<16xf32>
      %div3A = arith.constant 1.000000e+00 : f32
      %div3A_371 = vector.broadcast %div3A : f32 to vector<16xf32>
      %div3A_372 = arith.divf %div3A_371, %add3A_370 : vector<16xf32>
      %swap3A_373 = arith.index_cast %add3A_71 : i32 to index
      %swap3A_374 = tpu.vector_load %arg24[%swap3A_373] {strides = array<i32>} : memref<512xf32, #tpu.memory_space<vmem>>, vector<16xf32>,
      tpu.vector_store %arg24[%swap3A_373], %div3A_372 {strides = array<i32>} : memref<512xf32, #tpu.memory_space<vmem>>, vector<16xf32>,
    }
    %scan3A_40 = arith.constant 16 : i32
    %dma_start3A_41 = arith.constant 256 : i32
    %dma_start3A_42 = tpu.memref_slice %arg15[%dma_start3A_41] : memref<512xi32, #tpu.memory_space<vmem>> -> memref<256xi32, #tpu.memory_space<vmem>>
    %dma_start3A_43 = arith.constant 0 : i32
    %dma_start3A_44 = arith.constant 0 : i32
    %dma_start3A_45 = tpu.memref_slice %arg4[%dma_start3A_43, %dma_start3A_44] : memref<125000x128xf32, #tpu.memory_space<hbm>> -> memref<125000x128xf32, #tpu.memory_space<hbm>>
    tpu.enqueue_indirect_dma source(%dma_start3A_45 : memref<125000x128xf32, #tpu.memory_space<hbm>>) target(%arg17 : memref<256x128xf32, #tpu.memory_space<vmem>>) offsets(%dma_start3A_42 : memref<256xi32, #tpu.memory_space<vmem>>) semaphore(%arg26 : memref<!tpu.dma_semaphore, #tpu.memory_space<semaphore_mem>>)
    %dma_start3A_46 = arith.constant 256 : i32
    %dma_start3A_47 = tpu.memref_slice %arg16[%dma_start3A_46] : memref<512xi32, #tpu.memory_space<vmem>> -> memref<256xi32, #tpu.memory_space<vmem>>
    %dma_start3A_48 = arith.constant 0 : i32
    %dma_start3A_49 = arith.constant 0 : i32
    %dma_start3A_50 = tpu.memref_slice %arg5[%dma_start3A_48, %dma_start3A_49] : memref<125000x128xf32, #tpu.memory_space<hbm>> -> memref<125000x128xf32, #tpu.memory_space<hbm>>
    tpu.enqueue_indirect_dma source(%dma_start3A_50 : memref<125000x128xf32, #tpu.memory_space<hbm>>) target(%arg18 : memref<256x128xf32, #tpu.memory_space<vmem>>) offsets(%dma_start3A_47 : memref<256xi32, #tpu.memory_space<vmem>>) semaphore(%arg26 : memref<!tpu.dma_semaphore, #tpu.memory_space<semaphore_mem>>)
    %dma_wait3A_51 = arith.constant 256 : i32
    %dma_wait3A_52 = tpu.memref_slice %arg15[%dma_wait3A_51] : memref<512xi32, #tpu.memory_space<vmem>> -> memref<256xi32, #tpu.memory_space<vmem>>
    %dma_wait3A_53 = arith.constant 0 : i32
    %dma_wait3A_54 = arith.constant 0 : i32
    %dma_wait3A_55 = tpu.memref_slice %arg4[%dma_wait3A_53, %dma_wait3A_54] : memref<125000x128xf32, #tpu.memory_space<hbm>> -> memref<125000x128xf32, #tpu.memory_space<hbm>>
    tpu.wait_indirect_dma semaphore(%arg26 : memref<!tpu.dma_semaphore, #tpu.memory_space<semaphore_mem>>) src(%dma_wait3A_55 : memref<125000x128xf32, #tpu.memory_space<hbm>>) dst(%arg17 : memref<256x128xf32, #tpu.memory_space<vmem>>)
    %dma_wait3A_56 = arith.constant 256 : i32
    %dma_wait3A_57 = tpu.memref_slice %arg16[%dma_wait3A_56] : memref<512xi32, #tpu.memory_space<vmem>> -> memref<256xi32, #tpu.memory_space<vmem>>
    %dma_wait3A_58 = arith.constant 0 : i32
    %dma_wait3A_59 = arith.constant 0 : i32
    %dma_wait3A_60 = tpu.memref_slice %arg5[%dma_wait3A_58, %dma_wait3A_59] : memref<125000x128xf32, #tpu.memory_space<hbm>> -> memref<125000x128xf32, #tpu.memory_space<hbm>>
    tpu.wait_indirect_dma semaphore(%arg26 : memref<!tpu.dma_semaphore, #tpu.memory_space<semaphore_mem>>) src(%dma_wait3A_60 : memref<125000x128xf32, #tpu.memory_space<hbm>>) dst(%arg18 : memref<256x128xf32, #tpu.memory_space<vmem>>)
    %scan3A_61 = arith.constant 0 : i32
    %scan3A_62 = arith.constant 0 : i32
    %scan3A_63 = arith.constant 16 : i32
    %scan3A_64 = arith.addi %scan3A_62, %scan3A_63 : i32
    %scan3A_65 = arith.constant 1 : i32
    scf.for %scan3A_67 = %scan3A_62 to %scan3A_64 step %scan3A_65  : i32 {
      %mul3A_68 = arith.constant 16 : i32
      %mul3A_69 = arith.muli %scan3A_67, %mul3A_68 : i32
      %add3A_70 = arith.constant 256 : i32
      %add3A_71 = arith.addi %add3A_70, %mul3A_69 : i32
      %iota3A = tpu.iota {dimensions = array<i32: 0>} : vector<16xi32>
      %mul3A_72 = arith.constant 16 : i32
      %mul3A_73 = arith.muli %scan3A_67, %mul3A_72 : i32
      %add3A_74 = vector.broadcast %mul3A_73 : i32 to vector<16xi32>
      %add3A_75 = arith.addi %iota3A, %add3A_74 : vector<16xi32>
      %get3A_76 = arith.index_cast %add3A_71 : i32 to index
      %get3A_77 = tpu.vector_load %arg13[%get3A_76] {strides = array<i32>} : memref<512xi32, #tpu.memory_space<vmem>>, vector<16xi32>,
      %get3A_78 = arith.index_cast %add3A_71 : i32 to index
      %get3A_79 = tpu.vector_load %arg14[%get3A_78] {strides = array<i32>} : memref<512xi32, #tpu.memory_space<vmem>>, vector<16xi32>,
      %and3A = arith.constant 7 : i32
      %and3A_80 = vector.broadcast %and3A : i32 to vector<16xi32>
      %and3A_81 = arith.andi %get3A_77, %and3A_80 : vector<16xi32>
      %mul3A_82 = arith.constant 16 : i32
      %mul3A_83 = vector.broadcast %mul3A_82 : i32 to vector<16xi32>
      %mul3A_84 = arith.muli %and3A_81, %mul3A_83 : vector<16xi32>
      %and3A_85 = arith.constant 7 : i32
      %and3A_86 = vector.broadcast %and3A_85 : i32 to vector<16xi32>
      %and3A_87 = arith.andi %get3A_79, %and3A_86 : vector<16xi32>
      %mul3A_88 = arith.constant 16 : i32
      %mul3A_89 = vector.broadcast %mul3A_88 : i32 to vector<16xi32>
      %mul3A_90 = arith.muli %and3A_87, %mul3A_89 : vector<16xi32>
      %sub3A = arith.constant 999360 : i32
      %sub3A_91 = vector.broadcast %sub3A : i32 to vector<16xi32>
      %sub3A_92 = arith.subi %get3A_77, %sub3A_91 : vector<16xi32>
      %max3A = arith.constant 0 : i32
      %max3A_93 = vector.broadcast %max3A : i32 to vector<16xi32>
      %max3A_94 = arith.maxsi %sub3A_92, %max3A_93 : vector<16xi32>
      %sub3A_95 = arith.constant 999360 : i32
      %sub3A_96 = vector.broadcast %sub3A_95 : i32 to vector<16xi32>
      %sub3A_97 = arith.subi %get3A_79, %sub3A_96 : vector<16xi32>
      %max3A_98 = arith.constant 0 : i32
      %max3A_99 = vector.broadcast %max3A_98 : i32 to vector<16xi32>
      %max3A_100 = arith.maxsi %sub3A_97, %max3A_99 : vector<16xi32>
      %ge3A = arith.constant 999424 : i32
      %ge3A_101 = vector.broadcast %ge3A : i32 to vector<16xi32>
      %ge3A_102 = arith.cmpi sge, %get3A_77, %ge3A_101 : vector<16xi32>
      %ge3A_103 = arith.constant 999424 : i32
      %ge3A_104 = vector.broadcast %ge3A_103 : i32 to vector<16xi32>
      %ge3A_105 = arith.cmpi sge, %get3A_79, %ge3A_104 : vector<16xi32>
      %get3A_106 = arith.index_cast %add3A_71 : i32 to index
      %get3A_107 = tpu.vector_load %arg21[%get3A_106] {strides = array<i32>} : memref<512xf32, #tpu.memory_space<vmem>>, vector<16xf32>,
      %get3A_108 = arith.index_cast %add3A_71 : i32 to index
      %get3A_109 = tpu.vector_load %arg22[%get3A_108] {strides = array<i32>} : memref<512xf32, #tpu.memory_space<vmem>>, vector<16xf32>,
      %add3A_110 = arith.addf %get3A_107, %get3A_109 : vector<16xf32>
      %add3A_111 = arith.addf %add3A_110, %get3A_11 : vector<16xf32>
      %broadcast_in_dim3A = arith.constant 0 : i32
      %broadcast_in_dim3A_112 = vector.broadcast %broadcast_in_dim3A : i32 to vector<16xi32>
      %add3A_113 = arith.constant 0 : i32
      %add3A_114 = vector.broadcast %add3A_113 : i32 to vector<16xi32>
      %add3A_115 = arith.addi %mul3A_84, %add3A_114 : vector<16xi32>
      %gather3A = tpu.vector_load_idx %arg17[%add3A_75, %add3A_115] : memref<256x128xf32, #tpu.memory_space<vmem>>[vector<16xi32>, vector<16xi32>], vector<16xf32>,
      %add3A_116 = arith.constant 0 : i32
      %add3A_117 = vector.broadcast %add3A_116 : i32 to vector<16xi32>
      %add3A_118 = arith.addi %mul3A_90, %add3A_117 : vector<16xi32>
      %gather3A_119 = tpu.vector_load_idx %arg18[%add3A_75, %add3A_118] : memref<256x128xf32, #tpu.memory_space<vmem>>[vector<16xi32>, vector<16xi32>], vector<16xf32>,
      %gather3A_120 = tpu.vector_load_idx %arg19[%broadcast_in_dim3A_112, %max3A_94] : memref<16x640xf32, #tpu.memory_space<vmem>>[vector<16xi32>, vector<16xi32>], vector<16xf32>,
      %gather3A_121 = tpu.vector_load_idx %arg20[%broadcast_in_dim3A_112, %max3A_100] : memref<16x640xf32, #tpu.memory_space<vmem>>[vector<16xi32>, vector<16xi32>], vector<16xf32>,
      %select_n3A = arith.select %ge3A_102, %gather3A_120, %gather3A : vector<16xi1>, vector<16xf32>
      %select_n3A_122 = arith.select %ge3A_105, %gather3A_121, %gather3A_119 : vector<16xi1>, vector<16xf32>
      %mul3A_123 = arith.mulf %select_n3A, %select_n3A_122 : vector<16xf32>
      %add3A_124 = arith.addf %add3A_111, %mul3A_123 : vector<16xf32>
      %broadcast_in_dim3A_125 = arith.constant 1 : i32
      %broadcast_in_dim3A_126 = vector.broadcast %broadcast_in_dim3A_125 : i32 to vector<16xi32>
      %add3A_127 = arith.constant 1 : i32
      %add3A_128 = vector.broadcast %add3A_127 : i32 to vector<16xi32>
      %add3A_129 = arith.addi %mul3A_84, %add3A_128 : vector<16xi32>
      %gather3A_130 = tpu.vector_load_idx %arg17[%add3A_75, %add3A_129] : memref<256x128xf32, #tpu.memory_space<vmem>>[vector<16xi32>, vector<16xi32>], vector<16xf32>,
      %add3A_131 = arith.constant 1 : i32
      %add3A_132 = vector.broadcast %add3A_131 : i32 to vector<16xi32>
      %add3A_133 = arith.addi %mul3A_90, %add3A_132 : vector<16xi32>
      %gather3A_134 = tpu.vector_load_idx %arg18[%add3A_75, %add3A_133] : memref<256x128xf32, #tpu.memory_space<vmem>>[vector<16xi32>, vector<16xi32>], vector<16xf32>,
      %gather3A_135 = tpu.vector_load_idx %arg19[%broadcast_in_dim3A_126, %max3A_94] : memref<16x640xf32, #tpu.memory_space<vmem>>[vector<16xi32>, vector<16xi32>], vector<16xf32>,
      %gather3A_136 = tpu.vector_load_idx %arg20[%broadcast_in_dim3A_126, %max3A_100] : memref<16x640xf32, #tpu.memory_space<vmem>>[vector<16xi32>, vector<16xi32>], vector<16xf32>,
      %select_n3A_137 = arith.select %ge3A_102, %gather3A_135, %gather3A_130 : vector<16xi1>, vector<16xf32>
      %select_n3A_138 = arith.select %ge3A_105, %gather3A_136, %gather3A_134 : vector<16xi1>, vector<16xf32>
      %mul3A_139 = arith.mulf %select_n3A_137, %select_n3A_138 : vector<16xf32>
      %add3A_140 = arith.addf %add3A_124, %mul3A_139 : vector<16xf32>
      %broadcast_in_dim3A_141 = arith.constant 2 : i32
      %broadcast_in_dim3A_142 = vector.broadcast %broadcast_in_dim3A_141 : i32 to vector<16xi32>
      %add3A_143 = arith.constant 2 : i32
      %add3A_144 = vector.broadcast %add3A_143 : i32 to vector<16xi32>
      %add3A_145 = arith.addi %mul3A_84, %add3A_144 : vector<16xi32>
      %gather3A_146 = tpu.vector_load_idx %arg17[%add3A_75, %add3A_145] : memref<256x128xf32, #tpu.memory_space<vmem>>[vector<16xi32>, vector<16xi32>], vector<16xf32>,
      %add3A_147 = arith.constant 2 : i32
      %add3A_148 = vector.broadcast %add3A_147 : i32 to vector<16xi32>
      %add3A_149 = arith.addi %mul3A_90, %add3A_148 : vector<16xi32>
      %gather3A_150 = tpu.vector_load_idx %arg18[%add3A_75, %add3A_149] : memref<256x128xf32, #tpu.memory_space<vmem>>[vector<16xi32>, vector<16xi32>], vector<16xf32>,
      %gather3A_151 = tpu.vector_load_idx %arg19[%broadcast_in_dim3A_142, %max3A_94] : memref<16x640xf32, #tpu.memory_space<vmem>>[vector<16xi32>, vector<16xi32>], vector<16xf32>,
      %gather3A_152 = tpu.vector_load_idx %arg20[%broadcast_in_dim3A_142, %max3A_100] : memref<16x640xf32, #tpu.memory_space<vmem>>[vector<16xi32>, vector<16xi32>], vector<16xf32>,
      %select_n3A_153 = arith.select %ge3A_102, %gather3A_151, %gather3A_146 : vector<16xi1>, vector<16xf32>
      %select_n3A_154 = arith.select %ge3A_105, %gather3A_152, %gather3A_150 : vector<16xi1>, vector<16xf32>
      %mul3A_155 = arith.mulf %select_n3A_153, %select_n3A_154 : vector<16xf32>
      %add3A_156 = arith.addf %add3A_140, %mul3A_155 : vector<16xf32>
      %broadcast_in_dim3A_157 = arith.constant 3 : i32
      %broadcast_in_dim3A_158 = vector.broadcast %broadcast_in_dim3A_157 : i32 to vector<16xi32>
      %add3A_159 = arith.constant 3 : i32
      %add3A_160 = vector.broadcast %add3A_159 : i32 to vector<16xi32>
      %add3A_161 = arith.addi %mul3A_84, %add3A_160 : vector<16xi32>
      %gather3A_162 = tpu.vector_load_idx %arg17[%add3A_75, %add3A_161] : memref<256x128xf32, #tpu.memory_space<vmem>>[vector<16xi32>, vector<16xi32>], vector<16xf32>,
      %add3A_163 = arith.constant 3 : i32
      %add3A_164 = vector.broadcast %add3A_163 : i32 to vector<16xi32>
      %add3A_165 = arith.addi %mul3A_90, %add3A_164 : vector<16xi32>
      %gather3A_166 = tpu.vector_load_idx %arg18[%add3A_75, %add3A_165] : memref<256x128xf32, #tpu.memory_space<vmem>>[vector<16xi32>, vector<16xi32>], vector<16xf32>,
      %gather3A_167 = tpu.vector_load_idx %arg19[%broadcast_in_dim3A_158, %max3A_94] : memref<16x640xf32, #tpu.memory_space<vmem>>[vector<16xi32>, vector<16xi32>], vector<16xf32>,
      %gather3A_168 = tpu.vector_load_idx %arg20[%broadcast_in_dim3A_158, %max3A_100] : memref<16x640xf32, #tpu.memory_space<vmem>>[vector<16xi32>, vector<16xi32>], vector<16xf32>,
      %select_n3A_169 = arith.select %ge3A_102, %gather3A_167, %gather3A_162 : vector<16xi1>, vector<16xf32>
      %select_n3A_170 = arith.select %ge3A_105, %gather3A_168, %gather3A_166 : vector<16xi1>, vector<16xf32>
      %mul3A_171 = arith.mulf %select_n3A_169, %select_n3A_170 : vector<16xf32>
      %add3A_172 = arith.addf %add3A_156, %mul3A_171 : vector<16xf32>
      %broadcast_in_dim3A_173 = arith.constant 4 : i32
      %broadcast_in_dim3A_174 = vector.broadcast %broadcast_in_dim3A_173 : i32 to vector<16xi32>
      %add3A_175 = arith.constant 4 : i32
      %add3A_176 = vector.broadcast %add3A_175 : i32 to vector<16xi32>
      %add3A_177 = arith.addi %mul3A_84, %add3A_176 : vector<16xi32>
      %gather3A_178 = tpu.vector_load_idx %arg17[%add3A_75, %add3A_177] : memref<256x128xf32, #tpu.memory_space<vmem>>[vector<16xi32>, vector<16xi32>], vector<16xf32>,
      %add3A_179 = arith.constant 4 : i32
      %add3A_180 = vector.broadcast %add3A_179 : i32 to vector<16xi32>
      %add3A_181 = arith.addi %mul3A_90, %add3A_180 : vector<16xi32>
      %gather3A_182 = tpu.vector_load_idx %arg18[%add3A_75, %add3A_181] : memref<256x128xf32, #tpu.memory_space<vmem>>[vector<16xi32>, vector<16xi32>], vector<16xf32>,
      %gather3A_183 = tpu.vector_load_idx %arg19[%broadcast_in_dim3A_174, %max3A_94] : memref<16x640xf32, #tpu.memory_space<vmem>>[vector<16xi32>, vector<16xi32>], vector<16xf32>,
      %gather3A_184 = tpu.vector_load_idx %arg20[%broadcast_in_dim3A_174, %max3A_100] : memref<16x640xf32, #tpu.memory_space<vmem>>[vector<16xi32>, vector<16xi32>], vector<16xf32>,
      %select_n3A_185 = arith.select %ge3A_102, %gather3A_183, %gather3A_178 : vector<16xi1>, vector<16xf32>
      %select_n3A_186 = arith.select %ge3A_105, %gather3A_184, %gather3A_182 : vector<16xi1>, vector<16xf32>
      %mul3A_187 = arith.mulf %select_n3A_185, %select_n3A_186 : vector<16xf32>
      %add3A_188 = arith.addf %add3A_172, %mul3A_187 : vector<16xf32>
      %broadcast_in_dim3A_189 = arith.constant 5 : i32
      %broadcast_in_dim3A_190 = vector.broadcast %broadcast_in_dim3A_189 : i32 to vector<16xi32>
      %add3A_191 = arith.constant 5 : i32
      %add3A_192 = vector.broadcast %add3A_191 : i32 to vector<16xi32>
      %add3A_193 = arith.addi %mul3A_84, %add3A_192 : vector<16xi32>
      %gather3A_194 = tpu.vector_load_idx %arg17[%add3A_75, %add3A_193] : memref<256x128xf32, #tpu.memory_space<vmem>>[vector<16xi32>, vector<16xi32>], vector<16xf32>,
      %add3A_195 = arith.constant 5 : i32
      %add3A_196 = vector.broadcast %add3A_195 : i32 to vector<16xi32>
      %add3A_197 = arith.addi %mul3A_90, %add3A_196 : vector<16xi32>
      %gather3A_198 = tpu.vector_load_idx %arg18[%add3A_75, %add3A_197] : memref<256x128xf32, #tpu.memory_space<vmem>>[vector<16xi32>, vector<16xi32>], vector<16xf32>,
      %gather3A_199 = tpu.vector_load_idx %arg19[%broadcast_in_dim3A_190, %max3A_94] : memref<16x640xf32, #tpu.memory_space<vmem>>[vector<16xi32>, vector<16xi32>], vector<16xf32>,
      %gather3A_200 = tpu.vector_load_idx %arg20[%broadcast_in_dim3A_190, %max3A_100] : memref<16x640xf32, #tpu.memory_space<vmem>>[vector<16xi32>, vector<16xi32>], vector<16xf32>,
      %select_n3A_201 = arith.select %ge3A_102, %gather3A_199, %gather3A_194 : vector<16xi1>, vector<16xf32>
      %select_n3A_202 = arith.select %ge3A_105, %gather3A_200, %gather3A_198 : vector<16xi1>, vector<16xf32>
      %mul3A_203 = arith.mulf %select_n3A_201, %select_n3A_202 : vector<16xf32>
      %add3A_204 = arith.addf %add3A_188, %mul3A_203 : vector<16xf32>
      %broadcast_in_dim3A_205 = arith.constant 6 : i32
      %broadcast_in_dim3A_206 = vector.broadcast %broadcast_in_dim3A_205 : i32 to vector<16xi32>
      %add3A_207 = arith.constant 6 : i32
      %add3A_208 = vector.broadcast %add3A_207 : i32 to vector<16xi32>
      %add3A_209 = arith.addi %mul3A_84, %add3A_208 : vector<16xi32>
      %gather3A_210 = tpu.vector_load_idx %arg17[%add3A_75, %add3A_209] : memref<256x128xf32, #tpu.memory_space<vmem>>[vector<16xi32>, vector<16xi32>], vector<16xf32>,
      %add3A_211 = arith.constant 6 : i32
      %add3A_212 = vector.broadcast %add3A_211 : i32 to vector<16xi32>
      %add3A_213 = arith.addi %mul3A_90, %add3A_212 : vector<16xi32>
      %gather3A_214 = tpu.vector_load_idx %arg18[%add3A_75, %add3A_213] : memref<256x128xf32, #tpu.memory_space<vmem>>[vector<16xi32>, vector<16xi32>], vector<16xf32>,
      %gather3A_215 = tpu.vector_load_idx %arg19[%broadcast_in_dim3A_206, %max3A_94] : memref<16x640xf32, #tpu.memory_space<vmem>>[vector<16xi32>, vector<16xi32>], vector<16xf32>,
      %gather3A_216 = tpu.vector_load_idx %arg20[%broadcast_in_dim3A_206, %max3A_100] : memref<16x640xf32, #tpu.memory_space<vmem>>[vector<16xi32>, vector<16xi32>], vector<16xf32>,
      %select_n3A_217 = arith.select %ge3A_102, %gather3A_215, %gather3A_210 : vector<16xi1>, vector<16xf32>
      %select_n3A_218 = arith.select %ge3A_105, %gather3A_216, %gather3A_214 : vector<16xi1>, vector<16xf32>
      %mul3A_219 = arith.mulf %select_n3A_217, %select_n3A_218 : vector<16xf32>
      %add3A_220 = arith.addf %add3A_204, %mul3A_219 : vector<16xf32>
      %broadcast_in_dim3A_221 = arith.constant 7 : i32
      %broadcast_in_dim3A_222 = vector.broadcast %broadcast_in_dim3A_221 : i32 to vector<16xi32>
      %add3A_223 = arith.constant 7 : i32
      %add3A_224 = vector.broadcast %add3A_223 : i32 to vector<16xi32>
      %add3A_225 = arith.addi %mul3A_84, %add3A_224 : vector<16xi32>
      %gather3A_226 = tpu.vector_load_idx %arg17[%add3A_75, %add3A_225] : memref<256x128xf32, #tpu.memory_space<vmem>>[vector<16xi32>, vector<16xi32>], vector<16xf32>,
      %add3A_227 = arith.constant 7 : i32
      %add3A_228 = vector.broadcast %add3A_227 : i32 to vector<16xi32>
      %add3A_229 = arith.addi %mul3A_90, %add3A_228 : vector<16xi32>
      %gather3A_230 = tpu.vector_load_idx %arg18[%add3A_75, %add3A_229] : memref<256x128xf32, #tpu.memory_space<vmem>>[vector<16xi32>, vector<16xi32>], vector<16xf32>,
      %gather3A_231 = tpu.vector_load_idx %arg19[%broadcast_in_dim3A_222, %max3A_94] : memref<16x640xf32, #tpu.memory_space<vmem>>[vector<16xi32>, vector<16xi32>], vector<16xf32>,
      %gather3A_232 = tpu.vector_load_idx %arg20[%broadcast_in_dim3A_222, %max3A_100] : memref<16x640xf32, #tpu.memory_space<vmem>>[vector<16xi32>, vector<16xi32>], vector<16xf32>,
      %select_n3A_233 = arith.select %ge3A_102, %gather3A_231, %gather3A_226 : vector<16xi1>, vector<16xf32>
      %select_n3A_234 = arith.select %ge3A_105, %gather3A_232, %gather3A_230 : vector<16xi1>, vector<16xf32>
      %mul3A_235 = arith.mulf %select_n3A_233, %select_n3A_234 : vector<16xf32>
      %add3A_236 = arith.addf %add3A_220, %mul3A_235 : vector<16xf32>
      %broadcast_in_dim3A_237 = arith.constant 8 : i32
      %broadcast_in_dim3A_238 = vector.broadcast %broadcast_in_dim3A_237 : i32 to vector<16xi32>
      %add3A_239 = arith.constant 8 : i32
      %add3A_240 = vector.broadcast %add3A_239 : i32 to vector<16xi32>
      %add3A_241 = arith.addi %mul3A_84, %add3A_240 : vector<16xi32>
      %gather3A_242 = tpu.vector_load_idx %arg17[%add3A_75, %add3A_241] : memref<256x128xf32, #tpu.memory_space<vmem>>[vector<16xi32>, vector<16xi32>], vector<16xf32>,
      %add3A_243 = arith.constant 8 : i32
      %add3A_244 = vector.broadcast %add3A_243 : i32 to vector<16xi32>
      %add3A_245 = arith.addi %mul3A_90, %add3A_244 : vector<16xi32>
      %gather3A_246 = tpu.vector_load_idx %arg18[%add3A_75, %add3A_245] : memref<256x128xf32, #tpu.memory_space<vmem>>[vector<16xi32>, vector<16xi32>], vector<16xf32>,
      %gather3A_247 = tpu.vector_load_idx %arg19[%broadcast_in_dim3A_238, %max3A_94] : memref<16x640xf32, #tpu.memory_space<vmem>>[vector<16xi32>, vector<16xi32>], vector<16xf32>,
      %gather3A_248 = tpu.vector_load_idx %arg20[%broadcast_in_dim3A_238, %max3A_100] : memref<16x640xf32, #tpu.memory_space<vmem>>[vector<16xi32>, vector<16xi32>], vector<16xf32>,
      %select_n3A_249 = arith.select %ge3A_102, %gather3A_247, %gather3A_242 : vector<16xi1>, vector<16xf32>
      %select_n3A_250 = arith.select %ge3A_105, %gather3A_248, %gather3A_246 : vector<16xi1>, vector<16xf32>
      %mul3A_251 = arith.mulf %select_n3A_249, %select_n3A_250 : vector<16xf32>
      %add3A_252 = arith.addf %add3A_236, %mul3A_251 : vector<16xf32>
      %broadcast_in_dim3A_253 = arith.constant 9 : i32
      %broadcast_in_dim3A_254 = vector.broadcast %broadcast_in_dim3A_253 : i32 to vector<16xi32>
      %add3A_255 = arith.constant 9 : i32
      %add3A_256 = vector.broadcast %add3A_255 : i32 to vector<16xi32>
      %add3A_257 = arith.addi %mul3A_84, %add3A_256 : vector<16xi32>
      %gather3A_258 = tpu.vector_load_idx %arg17[%add3A_75, %add3A_257] : memref<256x128xf32, #tpu.memory_space<vmem>>[vector<16xi32>, vector<16xi32>], vector<16xf32>,
      %add3A_259 = arith.constant 9 : i32
      %add3A_260 = vector.broadcast %add3A_259 : i32 to vector<16xi32>
      %add3A_261 = arith.addi %mul3A_90, %add3A_260 : vector<16xi32>
      %gather3A_262 = tpu.vector_load_idx %arg18[%add3A_75, %add3A_261] : memref<256x128xf32, #tpu.memory_space<vmem>>[vector<16xi32>, vector<16xi32>], vector<16xf32>,
      %gather3A_263 = tpu.vector_load_idx %arg19[%broadcast_in_dim3A_254, %max3A_94] : memref<16x640xf32, #tpu.memory_space<vmem>>[vector<16xi32>, vector<16xi32>], vector<16xf32>,
      %gather3A_264 = tpu.vector_load_idx %arg20[%broadcast_in_dim3A_254, %max3A_100] : memref<16x640xf32, #tpu.memory_space<vmem>>[vector<16xi32>, vector<16xi32>], vector<16xf32>,
      %select_n3A_265 = arith.select %ge3A_102, %gather3A_263, %gather3A_258 : vector<16xi1>, vector<16xf32>
      %select_n3A_266 = arith.select %ge3A_105, %gather3A_264, %gather3A_262 : vector<16xi1>, vector<16xf32>
      %mul3A_267 = arith.mulf %select_n3A_265, %select_n3A_266 : vector<16xf32>
      %add3A_268 = arith.addf %add3A_252, %mul3A_267 : vector<16xf32>
      %broadcast_in_dim3A_269 = arith.constant 10 : i32
      %broadcast_in_dim3A_270 = vector.broadcast %broadcast_in_dim3A_269 : i32 to vector<16xi32>
      %add3A_271 = arith.constant 10 : i32
      %add3A_272 = vector.broadcast %add3A_271 : i32 to vector<16xi32>
      %add3A_273 = arith.addi %mul3A_84, %add3A_272 : vector<16xi32>
      %gather3A_274 = tpu.vector_load_idx %arg17[%add3A_75, %add3A_273] : memref<256x128xf32, #tpu.memory_space<vmem>>[vector<16xi32>, vector<16xi32>], vector<16xf32>,
      %add3A_275 = arith.constant 10 : i32
      %add3A_276 = vector.broadcast %add3A_275 : i32 to vector<16xi32>
      %add3A_277 = arith.addi %mul3A_90, %add3A_276 : vector<16xi32>
      %gather3A_278 = tpu.vector_load_idx %arg18[%add3A_75, %add3A_277] : memref<256x128xf32, #tpu.memory_space<vmem>>[vector<16xi32>, vector<16xi32>], vector<16xf32>,
      %gather3A_279 = tpu.vector_load_idx %arg19[%broadcast_in_dim3A_270, %max3A_94] : memref<16x640xf32, #tpu.memory_space<vmem>>[vector<16xi32>, vector<16xi32>], vector<16xf32>,
      %gather3A_280 = tpu.vector_load_idx %arg20[%broadcast_in_dim3A_270, %max3A_100] : memref<16x640xf32, #tpu.memory_space<vmem>>[vector<16xi32>, vector<16xi32>], vector<16xf32>,
      %select_n3A_281 = arith.select %ge3A_102, %gather3A_279, %gather3A_274 : vector<16xi1>, vector<16xf32>
      %select_n3A_282 = arith.select %ge3A_105, %gather3A_280, %gather3A_278 : vector<16xi1>, vector<16xf32>
      %mul3A_283 = arith.mulf %select_n3A_281, %select_n3A_282 : vector<16xf32>
      %add3A_284 = arith.addf %add3A_268, %mul3A_283 : vector<16xf32>
      %broadcast_in_dim3A_285 = arith.constant 11 : i32
      %broadcast_in_dim3A_286 = vector.broadcast %broadcast_in_dim3A_285 : i32 to vector<16xi32>
      %add3A_287 = arith.constant 11 : i32
      %add3A_288 = vector.broadcast %add3A_287 : i32 to vector<16xi32>
      %add3A_289 = arith.addi %mul3A_84, %add3A_288 : vector<16xi32>
      %gather3A_290 = tpu.vector_load_idx %arg17[%add3A_75, %add3A_289] : memref<256x128xf32, #tpu.memory_space<vmem>>[vector<16xi32>, vector<16xi32>], vector<16xf32>,
      %add3A_291 = arith.constant 11 : i32
      %add3A_292 = vector.broadcast %add3A_291 : i32 to vector<16xi32>
      %add3A_293 = arith.addi %mul3A_90, %add3A_292 : vector<16xi32>
      %gather3A_294 = tpu.vector_load_idx %arg18[%add3A_75, %add3A_293] : memref<256x128xf32, #tpu.memory_space<vmem>>[vector<16xi32>, vector<16xi32>], vector<16xf32>,
      %gather3A_295 = tpu.vector_load_idx %arg19[%broadcast_in_dim3A_286, %max3A_94] : memref<16x640xf32, #tpu.memory_space<vmem>>[vector<16xi32>, vector<16xi32>], vector<16xf32>,
      %gather3A_296 = tpu.vector_load_idx %arg20[%broadcast_in_dim3A_286, %max3A_100] : memref<16x640xf32, #tpu.memory_space<vmem>>[vector<16xi32>, vector<16xi32>], vector<16xf32>,
      %select_n3A_297 = arith.select %ge3A_102, %gather3A_295, %gather3A_290 : vector<16xi1>, vector<16xf32>
      %select_n3A_298 = arith.select %ge3A_105, %gather3A_296, %gather3A_294 : vector<16xi1>, vector<16xf32>
      %mul3A_299 = arith.mulf %select_n3A_297, %select_n3A_298 : vector<16xf32>
      %add3A_300 = arith.addf %add3A_284, %mul3A_299 : vector<16xf32>
      %broadcast_in_dim3A_301 = arith.constant 12 : i32
      %broadcast_in_dim3A_302 = vector.broadcast %broadcast_in_dim3A_301 : i32 to vector<16xi32>
      %add3A_303 = arith.constant 12 : i32
      %add3A_304 = vector.broadcast %add3A_303 : i32 to vector<16xi32>
      %add3A_305 = arith.addi %mul3A_84, %add3A_304 : vector<16xi32>
      %gather3A_306 = tpu.vector_load_idx %arg17[%add3A_75, %add3A_305] : memref<256x128xf32, #tpu.memory_space<vmem>>[vector<16xi32>, vector<16xi32>], vector<16xf32>,
      %add3A_307 = arith.constant 12 : i32
      %add3A_308 = vector.broadcast %add3A_307 : i32 to vector<16xi32>
      %add3A_309 = arith.addi %mul3A_90, %add3A_308 : vector<16xi32>
      %gather3A_310 = tpu.vector_load_idx %arg18[%add3A_75, %add3A_309] : memref<256x128xf32, #tpu.memory_space<vmem>>[vector<16xi32>, vector<16xi32>], vector<16xf32>,
      %gather3A_311 = tpu.vector_load_idx %arg19[%broadcast_in_dim3A_302, %max3A_94] : memref<16x640xf32, #tpu.memory_space<vmem>>[vector<16xi32>, vector<16xi32>], vector<16xf32>,
      %gather3A_312 = tpu.vector_load_idx %arg20[%broadcast_in_dim3A_302, %max3A_100] : memref<16x640xf32, #tpu.memory_space<vmem>>[vector<16xi32>, vector<16xi32>], vector<16xf32>,
      %select_n3A_313 = arith.select %ge3A_102, %gather3A_311, %gather3A_306 : vector<16xi1>, vector<16xf32>
      %select_n3A_314 = arith.select %ge3A_105, %gather3A_312, %gather3A_310 : vector<16xi1>, vector<16xf32>
      %mul3A_315 = arith.mulf %select_n3A_313, %select_n3A_314 : vector<16xf32>
      %add3A_316 = arith.addf %add3A_300, %mul3A_315 : vector<16xf32>
      %broadcast_in_dim3A_317 = arith.constant 13 : i32
      %broadcast_in_dim3A_318 = vector.broadcast %broadcast_in_dim3A_317 : i32 to vector<16xi32>
      %add3A_319 = arith.constant 13 : i32
      %add3A_320 = vector.broadcast %add3A_319 : i32 to vector<16xi32>
      %add3A_321 = arith.addi %mul3A_84, %add3A_320 : vector<16xi32>
      %gather3A_322 = tpu.vector_load_idx %arg17[%add3A_75, %add3A_321] : memref<256x128xf32, #tpu.memory_space<vmem>>[vector<16xi32>, vector<16xi32>], vector<16xf32>,
      %add3A_323 = arith.constant 13 : i32
      %add3A_324 = vector.broadcast %add3A_323 : i32 to vector<16xi32>
      %add3A_325 = arith.addi %mul3A_90, %add3A_324 : vector<16xi32>
      %gather3A_326 = tpu.vector_load_idx %arg18[%add3A_75, %add3A_325] : memref<256x128xf32, #tpu.memory_space<vmem>>[vector<16xi32>, vector<16xi32>], vector<16xf32>,
      %gather3A_327 = tpu.vector_load_idx %arg19[%broadcast_in_dim3A_318, %max3A_94] : memref<16x640xf32, #tpu.memory_space<vmem>>[vector<16xi32>, vector<16xi32>], vector<16xf32>,
      %gather3A_328 = tpu.vector_load_idx %arg20[%broadcast_in_dim3A_318, %max3A_100] : memref<16x640xf32, #tpu.memory_space<vmem>>[vector<16xi32>, vector<16xi32>], vector<16xf32>,
      %select_n3A_329 = arith.select %ge3A_102, %gather3A_327, %gather3A_322 : vector<16xi1>, vector<16xf32>
      %select_n3A_330 = arith.select %ge3A_105, %gather3A_328, %gather3A_326 : vector<16xi1>, vector<16xf32>
      %mul3A_331 = arith.mulf %select_n3A_329, %select_n3A_330 : vector<16xf32>
      %add3A_332 = arith.addf %add3A_316, %mul3A_331 : vector<16xf32>
      %broadcast_in_dim3A_333 = arith.constant 14 : i32
      %broadcast_in_dim3A_334 = vector.broadcast %broadcast_in_dim3A_333 : i32 to vector<16xi32>
      %add3A_335 = arith.constant 14 : i32
      %add3A_336 = vector.broadcast %add3A_335 : i32 to vector<16xi32>
      %add3A_337 = arith.addi %mul3A_84, %add3A_336 : vector<16xi32>
      %gather3A_338 = tpu.vector_load_idx %arg17[%add3A_75, %add3A_337] : memref<256x128xf32, #tpu.memory_space<vmem>>[vector<16xi32>, vector<16xi32>], vector<16xf32>,
      %add3A_339 = arith.constant 14 : i32
      %add3A_340 = vector.broadcast %add3A_339 : i32 to vector<16xi32>
      %add3A_341 = arith.addi %mul3A_90, %add3A_340 : vector<16xi32>
      %gather3A_342 = tpu.vector_load_idx %arg18[%add3A_75, %add3A_341] : memref<256x128xf32, #tpu.memory_space<vmem>>[vector<16xi32>, vector<16xi32>], vector<16xf32>,
      %gather3A_343 = tpu.vector_load_idx %arg19[%broadcast_in_dim3A_334, %max3A_94] : memref<16x640xf32, #tpu.memory_space<vmem>>[vector<16xi32>, vector<16xi32>], vector<16xf32>,
      %gather3A_344 = tpu.vector_load_idx %arg20[%broadcast_in_dim3A_334, %max3A_100] : memref<16x640xf32, #tpu.memory_space<vmem>>[vector<16xi32>, vector<16xi32>], vector<16xf32>,
      %select_n3A_345 = arith.select %ge3A_102, %gather3A_343, %gather3A_338 : vector<16xi1>, vector<16xf32>
      %select_n3A_346 = arith.select %ge3A_105, %gather3A_344, %gather3A_342 : vector<16xi1>, vector<16xf32>
      %mul3A_347 = arith.mulf %select_n3A_345, %select_n3A_346 : vector<16xf32>
      %add3A_348 = arith.addf %add3A_332, %mul3A_347 : vector<16xf32>
      %broadcast_in_dim3A_349 = arith.constant 15 : i32
      %broadcast_in_dim3A_350 = vector.broadcast %broadcast_in_dim3A_349 : i32 to vector<16xi32>
      %add3A_351 = arith.constant 15 : i32
      %add3A_352 = vector.broadcast %add3A_351 : i32 to vector<16xi32>
      %add3A_353 = arith.addi %mul3A_84, %add3A_352 : vector<16xi32>
      %gather3A_354 = tpu.vector_load_idx %arg17[%add3A_75, %add3A_353] : memref<256x128xf32, #tpu.memory_space<vmem>>[vector<16xi32>, vector<16xi32>], vector<16xf32>,
      %add3A_355 = arith.constant 15 : i32
      %add3A_356 = vector.broadcast %add3A_355 : i32 to vector<16xi32>
      %add3A_357 = arith.addi %mul3A_90, %add3A_356 : vector<16xi32>
      %gather3A_358 = tpu.vector_load_idx %arg18[%add3A_75, %add3A_357] : memref<256x128xf32, #tpu.memory_space<vmem>>[vector<16xi32>, vector<16xi32>], vector<16xf32>,
      %gather3A_359 = tpu.vector_load_idx %arg19[%broadcast_in_dim3A_350, %max3A_94] : memref<16x640xf32, #tpu.memory_space<vmem>>[vector<16xi32>, vector<16xi32>], vector<16xf32>,
      %gather3A_360 = tpu.vector_load_idx %arg20[%broadcast_in_dim3A_350, %max3A_100] : memref<16x640xf32, #tpu.memory_space<vmem>>[vector<16xi32>, vector<16xi32>], vector<16xf32>,
      %select_n3A_361 = arith.select %ge3A_102, %gather3A_359, %gather3A_354 : vector<16xi1>, vector<16xf32>
      %select_n3A_362 = arith.select %ge3A_105, %gather3A_360, %gather3A_358 : vector<16xi1>, vector<16xf32>
      %mul3A_363 = arith.mulf %select_n3A_361, %select_n3A_362 : vector<16xf32>
      %add3A_364 = arith.addf %add3A_348, %mul3A_363 : vector<16xf32>
      %swap3A = arith.index_cast %add3A_71 : i32 to index
      %swap3A_365 = tpu.vector_load %arg23[%swap3A] {strides = array<i32>} : memref<512xf32, #tpu.memory_space<vmem>>, vector<16xf32>,
      tpu.vector_store %arg23[%swap3A], %add3A_364 {strides = array<i32>} : memref<512xf32, #tpu.memory_space<vmem>>, vector<16xf32>,
      %neg3A = arith.constant 0.000000e+00 : f32
      %neg3A_366 = vector.broadcast %neg3A : f32 to vector<16xf32>
      %neg3A_367 = arith.subf %neg3A_366, %add3A_364 : vector<16xf32>
      %exp3A = math.exp %neg3A_367 : vector<16xf32>
      %add3A_368 = arith.constant 1.000000e+00 : f32
      %add3A_369 = vector.broadcast %add3A_368 : f32 to vector<16xf32>
      %add3A_370 = arith.addf %add3A_369, %exp3A : vector<16xf32>
      %div3A = arith.constant 1.000000e+00 : f32
      %div3A_371 = vector.broadcast %div3A : f32 to vector<16xf32>
      %div3A_372 = arith.divf %div3A_371, %add3A_370 : vector<16xf32>
      %swap3A_373 = arith.index_cast %add3A_71 : i32 to index
      %swap3A_374 = tpu.vector_load %arg24[%swap3A_373] {strides = array<i32>} : memref<512xf32, #tpu.memory_space<vmem>>, vector<16xf32>,
      tpu.vector_store %arg24[%swap3A_373], %div3A_372 {strides = array<i32>} : memref<512xf32, #tpu.memory_space<vmem>>, vector<16xf32>,
    }
    %scan3A_66 = arith.constant 16 : i32
    "tpu.region"() ({
      %run_scoped3A = tpu.sem_alloc : memref<!tpu.dma_semaphore, #tpu.memory_space<semaphore_mem>>
      %dma_start3A_67 = tpu.memref_slice %arg11[%mul3A_2] : memref<16384xf32, #tpu.memory_space<hbm>> -> memref<512xf32, #tpu.memory_space<hbm>>
      %dma_start3A_68 = tpu.memref_slice %arg11[%mul3A_2] : memref<16384xf32, #tpu.memory_space<hbm>> -> memref<512xf32, #tpu.memory_space<hbm>>
      tpu.enqueue_dma source(%arg23 : memref<512xf32, #tpu.memory_space<vmem>>) target(%dma_start3A_68 : memref<512xf32, #tpu.memory_space<hbm>>) target_semaphore(%run_scoped3A : memref<!tpu.dma_semaphore, #tpu.memory_space<semaphore_mem>>)
      %dma_wait3A_69 = tpu.memref_slice %arg11[%mul3A_2] : memref<16384xf32, #tpu.memory_space<hbm>> -> memref<512xf32, #tpu.memory_space<hbm>>
      %dma_wait3A_70 = tpu.memref_slice %arg11[%mul3A_2] : memref<16384xf32, #tpu.memory_space<hbm>> -> memref<512xf32, #tpu.memory_space<hbm>>
      tpu.wait_dma2 semaphore(%run_scoped3A : memref<!tpu.dma_semaphore, #tpu.memory_space<semaphore_mem>>) src(%arg23 : memref<512xf32, #tpu.memory_space<vmem>>) dst(%dma_wait3A_70 : memref<512xf32, #tpu.memory_space<hbm>>)
      tpu.yield
    }) : () -> ()
    "tpu.region"() ({
      %run_scoped3A = tpu.sem_alloc : memref<!tpu.dma_semaphore, #tpu.memory_space<semaphore_mem>>
      %dma_start3A_67 = tpu.memref_slice %arg12[%mul3A_2] : memref<16384xf32, #tpu.memory_space<hbm>> -> memref<512xf32, #tpu.memory_space<hbm>>
      %dma_start3A_68 = tpu.memref_slice %arg12[%mul3A_2] : memref<16384xf32, #tpu.memory_space<hbm>> -> memref<512xf32, #tpu.memory_space<hbm>>
      tpu.enqueue_dma source(%arg24 : memref<512xf32, #tpu.memory_space<vmem>>) target(%dma_start3A_68 : memref<512xf32, #tpu.memory_space<hbm>>) target_semaphore(%run_scoped3A : memref<!tpu.dma_semaphore, #tpu.memory_space<semaphore_mem>>)
      %dma_wait3A_69 = tpu.memref_slice %arg12[%mul3A_2] : memref<16384xf32, #tpu.memory_space<hbm>> -> memref<512xf32, #tpu.memory_space<hbm>>
      %dma_wait3A_70 = tpu.memref_slice %arg12[%mul3A_2] : memref<16384xf32, #tpu.memory_space<hbm>> -> memref<512xf32, #tpu.memory_space<hbm>>
      tpu.wait_dma2 semaphore(%run_scoped3A : memref<!tpu.dma_semaphore, #tpu.memory_space<semaphore_mem>>) src(%arg24 : memref<512xf32, #tpu.memory_space<vmem>>) dst(%dma_wait3A_70 : memref<512xf32, #tpu.memory_space<hbm>>)
      tpu.yield
    }) : () -> ()
    return
  }
}

</mosaic_0001>

<sc_bundles>
// kernel: _run.4.cloned.1.call-start
scs
__scs_entry_jumppad:
0x0: {  	(pc) =	sbr.rel $0x88, $3  }
0x1: {  	(tag) =	ssettag $0x0;
	lr =	simm.s32 $0x1  }
0x2: {  	[smem:$0x3F9A] =	sst lr;
	_ =	strace $0xD0000000  }
0x3: {  	_ = 	snop  }
0x4: {  	_ = 	snop  }
0x5: {  	_ = 	snop  }
0x6: {  	_ = 	snop  }
0x7: {  	_ = 	snop  }
__scs_overlays_trampoline_lowered:
0x8: {  	[smem:$0x3FA9] =	sst s0  }
0x9: {  	[smem:$0x3FAA] =	sst s1  }
0xa: {  	[smem:$0x3FAB] =	sst s2  }
0xb: {  	[smem:$0x3FAC] =	sst s3  }
0xc: {  	[smem:$0x3FAD] =	sst s4  }
0xd: {  	[smem:$0x3FAE] =	sst s5  }
0xe: {  	[smem:$0x3FAF] =	sst s6  }
0xf: {  	[smem:$0x3FB0] =	sst s7  }
0x10: {  	[smem:$0x3FB1] =	sst s8  }
0x11: {  	[smem:$0x3FB2] =	sst s9;
	s0 =	simm.s32 @!p0 $0x0  }
0x12: {  	s1 =	sld [smem:$0x3F98];
	s0 =	simm.s32 @p0 $0x1  }
0x13: {  	[smem:$0x3FB3] =	sst s0;
	s0 =	simm.s32 @!p1 $0x0  }
0x14: {  	s2 =	sld [smem:$0x3F97];
	s0 =	simm.s32 @p1 $0x1  }
0x15: {  	[smem:$0x3FB4] =	sst s0;
	s0 =	simm.s32 @!p2 $0x0  }
0x16: {  	s3 =	sld [smem:$0x3FDB];
	s0 =	simm.s32 @p2 $0x1  }
0x17: {  	s4 =	simm.s32 $0x1BF5;
	[smem:$0x3FB6] =	sst s0  }
0x18: {  	s0 =	sld [smem:$0x3F99];
	_ =	swait.ge [sflag:s4], $0x0  }
0x19: {  	s7 =	sld [smem:$0x3F9A]  }
0x1a: {  	s8 =	sadd.s32 $0xFFFFE003, lr  }
0x1b: {  	s9 =	sadd.s32 $0xFFFFFEF7, lr;
	s5 =	simm.s32 $0xFFFFFFFF;
	p2 =	slt.u32 s8, $0xFFFFF086  }
0x1c: {  	p1 =	slt.u32 s9, $0xF7A;
	s5 =	simm.s32 @!p2 $0x0  }
0x1d: {  	s5 =	simm.s32 @p1 $0x1;
	p0 =	seq.s32 s7, s2  }
0x1e: {  	s7 =	smul.u32 @!p0 $0xF7A, s2;
	p2 =	seq.s32 @!p0 s5, $0x0  }
0x1f: {  	s9 =	smul.u32 $0xF7A, s1;
	s8 =	simm.s32 @!p0 $0x1BF5;
	p2 =	por !p2, p0  }
0x20: {  	[sflag:s8] =	ssyncset.s32 @!p0 $0xFFFFF086;
	s6 =	sadd.s32 @!p0 s3, s7;
	s7 =	simm.s32 @!p0 $0x108  }
0x21: {  	s3 =	sadd.s32 s3, s9;
	s6 =	sadd.s32 @!p0 $0x88, s6;
	s7 =	simm.s32 @p2 $0x1082  }
0x22: {  	[simem:s7], [sflag:s8] =	dma.local @!p0 [hbm:s6], $0xF7A  }
0x23: {  	s9 =	sor.u32 $0xD0000000, s2;
	s6 =	simm.s32 $0x108;
	_ =	swait.ge @!p0 [sflag:s8], $0x0  }
0x24: {  	s3 =	sadd.s32 $0x88, s3;
	s6 =	simm.s32 @!p1 $0x1082;
	[sflag:s4] =	ssyncset.s32 $0xFFFFF086  }
0x25: {  	[simem:s6], [sflag:s4] =	dma.local [hbm:s3], $0xF7A  }
0x26: {  	[smem:$0x3F9A] =	sst s1;
	(tag) =	ssettag s2;
	_ =	strace s9  }
0x27: {  	s1 =	sld [smem:$0x3FAA]  }
0x28: {  	s2 =	sld [smem:$0x3FAB]  }
0x29: {  	s4 =	sld [smem:$0x3FAD]  }
0x2a: {  	p0 =	seq.s32 s5, $0x0;
	s5 =	sld [smem:$0x3FAE]  }
0x2b: {  	s6 =	sld [smem:$0x3FAF]  }
0x2c: {  	s7 =	sld [smem:$0x3FB0]  }
0x2d: {  	s3 =	simm.s32 $0x108;
	s8 =	sld [smem:$0x3FB1]  }
0x2e: {  	s3 =	simm.s32 @!p0 $0x1082;
	s9 =	sld [smem:$0x3FB2]  }
0x2f: {  	lr =	sadd.s32 s0, s3;
	s0 =	sld [smem:$0x3FA9]  }
0x30: {  	s3 =	sld [smem:$0x3FAC]  }
0x31: {  	[smem:$0x3FB5] =	sst s10  }
0x32: {  	s10 =	sld [smem:$0x3FB3];
	_ =	sdelay $0x3  }
0x33: {  	p0 =	seq.s32 s10, $0x1;
	s10 =	sld [smem:$0x3FB5];
	_ =	sdelay $0x3  }
0x34: {  	[smem:$0x3FB5] =	sst s10  }
0x35: {  	s10 =	sld [smem:$0x3FB4];
	_ =	sdelay $0x3  }
0x36: {  	p1 =	seq.s32 s10, $0x1;
	s10 =	sld [smem:$0x3FB5];
	_ =	sdelay $0x3  }
0x37: {  	[smem:$0x3FB5] =	sst s10  }
0x38: {  	s10 =	sld [smem:$0x3FB6]  }
0x39: {  	_ = 	snop;
	(pc) =	sbr.ind lr, $3  }
0x3a: {  	_ = 	snop  }
0x3b: {  	_ = 	snop  }
0x3c: {  	p2 =	seq.s32 s10, $0x1;
	s10 =	sld [smem:$0x3FB5]  }
0x3d: {  	_ =	shalt  }
0x3e: {  	_ =	shalt  }
0x3f: {  	_ =	shalt  }
0x40: {  	_ =	shalt  }
0x41: {  	_ =	shalt  }
0x42: {  	_ =	shalt  }
0x43: {  	_ =	shalt  }
0x44: {  	_ =	shalt  }
0x45: {  	_ =	shalt  }
0x46: {  	_ =	shalt  }
0x47: {  	_ =	shalt  }
0x48: {  	_ =	shalt  }
0x49: {  	_ =	shalt  }
0x4a: {  	_ =	shalt  }
0x4b: {  	_ =	shalt  }
0x4c: {  	_ =	shalt  }
0x4d: {  	_ =	shalt  }
0x4e: {  	_ =	shalt  }
0x4f: {  	_ =	shalt  }
0x50: {  	_ =	shalt  }
0x51: {  	_ =	shalt  }
0x52: {  	_ =	shalt  }
0x53: {  	_ =	shalt  }
0x54: {  	_ =	shalt  }
0x55: {  	_ =	shalt  }
0x56: {  	_ =	shalt  }
0x57: {  	_ =	shalt  }
0x58: {  	_ =	shalt  }
0x59: {  	_ =	shalt  }
0x5a: {  	_ =	shalt  }
0x5b: {  	_ =	shalt  }
0x5c: {  	_ =	shalt  }
0x5d: {  	_ =	shalt  }
0x5e: {  	_ =	shalt  }
0x5f: {  	_ =	shalt  }
0x60: {  	_ =	shalt  }
0x61: {  	_ =	shalt  }
0x62: {  	_ =	shalt  }
0x63: {  	_ =	shalt  }
0x64: {  	_ =	shalt  }
0x65: {  	_ =	shalt  }
0x66: {  	_ =	shalt  }
0x67: {  	_ =	shalt  }
0x68: {  	_ =	shalt  }
0x69: {  	_ =	shalt  }
0x6a: {  	_ =	shalt  }
0x6b: {  	_ =	shalt  }
0x6c: {  	_ =	shalt  }
0x6d: {  	_ =	shalt  }
0x6e: {  	_ =	shalt  }
0x6f: {  	_ =	shalt  }
0x70: {  	_ =	shalt  }
0x71: {  	_ =	shalt  }
0x72: {  	_ =	shalt  }
0x73: {  	_ =	shalt  }
0x74: {  	_ =	shalt  }
0x75: {  	_ =	shalt  }
0x76: {  	_ =	shalt  }
0x77: {  	_ =	shalt  }
0x78: {  	_ =	shalt  }
0x79: {  	_ =	shalt  }
0x7a: {  	_ =	shalt  }
0x7b: {  	_ =	shalt  }
0x7c: {  	_ =	shalt  }
0x7d: {  	_ =	shalt  }
0x7e: {  	_ =	shalt  }
0x7f: {  	_ =	shalt  }
0x80: {  	_ =	shalt  }
0x81: {  	_ =	shalt  }
0x82: {  	_ =	shalt  }
0x83: {  	_ =	shalt  }
0x84: {  	_ =	shalt  }
0x85: {  	_ =	shalt  }
0x86: {  	_ =	shalt  }
0x87: {  	_ =	shalt  }
.Lfunc_end0:
.L_simem_size_0:
called_computation_lowered:
.L_overlay_start_0:
0x88: {  	s2 =	sld [smem:$0x3FD9]  }
0x89: {  	s3 =	sld [smem:$0x3FFE];
	_ =	sdelay $0x1  }
0x8a: {  	s1 =	srdreg.scid  }
0x8b: {  	s0 =	sand.u32 $0x1, s1  }
0x8c: {  	s17 =	sshll.u32 s0, $0xA;
	s2 =	sadd.s32 s3, s2  }
0x8d: {  	s2 =	sadd.s32 s2, s17  }
0x8e: {  	[smem:$0x3FC1] =	sst s2  }
0x8f: {  	_ = 	snop  }
0x90: {  	s2 =	sld [smem:$0x3FC7]  }
0x91: {  	s18 =	sld [smem:$0x3FC6];
	(tm) =	ssettm $0x1  }
0x92: {  	s4 =	sld [smem:$0x3FFB];
	_ =	sdelay $0x3  }
0x93: {  	_ =	strace s4  }
0x94: {  	s4 =	sld [smem:$0x3FFC];
	_ =	sdelay $0x3  }
0x95: {  	_ =	strace s4  }
0x96: {  	s4 =	sld [smem:$0x3FFD];
	_ =	sdelay $0x3  }
0x97: {  	_ =	strace s4  }
0x98: {  	_ =	strace $0x8FFFFFFF  }
0x99: {  	s19 =	sld [smem:$0x3FDB];
	_ =	sdelay $0x1  }
0x9a: {  	s5 =	simm.s32 $_scs_section_size  }
0x9b: {  	s6 =	simm.s32 $_size__tile_overlayer_lowered;
	s7 =	simm.s32 $_tile_overlayer_lowered  }
0x9c: {  	s22 =	simm.s32 $0x1BFF;
	s21 =	sshll.u32 s7, $0x1;
	s4 =	sadd.s32 s5, s19  }
0x9d: {  	s8 =	simm.s32 $0x0;
	s20 =	sshll.u32 s6, $0x1;
	s6 =	sadd.s32 s21, s4  }
0x9e: {  	[timem:s8], [sflag:s22] =	dma.local [hbm:s6], s20  }
0x9f: {  	_ =	swait.ge [sflag:s22], s20  }
0xa0: {  	s5 =	ssub.s32 $0x0, s20;
	[sflag:s22] =	ssyncset.done $0x0  }
0xa1: {  	[sflag:s22] =	ssyncadd.s32 s5;
	_ =	sdelay $0x1  }
0xa2: {  	s23 =	simm.s32 $0x1B8B  }
0xa3: {  	_ =	swait.ge [sflag:s23], $0x1  }
0xa4: {  	[sflag:s23] =	ssyncset.done $0x0  }
0xa5: {  	s25 =	simm.s32 $0x1B8E;
	s24 =	sld [smem:$0x3FFE];
	[sflag:s23] =	ssyncadd.s32 $0xFFFFFFFF  }
0xa6: {  	s26 =	simm.s32 $execute0_lowered;
	[smem:$0x3FD2] =	sst s25  }
0xa7: {  	s6 =	sshll.u32 s26, $0x1;
	_ =	strace $0x80000046;
	[dreg:$0x1] =	wrdreg $0xFFFFFFFF  }
0xa8: {  	s28 =	simm.s32 $_size_execute0_lowered;
	s4 =	sadd.s32 s4, s6;
	[dreg:$0x0] =	wrdreg $0x0  }
0xa9: {  	s6 =	sshll.u32 s28, $0x1;
	[dreg:$0x2] =	wrdreg s4  }
0xaa: {  	[dreg:$0x3] =	wrdreg s6  }
0xab: {  	[dreg:$0x4] =	wrdreg $0xC0  }
0xac: {  	_ =	task [dreg:s8], $0x5FFFF  }
0xad: {  	[dreg:$0x1] =	wrdreg $0xFFFFFFFF  }
0xae: {  	[dreg:$0x0] =	wrdreg $0x60  }
0xaf: {  	[dreg:$0x2] =	wrdreg s2  }
0xb0: {  	[dreg:$0x3] =	wrdreg s18  }
0xb1: {  	[dreg:$0x4] =	wrdreg s24  }
0xb2: {  	[dreg:$0x5] =	wrdreg $0x9  }
0xb3: {  	_ =	task.clear_ibuf [dreg:s8], $0x6FFFF;
	_ =	strace $0x90000046  }
0xb4: {  	s29 =	simm.s32 $0x9;
	_ =	strace $0x80000048  }
0xb5: {  	_ =	swait.ge [sflag:s29], $0x1  }
0xb6: {  	[sflag:s29] =	ssyncadd.s32 $0xFFFFFFFF  }
0xb7: {  	_ =	strace $0x90000048  }
0xb8: {  	_ =	sfence  }
0xb9: {  	s30 =	sld [smem:$0x0];
	_ =	sdelay $0x2  }
0xba: {  	s31 =	sshll.u32 s1, $0xD;
	s1 =	sshrl.u32 s1, $0x2  }
0xbb: {  	s3 =	sand.u32 $0x4000, s31;
	s1 =	sadd.s32 s1, s30  }
0xbc: {  	s0 =	sor.u32 s3, s0;
	s1 =	sshll.u32 s1, $0x11  }
0xbd: {  	s0 =	sor.u32 s1, s0  }
0xbe: {  	s0 =	sadd.s32 $0x8F2B, s0  }
0xbf: {  	[sflag:s0] =	ssyncadd.remote.s32 $0x1  }
0xc0: {  	_ =	sfence.sel $0xFFFF  }
0xc1: {  	[dreg:$0x0] =	wrdreg $0xFFFFFFFF;
	(pc) =	sbr.abs _section_cstart, $3  }
0xc2: {  	[dreg:$0x1] =	wrdreg $0xFFFFFFFF  }
0xc3: {  	_ =	task.clear_ibuf [dreg:s8], $0x2FFFF;
	_ =	strace $0x9FFFFFFF  }
0xc4: {  	(tm) =	ssettm $0x7FFFFFFF  }
0xc5: {  	_ =	shalt  }
tec
execute0_lowered:
.L_overlay_start_1:
0x0: {  	(tag) =	ssettag $0x1  }
0x1: {  	v0 =	vimm.s32 $0x2780;
	vm0 =	vcmask $0x300  }
0x2: {  	vm14 =	vcmask $0x704;
	v0 =	vsel vm0, $0x0, v0  }
0x3: {  	s6 =	rddreg [dreg:$0x0];
	vm15 =	vcmask $0xB08;
	v0 =	vsel vm14, $0x80, v0  }
0x4: {  	s8 =	rddreg [dreg:$0x1];
	vm4 =	vcmask $0xF0C;
	v0 =	vsel vm15, $0x100, v0  }
0x5: {  	s0 =	rddreg [dreg:$0x2];
	vm5 =	vcmask $0x1310;
	v0 =	vsel vm4, $0x180, v0  }
0x6: {  	vm6 =	vcmask $0x1714;
	s4 =	simm.s32 $0x0;
	s1 =	srdreg.scid;
	s2 =	stileid.u32;
	v0 =	vsel vm5, $0x200, v0  }
0x7: {  	vm7 =	vcmask $0x1B18;
	s14 =	simm.s32 $0x4800;
	s16 =	simm.s32 $0x1;
	s19 =	simm.s32 $0x2;
	v0 =	vsel vm6, $0x280, v0  }
0x8: {  	vm8 =	vcmask $0x1F1C;
	[smem:$0x7FF] =	sst s4;
	s1 =	sand.u32 $0x1, s1;
	s2 =	sshll.u32 s2, $0x1;
	v0 =	vsel vm7, $0x300, v0  }
0x9: {  	vm9 =	vcmask $0x2320;
	s25 =	sadd.s32 $0x1000, s0;
	s3 =	ssub.s32 $0x2, s1;
	s5 =	sor.u32 s1, s2;
	v0 =	vsel vm8, $0x380, v0  }
0xa: {  	vm10 =	vcmask $0x2724;
	_ =	strace $0x80000047;
	s26 =	sshrl.u32 s3, $0x1;
	s2 =	sshll.u32 s5, $0xA;
	v0 =	vsel vm9, $0x2400, v0  }
0xb: {  	vm11 =	vcmask $0x2B28;
	[dreg:$0x4] =	wrdreg s25;
	s28 =	ssub.s32 s3, s26;
	s29 =	sadd.s32 s6, s2;
	v0 =	vsel vm10, $0x2480, v0  }
.Ltmp0:
0xc: {  	vm12 =	vcmask $0x2F2C;
	s2 =	sadd.s32 s8, s2;
	[dreg:$0x5] =	wrdreg s29;
	v0 =	vsel vm11, $0x2500, v0;
	(pc) =	sbr.rel .LBB2_1-.Ltmp0, $4  }
0xd: {  	vm13 =	vcmask $0x3330;
	s7 =	sadd.s32 $0x1E9600, s0;
	s0 =	smax.u32 s28, $0x1;
	[dreg:$0x6] =	wrdreg s2;
	v0 =	vsel vm12, $0x2580, v0  }
0xe: {  	s20 =	simm.s32 $0x3;
	vm14 =	vcmask $0x3734;
	s30 =	sadd.s32 $0xF4280, s29;
	[dreg:$0x7] =	wrdreg s0;
	v0 =	vsel vm13, $0x2600, v0  }
0xf: {  	s21 =	simm.s32 $0x9000;
	vm15 =	vcmask $0x3B38;
	s31 =	sadd.s32 $0xF4280, s2;
	[dreg:$0x8] =	wrdreg s30;
	v0 =	vsel vm14, $0x2680, v0  }
0x10: {  	s22 =	simm.s32 $0xD800;
	s1 =	simm.s32 $0x0;
	[dreg:$0x9] =	wrdreg s31;
	v0 =	vsel vm15, $0x2700, v0  }
.LBB2_14:
0x11: {  	_ =	swait.ge [sflag:s20], $0x4000  }
0x12: {  	[sflag:s20] =	ssyncset.done $0x0  }
0x13: {  	[sflag:s20] =	ssyncadd.s32 $0xFFFFC000  }
0x14: {  	_ =	swait.ge [sflag:s20], $0x4000  }
0x15: {  	s1 =	rddreg [dreg:$0xa]  }
0x16: {  	s0 =	rddreg [dreg:$0x7];
	s1 =	sadd.s32 $0x1, s1  }
0x17: {  	p0 =	sne.s32 s1, s0  }
.Ltmp1:
0x18: {  	_ = 	snop;
	(pc) =	sbr.rel @!p0 .LBB2_15-.Ltmp1, $3  }
0x19: {  	_ =	sdelay $0x1  }
0x1a: {  	[sflag:s20] =	ssyncset.done $0x0  }
0x1b: {  	[sflag:s20] =	ssyncadd.s32 $0xFFFFC000  }
.LBB2_1:
0x1c: {  	s0 =	rddreg [dreg:$0x5]  }
0x1d: {  	[tilespmem:s4], [sflag:$0x1] =	stream.linear.gather [hbm4b:s0+s4], $0x2000, $0x38;
	[tilespmem:$0x1A000] =	vst v63  }
0x1e: {  	s26 =	rddreg [dreg:$0x8];
	s28 =	simm.s32 $0x2400  }
0x1f: {  	[tilespmem:s28], [sflag:$0x1] =	stream.linear.gather [hbm4b:s26+s4], $0x2000, $0x38;
	[tilespmem:$0x1A000] =	vst v63  }
.Ltmp2:
0x20: {  	[dreg:$0xa] =	wrdreg s1;
	(pc) =	sbr.rel .LBB2_2-.Ltmp2, $4  }
0x21: {  	s29 =	rddreg [dreg:$0x6]  }
0x22: {  	[tilespmem:s14], [sflag:$0x1] =	stream.linear.gather [hbm4b:s29+s4], $0x2000, $0x38;
	[tilespmem:$0x1A000] =	vst v63  }
0x23: {  	s30 =	rddreg [dreg:$0x9];
	s31 =	simm.s32 $0x6C00;
	s24 =	simm.s32 $0x0  }
0x24: {  	[tilespmem:s31], [sflag:$0x1] =	stream.linear.gather [hbm4b:s30+s4], $0x2000, $0x38;
	[tilespmem:$0x1A000] =	vst v63  }
.LBB2_13:
0x25: {  	s24 =	sadd.s32 $0x1, s24  }
0x26: {  	p0 =	sne.s32 s24, $0x10  }
.Ltmp3:
0x27: {  	_ = 	snop;
	(pc) =	sbr.rel @!p0 .LBB2_14-.Ltmp3, $1  }
0x28: {  	_ =	sdelay $0x3  }
.LBB2_2:
0x29: {  	s0 =	sshll.u32 s24, $0x6  }
0x2a: {  	s26 =	sor.u32 s5, s0  }
0x2b: {  	p0 =	sgt.u32 s26, $0x3CF  }
.Ltmp4:
0x2c: {  	_ = 	snop;
	(pc) =	sbr.rel @p0 .LBB2_13-.Ltmp4, $1  }
0x2d: {  	_ =	sdelay $0x3  }
0x2e: {  	s0 =	simm.s32 $0x1F  }
0x2f: {  	s1 =	simm.s32 $0x1;
	s3 =	simm.s32 $0x10;
	s6 =	simm.s32 $0x11;
	v2 =	vmov s0  }
0x30: {  	s2 =	simm.s32 $0x12;
	s8 =	simm.s32 $0x13;
	s9 =	simm.s32 $0x14;
	v1 =	vmov s1;
	v4 =	vmov s3;
	v5 =	vmov s6  }
0x31: {  	s10 =	simm.s32 $0x15;
	s11 =	simm.s32 $0x16;
	s12 =	simm.s32 $0x17;
	v6 =	vmov s2;
	v7 =	vmov s8;
	v8 =	vmov s9  }
0x32: {  	s13 =	simm.s32 $0x18;
	s15 =	simm.s32 $0x19;
	s17 =	simm.s32 $0x1A;
	v9 =	vmov s10;
	v10 =	vmov s11;
	v11 =	vmov s12  }
0x33: {  	s18 =	simm.s32 $0x1B;
	s23 =	simm.s32 $0x1C;
	s25 =	simm.s32 $0x1D;
	v12 =	vmov s13;
	v13 =	vmov s15;
	v14 =	vmov s17  }
0x34: {  	s31 =	simm.s32 $0x1E;
	v15 =	vmov s18;
	v16 =	vmov s23;
	v17 =	vmov s25  }
0x35: {  	v18 =	vmov s31;
	v3 =	vand.u32 $0x7F, v2;
	v2 =	vshll.u32 v2, $0x3  }
0x36: {  	v19 =	vand.u32 $0x70, v4;
	v20 =	vand.u32 $0x71, v5;
	v21 =	vand.u32 $0x72, v6  }
0x37: {  	v22 =	vand.u32 $0x73, v7;
	v23 =	vand.u32 $0x74, v8;
	v24 =	vand.u32 $0x75, v9  }
0x38: {  	v25 =	vand.u32 $0x76, v10;
	v26 =	vand.u32 $0x77, v11;
	v27 =	vand.u32 $0x78, v12  }
0x39: {  	_ =	swait.ge [sflag:s16], $0x4000;
	v28 =	vand.u32 $0x79, v13;
	v29 =	vand.u32 $0x7A, v14;
	v30 =	vand.u32 $0x7B, v15  }
0x3a: {  	[sflag:s16] =	ssyncset.done $0x0;
	v31 =	vand.u32 $0x7C, v16;
	v32 =	vand.u32 $0x7D, v17;
	v33 =	vand.u32 $0x7E, v18  }
0x3b: {  	[sflag:s16] =	ssyncadd.s32 $0xFFFFC000;
	v4 =	vshll.u32 v4, $0x3;
	v5 =	vshll.u32 v5, $0x3;
	v6 =	vshll.u32 v6, $0x3  }
0x3c: {  	s25 =	sor.u32 $0x20, s26;
	s6 =	simm.s32 $0x6;
	v7 =	vshll.u32 v7, $0x3;
	v8 =	vshll.u32 v8, $0x3;
	v9 =	vshll.u32 v9, $0x3;
	_ =	swait.ge [sflag:s16], $0x4000  }
0x3d: {  	s12 =	simm.s32 $0x8;
	s15 =	simm.s32 $0xB;
	v10 =	vshll.u32 v10, $0x3;
	v11 =	vshll.u32 v11, $0x3;
	v12 =	vshll.u32 v12, $0x3;
	[sflag:s16] =	ssyncset.done $0x0  }
0x3e: {  	s17 =	simm.s32 $0xC;
	p0 =	sgt.u32 s25, $0x3CF;
	v13 =	vshll.u32 v13, $0x3;
	v14 =	vshll.u32 v14, $0x3;
	v15 =	vshll.u32 v15, $0x3;
	[sflag:s16] =	ssyncadd.s32 $0xFFFFC000  }
0x3f: {  	s23 =	simm.s32 $0xE;
	v16 =	vshll.u32 v16, $0x3;
	v17 =	vshll.u32 v17, $0x3;
	v18 =	vshll.u32 v18, $0x3;
	s0 =	sshll.u32 @!p0 s25, $0xA;
	s1 =	rddreg [dreg:$0x0]  }
0x40: {  	v52 =	vmov s6;
	v53 =	vmov s12;
	v55 =	vmov s15;
	s2 =	simm.s32 @!p0 $0x0;
	s3 =	simm.s32 @!p0 $0x9000;
	s1 =	sadd.s32 @!p0 s1, s0  }
0x41: {  	v56 =	vmov s17;
	v57 =	vmov s23;
	v34 =	vshll.u32 v1, $0x3;
	[tilespmem:s3], [sflag:$0x2] =	stream.linear.gather @!p0 [hbm4b:s1+s2], $0x2000, $0x38;
	[tilespmem:$0x1A000] =	vst v63  }
0x42: {  	v1 =	vand.u32 $0x61, v1;
	v2 =	vand.u32 $0x7FFFFC00, v2;
	v4 =	vand.u32 $0x1C00, v4;
	s1 =	sadd.s32 @!p0 $0xF4280, s1;
	s3 =	simm.s32 @!p0 $0xB400  }
0x43: {  	v12 =	vand.u32 $0x7FFFFC00, v12;
	v13 =	vand.u32 $0x7FFFFC00, v13;
	v14 =	vand.u32 $0x7FFFFC00, v14;
	[tilespmem:s3], [sflag:$0x2] =	stream.linear.gather @!p0 [hbm4b:s1+s2], $0x2000, $0x38;
	[tilespmem:$0x1A000] =	vst v63  }
0x44: {  	v15 =	vand.u32 $0x7FFFFC00, v15;
	v16 =	vand.u32 $0x7FFFFC00, v16;
	v17 =	vand.u32 $0x7FFFFC00, v17;
	s1 =	rddreg [dreg:$0x1]  }
0x45: {  	v39 =	vshll.u32 v52, $0x3;
	v41 =	vshll.u32 v53, $0x3;
	v44 =	vshll.u32 v55, $0x3;
	s0 =	sadd.s32 @!p0 s1, s0;
	s1 =	simm.s32 @!p0 $0xD800  }
0x46: {  	v45 =	vshll.u32 v56, $0x3;
	v47 =	vshll.u32 v57, $0x3;
	v34 =	vand.u32 $0x1C00, v34;
	[tilespmem:s1], [sflag:$0x2] =	stream.linear.gather @!p0 [hbm4b:s0+s2], $0x2000, $0x38;
	[tilespmem:$0x1A000] =	vst v63  }
0x47: {  	p1 =	seq.s32 s24, $0x0;
	v52 =	vand.u32 $0x66, v52;
	v53 =	vand.u32 $0x68, v53;
	v55 =	vand.u32 $0x6B, v55;
	s0 =	sadd.s32 @!p0 $0xF4280, s0;
	s1 =	simm.s32 @!p0 $0xFC00  }
0x48: {  	v56 =	vand.u32 $0x6C, v56;
	v57 =	vand.u32 $0x6E, v57;
	v2 =	vor.u32 v3, v2;
	[tilespmem:s1], [sflag:$0x2] =	stream.linear.gather @!p0 [hbm4b:s0+s2], $0x2000, $0x38;
	[tilespmem:$0x1A000] =	vst v63  }
0x49: {  	v3 =	vor.u32 v19, v4;
	v4 =	vand.u32 $0x7FFFFC00, v5;
	v5 =	vand.u32 $0x7FFFFC00, v6;
	s0 =	simm.s32 @!p1 $0x3  }
0x4a: {  	v6 =	vand.u32 $0x7FFFFC00, v7;
	v7 =	vand.u32 $0x7FFFFC00, v8;
	v8 =	vand.u32 $0x7FFFFC00, v9;
	_ =	swait.ge @!p1 [sflag:s0], $0x4000  }
0x4b: {  	v9 =	vand.u32 $0x7FFFFC00, v10;
	v10 =	vand.u32 $0x7FFFFC00, v11;
	v2 =	vadd.s32 v0, v2;
	[sflag:s0] =	ssyncset.done @!p1 $0x0  }
0x4c: {  	v11 =	vand.u32 $0x7FFFFC00, v18;
	v3 =	vadd.s32 v0, v3;
	v4 =	vor.u32 v20, v4;
	[sflag:s0] =	ssyncadd.s32 @!p1 $0xFFFFC000  }
0x4d: {  	v12 =	vor.u32 v27, v12;
	v5 =	vor.u32 v21, v5;
	v4 =	vadd.s32 v0, v4;
	_ =	swait.ge @!p1 [sflag:s0], $0x4000  }
0x4e: {  	v13 =	vor.u32 v28, v13;
	v6 =	vor.u32 v22, v6;
	v5 =	vadd.s32 v0, v5;
	[sflag:s0] =	ssyncset.done @!p1 $0x0  }
0x4f: {  	v14 =	vor.u32 v29, v14;
	v7 =	vor.u32 v23, v7;
	v6 =	vadd.s32 v0, v6;
	[sflag:s0] =	ssyncadd.s32 @!p1 $0xFFFFC000  }
0x50: {  	v15 =	vor.u32 v30, v15;
	v8 =	vor.u32 v24, v8;
	v7 =	vadd.s32 v0, v7;
	v2 =	vld.idx.msk [tilespmem:v2+s4+$0x0], $0xffff  }
0x51: {  	v16 =	vor.u32 v31, v16;
	v9 =	vor.u32 v25, v9;
	v8 =	vadd.s32 v0, v8;
	v3 =	vld.idx.msk [tilespmem:v3+s4+$0x0], $0xffff  }
0x52: {  	s13 =	simm.s32 $0xA;
	v17 =	vor.u32 v32, v17;
	v10 =	vor.u32 v26, v10;
	v9 =	vadd.s32 v0, v9;
	v4 =	vld.idx.msk [tilespmem:v4+s4+$0x0], $0xffff  }
0x53: {  	s18 =	simm.s32 $0xD;
	s31 =	simm.s32 $0xF;
	v27 =	vmov s13;
	v11 =	vor.u32 v33, v11;
	v10 =	vadd.s32 v0, v10;
	v5 =	vld.idx.msk [tilespmem:v5+s4+$0x0], $0xffff  }
0x54: {  	v30 =	vmov s18;
	v32 =	vmov s31;
	v11 =	vadd.s32 v0, v11;
	v6 =	vld.idx.msk [tilespmem:v6+s4+$0x0], $0xffff  }
0x55: {  	v59 =	vand.u32 $0x1C00, v39;
	v12 =	vadd.s32 v0, v12;
	v13 =	vadd.s32 v0, v13;
	v7 =	vld.idx.msk [tilespmem:v7+s4+$0x0], $0xffff  }
0x56: {  	s8 =	simm.s32 $0x3;
	s9 =	simm.s32 $0x4;
	v14 =	vadd.s32 v0, v14;
	v15 =	vadd.s32 v0, v15;
	v16 =	vadd.s32 v0, v16;
	v8 =	vld.idx.msk [tilespmem:v8+s4+$0x0], $0xffff  }
0x57: {  	s10 =	simm.s32 $0x5;
	s11 =	simm.s32 $0x7;
	v20 =	vmov s8;
	v17 =	vadd.s32 v0, v17;
	v21 =	vmov s9;
	v9 =	vld.idx.msk [tilespmem:v9+s4+$0x0], $0xffff  }
0x58: {  	v22 =	vmov s10;
	v24 =	vmov s11;
	v43 =	vshll.u32 v27, $0x3;
	v10 =	vld.idx.msk [tilespmem:v10+s4+$0x0], $0xffff  }
0x59: {  	s8 =	simm.s32 $0x9;
	v46 =	vshll.u32 v30, $0x3;
	v48 =	vshll.u32 v32, $0x3;
	v59 =	vor.u32 v52, v59;
	v11 =	vld.idx.msk [tilespmem:v11+s4+$0x0], $0xffff  }
0x5a: {  	v54 =	vmov s8;
	v36 =	vshll.u32 v20, $0x3;
	v37 =	vshll.u32 v21, $0x3;
	v12 =	vld.idx.msk [tilespmem:v12+s4+$0x0], $0xffff  }
0x5b: {  	v38 =	vshll.u32 v22, $0x3;
	v40 =	vshll.u32 v24, $0x3;
	v62 =	vand.u32 $0x1C00, v43;
	v13 =	vld.idx.msk [tilespmem:v13+s4+$0x0], $0xffff  }
0x5c: {  	v43 =	vand.u32 $0x1C00, v44;
	v44 =	vand.u32 $0x1C00, v45;
	v63 =	vand.u32 $0x1C00, v46;
	v14 =	vld.idx.msk [tilespmem:v14+s4+$0x0], $0xffff  }
0x5d: {  	v50 =	vand.u32 $0x1C00, v48;
	v51 =	vand.u32 $0x65, v22;
	v42 =	vshll.u32 v54, $0x3;
	v49 =	vld.idx.msk [tilespmem:v15+s4+$0x0], $0xffff  }
0x5e: {  	s28 =	simm.s32 $0x12100;
	v36 =	vand.u32 $0x1C00, v36;
	v37 =	vand.u32 $0x1C00, v37;
	v60 =	vand.u32 $0x1C00, v40;
	s3 =	simm.s32 $0x2;
	v40 =	vld.idx.msk [tilespmem:v16+s4+$0x0], $0xffff  }
0x5f: {  	v54 =	vand.u32 $0x69, v54;
	v25 =	vor.u32 v56, v44;
	v19 =	vmov s3;
	s2 =	simm.s32 $0x0;
	v17 =	vld.idx.msk [tilespmem:v17+s4+$0x0], $0xffff;
	[tilespmem:s28+$0xE0] =	vst v11  }
0x60: {  	v61 =	vand.u32 $0x1C00, v42;
	v35 =	vshll.u32 v19, $0x3;
	v18 =	vmov s2;
	[tilespmem:s28+$0x0] =	vst v3  }
0x61: {  	v61 =	vor.u32 v54, v61;
	v35 =	vand.u32 $0x1C00, v35;
	v58 =	vshll.u32 v18, $0x3;
	[tilespmem:s28+$0x10] =	vst v4  }
0x62: {  	v33 =	vand.u32 $0x1C00, v58;
	v58 =	vand.u32 $0x6F, v32;
	v15 =	vand.u32 $0x1C00, v38;
	[tilespmem:s28+$0x20] =	vst v5  }
0x63: {  	v16 =	vand.u32 $0x1C00, v41;
	v11 =	vand.u32 $0x60, v18;
	v18 =	vand.u32 $0x1C00, v47;
	[tilespmem:s28+$0x30] =	vst v6  }
0x64: {  	v3 =	vand.u32 $0x62, v19;
	v19 =	vand.u32 $0x63, v20;
	v4 =	vand.u32 $0x64, v21;
	[tilespmem:s28+$0x40] =	vst v7  }
0x65: {  	v5 =	vand.u32 $0x67, v24;
	v6 =	vand.u32 $0x6A, v27;
	v7 =	vand.u32 $0x6D, v30;
	[tilespmem:s28+$0x50] =	vst v8  }
0x66: {  	[tilespmem:s28+$0x60] =	vst v9;
	v24 =	vor.u32 v55, v43;
	v8 =	vor.u32 v11, v33;
	v11 =	vor.u32 v1, v34  }
0x67: {  	[tilespmem:s28+$0x70] =	vst v10;
	v3 =	vor.u32 v3, v35;
	v9 =	vor.u32 v19, v36;
	v4 =	vor.u32 v4, v37  }
0x68: {  	[tilespmem:s28+$0x80] =	vst v12;
	v19 =	vor.u32 v51, v15;
	v5 =	vor.u32 v5, v60;
	v60 =	vor.u32 v53, v16  }
0x69: {  	[tilespmem:s28+$0x90] =	vst v13;
	v62 =	vor.u32 v6, v62;
	v63 =	vor.u32 v7, v63;
	v1 =	vor.u32 v57, v18  }
0x6a: {  	[tilespmem:s28+$0xA0] =	vst v14;
	v15 =	vor.u32 v58, v50;
	v6 =	vadd.s32 v0, v61;
	v16 =	vadd.s32 v0, v8  }
0x6b: {  	[tilespmem:s28+$0xB0] =	vst v49;
	v14 =	vadd.s32 v0, v11;
	v13 =	vadd.s32 v0, v3;
	v12 =	vadd.s32 v0, v9  }
0x6c: {  	[tilespmem:s28+$0xC0] =	vst v40;
	v11 =	vadd.s32 v0, v4;
	v10 =	vadd.s32 v0, v19;
	v9 =	vadd.s32 v0, v59  }
0x6d: {  	[tilespmem:s28+$0xD0] =	vst v17;
	v8 =	vadd.s32 v0, v5;
	v7 =	vadd.s32 v0, v60;
	v5 =	vadd.s32 v0, v62  }
0x6e: {  	s29 =	simm.s32 $0x0;
	s30 =	simm.s32 $0x3F;
	[tilespmem:s28+$0xF0] =	vst v2;
	v4 =	vadd.s32 v0, v24;
	v3 =	vadd.s32 v0, v25;
	v2 =	vadd.s32 v0, v63  }
.LBB2_4:
0x6f: {  	s0 =	sadd.s32 $0xFFFFFFE2, s30;
	s31 =	sadd.s32 $0xFFFFFFE3, s30;
	s1 =	sadd.s32 $0xFFFFFFE4, s30;
	v17 =	vmov s30;
	v16 =	vld.idx.msk [tilespmem:v16+s4+$0x0], $0xffff;
	v18 =	vadd.s32 v0, v1;
	v15 =	vadd.s32 v0, v15  }
0x70: {  	s2 =	sadd.s32 $0xFFFFFFF2, s30;
	s3 =	sadd.s32 $0xFFFFFFF3, s30;
	v1 =	vmov s0;
	s0 =	sadd.s32 $0xFFFFFFF1, s30;
	v19 =	vand.u32 $0x7F, v17;
	v17 =	vshll.u32 v17, $0x3;
	v14 =	vld.idx.msk [tilespmem:v14+s4+$0x0], $0xffff  }
0x71: {  	v21 =	vmov s2;
	v22 =	vmov s3;
	s2 =	sadd.s32 $0xFFFFFFF5, s30;
	s3 =	sadd.s32 $0xFFFFFFF6, s30;
	v20 =	vmov s0;
	s0 =	sadd.s32 $0xFFFFFFF4, s30;
	v13 =	vld.idx.msk [tilespmem:v13+s4+$0x0], $0xffff  }
0x72: {  	v24 =	vmov s2;
	v25 =	vmov s3;
	s2 =	sadd.s32 $0xFFFFFFF8, s30;
	s3 =	sadd.s32 $0xFFFFFFF9, s30;
	v23 =	vmov s0;
	s0 =	sadd.s32 $0xFFFFFFF7, s30;
	v12 =	vld.idx.msk [tilespmem:v12+s4+$0x0], $0xffff  }
0x73: {  	v27 =	vmov s2;
	v28 =	vmov s3;
	s2 =	sadd.s32 $0xFFFFFFFB, s30;
	s3 =	sadd.s32 $0xFFFFFFFC, s30;
	v26 =	vmov s0;
	s0 =	sadd.s32 $0xFFFFFFFA, s30;
	v11 =	vld.idx.msk [tilespmem:v11+s4+$0x0], $0xffff  }
0x74: {  	s6 =	sadd.s32 $0xFFFFFFFF, s30;
	v30 =	vmov s2;
	v31 =	vmov s3;
	s2 =	sadd.s32 $0xFFFFFFFE, s30;
	v29 =	vmov s0;
	s0 =	sadd.s32 $0xFFFFFFFD, s30;
	v10 =	vld.idx.msk [tilespmem:v10+s4+$0x0], $0xffff  }
0x75: {  	s13 =	sadd.s32 $0xFFFFFFE6, s30;
	s15 =	sadd.s32 $0xFFFFFFE7, s30;
	v34 =	vmov s6;
	s3 =	sadd.s32 $0xFFFFFFE5, s30;
	v33 =	vmov s2;
	v32 =	vmov s0;
	v9 =	vld.idx.msk [tilespmem:v9+s4+$0x0], $0xffff  }
0x76: {  	s10 =	sadd.s32 $0xFFFFFFE8, s30;
	s11 =	sadd.s32 $0xFFFFFFE9, s30;
	s12 =	sadd.s32 $0xFFFFFFEA, s30;
	v36 =	vand.u32 $0x71, v21;
	v37 =	vand.u32 $0x72, v22;
	v35 =	vand.u32 $0x70, v20;
	v8 =	vld.idx.msk [tilespmem:v8+s4+$0x0], $0xffff  }
0x77: {  	s8 =	sadd.s32 $0xFFFFFFEB, s30;
	s9 =	sadd.s32 $0xFFFFFFEC, s30;
	s23 =	sadd.s32 $0xFFFFFFED, s30;
	v39 =	vand.u32 $0x74, v24;
	v40 =	vand.u32 $0x75, v25;
	v38 =	vand.u32 $0x73, v23;
	v7 =	vld.idx.msk [tilespmem:v7+s4+$0x0], $0xffff  }
0x78: {  	s17 =	sadd.s32 $0xFFFFFFF0, s30;
	v42 =	vand.u32 $0x77, v27;
	v43 =	vand.u32 $0x78, v28;
	s2 =	sadd.s32 $0xFFFFFFEF, s30;
	v41 =	vand.u32 $0x76, v26;
	s0 =	sadd.s32 $0xFFFFFFEE, s30;
	v6 =	vld.idx.msk [tilespmem:v6+s4+$0x0], $0xffff  }
0x79: {  	s18 =	sadd.s32 $0xFFFFFFE1, s30;
	v45 =	vand.u32 $0x7A, v30;
	v46 =	vand.u32 $0x7B, v31;
	v44 =	vand.u32 $0x79, v29;
	v5 =	vld.idx.msk [tilespmem:v5+s4+$0x0], $0xffff  }
0x7a: {  	v49 =	vand.u32 $0x7E, v34;
	v48 =	vand.u32 $0x7D, v33;
	v47 =	vand.u32 $0x7C, v32;
	v4 =	vld.idx.msk [tilespmem:v4+s4+$0x0], $0xffff  }
0x7b: {  	v21 =	vshll.u32 v21, $0x3;
	v17 =	vand.u32 $0x7FFFFC00, v17;
	v20 =	vshll.u32 v20, $0x3;
	v3 =	vld.idx.msk [tilespmem:v3+s4+$0x0], $0xffff  }
0x7c: {  	v22 =	vshll.u32 v22, $0x3;
	v24 =	vshll.u32 v24, $0x3;
	v23 =	vshll.u32 v23, $0x3;
	v50 =	vld.idx.msk [tilespmem:v2+s4+$0x0], $0xffff  }
0x7d: {  	v2 =	vshll.u32 v25, $0x3;
	v25 =	vshll.u32 v26, $0x3;
	v26 =	vshll.u32 v27, $0x3;
	v18 =	vld.idx.msk [tilespmem:v18+s4+$0x0], $0xffff  }
0x7e: {  	v27 =	vshll.u32 v28, $0x3;
	v28 =	vshll.u32 v29, $0x3;
	v29 =	vshll.u32 v30, $0x3;
	v15 =	vld.idx.msk [tilespmem:v15+s4+$0x0], $0xffff;
	[tilespmem:s28+$0xFFFFFF00] =	vst v16  }
0x7f: {  	v30 =	vshll.u32 v32, $0x3;
	v16 =	vshll.u32 v31, $0x3;
	v31 =	vshll.u32 v33, $0x3;
	[tilespmem:s28+$0xFFFFFF10] =	vst v14  }
0x80: {  	v17 =	vor.u32 v19, v17;
	v14 =	vand.u32 $0x1C00, v20;
	v20 =	vshll.u32 v34, $0x3;
	[tilespmem:s28+$0xFFFFFF20] =	vst v13  }
0x81: {  	v17 =	vadd.s32 v0, v17;
	v13 =	vor.u32 v35, v14;
	v14 =	vand.u32 $0x7FFFFC00, v21;
	[tilespmem:s28+$0xFFFFFF30] =	vst v12  }
0x82: {  	v12 =	vadd.s32 v0, v13;
	v13 =	vor.u32 v36, v14;
	v14 =	vand.u32 $0x7FFFFC00, v22;
	[tilespmem:s28+$0xFFFFFF40] =	vst v11  }
0x83: {  	v11 =	vadd.s32 v0, v13;
	v13 =	vor.u32 v37, v14;
	v14 =	vand.u32 $0x7FFFFC00, v23;
	[tilespmem:s28+$0xFFFFFF50] =	vst v10  }
0x84: {  	v10 =	vadd.s32 v0, v13;
	v13 =	vor.u32 v38, v14;
	v14 =	vand.u32 $0x7FFFFC00, v24;
	[tilespmem:s28+$0xFFFFFF60] =	vst v9  }
0x85: {  	s29 =	sadd.s32 $0x2, s29;
	v2 =	vand.u32 $0x7FFFFC00, v2;
	v9 =	vadd.s32 v0, v13;
	v13 =	vor.u32 v39, v14;
	[tilespmem:s28+$0xFFFFFF70] =	vst v8  }
0x86: {  	p1 =	slt.u32 s29, $0x3E;
	v14 =	vand.u32 $0x7FFFFC00, v25;
	v8 =	vadd.s32 v0, v13;
	v13 =	vor.u32 v40, v2;
	v2 =	vld.idx.msk [tilespmem:v17+s4+$0x0], $0xffff;
	[tilespmem:s28+$0xFFFFFF80] =	vst v7  }
0x87: {  	v7 =	vld.idx.msk [tilespmem:v12+s4+$0x0], $0xffff;
	v12 =	vadd.s32 v0, v13;
	v13 =	vor.u32 v41, v14;
	v14 =	vand.u32 $0x7FFFFC00, v26;
	[tilespmem:s28+$0xFFFFFF90] =	vst v6  }
0x88: {  	v6 =	vld.idx.msk [tilespmem:v11+s4+$0x0], $0xffff;
	v11 =	vadd.s32 v0, v13;
	v13 =	vor.u32 v42, v14;
	v14 =	vand.u32 $0x7FFFFC00, v20;
	[tilespmem:s28+$0xFFFFFFA0] =	vst v5  }
0x89: {  	v5 =	vld.idx.msk [tilespmem:v10+s4+$0x0], $0xffff;
	v10 =	vadd.s32 v0, v13;
	v13 =	vand.u32 $0x7FFFFC00, v27;
	v14 =	vor.u32 v49, v14;
	[tilespmem:s28+$0xFFFFFFB0] =	vst v4  }
0x8a: {  	v4 =	vld.idx.msk [tilespmem:v9+s4+$0x0], $0xffff;
	v9 =	vor.u32 v43, v13;
	v13 =	vand.u32 $0x7FFFFC00, v28;
	v14 =	vadd.s32 v0, v14;
	[tilespmem:s28+$0xFFFFFFC0] =	vst v3  }
0x8b: {  	v3 =	vld.idx.msk [tilespmem:v8+s4+$0x0], $0xffff;
	v8 =	vadd.s32 v0, v9;
	v9 =	vor.u32 v44, v13;
	v13 =	vand.u32 $0x7FFFFC00, v29;
	[tilespmem:s28+$0xFFFFFFD0] =	vst v50  }
0x8c: {  	v16 =	vand.u32 $0x7FFFFC00, v16;
	v12 =	vld.idx.msk [tilespmem:v12+s4+$0x0], $0xffff;
	v9 =	vadd.s32 v0, v9;
	v13 =	vor.u32 v45, v13;
	[tilespmem:s28+$0xFFFFFFE0] =	vst v18  }
0x8d: {  	v16 =	vor.u32 v46, v16;
	v17 =	vand.u32 $0x7FFFFC00, v30;
	v11 =	vld.idx.msk [tilespmem:v11+s4+$0x0], $0xffff;
	v13 =	vadd.s32 v0, v13;
	[tilespmem:s28+$0xFFFFFFF0] =	vst v15  }
0x8e: {  	v15 =	vadd.s32 v0, v16;
	v16 =	vor.u32 v47, v17;
	v17 =	vand.u32 $0x7FFFFC00, v31;
	v10 =	vld.idx.msk [tilespmem:v10+s4+$0x0], $0xffff  }
0x8f: {  	v18 =	vmov s18;
	v16 =	vadd.s32 v0, v16;
	v17 =	vor.u32 v48, v17;
	v14 =	vld.idx.msk [tilespmem:v14+s4+$0x0], $0xffff  }
0x90: {  	v19 =	vmov s31;
	v20 =	vmov s1;
	v17 =	vadd.s32 v0, v17;
	v8 =	vld.idx.msk [tilespmem:v8+s4+$0x0], $0xffff  }
0x91: {  	v21 =	vmov s3;
	v22 =	vmov s13;
	v23 =	vmov s15;
	v9 =	vld.idx.msk [tilespmem:v9+s4+$0x0], $0xffff  }
0x92: {  	v24 =	vmov s10;
	v25 =	vmov s11;
	v26 =	vmov s12;
	v13 =	vld.idx.msk [tilespmem:v13+s4+$0x0], $0xffff  }
0x93: {  	v27 =	vmov s8;
	v28 =	vmov s9;
	v29 =	vmov s23;
	v15 =	vld.idx.msk [tilespmem:v15+s4+$0x0], $0xffff  }
0x94: {  	v32 =	vmov s17;
	v30 =	vmov s0;
	v31 =	vmov s2;
	s28 =	sadd.s32 $0x200, s28;
	v16 =	vld.idx.msk [tilespmem:v16+s4+$0x0], $0xffff  }
0x95: {  	v34 =	vshll.u32 v1, $0x3;
	v35 =	vshll.u32 v19, $0x3;
	v33 =	vshll.u32 v18, $0x3;
	v17 =	vld.idx.msk [tilespmem:v17+s4+$0x0], $0xffff;
	[tilespmem:s28+$0xE0] =	vst v14  }
0x96: {  	v36 =	vshll.u32 v21, $0x3;
	v37 =	vshll.u32 v22, $0x3;
	v14 =	vshll.u32 v20, $0x3;
	[tilespmem:s28+$0x0] =	vst v7  }
0x97: {  	v38 =	vshll.u32 v24, $0x3;
	v39 =	vshll.u32 v25, $0x3;
	v7 =	vshll.u32 v23, $0x3;
	[tilespmem:s28+$0x10] =	vst v6  }
0x98: {  	v40 =	vshll.u32 v27, $0x3;
	v41 =	vshll.u32 v28, $0x3;
	v6 =	vshll.u32 v26, $0x3;
	[tilespmem:s28+$0x20] =	vst v5  }
0x99: {  	v42 =	vshll.u32 v30, $0x3;
	v43 =	vshll.u32 v31, $0x3;
	v5 =	vshll.u32 v29, $0x3;
	[tilespmem:s28+$0x30] =	vst v4  }
0x9a: {  	v4 =	vand.u32 $0x1C00, v33;
	v33 =	vand.u32 $0x1C00, v34;
	v34 =	vshll.u32 v32, $0x3;
	[tilespmem:s28+$0x40] =	vst v3  }
0x9b: {  	v14 =	vand.u32 $0x1C00, v14;
	v3 =	vand.u32 $0x1C00, v35;
	v35 =	vand.u32 $0x1C00, v36;
	[tilespmem:s28+$0x50] =	vst v12  }
0x9c: {  	v7 =	vand.u32 $0x1C00, v7;
	v36 =	vand.u32 $0x1C00, v38;
	v12 =	vand.u32 $0x1C00, v37;
	[tilespmem:s28+$0x60] =	vst v11  }
0x9d: {  	v6 =	vand.u32 $0x1C00, v6;
	v37 =	vand.u32 $0x1C00, v40;
	v11 =	vand.u32 $0x1C00, v39;
	[tilespmem:s28+$0x70] =	vst v10  }
0x9e: {  	v5 =	vand.u32 $0x1C00, v5;
	v38 =	vand.u32 $0x1C00, v42;
	v10 =	vand.u32 $0x1C00, v41;
	[tilespmem:s28+$0x80] =	vst v8  }
0x9f: {  	v34 =	vand.u32 $0x1C00, v34;
	v8 =	vand.u32 $0x60, v18;
	v18 =	vand.u32 $0x1C00, v43;
	[tilespmem:s28+$0x90] =	vst v9  }
0xa0: {  	v1 =	vand.u32 $0x61, v1;
	v9 =	vand.u32 $0x62, v19;
	v19 =	vand.u32 $0x63, v20;
	[tilespmem:s28+$0xA0] =	vst v13  }
0xa1: {  	v20 =	vand.u32 $0x65, v22;
	v13 =	vand.u32 $0x64, v21;
	v21 =	vand.u32 $0x66, v23;
	[tilespmem:s28+$0xB0] =	vst v15  }
0xa2: {  	v22 =	vand.u32 $0x68, v25;
	v23 =	vand.u32 $0x69, v26;
	v15 =	vand.u32 $0x67, v24;
	[tilespmem:s28+$0xC0] =	vst v16  }
0xa3: {  	v25 =	vand.u32 $0x6C, v29;
	v24 =	vand.u32 $0x6B, v28;
	v16 =	vand.u32 $0x6A, v27;
	[tilespmem:s28+$0xD0] =	vst v17  }
0xa4: {  	v26 =	vand.u32 $0x6E, v31;
	v27 =	vand.u32 $0x6F, v32;
	v17 =	vand.u32 $0x6D, v30;
	[tilespmem:s28+$0xF0] =	vst v2  }
0xa5: {  	v3 =	vor.u32 v9, v3;
	v2 =	vor.u32 v8, v4;
	v4 =	vor.u32 v1, v33  }
0xa6: {  	v9 =	vor.u32 v13, v35;
	v8 =	vor.u32 v19, v14;
	v19 =	vor.u32 v20, v12  }
0xa7: {  	v7 =	vor.u32 v21, v7;
	v21 =	vor.u32 v22, v11;
	v20 =	vor.u32 v15, v36  }
0xa8: {  	v6 =	vor.u32 v23, v6;
	v23 =	vor.u32 v24, v10;
	v22 =	vor.u32 v16, v37  }
0xa9: {  	v24 =	vor.u32 v25, v5;
	v17 =	vor.u32 v17, v38;
	v1 =	vor.u32 v26, v18  }
.Ltmp5:
0xaa: {  	v15 =	vor.u32 v27, v34;
	v16 =	vadd.s32 v0, v2;
	v14 =	vadd.s32 v0, v4;
	(pc) =	sbr.rel @p1 .LBB2_4-.Ltmp5, $4  }
0xab: {  	v13 =	vadd.s32 v0, v3;
	v11 =	vadd.s32 v0, v9;
	v12 =	vadd.s32 v0, v8  }
0xac: {  	v9 =	vadd.s32 v0, v7;
	v10 =	vadd.s32 v0, v19;
	v8 =	vadd.s32 v0, v20  }
0xad: {  	v7 =	vadd.s32 v0, v21;
	v6 =	vadd.s32 v0, v6;
	v5 =	vadd.s32 v0, v22  }
0xae: {  	s30 =	sadd.s32 $0x20, s30;
	v3 =	vadd.s32 v0, v24;
	v4 =	vadd.s32 v0, v23;
	v2 =	vadd.s32 v0, v17  }
0xaf: {  	_ =	sdelay $0x3  }
0xb0: {  	v16 =	vld.idx.msk [tilespmem:v16+s4+$0x0], $0xffff  }
0xb1: {  	v14 =	vld.idx.msk [tilespmem:v14+s4+$0x0], $0xffff;
	s0 =	simm.s32 $0x1F  }
0xb2: {  	v17 =	vadd.s32 v0, v1;
	v15 =	vadd.s32 v0, v15;
	v13 =	vld.idx.msk [tilespmem:v13+s4+$0x0], $0xffff;
	s1 =	simm.s32 $0x1;
	s18 =	simm.s32 $0x10;
	s23 =	simm.s32 $0x11;
	v18 =	vmov s0  }
0xb3: {  	v12 =	vld.idx.msk [tilespmem:v12+s4+$0x0], $0xffff;
	s2 =	simm.s32 $0x12;
	s3 =	simm.s32 $0x15;
	s6 =	simm.s32 $0x16;
	v1 =	vmov s1;
	v20 =	vmov s18;
	v21 =	vmov s23  }
0xb4: {  	v11 =	vld.idx.msk [tilespmem:v11+s4+$0x0], $0xffff;
	s8 =	simm.s32 $0x17;
	s9 =	simm.s32 $0x18;
	s10 =	simm.s32 $0x19;
	v22 =	vmov s2;
	v25 =	vmov s3;
	v26 =	vmov s6  }
0xb5: {  	v10 =	vld.idx.msk [tilespmem:v10+s4+$0x0], $0xffff;
	s11 =	simm.s32 $0x1A;
	s12 =	simm.s32 $0x1B;
	s13 =	simm.s32 $0x1C;
	v27 =	vmov s8;
	v28 =	vmov s9;
	v29 =	vmov s10  }
0xb6: {  	v9 =	vld.idx.msk [tilespmem:v9+s4+$0x0], $0xffff;
	s15 =	simm.s32 $0x1D;
	s17 =	simm.s32 $0x1E;
	v30 =	vmov s11;
	v31 =	vmov s12;
	v32 =	vmov s13  }
0xb7: {  	v8 =	vld.idx.msk [tilespmem:v8+s4+$0x0], $0xffff;
	s1 =	simm.s32 $0x13;
	s2 =	simm.s32 $0x14;
	v33 =	vmov s15;
	v34 =	vmov s17;
	v19 =	vand.u32 $0x7F, v18  }
0xb8: {  	v7 =	vld.idx.msk [tilespmem:v7+s4+$0x0], $0xffff;
	v18 =	vshll.u32 v18, $0x3;
	v23 =	vmov s1;
	v24 =	vmov s2  }
0xb9: {  	v6 =	vld.idx.msk [tilespmem:v6+s4+$0x0], $0xffff;
	v35 =	vand.u32 $0x70, v20;
	v36 =	vand.u32 $0x71, v21;
	v37 =	vand.u32 $0x72, v22  }
0xba: {  	v5 =	vld.idx.msk [tilespmem:v5+s4+$0x0], $0xffff;
	v40 =	vand.u32 $0x75, v25;
	v41 =	vand.u32 $0x76, v26;
	v42 =	vand.u32 $0x77, v27  }
0xbb: {  	v4 =	vld.idx.msk [tilespmem:v4+s4+$0x0], $0xffff;
	v43 =	vand.u32 $0x78, v28;
	v44 =	vand.u32 $0x79, v29;
	v45 =	vand.u32 $0x7A, v30  }
0xbc: {  	v3 =	vld.idx.msk [tilespmem:v3+s4+$0x0], $0xffff;
	v46 =	vand.u32 $0x7B, v31;
	v47 =	vand.u32 $0x7C, v32;
	v48 =	vand.u32 $0x7D, v33  }
0xbd: {  	v2 =	vld.idx.msk [tilespmem:v2+s4+$0x0], $0xffff;
	v49 =	vand.u32 $0x7E, v34;
	v20 =	vshll.u32 v20, $0x3;
	v21 =	vshll.u32 v21, $0x3  }
0xbe: {  	v22 =	vshll.u32 v22, $0x3;
	v59 =	vshll.u32 v26, $0x3;
	v60 =	vshll.u32 v27, $0x3;
	v17 =	vld.idx.msk [tilespmem:v17+s4+$0x0], $0xffff  }
0xbf: {  	s12 =	simm.s32 $0xA;
	v61 =	vshll.u32 v29, $0x3;
	v62 =	vshll.u32 v30, $0x3;
	v63 =	vshll.u32 v32, $0x3;
	v15 =	vld.idx.msk [tilespmem:v15+s4+$0x0], $0xffff;
	[tilespmem:s28+$0xFFFFFF00] =	vst v16  }
0xc0: {  	s15 =	simm.s32 $0xC;
	s17 =	simm.s32 $0xD;
	v33 =	vshll.u32 v33, $0x3;
	v50 =	vshll.u32 v34, $0x3;
	v27 =	vmov s12;
	[tilespmem:s28+$0xFFFFFF10] =	vst v14  }
0xc1: {  	v29 =	vmov s15;
	v30 =	vmov s17;
	v57 =	vshll.u32 v1, $0x3;
	[tilespmem:s28+$0xFFFFFF20] =	vst v13  }
0xc2: {  	v1 =	vand.u32 $0x61, v1;
	v38 =	vand.u32 $0x73, v23;
	v39 =	vand.u32 $0x74, v24;
	[tilespmem:s28+$0xFFFFFF30] =	vst v12  }
0xc3: {  	v18 =	vand.u32 $0x7FFFFC00, v18;
	v23 =	vshll.u32 v23, $0x3;
	v24 =	vshll.u32 v24, $0x3;
	[tilespmem:s28+$0xFFFFFF40] =	vst v11  }
0xc4: {  	s2 =	simm.s32 $0x2;
	v52 =	vshll.u32 v27, $0x3;
	v54 =	vshll.u32 v29, $0x3;
	v55 =	vshll.u32 v30, $0x3;
	[tilespmem:s28+$0xFFFFFF50] =	vst v10  }
0xc5: {  	v34 =	vand.u32 $0x1C00, v57;
	v18 =	vor.u32 v19, v18;
	v19 =	vmov s2;
	[tilespmem:s28+$0xFFFFFF60] =	vst v9  }
0xc6: {  	s8 =	simm.s32 $0x3;
	v16 =	vshll.u32 v25, $0x3;
	v14 =	vshll.u32 v28, $0x3;
	v13 =	vshll.u32 v31, $0x3;
	[tilespmem:s28+$0xFFFFFF70] =	vst v8  }
0xc7: {  	s11 =	simm.s32 $0x8;
	s13 =	simm.s32 $0xB;
	v12 =	vand.u32 $0x1C00, v20;
	v18 =	vadd.s32 v0, v18;
	[tilespmem:s28+$0xFFFFFF80] =	vst v7;
	v20 =	vmov s8  }
0xc8: {  	s9 =	simm.s32 $0x4;
	[tilespmem:s28+$0xFFFFFF90] =	vst v6;
	s8 =	simm.s32 $0x9;
	v25 =	vmov s11;
	v28 =	vmov s13;
	v11 =	vor.u32 v35, v12  }
0xc9: {  	[tilespmem:s28+$0xFFFFFFA0] =	vst v5;
	v12 =	vand.u32 $0x7FFFFC00, v21;
	v21 =	vmov s9;
	v26 =	vmov s8  }
0xca: {  	s3 =	simm.s32 $0x5;
	[tilespmem:s28+$0xFFFFFFB0] =	vst v4;
	v35 =	vshll.u32 v19, $0x3;
	v53 =	vshll.u32 v28, $0x3;
	v10 =	vadd.s32 v0, v11  }
0xcb: {  	[tilespmem:s28+$0xFFFFFFC0] =	vst v3;
	v11 =	vor.u32 v36, v12;
	v12 =	vand.u32 $0x7FFFFC00, v22;
	v22 =	vmov s3  }
0xcc: {  	[tilespmem:s28+$0xFFFFFFD0] =	vst v2;
	v36 =	vshll.u32 v20, $0x3;
	v58 =	vshll.u32 v21, $0x3;
	v35 =	vand.u32 $0x1C00, v35  }
0xcd: {  	s6 =	simm.s32 $0x6;
	v9 =	vadd.s32 v0, v11;
	v11 =	vor.u32 v37, v12;
	v12 =	vand.u32 $0x7FFFFC00, v23;
	[tilespmem:s28+$0xFFFFFFE0] =	vst v17  }
0xce: {  	v23 =	vmov s6;
	v36 =	vand.u32 $0x1C00, v36;
	v37 =	vand.u32 $0x1C00, v58;
	[tilespmem:s28+$0xFFFFFFF0] =	vst v15  }
0xcf: {  	s29 =	sshll.u32 s26, $0xB;
	v8 =	vadd.s32 v0, v11;
	v11 =	vor.u32 v38, v12;
	v12 =	vand.u32 $0x7FFFFC00, v24;
	s18 =	rddreg [dreg:$0x4]  }
0xd0: {  	s23 =	simm.s32 $0x12000;
	v7 =	vadd.s32 v0, v11;
	v11 =	vor.u32 v39, v12;
	v12 =	vand.u32 $0x7FFFFC00, v16;
	s0 =	sadd.s32 s18, s29  }
0xd1: {  	v17 =	vand.u32 $0x7FFFFC00, v33;
	v6 =	vadd.s32 v0, v11;
	v11 =	vor.u32 v40, v12;
	[hbm4b:s0+s4] =	stream.linear.scatter [tilespmem:s23], [sflag:$0x3], $0x4000, $0x38;
	[tilespmem:$0x1A000] =	vst v63  }
0xd2: {  	v12 =	vand.u32 $0x7FFFFC00, v59;
	v17 =	vor.u32 v48, v17;
	v5 =	vadd.s32 v0, v11;
	v10 =	vld.idx.msk [tilespmem:v10+s14+$0x0], $0xffff  }
0xd3: {  	v11 =	vor.u32 v41, v12;
	v12 =	vand.u32 $0x7FFFFC00, v60;
	v17 =	vadd.s32 v0, v17;
	v9 =	vld.idx.msk [tilespmem:v9+s14+$0x0], $0xffff  }
0xd4: {  	v4 =	vadd.s32 v0, v11;
	v11 =	vor.u32 v42, v12;
	v12 =	vand.u32 $0x7FFFFC00, v50;
	v8 =	vld.idx.msk [tilespmem:v8+s14+$0x0], $0xffff  }
0xd5: {  	v3 =	vadd.s32 v0, v11;
	v11 =	vand.u32 $0x7FFFFC00, v14;
	v12 =	vor.u32 v49, v12;
	v7 =	vld.idx.msk [tilespmem:v7+s14+$0x0], $0xffff  }
0xd6: {  	v2 =	vor.u32 v43, v11;
	v11 =	vand.u32 $0x7FFFFC00, v61;
	v12 =	vadd.s32 v0, v12;
	v6 =	vld.idx.msk [tilespmem:v6+s14+$0x0], $0xffff  }
0xd7: {  	v14 =	vadd.s32 v0, v2;
	v2 =	vor.u32 v44, v11;
	v11 =	vand.u32 $0x7FFFFC00, v62;
	v5 =	vld.idx.msk [tilespmem:v5+s14+$0x0], $0xffff  }
0xd8: {  	s10 =	simm.s32 $0x7;
	v15 =	vadd.s32 v0, v2;
	v2 =	vor.u32 v45, v11;
	v11 =	vand.u32 $0x7FFFFC00, v13;
	v17 =	vld.idx.msk [tilespmem:v17+s14+$0x0], $0xffff  }
0xd9: {  	v24 =	vmov s10;
	v13 =	vadd.s32 v0, v2;
	v2 =	vor.u32 v46, v11;
	v4 =	vld.idx.msk [tilespmem:v4+s14+$0x0], $0xffff  }
0xda: {  	v59 =	vshll.u32 v22, $0x3;
	s18 =	simm.s32 $0xE;
	v11 =	vand.u32 $0x7FFFFC00, v63;
	v16 =	vadd.s32 v0, v2;
	v2 =	vld.idx.msk [tilespmem:v18+s14+$0x0], $0xffff  }
0xdb: {  	v60 =	vshll.u32 v23, $0x3;
	v31 =	vmov s18;
	v11 =	vor.u32 v47, v11;
	v3 =	vld.idx.msk [tilespmem:v3+s14+$0x0], $0xffff  }
0xdc: {  	s23 =	simm.s32 $0xF;
	v38 =	vand.u32 $0x1C00, v60;
	v60 =	vand.u32 $0x1C00, v52;
	v11 =	vadd.s32 v0, v11;
	v12 =	vld.idx.msk [tilespmem:v12+s14+$0x0], $0xffff  }
0xdd: {  	v50 =	vand.u32 $0x65, v22;
	v52 =	vand.u32 $0x68, v25;
	v32 =	vmov s23;
	v14 =	vld.idx.msk [tilespmem:v14+s14+$0x0], $0xffff  }
0xde: {  	v56 =	vshll.u32 v31, $0x3;
	v61 =	vshll.u32 v24, $0x3;
	v57 =	vshll.u32 v32, $0x3;
	v15 =	vld.idx.msk [tilespmem:v15+s14+$0x0], $0xffff  }
0xdf: {  	s1 =	simm.s32 $0x0;
	v62 =	vshll.u32 v25, $0x3;
	v58 =	vand.u32 $0x1C00, v61;
	v61 =	vand.u32 $0x1C00, v53;
	v13 =	vld.idx.msk [tilespmem:v13+s14+$0x0], $0xffff  }
0xe0: {  	s28 =	simm.s32 $0x16100;
	v48 =	vand.u32 $0x1C00, v57;
	v53 =	vand.u32 $0x69, v26;
	v18 =	vmov s1;
	v49 =	vld.idx.msk [tilespmem:v16+s14+$0x0], $0xffff  }
0xe1: {  	v57 =	vand.u32 $0x6F, v32;
	v63 =	vshll.u32 v26, $0x3;
	v51 =	vshll.u32 v18, $0x3;
	v40 =	vld.idx.msk [tilespmem:v11+s14+$0x0], $0xffff;
	[tilespmem:s28+$0xE0] =	vst v12  }
0xe2: {  	v33 =	vand.u32 $0x1C00, v51;
	v51 =	vand.u32 $0x66, v23;
	v16 =	vand.u32 $0x1C00, v59;
	[tilespmem:s28+$0x0] =	vst v10  }
0xe3: {  	v59 =	vand.u32 $0x1C00, v63;
	v63 =	vand.u32 $0x1C00, v55;
	v55 =	vand.u32 $0x6C, v29;
	[tilespmem:s28+$0x10] =	vst v9  }
0xe4: {  	v11 =	vand.u32 $0x1C00, v62;
	v62 =	vand.u32 $0x1C00, v54;
	v12 =	vand.u32 $0x60, v18;
	[tilespmem:s28+$0x20] =	vst v8  }
0xe5: {  	v18 =	vand.u32 $0x1C00, v56;
	v10 =	vand.u32 $0x62, v19;
	v19 =	vand.u32 $0x63, v20;
	[tilespmem:s28+$0x30] =	vst v7  }
0xe6: {  	v9 =	vand.u32 $0x64, v21;
	v8 =	vand.u32 $0x67, v24;
	v7 =	vand.u32 $0x6A, v27;
	[tilespmem:s28+$0x40] =	vst v6  }
0xe7: {  	v54 =	vand.u32 $0x6B, v28;
	v6 =	vand.u32 $0x6D, v30;
	v56 =	vand.u32 $0x6E, v31;
	[tilespmem:s28+$0x50] =	vst v5  }
0xe8: {  	[tilespmem:s28+$0x70] =	vst v3;
	v3 =	vor.u32 v51, v38;
	v59 =	vor.u32 v53, v59;
	v5 =	vor.u32 v12, v33  }
0xe9: {  	[tilespmem:s28+$0x60] =	vst v4;
	v12 =	vor.u32 v1, v34;
	v10 =	vor.u32 v10, v35;
	v4 =	vor.u32 v19, v36  }
0xea: {  	v9 =	vor.u32 v9, v37;
	v19 =	vor.u32 v50, v16;
	v8 =	vor.u32 v8, v58  }
0xeb: {  	[tilespmem:s28+$0xD0] =	vst v17;
	v58 =	vor.u32 v52, v11;
	v60 =	vor.u32 v7, v60;
	v61 =	vor.u32 v54, v61  }
0xec: {  	[tilespmem:s28+$0xF0] =	vst v2;
	v62 =	vor.u32 v55, v62;
	v63 =	vor.u32 v6, v63;
	v1 =	vor.u32 v56, v18  }
0xed: {  	[tilespmem:s28+$0x80] =	vst v14;
	v14 =	vor.u32 v57, v48;
	v6 =	vadd.s32 v0, v59;
	v16 =	vadd.s32 v0, v5  }
0xee: {  	[tilespmem:s28+$0x90] =	vst v15;
	v15 =	vadd.s32 v0, v12;
	v12 =	vadd.s32 v0, v4;
	v11 =	vadd.s32 v0, v9  }
0xef: {  	v9 =	vadd.s32 v0, v3;
	v8 =	vadd.s32 v0, v8;
	[tilespmem:s28+$0xA0] =	vst v13;
	v13 =	vadd.s32 v0, v10  }
0xf0: {  	v7 =	vadd.s32 v0, v58;
	v5 =	vadd.s32 v0, v60;
	v4 =	vadd.s32 v0, v61;
	[tilespmem:s28+$0xB0] =	vst v49  }
0xf1: {  	s30 =	simm.s32 $0x0;
	s31 =	simm.s32 $0x3F;
	v3 =	vadd.s32 v0, v62;
	v2 =	vadd.s32 v0, v63;
	v10 =	vadd.s32 v0, v19;
	[tilespmem:s28+$0xC0] =	vst v40  }
.LBB2_6:
0xf2: {  	s0 =	sadd.s32 $0xFFFFFFE2, s31;
	s1 =	sadd.s32 $0xFFFFFFE3, s31;
	s3 =	sadd.s32 $0xFFFFFFE4, s31;
	v17 =	vmov s31;
	v16 =	vld.idx.msk [tilespmem:v16+s14+$0x0], $0xffff;
	v18 =	vadd.s32 v0, v1;
	v14 =	vadd.s32 v0, v14  }
0xf3: {  	s2 =	sadd.s32 $0xFFFFFFF2, s31;
	s6 =	sadd.s32 $0xFFFFFFF3, s31;
	v1 =	vmov s0;
	s0 =	sadd.s32 $0xFFFFFFF1, s31;
	v19 =	vand.u32 $0x7F, v17;
	v17 =	vshll.u32 v17, $0x3;
	v15 =	vld.idx.msk [tilespmem:v15+s14+$0x0], $0xffff  }
0xf4: {  	v21 =	vmov s2;
	v22 =	vmov s6;
	s2 =	sadd.s32 $0xFFFFFFF5, s31;
	s6 =	sadd.s32 $0xFFFFFFF6, s31;
	v20 =	vmov s0;
	s0 =	sadd.s32 $0xFFFFFFF4, s31;
	v13 =	vld.idx.msk [tilespmem:v13+s14+$0x0], $0xffff  }
0xf5: {  	v24 =	vmov s2;
	v25 =	vmov s6;
	s2 =	sadd.s32 $0xFFFFFFF8, s31;
	s6 =	sadd.s32 $0xFFFFFFF9, s31;
	v23 =	vmov s0;
	s0 =	sadd.s32 $0xFFFFFFF7, s31;
	v12 =	vld.idx.msk [tilespmem:v12+s14+$0x0], $0xffff  }
0xf6: {  	v27 =	vmov s2;
	v28 =	vmov s6;
	s2 =	sadd.s32 $0xFFFFFFFB, s31;
	s6 =	sadd.s32 $0xFFFFFFFC, s31;
	v26 =	vmov s0;
	s0 =	sadd.s32 $0xFFFFFFFA, s31;
	v11 =	vld.idx.msk [tilespmem:v11+s14+$0x0], $0xffff  }
0xf7: {  	v30 =	vmov s2;
	v31 =	vmov s6;
	s2 =	sadd.s32 $0xFFFFFFFE, s31;
	s6 =	sadd.s32 $0xFFFFFFFF, s31;
	v29 =	vmov s0;
	s0 =	sadd.s32 $0xFFFFFFFD, s31;
	v10 =	vld.idx.msk [tilespmem:v10+s14+$0x0], $0xffff  }
0xf8: {  	s13 =	sadd.s32 $0xFFFFFFE5, s31;
	s15 =	sadd.s32 $0xFFFFFFE6, s31;
	s10 =	sadd.s32 $0xFFFFFFE7, s31;
	v33 =	vmov s2;
	v34 =	vmov s6;
	v32 =	vmov s0;
	v9 =	vld.idx.msk [tilespmem:v9+s14+$0x0], $0xffff  }
0xf9: {  	s11 =	sadd.s32 $0xFFFFFFE8, s31;
	s12 =	sadd.s32 $0xFFFFFFE9, s31;
	s8 =	sadd.s32 $0xFFFFFFEA, s31;
	v36 =	vand.u32 $0x71, v21;
	v37 =	vand.u32 $0x72, v22;
	v35 =	vand.u32 $0x70, v20;
	v8 =	vld.idx.msk [tilespmem:v8+s14+$0x0], $0xffff  }
0xfa: {  	s9 =	sadd.s32 $0xFFFFFFEB, s31;
	s23 =	sadd.s32 $0xFFFFFFEC, s31;
	v39 =	vand.u32 $0x74, v24;
	v40 =	vand.u32 $0x75, v25;
	v38 =	vand.u32 $0x73, v23;
	s0 =	sadd.s32 $0xFFFFFFED, s31;
	v7 =	vld.idx.msk [tilespmem:v7+s14+$0x0], $0xffff  }
0xfb: {  	s17 =	sadd.s32 $0xFFFFFFEF, s31;
	s18 =	sadd.s32 $0xFFFFFFF0, s31;
	v42 =	vand.u32 $0x77, v27;
	v43 =	vand.u32 $0x78, v28;
	s2 =	sadd.s32 $0xFFFFFFEE, s31;
	v41 =	vand.u32 $0x76, v26;
	v6 =	vld.idx.msk [tilespmem:v6+s14+$0x0], $0xffff  }
0xfc: {  	s6 =	sadd.s32 $0xFFFFFFE1, s31;
	v45 =	vand.u32 $0x7A, v30;
	v46 =	vand.u32 $0x7B, v31;
	v44 =	vand.u32 $0x79, v29;
	v5 =	vld.idx.msk [tilespmem:v5+s14+$0x0], $0xffff  }
0xfd: {  	v48 =	vand.u32 $0x7D, v33;
	v49 =	vand.u32 $0x7E, v34;
	v47 =	vand.u32 $0x7C, v32;
	v4 =	vld.idx.msk [tilespmem:v4+s14+$0x0], $0xffff  }
0xfe: {  	v21 =	vshll.u32 v21, $0x3;
	v17 =	vand.u32 $0x7FFFFC00, v17;
	v20 =	vshll.u32 v20, $0x3;
	v3 =	vld.idx.msk [tilespmem:v3+s14+$0x0], $0xffff  }
0xff: {  	v22 =	vshll.u32 v22, $0x3;
	v24 =	vshll.u32 v24, $0x3;
	v23 =	vshll.u32 v23, $0x3;
	v50 =	vld.idx.msk [tilespmem:v2+s14+$0x0], $0xffff  }
0x100: {  	v2 =	vshll.u32 v25, $0x3;
	v25 =	vshll.u32 v26, $0x3;
	v26 =	vshll.u32 v27, $0x3;
	v18 =	vld.idx.msk [tilespmem:v18+s14+$0x0], $0xffff  }
0x101: {  	v27 =	vshll.u32 v28, $0x3;
	v28 =	vshll.u32 v29, $0x3;
	v29 =	vshll.u32 v30, $0x3;
	v14 =	vld.idx.msk [tilespmem:v14+s14+$0x0], $0xffff;
	[tilespmem:s28+$0xFFFFFF00] =	vst v16  }
0x102: {  	v30 =	vshll.u32 v32, $0x3;
	v16 =	vshll.u32 v31, $0x3;
	v31 =	vshll.u32 v33, $0x3;
	[tilespmem:s28+$0xFFFFFF10] =	vst v15  }
0x103: {  	v17 =	vor.u32 v19, v17;
	v15 =	vand.u32 $0x1C00, v20;
	v20 =	vshll.u32 v34, $0x3;
	[tilespmem:s28+$0xFFFFFF20] =	vst v13  }
0x104: {  	v17 =	vadd.s32 v0, v17;
	v13 =	vor.u32 v35, v15;
	v15 =	vand.u32 $0x7FFFFC00, v21;
	[tilespmem:s28+$0xFFFFFF30] =	vst v12  }
0x105: {  	v12 =	vadd.s32 v0, v13;
	v13 =	vor.u32 v36, v15;
	v15 =	vand.u32 $0x7FFFFC00, v22;
	[tilespmem:s28+$0xFFFFFF40] =	vst v11  }
0x106: {  	v11 =	vadd.s32 v0, v13;
	v13 =	vor.u32 v37, v15;
	v15 =	vand.u32 $0x7FFFFC00, v23;
	[tilespmem:s28+$0xFFFFFF50] =	vst v10  }
0x107: {  	v10 =	vadd.s32 v0, v13;
	v13 =	vor.u32 v38, v15;
	v15 =	vand.u32 $0x7FFFFC00, v24;
	[tilespmem:s28+$0xFFFFFF60] =	vst v9  }
0x108: {  	s30 =	sadd.s32 $0x2, s30;
	v2 =	vand.u32 $0x7FFFFC00, v2;
	v9 =	vadd.s32 v0, v13;
	v13 =	vor.u32 v39, v15;
	[tilespmem:s28+$0xFFFFFF70] =	vst v8  }
0x109: {  	p1 =	slt.u32 s30, $0x3E;
	v15 =	vand.u32 $0x7FFFFC00, v25;
	v8 =	vadd.s32 v0, v13;
	v13 =	vor.u32 v40, v2;
	v2 =	vld.idx.msk [tilespmem:v17+s14+$0x0], $0xffff;
	[tilespmem:s28+$0xFFFFFF80] =	vst v7  }
0x10a: {  	v7 =	vld.idx.msk [tilespmem:v12+s14+$0x0], $0xffff;
	v12 =	vadd.s32 v0, v13;
	v13 =	vor.u32 v41, v15;
	v15 =	vand.u32 $0x7FFFFC00, v26;
	[tilespmem:s28+$0xFFFFFF90] =	vst v6  }
0x10b: {  	v6 =	vld.idx.msk [tilespmem:v11+s14+$0x0], $0xffff;
	v11 =	vadd.s32 v0, v13;
	v13 =	vor.u32 v42, v15;
	v15 =	vand.u32 $0x7FFFFC00, v20;
	[tilespmem:s28+$0xFFFFFFA0] =	vst v5  }
0x10c: {  	v5 =	vld.idx.msk [tilespmem:v10+s14+$0x0], $0xffff;
	v10 =	vadd.s32 v0, v13;
	v13 =	vand.u32 $0x7FFFFC00, v27;
	v15 =	vor.u32 v49, v15;
	[tilespmem:s28+$0xFFFFFFB0] =	vst v4  }
0x10d: {  	v4 =	vld.idx.msk [tilespmem:v9+s14+$0x0], $0xffff;
	v9 =	vor.u32 v43, v13;
	v13 =	vand.u32 $0x7FFFFC00, v28;
	v15 =	vadd.s32 v0, v15;
	[tilespmem:s28+$0xFFFFFFC0] =	vst v3  }
0x10e: {  	v3 =	vld.idx.msk [tilespmem:v8+s14+$0x0], $0xffff;
	v8 =	vadd.s32 v0, v9;
	v9 =	vor.u32 v44, v13;
	v13 =	vand.u32 $0x7FFFFC00, v29;
	[tilespmem:s28+$0xFFFFFFD0] =	vst v50  }
0x10f: {  	v16 =	vand.u32 $0x7FFFFC00, v16;
	v12 =	vld.idx.msk [tilespmem:v12+s14+$0x0], $0xffff;
	v9 =	vadd.s32 v0, v9;
	v13 =	vor.u32 v45, v13;
	[tilespmem:s28+$0xFFFFFFE0] =	vst v18  }
0x110: {  	v16 =	vor.u32 v46, v16;
	v17 =	vand.u32 $0x7FFFFC00, v30;
	v11 =	vld.idx.msk [tilespmem:v11+s14+$0x0], $0xffff;
	v13 =	vadd.s32 v0, v13;
	[tilespmem:s28+$0xFFFFFFF0] =	vst v14  }
0x111: {  	v14 =	vadd.s32 v0, v16;
	v16 =	vor.u32 v47, v17;
	v17 =	vand.u32 $0x7FFFFC00, v31;
	v10 =	vld.idx.msk [tilespmem:v10+s14+$0x0], $0xffff  }
0x112: {  	v18 =	vmov s6;
	v16 =	vadd.s32 v0, v16;
	v17 =	vor.u32 v48, v17;
	v15 =	vld.idx.msk [tilespmem:v15+s14+$0x0], $0xffff  }
0x113: {  	v19 =	vmov s1;
	v20 =	vmov s3;
	v17 =	vadd.s32 v0, v17;
	v8 =	vld.idx.msk [tilespmem:v8+s14+$0x0], $0xffff  }
0x114: {  	v21 =	vmov s13;
	v22 =	vmov s15;
	v23 =	vmov s10;
	v9 =	vld.idx.msk [tilespmem:v9+s14+$0x0], $0xffff  }
0x115: {  	v24 =	vmov s11;
	v25 =	vmov s12;
	v26 =	vmov s8;
	v13 =	vld.idx.msk [tilespmem:v13+s14+$0x0], $0xffff  }
0x116: {  	v27 =	vmov s9;
	v28 =	vmov s23;
	v29 =	vmov s0;
	v14 =	vld.idx.msk [tilespmem:v14+s14+$0x0], $0xffff  }
0x117: {  	v32 =	vmov s18;
	v30 =	vmov s2;
	v31 =	vmov s17;
	s28 =	sadd.s32 $0x200, s28;
	v16 =	vld.idx.msk [tilespmem:v16+s14+$0x0], $0xffff  }
0x118: {  	v34 =	vshll.u32 v1, $0x3;
	v35 =	vshll.u32 v19, $0x3;
	v33 =	vshll.u32 v18, $0x3;
	v17 =	vld.idx.msk [tilespmem:v17+s14+$0x0], $0xffff;
	[tilespmem:s28+$0xE0] =	vst v15  }
0x119: {  	v36 =	vshll.u32 v21, $0x3;
	v37 =	vshll.u32 v22, $0x3;
	v15 =	vshll.u32 v20, $0x3;
	[tilespmem:s28+$0x0] =	vst v7  }
0x11a: {  	v38 =	vshll.u32 v24, $0x3;
	v39 =	vshll.u32 v25, $0x3;
	v7 =	vshll.u32 v23, $0x3;
	[tilespmem:s28+$0x10] =	vst v6  }
0x11b: {  	v40 =	vshll.u32 v27, $0x3;
	v41 =	vshll.u32 v28, $0x3;
	v6 =	vshll.u32 v26, $0x3;
	[tilespmem:s28+$0x20] =	vst v5  }
0x11c: {  	v42 =	vshll.u32 v30, $0x3;
	v43 =	vshll.u32 v31, $0x3;
	v5 =	vshll.u32 v29, $0x3;
	[tilespmem:s28+$0x30] =	vst v4  }
0x11d: {  	v4 =	vand.u32 $0x1C00, v33;
	v33 =	vand.u32 $0x1C00, v34;
	v34 =	vshll.u32 v32, $0x3;
	[tilespmem:s28+$0x40] =	vst v3  }
0x11e: {  	v15 =	vand.u32 $0x1C00, v15;
	v3 =	vand.u32 $0x1C00, v35;
	v35 =	vand.u32 $0x1C00, v36;
	[tilespmem:s28+$0x50] =	vst v12  }
0x11f: {  	v7 =	vand.u32 $0x1C00, v7;
	v36 =	vand.u32 $0x1C00, v38;
	v12 =	vand.u32 $0x1C00, v37;
	[tilespmem:s28+$0x60] =	vst v11  }
0x120: {  	v6 =	vand.u32 $0x1C00, v6;
	v37 =	vand.u32 $0x1C00, v40;
	v11 =	vand.u32 $0x1C00, v39;
	[tilespmem:s28+$0x70] =	vst v10  }
0x121: {  	v5 =	vand.u32 $0x1C00, v5;
	v38 =	vand.u32 $0x1C00, v42;
	v10 =	vand.u32 $0x1C00, v41;
	[tilespmem:s28+$0x80] =	vst v8  }
0x122: {  	v34 =	vand.u32 $0x1C00, v34;
	v8 =	vand.u32 $0x60, v18;
	v18 =	vand.u32 $0x1C00, v43;
	[tilespmem:s28+$0x90] =	vst v9  }
0x123: {  	v1 =	vand.u32 $0x61, v1;
	v9 =	vand.u32 $0x62, v19;
	v19 =	vand.u32 $0x63, v20;
	[tilespmem:s28+$0xA0] =	vst v13  }
0x124: {  	v20 =	vand.u32 $0x65, v22;
	v13 =	vand.u32 $0x64, v21;
	v21 =	vand.u32 $0x66, v23;
	[tilespmem:s28+$0xB0] =	vst v14  }
0x125: {  	v22 =	vand.u32 $0x68, v25;
	v23 =	vand.u32 $0x69, v26;
	v14 =	vand.u32 $0x67, v24;
	[tilespmem:s28+$0xC0] =	vst v16  }
0x126: {  	v25 =	vand.u32 $0x6C, v29;
	v24 =	vand.u32 $0x6B, v28;
	v16 =	vand.u32 $0x6A, v27;
	[tilespmem:s28+$0xD0] =	vst v17  }
0x127: {  	v26 =	vand.u32 $0x6E, v31;
	v27 =	vand.u32 $0x6F, v32;
	v17 =	vand.u32 $0x6D, v30;
	[tilespmem:s28+$0xF0] =	vst v2  }
0x128: {  	v3 =	vor.u32 v9, v3;
	v2 =	vor.u32 v8, v4;
	v4 =	vor.u32 v1, v33  }
0x129: {  	v9 =	vor.u32 v13, v35;
	v8 =	vor.u32 v19, v15;
	v19 =	vor.u32 v20, v12  }
0x12a: {  	v7 =	vor.u32 v21, v7;
	v21 =	vor.u32 v22, v11;
	v20 =	vor.u32 v14, v36  }
0x12b: {  	v6 =	vor.u32 v23, v6;
	v23 =	vor.u32 v24, v10;
	v22 =	vor.u32 v16, v37  }
0x12c: {  	v24 =	vor.u32 v25, v5;
	v17 =	vor.u32 v17, v38;
	v1 =	vor.u32 v26, v18  }
.Ltmp6:
0x12d: {  	v14 =	vor.u32 v27, v34;
	v16 =	vadd.s32 v0, v2;
	v15 =	vadd.s32 v0, v4;
	(pc) =	sbr.rel @p1 .LBB2_6-.Ltmp6, $4  }
0x12e: {  	v13 =	vadd.s32 v0, v3;
	v11 =	vadd.s32 v0, v9;
	v12 =	vadd.s32 v0, v8  }
0x12f: {  	v9 =	vadd.s32 v0, v7;
	v10 =	vadd.s32 v0, v19;
	v8 =	vadd.s32 v0, v20  }
0x130: {  	v7 =	vadd.s32 v0, v21;
	v6 =	vadd.s32 v0, v6;
	v5 =	vadd.s32 v0, v22  }
0x131: {  	s31 =	sadd.s32 $0x20, s31;
	v3 =	vadd.s32 v0, v24;
	v4 =	vadd.s32 v0, v23;
	v2 =	vadd.s32 v0, v17  }
0x132: {  	_ =	sdelay $0x3  }
0x133: {  	v16 =	vld.idx.msk [tilespmem:v16+s14+$0x0], $0xffff  }
0x134: {  	v15 =	vld.idx.msk [tilespmem:v15+s14+$0x0], $0xffff  }
0x135: {  	v13 =	vld.idx.msk [tilespmem:v13+s14+$0x0], $0xffff  }
0x136: {  	v12 =	vld.idx.msk [tilespmem:v12+s14+$0x0], $0xffff  }
0x137: {  	v11 =	vld.idx.msk [tilespmem:v11+s14+$0x0], $0xffff  }
0x138: {  	v10 =	vld.idx.msk [tilespmem:v10+s14+$0x0], $0xffff  }
0x139: {  	v9 =	vld.idx.msk [tilespmem:v9+s14+$0x0], $0xffff  }
0x13a: {  	v8 =	vld.idx.msk [tilespmem:v8+s14+$0x0], $0xffff  }
0x13b: {  	v7 =	vld.idx.msk [tilespmem:v7+s14+$0x0], $0xffff  }
0x13c: {  	v1 =	vadd.s32 v0, v1;
	v6 =	vld.idx.msk [tilespmem:v6+s14+$0x0], $0xffff  }
0x13d: {  	v14 =	vadd.s32 v0, v14;
	v5 =	vld.idx.msk [tilespmem:v5+s14+$0x0], $0xffff  }
0x13e: {  	v4 =	vld.idx.msk [tilespmem:v4+s14+$0x0], $0xffff  }
0x13f: {  	v3 =	vld.idx.msk [tilespmem:v3+s14+$0x0], $0xffff  }
0x140: {  	v2 =	vld.idx.msk [tilespmem:v2+s14+$0x0], $0xffff  }
0x141: {  	v1 =	vld.idx.msk [tilespmem:v1+s14+$0x0], $0xffff  }
0x142: {  	v14 =	vld.idx.msk [tilespmem:v14+s14+$0x0], $0xffff;
	[tilespmem:s28+$0xFFFFFF00] =	vst v16  }
0x143: {  	[tilespmem:s28+$0xFFFFFF10] =	vst v15  }
0x144: {  	[tilespmem:s28+$0xFFFFFF20] =	vst v13  }
0x145: {  	[tilespmem:s28+$0xFFFFFF30] =	vst v12  }
0x146: {  	[tilespmem:s28+$0xFFFFFF40] =	vst v11  }
0x147: {  	[tilespmem:s28+$0xFFFFFF50] =	vst v10  }
0x148: {  	[tilespmem:s28+$0xFFFFFF60] =	vst v9  }
0x149: {  	[tilespmem:s28+$0xFFFFFF70] =	vst v8  }
0x14a: {  	[tilespmem:s28+$0xFFFFFF80] =	vst v7  }
0x14b: {  	[tilespmem:s28+$0xFFFFFF90] =	vst v6  }
0x14c: {  	[tilespmem:s28+$0xFFFFFFA0] =	vst v5  }
0x14d: {  	[tilespmem:s28+$0xFFFFFFB0] =	vst v4  }
.Ltmp7:
0x14e: {  	[tilespmem:s28+$0xFFFFFFC0] =	vst v3;
	(pc) =	sbr.rel @p0 .LBB2_13-.Ltmp7, $4  }
0x14f: {  	[tilespmem:s28+$0xFFFFFFD0] =	vst v2  }
0x150: {  	[tilespmem:s28+$0xFFFFFFE0] =	vst v1  }
0x151: {  	s0 =	sadd.s32 s7, s29;
	s1 =	simm.s32 $0x16000;
	[tilespmem:s28+$0xFFFFFFF0] =	vst v14  }
0x152: {  	[hbm4b:s0+s4] =	stream.linear.scatter [tilespmem:s1], [sflag:$0x3], $0x4000, $0x38;
	[tilespmem:$0x1A000] =	vst v63  }
0x153: {  	s0 =	simm.s32 $0x1F  }
0x154: {  	s1 =	simm.s32 $0x1;
	s9 =	simm.s32 $0x10;
	s10 =	simm.s32 $0x11;
	v2 =	vmov s0  }
0x155: {  	s2 =	simm.s32 $0x12;
	s11 =	simm.s32 $0x13;
	s12 =	simm.s32 $0x14;
	v1 =	vmov s1;
	v4 =	vmov s9;
	v5 =	vmov s10  }
0x156: {  	s13 =	simm.s32 $0x15;
	s15 =	simm.s32 $0x16;
	s17 =	simm.s32 $0x17;
	v6 =	vmov s2;
	v7 =	vmov s11;
	v8 =	vmov s12  }
0x157: {  	s18 =	simm.s32 $0x18;
	s23 =	simm.s32 $0x19;
	s30 =	simm.s32 $0x1A;
	v9 =	vmov s13;
	v10 =	vmov s15;
	v11 =	vmov s17  }
0x158: {  	s31 =	simm.s32 $0x1B;
	s3 =	simm.s32 $0x1D;
	s6 =	simm.s32 $0x1E;
	v12 =	vmov s18;
	v13 =	vmov s23;
	v14 =	vmov s30  }
0x159: {  	v15 =	vmov s31;
	s2 =	simm.s32 $0x1C;
	v17 =	vmov s3;
	v18 =	vmov s6  }
0x15a: {  	v3 =	vand.u32 $0x7F, v2;
	v2 =	vshll.u32 v2, $0x3;
	v16 =	vmov s2  }
0x15b: {  	v19 =	vand.u32 $0x70, v4;
	v20 =	vand.u32 $0x71, v5;
	v21 =	vand.u32 $0x72, v6  }
0x15c: {  	v22 =	vand.u32 $0x73, v7;
	v23 =	vand.u32 $0x74, v8;
	v24 =	vand.u32 $0x75, v9  }
0x15d: {  	v25 =	vand.u32 $0x76, v10;
	v26 =	vand.u32 $0x77, v11;
	v27 =	vand.u32 $0x78, v12  }
0x15e: {  	v28 =	vand.u32 $0x79, v13;
	v29 =	vand.u32 $0x7A, v14;
	v30 =	vand.u32 $0x7B, v15  }
0x15f: {  	_ =	swait.ge [sflag:s19], $0x4000;
	v32 =	vand.u32 $0x7D, v17;
	v33 =	vand.u32 $0x7E, v18;
	v4 =	vshll.u32 v4, $0x3  }
0x160: {  	[sflag:s19] =	ssyncset.done $0x0;
	v5 =	vshll.u32 v5, $0x3;
	v6 =	vshll.u32 v6, $0x3;
	v7 =	vshll.u32 v7, $0x3  }
0x161: {  	p0 =	sgt.u32 s26, $0x38F;
	v8 =	vshll.u32 v8, $0x3;
	v9 =	vshll.u32 v9, $0x3;
	v10 =	vshll.u32 v10, $0x3;
	[sflag:s19] =	ssyncadd.s32 $0xFFFFC000  }
0x162: {  	s0 =	sshll.u32 @!p0 s26, $0xA;
	s6 =	simm.s32 $0x6;
	v11 =	vshll.u32 v11, $0x3;
	v12 =	vshll.u32 v12, $0x3;
	v13 =	vshll.u32 v13, $0x3;
	_ =	swait.ge [sflag:s19], $0x4000  }
0x163: {  	s15 =	simm.s32 $0x8;
	s18 =	simm.s32 $0xB;
	v14 =	vshll.u32 v14, $0x3;
	v15 =	vshll.u32 v15, $0x3;
	v17 =	vshll.u32 v17, $0x3;
	[sflag:s19] =	ssyncset.done $0x0  }
0x164: {  	s23 =	simm.s32 $0xC;
	s30 =	simm.s32 $0xE;
	v18 =	vshll.u32 v18, $0x3;
	v52 =	vmov s6;
	v53 =	vmov s15;
	[sflag:s19] =	ssyncadd.s32 $0xFFFFC000  }
0x165: {  	s0 =	sadd.s32 @!p0 $0x10000, s0;
	v55 =	vmov s18;
	v56 =	vmov s23;
	v57 =	vmov s30;
	s1 =	rddreg [dreg:$0x0]  }
0x166: {  	s2 =	simm.s32 @!p0 $0x0;
	v34 =	vshll.u32 v1, $0x3;
	v1 =	vand.u32 $0x61, v1;
	v31 =	vand.u32 $0x7C, v16;
	s1 =	sadd.s32 @!p0 s1, s0  }
0x167: {  	v2 =	vand.u32 $0x7FFFFC00, v2;
	v16 =	vshll.u32 v16, $0x3;
	v4 =	vand.u32 $0x1C00, v4;
	[tilespmem:s2], [sflag:$0x1] =	stream.linear.gather @!p0 [hbm4b:s1+s2], $0x2000, $0x38;
	[tilespmem:$0x1A000] =	vst v63  }
0x168: {  	s3 =	simm.s32 @!p0 $0x2400;
	v12 =	vand.u32 $0x7FFFFC00, v12;
	v13 =	vand.u32 $0x7FFFFC00, v13;
	v14 =	vand.u32 $0x7FFFFC00, v14;
	s1 =	sadd.s32 @!p0 $0xF4280, s1  }
0x169: {  	v15 =	vand.u32 $0x7FFFFC00, v15;
	v17 =	vand.u32 $0x7FFFFC00, v17;
	v39 =	vshll.u32 v52, $0x3;
	[tilespmem:s3], [sflag:$0x1] =	stream.linear.gather @!p0 [hbm4b:s1+s2], $0x2000, $0x38;
	[tilespmem:$0x1A000] =	vst v63  }
0x16a: {  	v41 =	vshll.u32 v53, $0x3;
	v44 =	vshll.u32 v55, $0x3;
	v45 =	vshll.u32 v56, $0x3;
	s1 =	rddreg [dreg:$0x1]  }
0x16b: {  	v47 =	vshll.u32 v57, $0x3;
	v34 =	vand.u32 $0x1C00, v34;
	v52 =	vand.u32 $0x66, v52;
	s0 =	sadd.s32 @!p0 s1, s0;
	s1 =	simm.s32 @!p0 $0x4800  }
0x16c: {  	v53 =	vand.u32 $0x68, v53;
	v55 =	vand.u32 $0x6B, v55;
	v56 =	vand.u32 $0x6C, v56;
	[tilespmem:s1], [sflag:$0x1] =	stream.linear.gather @!p0 [hbm4b:s0+s2], $0x2000, $0x38;
	[tilespmem:$0x1A000] =	vst v63  }
0x16d: {  	v57 =	vand.u32 $0x6E, v57;
	v2 =	vor.u32 v3, v2;
	v3 =	vor.u32 v19, v4;
	s0 =	sadd.s32 @!p0 $0xF4280, s0;
	s1 =	simm.s32 @!p0 $0x6C00  }
0x16e: {  	v4 =	vand.u32 $0x7FFFFC00, v5;
	v5 =	vand.u32 $0x7FFFFC00, v6;
	v6 =	vand.u32 $0x7FFFFC00, v7;
	[tilespmem:s1], [sflag:$0x1] =	stream.linear.gather @!p0 [hbm4b:s0+s2], $0x2000, $0x38;
	[tilespmem:$0x1A000] =	vst v63  }
0x16f: {  	v7 =	vand.u32 $0x7FFFFC00, v8;
	v8 =	vand.u32 $0x7FFFFC00, v9;
	v9 =	vand.u32 $0x7FFFFC00, v10;
	_ =	swait.ge [sflag:s20], $0x4000  }
0x170: {  	v10 =	vand.u32 $0x7FFFFC00, v11;
	v11 =	vand.u32 $0x7FFFFC00, v18;
	v2 =	vadd.s32 v0, v2;
	[sflag:s20] =	ssyncset.done $0x0  }
0x171: {  	v12 =	vor.u32 v27, v12;
	v3 =	vadd.s32 v0, v3;
	v4 =	vor.u32 v20, v4;
	[sflag:s20] =	ssyncadd.s32 $0xFFFFC000  }
0x172: {  	v13 =	vor.u32 v28, v13;
	v5 =	vor.u32 v21, v5;
	v4 =	vadd.s32 v0, v4;
	_ =	swait.ge [sflag:s20], $0x4000  }
0x173: {  	v14 =	vor.u32 v29, v14;
	v6 =	vor.u32 v22, v6;
	v5 =	vadd.s32 v0, v5;
	[sflag:s20] =	ssyncset.done $0x0  }
0x174: {  	v15 =	vor.u32 v30, v15;
	v7 =	vor.u32 v23, v7;
	v6 =	vadd.s32 v0, v6;
	[sflag:s20] =	ssyncadd.s32 $0xFFFFC000  }
0x175: {  	s8 =	simm.s32 $0x0;
	v16 =	vand.u32 $0x7FFFFC00, v16;
	v8 =	vor.u32 v24, v8;
	v7 =	vadd.s32 v0, v7;
	v2 =	vld.idx.msk [tilespmem:v2+s21+$0x0], $0xffff  }
0x176: {  	v18 =	vmov s8;
	v9 =	vor.u32 v25, v9;
	v8 =	vadd.s32 v0, v8;
	v3 =	vld.idx.msk [tilespmem:v3+s21+$0x0], $0xffff  }
0x177: {  	s9 =	simm.s32 $0x2;
	v17 =	vor.u32 v32, v17;
	v10 =	vor.u32 v26, v10;
	v9 =	vadd.s32 v0, v9;
	v4 =	vld.idx.msk [tilespmem:v4+s21+$0x0], $0xffff  }
0x178: {  	s17 =	simm.s32 $0xA;
	s26 =	simm.s32 $0xD;
	v19 =	vmov s9;
	v11 =	vor.u32 v33, v11;
	v10 =	vadd.s32 v0, v10;
	v5 =	vld.idx.msk [tilespmem:v5+s21+$0x0], $0xffff  }
0x179: {  	s31 =	simm.s32 $0xF;
	v27 =	vmov s17;
	v30 =	vmov s26;
	v11 =	vadd.s32 v0, v11;
	v6 =	vld.idx.msk [tilespmem:v6+s21+$0x0], $0xffff  }
0x17a: {  	v32 =	vmov s31;
	v59 =	vand.u32 $0x1C00, v39;
	v12 =	vadd.s32 v0, v12;
	v7 =	vld.idx.msk [tilespmem:v7+s21+$0x0], $0xffff  }
0x17b: {  	s10 =	simm.s32 $0x3;
	v13 =	vadd.s32 v0, v13;
	v14 =	vadd.s32 v0, v14;
	v15 =	vadd.s32 v0, v15;
	v8 =	vld.idx.msk [tilespmem:v8+s21+$0x0], $0xffff  }
0x17c: {  	s11 =	simm.s32 $0x4;
	s12 =	simm.s32 $0x5;
	s13 =	simm.s32 $0x7;
	v16 =	vor.u32 v31, v16;
	v20 =	vmov s10;
	v17 =	vadd.s32 v0, v17;
	v9 =	vld.idx.msk [tilespmem:v9+s21+$0x0], $0xffff  }
0x17d: {  	s8 =	simm.s32 $0x9;
	v21 =	vmov s11;
	v22 =	vmov s12;
	v24 =	vmov s13;
	v10 =	vld.idx.msk [tilespmem:v10+s21+$0x0], $0xffff  }
0x17e: {  	v54 =	vmov s8;
	v58 =	vshll.u32 v18, $0x3;
	v16 =	vadd.s32 v0, v16;
	v11 =	vld.idx.msk [tilespmem:v11+s21+$0x0], $0xffff  }
0x17f: {  	v35 =	vshll.u32 v19, $0x3;
	v43 =	vshll.u32 v27, $0x3;
	v46 =	vshll.u32 v30, $0x3;
	v12 =	vld.idx.msk [tilespmem:v12+s21+$0x0], $0xffff  }
0x180: {  	v48 =	vshll.u32 v32, $0x3;
	v59 =	vor.u32 v52, v59;
	v36 =	vshll.u32 v20, $0x3;
	v13 =	vld.idx.msk [tilespmem:v13+s21+$0x0], $0xffff  }
0x181: {  	v37 =	vshll.u32 v21, $0x3;
	v38 =	vshll.u32 v22, $0x3;
	v40 =	vshll.u32 v24, $0x3;
	v14 =	vld.idx.msk [tilespmem:v14+s21+$0x0], $0xffff  }
0x182: {  	v42 =	vshll.u32 v54, $0x3;
	v33 =	vand.u32 $0x1C00, v58;
	v35 =	vand.u32 $0x1C00, v35;
	v49 =	vld.idx.msk [tilespmem:v15+s21+$0x0], $0xffff  }
0x183: {  	s26 =	simm.s32 $0x12100;
	v62 =	vand.u32 $0x1C00, v43;
	v43 =	vand.u32 $0x1C00, v44;
	v60 =	vand.u32 $0x1C00, v40;
	v40 =	vld.idx.msk [tilespmem:v16+s21+$0x0], $0xffff  }
0x184: {  	v44 =	vand.u32 $0x1C00, v45;
	v63 =	vand.u32 $0x1C00, v46;
	v50 =	vand.u32 $0x1C00, v48;
	v17 =	vld.idx.msk [tilespmem:v17+s21+$0x0], $0xffff;
	[tilespmem:s26+$0xE0] =	vst v11  }
0x185: {  	v51 =	vand.u32 $0x65, v22;
	v54 =	vand.u32 $0x69, v54;
	v58 =	vand.u32 $0x6F, v32;
	[tilespmem:s26+$0x0] =	vst v3  }
0x186: {  	v36 =	vand.u32 $0x1C00, v36;
	v37 =	vand.u32 $0x1C00, v37;
	v61 =	vand.u32 $0x1C00, v42;
	[tilespmem:s26+$0x10] =	vst v4  }
0x187: {  	v25 =	vor.u32 v56, v44;
	v61 =	vor.u32 v54, v61;
	v15 =	vand.u32 $0x1C00, v38;
	[tilespmem:s26+$0x20] =	vst v5  }
0x188: {  	v16 =	vand.u32 $0x1C00, v41;
	v11 =	vand.u32 $0x60, v18;
	v18 =	vand.u32 $0x1C00, v47;
	[tilespmem:s26+$0x30] =	vst v6  }
0x189: {  	v3 =	vand.u32 $0x62, v19;
	v19 =	vand.u32 $0x63, v20;
	v4 =	vand.u32 $0x64, v21;
	[tilespmem:s26+$0x40] =	vst v7  }
0x18a: {  	v5 =	vand.u32 $0x67, v24;
	v6 =	vand.u32 $0x6A, v27;
	v7 =	vand.u32 $0x6D, v30;
	[tilespmem:s26+$0x50] =	vst v8  }
0x18b: {  	[tilespmem:s26+$0x60] =	vst v9;
	v24 =	vor.u32 v55, v43;
	v8 =	vor.u32 v11, v33;
	v11 =	vor.u32 v1, v34  }
0x18c: {  	[tilespmem:s26+$0x70] =	vst v10;
	v3 =	vor.u32 v3, v35;
	v9 =	vor.u32 v19, v36;
	v4 =	vor.u32 v4, v37  }
0x18d: {  	[tilespmem:s26+$0x80] =	vst v12;
	v19 =	vor.u32 v51, v15;
	v5 =	vor.u32 v5, v60;
	v60 =	vor.u32 v53, v16  }
0x18e: {  	[tilespmem:s26+$0x90] =	vst v13;
	v62 =	vor.u32 v6, v62;
	v63 =	vor.u32 v7, v63;
	v1 =	vor.u32 v57, v18  }
0x18f: {  	[tilespmem:s26+$0xA0] =	vst v14;
	v15 =	vor.u32 v58, v50;
	v6 =	vadd.s32 v0, v61;
	v16 =	vadd.s32 v0, v8  }
0x190: {  	[tilespmem:s26+$0xB0] =	vst v49;
	v14 =	vadd.s32 v0, v11;
	v13 =	vadd.s32 v0, v3;
	v12 =	vadd.s32 v0, v9  }
0x191: {  	[tilespmem:s26+$0xC0] =	vst v40;
	v11 =	vadd.s32 v0, v4;
	v10 =	vadd.s32 v0, v19;
	v9 =	vadd.s32 v0, v59  }
0x192: {  	[tilespmem:s26+$0xD0] =	vst v17;
	v8 =	vadd.s32 v0, v5;
	v7 =	vadd.s32 v0, v60;
	v5 =	vadd.s32 v0, v62  }
0x193: {  	s28 =	simm.s32 $0x0;
	s29 =	simm.s32 $0x3F;
	[tilespmem:s26+$0xF0] =	vst v2;
	v4 =	vadd.s32 v0, v24;
	v3 =	vadd.s32 v0, v25;
	v2 =	vadd.s32 v0, v63  }
.LBB2_9:
0x194: {  	s0 =	sadd.s32 $0xFFFFFFE2, s29;
	s1 =	sadd.s32 $0xFFFFFFE3, s29;
	s3 =	sadd.s32 $0xFFFFFFE4, s29;
	v17 =	vmov s29;
	v16 =	vld.idx.msk [tilespmem:v16+s21+$0x0], $0xffff;
	v18 =	vadd.s32 v0, v1;
	v15 =	vadd.s32 v0, v15  }
0x195: {  	s2 =	sadd.s32 $0xFFFFFFF2, s29;
	s6 =	sadd.s32 $0xFFFFFFF3, s29;
	v1 =	vmov s0;
	s0 =	sadd.s32 $0xFFFFFFF1, s29;
	v19 =	vand.u32 $0x7F, v17;
	v17 =	vshll.u32 v17, $0x3;
	v14 =	vld.idx.msk [tilespmem:v14+s21+$0x0], $0xffff  }
0x196: {  	v21 =	vmov s2;
	v22 =	vmov s6;
	s2 =	sadd.s32 $0xFFFFFFF5, s29;
	s6 =	sadd.s32 $0xFFFFFFF6, s29;
	v20 =	vmov s0;
	s0 =	sadd.s32 $0xFFFFFFF4, s29;
	v13 =	vld.idx.msk [tilespmem:v13+s21+$0x0], $0xffff  }
0x197: {  	v24 =	vmov s2;
	v25 =	vmov s6;
	s2 =	sadd.s32 $0xFFFFFFF8, s29;
	s6 =	sadd.s32 $0xFFFFFFF9, s29;
	v23 =	vmov s0;
	s0 =	sadd.s32 $0xFFFFFFF7, s29;
	v12 =	vld.idx.msk [tilespmem:v12+s21+$0x0], $0xffff  }
0x198: {  	v27 =	vmov s2;
	v28 =	vmov s6;
	s2 =	sadd.s32 $0xFFFFFFFB, s29;
	s6 =	sadd.s32 $0xFFFFFFFC, s29;
	v26 =	vmov s0;
	s0 =	sadd.s32 $0xFFFFFFFA, s29;
	v11 =	vld.idx.msk [tilespmem:v11+s21+$0x0], $0xffff  }
0x199: {  	v30 =	vmov s2;
	v31 =	vmov s6;
	s2 =	sadd.s32 $0xFFFFFFFE, s29;
	s6 =	sadd.s32 $0xFFFFFFFF, s29;
	v29 =	vmov s0;
	s0 =	sadd.s32 $0xFFFFFFFD, s29;
	v10 =	vld.idx.msk [tilespmem:v10+s21+$0x0], $0xffff  }
0x19a: {  	s10 =	sadd.s32 $0xFFFFFFE5, s29;
	s13 =	sadd.s32 $0xFFFFFFE6, s29;
	s15 =	sadd.s32 $0xFFFFFFE7, s29;
	v33 =	vmov s2;
	v34 =	vmov s6;
	v32 =	vmov s0;
	v9 =	vld.idx.msk [tilespmem:v9+s21+$0x0], $0xffff  }
0x19b: {  	s8 =	sadd.s32 $0xFFFFFFE8, s29;
	s11 =	sadd.s32 $0xFFFFFFE9, s29;
	s12 =	sadd.s32 $0xFFFFFFEA, s29;
	v36 =	vand.u32 $0x71, v21;
	v37 =	vand.u32 $0x72, v22;
	v35 =	vand.u32 $0x70, v20;
	v8 =	vld.idx.msk [tilespmem:v8+s21+$0x0], $0xffff  }
0x19c: {  	s9 =	sadd.s32 $0xFFFFFFEC, s29;
	s23 =	sadd.s32 $0xFFFFFFED, s29;
	v39 =	vand.u32 $0x74, v24;
	v40 =	vand.u32 $0x75, v25;
	v38 =	vand.u32 $0x73, v23;
	s0 =	sadd.s32 $0xFFFFFFEB, s29;
	v7 =	vld.idx.msk [tilespmem:v7+s21+$0x0], $0xffff  }
0x19d: {  	s17 =	sadd.s32 $0xFFFFFFEF, s29;
	s18 =	sadd.s32 $0xFFFFFFF0, s29;
	v42 =	vand.u32 $0x77, v27;
	v43 =	vand.u32 $0x78, v28;
	s2 =	sadd.s32 $0xFFFFFFEE, s29;
	v41 =	vand.u32 $0x76, v26;
	v6 =	vld.idx.msk [tilespmem:v6+s21+$0x0], $0xffff  }
0x19e: {  	s6 =	sadd.s32 $0xFFFFFFE1, s29;
	v45 =	vand.u32 $0x7A, v30;
	v46 =	vand.u32 $0x7B, v31;
	v44 =	vand.u32 $0x79, v29;
	v5 =	vld.idx.msk [tilespmem:v5+s21+$0x0], $0xffff  }
0x19f: {  	v48 =	vand.u32 $0x7D, v33;
	v49 =	vand.u32 $0x7E, v34;
	v47 =	vand.u32 $0x7C, v32;
	v4 =	vld.idx.msk [tilespmem:v4+s21+$0x0], $0xffff  }
0x1a0: {  	v21 =	vshll.u32 v21, $0x3;
	v17 =	vand.u32 $0x7FFFFC00, v17;
	v20 =	vshll.u32 v20, $0x3;
	v3 =	vld.idx.msk [tilespmem:v3+s21+$0x0], $0xffff  }
0x1a1: {  	v22 =	vshll.u32 v22, $0x3;
	v24 =	vshll.u32 v24, $0x3;
	v23 =	vshll.u32 v23, $0x3;
	v50 =	vld.idx.msk [tilespmem:v2+s21+$0x0], $0xffff  }
0x1a2: {  	v2 =	vshll.u32 v25, $0x3;
	v25 =	vshll.u32 v26, $0x3;
	v26 =	vshll.u32 v27, $0x3;
	v18 =	vld.idx.msk [tilespmem:v18+s21+$0x0], $0xffff  }
0x1a3: {  	v27 =	vshll.u32 v28, $0x3;
	v28 =	vshll.u32 v29, $0x3;
	v29 =	vshll.u32 v30, $0x3;
	v15 =	vld.idx.msk [tilespmem:v15+s21+$0x0], $0xffff;
	[tilespmem:s26+$0xFFFFFF00] =	vst v16  }
0x1a4: {  	v30 =	vshll.u32 v32, $0x3;
	v16 =	vshll.u32 v31, $0x3;
	v31 =	vshll.u32 v33, $0x3;
	[tilespmem:s26+$0xFFFFFF10] =	vst v14  }
0x1a5: {  	v17 =	vor.u32 v19, v17;
	v14 =	vand.u32 $0x1C00, v20;
	v20 =	vshll.u32 v34, $0x3;
	[tilespmem:s26+$0xFFFFFF20] =	vst v13  }
0x1a6: {  	v17 =	vadd.s32 v0, v17;
	v13 =	vor.u32 v35, v14;
	v14 =	vand.u32 $0x7FFFFC00, v21;
	[tilespmem:s26+$0xFFFFFF30] =	vst v12  }
0x1a7: {  	v12 =	vadd.s32 v0, v13;
	v13 =	vor.u32 v36, v14;
	v14 =	vand.u32 $0x7FFFFC00, v22;
	[tilespmem:s26+$0xFFFFFF40] =	vst v11  }
0x1a8: {  	v11 =	vadd.s32 v0, v13;
	v13 =	vor.u32 v37, v14;
	v14 =	vand.u32 $0x7FFFFC00, v23;
	[tilespmem:s26+$0xFFFFFF50] =	vst v10  }
0x1a9: {  	v10 =	vadd.s32 v0, v13;
	v13 =	vor.u32 v38, v14;
	v14 =	vand.u32 $0x7FFFFC00, v24;
	[tilespmem:s26+$0xFFFFFF60] =	vst v9  }
0x1aa: {  	s28 =	sadd.s32 $0x2, s28;
	v2 =	vand.u32 $0x7FFFFC00, v2;
	v9 =	vadd.s32 v0, v13;
	v13 =	vor.u32 v39, v14;
	[tilespmem:s26+$0xFFFFFF70] =	vst v8  }
0x1ab: {  	p0 =	slt.u32 s28, $0x3E;
	v14 =	vand.u32 $0x7FFFFC00, v25;
	v8 =	vadd.s32 v0, v13;
	v13 =	vor.u32 v40, v2;
	v2 =	vld.idx.msk [tilespmem:v17+s21+$0x0], $0xffff;
	[tilespmem:s26+$0xFFFFFF80] =	vst v7  }
0x1ac: {  	v7 =	vld.idx.msk [tilespmem:v12+s21+$0x0], $0xffff;
	v12 =	vadd.s32 v0, v13;
	v13 =	vor.u32 v41, v14;
	v14 =	vand.u32 $0x7FFFFC00, v26;
	[tilespmem:s26+$0xFFFFFF90] =	vst v6  }
0x1ad: {  	v6 =	vld.idx.msk [tilespmem:v11+s21+$0x0], $0xffff;
	v11 =	vadd.s32 v0, v13;
	v13 =	vor.u32 v42, v14;
	v14 =	vand.u32 $0x7FFFFC00, v20;
	[tilespmem:s26+$0xFFFFFFA0] =	vst v5  }
0x1ae: {  	v5 =	vld.idx.msk [tilespmem:v10+s21+$0x0], $0xffff;
	v10 =	vadd.s32 v0, v13;
	v13 =	vand.u32 $0x7FFFFC00, v27;
	v14 =	vor.u32 v49, v14;
	[tilespmem:s26+$0xFFFFFFB0] =	vst v4  }
0x1af: {  	v4 =	vld.idx.msk [tilespmem:v9+s21+$0x0], $0xffff;
	v9 =	vor.u32 v43, v13;
	v13 =	vand.u32 $0x7FFFFC00, v28;
	v14 =	vadd.s32 v0, v14;
	[tilespmem:s26+$0xFFFFFFC0] =	vst v3  }
0x1b0: {  	v3 =	vld.idx.msk [tilespmem:v8+s21+$0x0], $0xffff;
	v8 =	vadd.s32 v0, v9;
	v9 =	vor.u32 v44, v13;
	v13 =	vand.u32 $0x7FFFFC00, v29;
	[tilespmem:s26+$0xFFFFFFD0] =	vst v50  }
0x1b1: {  	v16 =	vand.u32 $0x7FFFFC00, v16;
	v12 =	vld.idx.msk [tilespmem:v12+s21+$0x0], $0xffff;
	v9 =	vadd.s32 v0, v9;
	v13 =	vor.u32 v45, v13;
	[tilespmem:s26+$0xFFFFFFE0] =	vst v18  }
0x1b2: {  	v16 =	vor.u32 v46, v16;
	v17 =	vand.u32 $0x7FFFFC00, v30;
	v11 =	vld.idx.msk [tilespmem:v11+s21+$0x0], $0xffff;
	v13 =	vadd.s32 v0, v13;
	[tilespmem:s26+$0xFFFFFFF0] =	vst v15  }
0x1b3: {  	v15 =	vadd.s32 v0, v16;
	v16 =	vor.u32 v47, v17;
	v17 =	vand.u32 $0x7FFFFC00, v31;
	v10 =	vld.idx.msk [tilespmem:v10+s21+$0x0], $0xffff  }
0x1b4: {  	v18 =	vmov s6;
	v16 =	vadd.s32 v0, v16;
	v17 =	vor.u32 v48, v17;
	v14 =	vld.idx.msk [tilespmem:v14+s21+$0x0], $0xffff  }
0x1b5: {  	v19 =	vmov s1;
	v20 =	vmov s3;
	v17 =	vadd.s32 v0, v17;
	v8 =	vld.idx.msk [tilespmem:v8+s21+$0x0], $0xffff  }
0x1b6: {  	v21 =	vmov s10;
	v22 =	vmov s13;
	v23 =	vmov s15;
	v9 =	vld.idx.msk [tilespmem:v9+s21+$0x0], $0xffff  }
0x1b7: {  	v24 =	vmov s8;
	v25 =	vmov s11;
	v26 =	vmov s12;
	v13 =	vld.idx.msk [tilespmem:v13+s21+$0x0], $0xffff  }
0x1b8: {  	v27 =	vmov s0;
	v28 =	vmov s9;
	v29 =	vmov s23;
	v15 =	vld.idx.msk [tilespmem:v15+s21+$0x0], $0xffff  }
0x1b9: {  	v32 =	vmov s18;
	v30 =	vmov s2;
	v31 =	vmov s17;
	s26 =	sadd.s32 $0x200, s26;
	v16 =	vld.idx.msk [tilespmem:v16+s21+$0x0], $0xffff  }
0x1ba: {  	v34 =	vshll.u32 v1, $0x3;
	v35 =	vshll.u32 v19, $0x3;
	v33 =	vshll.u32 v18, $0x3;
	v17 =	vld.idx.msk [tilespmem:v17+s21+$0x0], $0xffff;
	[tilespmem:s26+$0xE0] =	vst v14  }
0x1bb: {  	v36 =	vshll.u32 v21, $0x3;
	v37 =	vshll.u32 v22, $0x3;
	v14 =	vshll.u32 v20, $0x3;
	[tilespmem:s26+$0x0] =	vst v7  }
0x1bc: {  	v38 =	vshll.u32 v24, $0x3;
	v39 =	vshll.u32 v25, $0x3;
	v7 =	vshll.u32 v23, $0x3;
	[tilespmem:s26+$0x10] =	vst v6  }
0x1bd: {  	v40 =	vshll.u32 v27, $0x3;
	v41 =	vshll.u32 v28, $0x3;
	v6 =	vshll.u32 v26, $0x3;
	[tilespmem:s26+$0x20] =	vst v5  }
0x1be: {  	v42 =	vshll.u32 v30, $0x3;
	v43 =	vshll.u32 v31, $0x3;
	v5 =	vshll.u32 v29, $0x3;
	[tilespmem:s26+$0x30] =	vst v4  }
0x1bf: {  	v4 =	vand.u32 $0x1C00, v33;
	v33 =	vand.u32 $0x1C00, v34;
	v34 =	vshll.u32 v32, $0x3;
	[tilespmem:s26+$0x40] =	vst v3  }
0x1c0: {  	v14 =	vand.u32 $0x1C00, v14;
	v3 =	vand.u32 $0x1C00, v35;
	v35 =	vand.u32 $0x1C00, v36;
	[tilespmem:s26+$0x50] =	vst v12  }
0x1c1: {  	v7 =	vand.u32 $0x1C00, v7;
	v36 =	vand.u32 $0x1C00, v38;
	v12 =	vand.u32 $0x1C00, v37;
	[tilespmem:s26+$0x60] =	vst v11  }
0x1c2: {  	v6 =	vand.u32 $0x1C00, v6;
	v37 =	vand.u32 $0x1C00, v40;
	v11 =	vand.u32 $0x1C00, v39;
	[tilespmem:s26+$0x70] =	vst v10  }
0x1c3: {  	v5 =	vand.u32 $0x1C00, v5;
	v38 =	vand.u32 $0x1C00, v42;
	v10 =	vand.u32 $0x1C00, v41;
	[tilespmem:s26+$0x80] =	vst v8  }
0x1c4: {  	v34 =	vand.u32 $0x1C00, v34;
	v8 =	vand.u32 $0x60, v18;
	v18 =	vand.u32 $0x1C00, v43;
	[tilespmem:s26+$0x90] =	vst v9  }
0x1c5: {  	v1 =	vand.u32 $0x61, v1;
	v9 =	vand.u32 $0x62, v19;
	v19 =	vand.u32 $0x63, v20;
	[tilespmem:s26+$0xA0] =	vst v13  }
0x1c6: {  	v20 =	vand.u32 $0x65, v22;
	v13 =	vand.u32 $0x64, v21;
	v21 =	vand.u32 $0x66, v23;
	[tilespmem:s26+$0xB0] =	vst v15  }
0x1c7: {  	v22 =	vand.u32 $0x68, v25;
	v23 =	vand.u32 $0x69, v26;
	v15 =	vand.u32 $0x67, v24;
	[tilespmem:s26+$0xC0] =	vst v16  }
0x1c8: {  	v25 =	vand.u32 $0x6C, v29;
	v24 =	vand.u32 $0x6B, v28;
	v16 =	vand.u32 $0x6A, v27;
	[tilespmem:s26+$0xD0] =	vst v17  }
0x1c9: {  	v26 =	vand.u32 $0x6E, v31;
	v27 =	vand.u32 $0x6F, v32;
	v17 =	vand.u32 $0x6D, v30;
	[tilespmem:s26+$0xF0] =	vst v2  }
0x1ca: {  	v3 =	vor.u32 v9, v3;
	v2 =	vor.u32 v8, v4;
	v4 =	vor.u32 v1, v33  }
0x1cb: {  	v9 =	vor.u32 v13, v35;
	v8 =	vor.u32 v19, v14;
	v19 =	vor.u32 v20, v12  }
0x1cc: {  	v7 =	vor.u32 v21, v7;
	v21 =	vor.u32 v22, v11;
	v20 =	vor.u32 v15, v36  }
0x1cd: {  	v6 =	vor.u32 v23, v6;
	v23 =	vor.u32 v24, v10;
	v22 =	vor.u32 v16, v37  }
0x1ce: {  	v24 =	vor.u32 v25, v5;
	v17 =	vor.u32 v17, v38;
	v1 =	vor.u32 v26, v18  }
.Ltmp8:
0x1cf: {  	v15 =	vor.u32 v27, v34;
	v16 =	vadd.s32 v0, v2;
	v14 =	vadd.s32 v0, v4;
	(pc) =	sbr.rel @p0 .LBB2_9-.Ltmp8, $4  }
0x1d0: {  	v13 =	vadd.s32 v0, v3;
	v11 =	vadd.s32 v0, v9;
	v12 =	vadd.s32 v0, v8  }
0x1d1: {  	v9 =	vadd.s32 v0, v7;
	v10 =	vadd.s32 v0, v19;
	v8 =	vadd.s32 v0, v20  }
0x1d2: {  	v7 =	vadd.s32 v0, v21;
	v6 =	vadd.s32 v0, v6;
	v5 =	vadd.s32 v0, v22  }
0x1d3: {  	s29 =	sadd.s32 $0x20, s29;
	v3 =	vadd.s32 v0, v24;
	v4 =	vadd.s32 v0, v23;
	v2 =	vadd.s32 v0, v17  }
0x1d4: {  	_ =	sdelay $0x3  }
0x1d5: {  	v16 =	vld.idx.msk [tilespmem:v16+s21+$0x0], $0xffff  }
0x1d6: {  	v14 =	vld.idx.msk [tilespmem:v14+s21+$0x0], $0xffff;
	s0 =	simm.s32 $0x1F  }
0x1d7: {  	v17 =	vadd.s32 v0, v1;
	v15 =	vadd.s32 v0, v15;
	v13 =	vld.idx.msk [tilespmem:v13+s21+$0x0], $0xffff;
	s1 =	simm.s32 $0x1;
	s9 =	simm.s32 $0x10;
	s10 =	simm.s32 $0x11;
	v18 =	vmov s0  }
0x1d8: {  	v12 =	vld.idx.msk [tilespmem:v12+s21+$0x0], $0xffff;
	s2 =	simm.s32 $0x12;
	s11 =	simm.s32 $0x13;
	s12 =	simm.s32 $0x14;
	v1 =	vmov s1;
	v20 =	vmov s9;
	v21 =	vmov s10  }
0x1d9: {  	v11 =	vld.idx.msk [tilespmem:v11+s21+$0x0], $0xffff;
	s13 =	simm.s32 $0x15;
	s15 =	simm.s32 $0x16;
	s17 =	simm.s32 $0x17;
	v22 =	vmov s2;
	v23 =	vmov s11;
	v24 =	vmov s12  }
0x1da: {  	v10 =	vld.idx.msk [tilespmem:v10+s21+$0x0], $0xffff;
	s18 =	simm.s32 $0x18;
	s23 =	simm.s32 $0x19;
	s30 =	simm.s32 $0x1A;
	v25 =	vmov s13;
	v26 =	vmov s15;
	v27 =	vmov s17  }
0x1db: {  	v9 =	vld.idx.msk [tilespmem:v9+s21+$0x0], $0xffff;
	s31 =	simm.s32 $0x1B;
	s3 =	simm.s32 $0x1E;
	v28 =	vmov s18;
	v29 =	vmov s23;
	v30 =	vmov s30  }
0x1dc: {  	v8 =	vld.idx.msk [tilespmem:v8+s21+$0x0], $0xffff;
	v31 =	vmov s31;
	s1 =	simm.s32 $0x1C;
	s2 =	simm.s32 $0x1D;
	v34 =	vmov s3;
	v19 =	vand.u32 $0x7F, v18  }
0x1dd: {  	v7 =	vld.idx.msk [tilespmem:v7+s21+$0x0], $0xffff;
	v18 =	vshll.u32 v18, $0x3;
	v32 =	vmov s1;
	v33 =	vmov s2  }
0x1de: {  	v6 =	vld.idx.msk [tilespmem:v6+s21+$0x0], $0xffff;
	v35 =	vand.u32 $0x70, v20;
	v36 =	vand.u32 $0x71, v21;
	v37 =	vand.u32 $0x72, v22  }
0x1df: {  	v5 =	vld.idx.msk [tilespmem:v5+s21+$0x0], $0xffff;
	v38 =	vand.u32 $0x73, v23;
	v39 =	vand.u32 $0x74, v24;
	v40 =	vand.u32 $0x75, v25  }
0x1e0: {  	v4 =	vld.idx.msk [tilespmem:v4+s21+$0x0], $0xffff;
	v41 =	vand.u32 $0x76, v26;
	v42 =	vand.u32 $0x77, v27;
	v43 =	vand.u32 $0x78, v28  }
0x1e1: {  	v3 =	vld.idx.msk [tilespmem:v3+s21+$0x0], $0xffff;
	v44 =	vand.u32 $0x79, v29;
	v45 =	vand.u32 $0x7A, v30;
	v46 =	vand.u32 $0x7B, v31  }
0x1e2: {  	v2 =	vld.idx.msk [tilespmem:v2+s21+$0x0], $0xffff;
	v49 =	vand.u32 $0x7E, v34;
	v20 =	vshll.u32 v20, $0x3;
	v21 =	vshll.u32 v21, $0x3  }
0x1e3: {  	v22 =	vshll.u32 v22, $0x3;
	v23 =	vshll.u32 v23, $0x3;
	v24 =	vshll.u32 v24, $0x3;
	v17 =	vld.idx.msk [tilespmem:v17+s21+$0x0], $0xffff  }
0x1e4: {  	s17 =	simm.s32 $0xA;
	v59 =	vshll.u32 v26, $0x3;
	v60 =	vshll.u32 v27, $0x3;
	v61 =	vshll.u32 v29, $0x3;
	v15 =	vld.idx.msk [tilespmem:v15+s21+$0x0], $0xffff;
	[tilespmem:s26+$0xFFFFFF00] =	vst v16  }
0x1e5: {  	s23 =	simm.s32 $0xC;
	v62 =	vshll.u32 v30, $0x3;
	v50 =	vshll.u32 v34, $0x3;
	v27 =	vmov s17;
	[tilespmem:s26+$0xFFFFFF10] =	vst v14  }
0x1e6: {  	v29 =	vmov s23;
	v57 =	vshll.u32 v1, $0x3;
	v1 =	vand.u32 $0x61, v1;
	[tilespmem:s26+$0xFFFFFF20] =	vst v13  }
0x1e7: {  	s31 =	simm.s32 $0xF;
	v47 =	vand.u32 $0x7C, v32;
	v48 =	vand.u32 $0x7D, v33;
	v18 =	vand.u32 $0x7FFFFC00, v18;
	[tilespmem:s26+$0xFFFFFF30] =	vst v12  }
0x1e8: {  	v63 =	vshll.u32 v32, $0x3;
	v33 =	vshll.u32 v33, $0x3;
	v32 =	vmov s31;
	[tilespmem:s26+$0xFFFFFF40] =	vst v11  }
0x1e9: {  	s10 =	simm.s32 $0x2;
	v52 =	vshll.u32 v27, $0x3;
	v54 =	vshll.u32 v29, $0x3;
	v34 =	vand.u32 $0x1C00, v57;
	[tilespmem:s26+$0xFFFFFF50] =	vst v10  }
0x1ea: {  	v18 =	vor.u32 v19, v18;
	v19 =	vmov s10;
	v57 =	vshll.u32 v32, $0x3;
	[tilespmem:s26+$0xFFFFFF60] =	vst v9  }
0x1eb: {  	s11 =	simm.s32 $0x3;
	v16 =	vshll.u32 v25, $0x3;
	v14 =	vshll.u32 v28, $0x3;
	v13 =	vshll.u32 v31, $0x3;
	[tilespmem:s26+$0xFFFFFF70] =	vst v8  }
0x1ec: {  	s15 =	simm.s32 $0x8;
	s18 =	simm.s32 $0xB;
	s30 =	simm.s32 $0xE;
	v12 =	vand.u32 $0x1C00, v20;
	v18 =	vadd.s32 v0, v18;
	[tilespmem:s26+$0xFFFFFF80] =	vst v7;
	v20 =	vmov s11  }
0x1ed: {  	s12 =	simm.s32 $0x4;
	[tilespmem:s26+$0xFFFFFF90] =	vst v6;
	v25 =	vmov s15;
	v28 =	vmov s18;
	v31 =	vmov s30  }
0x1ee: {  	[tilespmem:s26+$0xFFFFFFA0] =	vst v5;
	v11 =	vor.u32 v35, v12;
	v12 =	vand.u32 $0x7FFFFC00, v21;
	v21 =	vmov s12  }
0x1ef: {  	[tilespmem:s26+$0xFFFFFFB0] =	vst v4;
	v35 =	vshll.u32 v19, $0x3;
	v53 =	vshll.u32 v28, $0x3;
	v56 =	vshll.u32 v31, $0x3  }
0x1f0: {  	s3 =	simm.s32 $0x5;
	[tilespmem:s26+$0xFFFFFFC0] =	vst v3;
	v10 =	vadd.s32 v0, v11;
	v11 =	vor.u32 v36, v12;
	v12 =	vand.u32 $0x7FFFFC00, v22  }
0x1f1: {  	[tilespmem:s26+$0xFFFFFFD0] =	vst v2;
	v22 =	vmov s3;
	v36 =	vshll.u32 v20, $0x3;
	v58 =	vshll.u32 v21, $0x3  }
0x1f2: {  	v35 =	vand.u32 $0x1C00, v35;
	v9 =	vadd.s32 v0, v11;
	v11 =	vor.u32 v37, v12;
	[tilespmem:s26+$0xFFFFFFE0] =	vst v17  }
0x1f3: {  	v12 =	vand.u32 $0x7FFFFC00, v23;
	v36 =	vand.u32 $0x1C00, v36;
	v37 =	vand.u32 $0x1C00, v58;
	[tilespmem:s26+$0xFFFFFFF0] =	vst v15  }
0x1f4: {  	s25 =	sshll.u32 s25, $0xB;
	v8 =	vadd.s32 v0, v11;
	v11 =	vor.u32 v38, v12;
	v12 =	vand.u32 $0x7FFFFC00, v24;
	s6 =	rddreg [dreg:$0x4]  }
0x1f5: {  	s8 =	simm.s32 $0x12000;
	v7 =	vadd.s32 v0, v11;
	v11 =	vor.u32 v39, v12;
	v12 =	vand.u32 $0x7FFFFC00, v16;
	s0 =	sadd.s32 s6, s25  }
0x1f6: {  	v17 =	vand.u32 $0x7FFFFC00, v33;
	v6 =	vadd.s32 v0, v11;
	v11 =	vor.u32 v40, v12;
	[hbm4b:s0+s4] =	stream.linear.scatter [tilespmem:s8], [sflag:$0x3], $0x4000, $0x38;
	[tilespmem:$0x1A000] =	vst v63  }
0x1f7: {  	v12 =	vand.u32 $0x7FFFFC00, v59;
	v17 =	vor.u32 v48, v17;
	v5 =	vadd.s32 v0, v11;
	v10 =	vld.idx.msk [tilespmem:v10+s22+$0x0], $0xffff  }
0x1f8: {  	v11 =	vor.u32 v41, v12;
	v12 =	vand.u32 $0x7FFFFC00, v60;
	v17 =	vadd.s32 v0, v17;
	v9 =	vld.idx.msk [tilespmem:v9+s22+$0x0], $0xffff  }
0x1f9: {  	v4 =	vadd.s32 v0, v11;
	v11 =	vor.u32 v42, v12;
	v12 =	vand.u32 $0x7FFFFC00, v50;
	v8 =	vld.idx.msk [tilespmem:v8+s22+$0x0], $0xffff  }
0x1fa: {  	v3 =	vadd.s32 v0, v11;
	v11 =	vand.u32 $0x7FFFFC00, v14;
	v12 =	vor.u32 v49, v12;
	v7 =	vld.idx.msk [tilespmem:v7+s22+$0x0], $0xffff  }
0x1fb: {  	v2 =	vor.u32 v43, v11;
	v11 =	vand.u32 $0x7FFFFC00, v61;
	v12 =	vadd.s32 v0, v12;
	v6 =	vld.idx.msk [tilespmem:v6+s22+$0x0], $0xffff  }
0x1fc: {  	v14 =	vadd.s32 v0, v2;
	v2 =	vor.u32 v44, v11;
	v11 =	vand.u32 $0x7FFFFC00, v62;
	v5 =	vld.idx.msk [tilespmem:v5+s22+$0x0], $0xffff  }
0x1fd: {  	s13 =	simm.s32 $0x7;
	v15 =	vadd.s32 v0, v2;
	v2 =	vor.u32 v45, v11;
	v11 =	vand.u32 $0x7FFFFC00, v13;
	v17 =	vld.idx.msk [tilespmem:v17+s22+$0x0], $0xffff  }
0x1fe: {  	v24 =	vmov s13;
	s26 =	simm.s32 $0xD;
	v13 =	vadd.s32 v0, v2;
	v2 =	vor.u32 v46, v11;
	v4 =	vld.idx.msk [tilespmem:v4+s22+$0x0], $0xffff  }
0x1ff: {  	v30 =	vmov s26;
	v11 =	vand.u32 $0x7FFFFC00, v63;
	v16 =	vadd.s32 v0, v2;
	v2 =	vld.idx.msk [tilespmem:v18+s22+$0x0], $0xffff  }
0x200: {  	v59 =	vshll.u32 v22, $0x3;
	v48 =	vand.u32 $0x1C00, v57;
	s6 =	simm.s32 $0x6;
	v11 =	vor.u32 v47, v11;
	v3 =	vld.idx.msk [tilespmem:v3+s22+$0x0], $0xffff  }
0x201: {  	v57 =	vand.u32 $0x6F, v32;
	v23 =	vmov s6;
	v11 =	vadd.s32 v0, v11;
	v12 =	vld.idx.msk [tilespmem:v12+s22+$0x0], $0xffff  }
0x202: {  	v55 =	vshll.u32 v30, $0x3;
	s8 =	simm.s32 $0x9;
	v50 =	vand.u32 $0x65, v22;
	v60 =	vshll.u32 v23, $0x3;
	v14 =	vld.idx.msk [tilespmem:v14+s22+$0x0], $0xffff  }
0x203: {  	v26 =	vmov s8;
	v61 =	vshll.u32 v24, $0x3;
	v38 =	vand.u32 $0x1C00, v60;
	v15 =	vld.idx.msk [tilespmem:v15+s22+$0x0], $0xffff  }
0x204: {  	s9 =	simm.s32 $0x0;
	v60 =	vand.u32 $0x1C00, v52;
	v52 =	vand.u32 $0x68, v25;
	v62 =	vshll.u32 v25, $0x3;
	v13 =	vld.idx.msk [tilespmem:v13+s22+$0x0], $0xffff  }
0x205: {  	s26 =	simm.s32 $0x16100;
	v58 =	vand.u32 $0x1C00, v61;
	v61 =	vand.u32 $0x1C00, v53;
	v18 =	vmov s9;
	v49 =	vld.idx.msk [tilespmem:v16+s22+$0x0], $0xffff  }
0x206: {  	v53 =	vand.u32 $0x69, v26;
	v63 =	vshll.u32 v26, $0x3;
	v51 =	vshll.u32 v18, $0x3;
	v40 =	vld.idx.msk [tilespmem:v11+s22+$0x0], $0xffff;
	[tilespmem:s26+$0xE0] =	vst v12  }
0x207: {  	v33 =	vand.u32 $0x1C00, v51;
	v51 =	vand.u32 $0x66, v23;
	v16 =	vand.u32 $0x1C00, v59;
	[tilespmem:s26+$0x0] =	vst v10  }
0x208: {  	v59 =	vand.u32 $0x1C00, v63;
	v63 =	vand.u32 $0x1C00, v55;
	v55 =	vand.u32 $0x6C, v29;
	[tilespmem:s26+$0x10] =	vst v9  }
0x209: {  	v11 =	vand.u32 $0x1C00, v62;
	v62 =	vand.u32 $0x1C00, v54;
	v12 =	vand.u32 $0x60, v18;
	[tilespmem:s26+$0x20] =	vst v8  }
0x20a: {  	v18 =	vand.u32 $0x1C00, v56;
	v10 =	vand.u32 $0x62, v19;
	v19 =	vand.u32 $0x63, v20;
	[tilespmem:s26+$0x30] =	vst v7  }
0x20b: {  	v9 =	vand.u32 $0x64, v21;
	v8 =	vand.u32 $0x67, v24;
	v7 =	vand.u32 $0x6A, v27;
	[tilespmem:s26+$0x40] =	vst v6  }
0x20c: {  	v54 =	vand.u32 $0x6B, v28;
	v6 =	vand.u32 $0x6D, v30;
	v56 =	vand.u32 $0x6E, v31;
	[tilespmem:s26+$0x50] =	vst v5  }
0x20d: {  	[tilespmem:s26+$0x70] =	vst v3;
	v3 =	vor.u32 v51, v38;
	v59 =	vor.u32 v53, v59;
	v5 =	vor.u32 v12, v33  }
0x20e: {  	[tilespmem:s26+$0x60] =	vst v4;
	v12 =	vor.u32 v1, v34;
	v10 =	vor.u32 v10, v35;
	v4 =	vor.u32 v19, v36  }
0x20f: {  	v9 =	vor.u32 v9, v37;
	v19 =	vor.u32 v50, v16;
	v8 =	vor.u32 v8, v58  }
0x210: {  	[tilespmem:s26+$0xD0] =	vst v17;
	v58 =	vor.u32 v52, v11;
	v60 =	vor.u32 v7, v60;
	v61 =	vor.u32 v54, v61  }
0x211: {  	[tilespmem:s26+$0xF0] =	vst v2;
	v62 =	vor.u32 v55, v62;
	v63 =	vor.u32 v6, v63;
	v1 =	vor.u32 v56, v18  }
0x212: {  	[tilespmem:s26+$0x80] =	vst v14;
	v14 =	vor.u32 v57, v48;
	v6 =	vadd.s32 v0, v59;
	v16 =	vadd.s32 v0, v5  }
0x213: {  	[tilespmem:s26+$0x90] =	vst v15;
	v15 =	vadd.s32 v0, v12;
	v12 =	vadd.s32 v0, v4;
	v11 =	vadd.s32 v0, v9  }
0x214: {  	v9 =	vadd.s32 v0, v3;
	v8 =	vadd.s32 v0, v8;
	[tilespmem:s26+$0xA0] =	vst v13;
	v13 =	vadd.s32 v0, v10  }
0x215: {  	v7 =	vadd.s32 v0, v58;
	v5 =	vadd.s32 v0, v60;
	v4 =	vadd.s32 v0, v61;
	[tilespmem:s26+$0xB0] =	vst v49  }
0x216: {  	s28 =	simm.s32 $0x0;
	s29 =	simm.s32 $0x3F;
	v3 =	vadd.s32 v0, v62;
	v2 =	vadd.s32 v0, v63;
	v10 =	vadd.s32 v0, v19;
	[tilespmem:s26+$0xC0] =	vst v40  }
.LBB2_11:
0x217: {  	s0 =	sadd.s32 $0xFFFFFFE2, s29;
	s1 =	sadd.s32 $0xFFFFFFE3, s29;
	s3 =	sadd.s32 $0xFFFFFFE4, s29;
	v17 =	vmov s29;
	v16 =	vld.idx.msk [tilespmem:v16+s22+$0x0], $0xffff;
	v18 =	vadd.s32 v0, v1;
	v14 =	vadd.s32 v0, v14  }
0x218: {  	s2 =	sadd.s32 $0xFFFFFFF2, s29;
	s6 =	sadd.s32 $0xFFFFFFF3, s29;
	v1 =	vmov s0;
	s0 =	sadd.s32 $0xFFFFFFF1, s29;
	v19 =	vand.u32 $0x7F, v17;
	v17 =	vshll.u32 v17, $0x3;
	v15 =	vld.idx.msk [tilespmem:v15+s22+$0x0], $0xffff  }
0x219: {  	v21 =	vmov s2;
	v22 =	vmov s6;
	s2 =	sadd.s32 $0xFFFFFFF5, s29;
	s6 =	sadd.s32 $0xFFFFFFF6, s29;
	v20 =	vmov s0;
	s0 =	sadd.s32 $0xFFFFFFF4, s29;
	v13 =	vld.idx.msk [tilespmem:v13+s22+$0x0], $0xffff  }
0x21a: {  	v24 =	vmov s2;
	v25 =	vmov s6;
	s2 =	sadd.s32 $0xFFFFFFF8, s29;
	s6 =	sadd.s32 $0xFFFFFFF9, s29;
	v23 =	vmov s0;
	s0 =	sadd.s32 $0xFFFFFFF7, s29;
	v12 =	vld.idx.msk [tilespmem:v12+s22+$0x0], $0xffff  }
0x21b: {  	v27 =	vmov s2;
	v28 =	vmov s6;
	s2 =	sadd.s32 $0xFFFFFFFB, s29;
	s6 =	sadd.s32 $0xFFFFFFFC, s29;
	v26 =	vmov s0;
	s0 =	sadd.s32 $0xFFFFFFFA, s29;
	v11 =	vld.idx.msk [tilespmem:v11+s22+$0x0], $0xffff  }
0x21c: {  	v30 =	vmov s2;
	v31 =	vmov s6;
	s2 =	sadd.s32 $0xFFFFFFFE, s29;
	s6 =	sadd.s32 $0xFFFFFFFF, s29;
	v29 =	vmov s0;
	s0 =	sadd.s32 $0xFFFFFFFD, s29;
	v10 =	vld.idx.msk [tilespmem:v10+s22+$0x0], $0xffff  }
0x21d: {  	s10 =	sadd.s32 $0xFFFFFFE5, s29;
	s13 =	sadd.s32 $0xFFFFFFE6, s29;
	s15 =	sadd.s32 $0xFFFFFFE7, s29;
	v33 =	vmov s2;
	v34 =	vmov s6;
	v32 =	vmov s0;
	v9 =	vld.idx.msk [tilespmem:v9+s22+$0x0], $0xffff  }
0x21e: {  	s8 =	sadd.s32 $0xFFFFFFE8, s29;
	s11 =	sadd.s32 $0xFFFFFFE9, s29;
	s12 =	sadd.s32 $0xFFFFFFEA, s29;
	v36 =	vand.u32 $0x71, v21;
	v37 =	vand.u32 $0x72, v22;
	v35 =	vand.u32 $0x70, v20;
	v8 =	vld.idx.msk [tilespmem:v8+s22+$0x0], $0xffff  }
0x21f: {  	s9 =	sadd.s32 $0xFFFFFFEC, s29;
	s23 =	sadd.s32 $0xFFFFFFED, s29;
	v39 =	vand.u32 $0x74, v24;
	v40 =	vand.u32 $0x75, v25;
	v38 =	vand.u32 $0x73, v23;
	s0 =	sadd.s32 $0xFFFFFFEB, s29;
	v7 =	vld.idx.msk [tilespmem:v7+s22+$0x0], $0xffff  }
0x220: {  	s17 =	sadd.s32 $0xFFFFFFEF, s29;
	s18 =	sadd.s32 $0xFFFFFFF0, s29;
	v42 =	vand.u32 $0x77, v27;
	v43 =	vand.u32 $0x78, v28;
	s2 =	sadd.s32 $0xFFFFFFEE, s29;
	v41 =	vand.u32 $0x76, v26;
	v6 =	vld.idx.msk [tilespmem:v6+s22+$0x0], $0xffff  }
0x221: {  	s6 =	sadd.s32 $0xFFFFFFE1, s29;
	v45 =	vand.u32 $0x7A, v30;
	v46 =	vand.u32 $0x7B, v31;
	v44 =	vand.u32 $0x79, v29;
	v5 =	vld.idx.msk [tilespmem:v5+s22+$0x0], $0xffff  }
0x222: {  	v48 =	vand.u32 $0x7D, v33;
	v49 =	vand.u32 $0x7E, v34;
	v47 =	vand.u32 $0x7C, v32;
	v4 =	vld.idx.msk [tilespmem:v4+s22+$0x0], $0xffff  }
0x223: {  	v21 =	vshll.u32 v21, $0x3;
	v17 =	vand.u32 $0x7FFFFC00, v17;
	v20 =	vshll.u32 v20, $0x3;
	v3 =	vld.idx.msk [tilespmem:v3+s22+$0x0], $0xffff  }
0x224: {  	v22 =	vshll.u32 v22, $0x3;
	v24 =	vshll.u32 v24, $0x3;
	v23 =	vshll.u32 v23, $0x3;
	v50 =	vld.idx.msk [tilespmem:v2+s22+$0x0], $0xffff  }
0x225: {  	v2 =	vshll.u32 v25, $0x3;
	v25 =	vshll.u32 v26, $0x3;
	v26 =	vshll.u32 v27, $0x3;
	v18 =	vld.idx.msk [tilespmem:v18+s22+$0x0], $0xffff  }
0x226: {  	v27 =	vshll.u32 v28, $0x3;
	v28 =	vshll.u32 v29, $0x3;
	v29 =	vshll.u32 v30, $0x3;
	v14 =	vld.idx.msk [tilespmem:v14+s22+$0x0], $0xffff;
	[tilespmem:s26+$0xFFFFFF00] =	vst v16  }
0x227: {  	v30 =	vshll.u32 v32, $0x3;
	v16 =	vshll.u32 v31, $0x3;
	v31 =	vshll.u32 v33, $0x3;
	[tilespmem:s26+$0xFFFFFF10] =	vst v15  }
0x228: {  	v17 =	vor.u32 v19, v17;
	v15 =	vand.u32 $0x1C00, v20;
	v20 =	vshll.u32 v34, $0x3;
	[tilespmem:s26+$0xFFFFFF20] =	vst v13  }
0x229: {  	v17 =	vadd.s32 v0, v17;
	v13 =	vor.u32 v35, v15;
	v15 =	vand.u32 $0x7FFFFC00, v21;
	[tilespmem:s26+$0xFFFFFF30] =	vst v12  }
0x22a: {  	v12 =	vadd.s32 v0, v13;
	v13 =	vor.u32 v36, v15;
	v15 =	vand.u32 $0x7FFFFC00, v22;
	[tilespmem:s26+$0xFFFFFF40] =	vst v11  }
0x22b: {  	v11 =	vadd.s32 v0, v13;
	v13 =	vor.u32 v37, v15;
	v15 =	vand.u32 $0x7FFFFC00, v23;
	[tilespmem:s26+$0xFFFFFF50] =	vst v10  }
0x22c: {  	v10 =	vadd.s32 v0, v13;
	v13 =	vor.u32 v38, v15;
	v15 =	vand.u32 $0x7FFFFC00, v24;
	[tilespmem:s26+$0xFFFFFF60] =	vst v9  }
0x22d: {  	s28 =	sadd.s32 $0x2, s28;
	v2 =	vand.u32 $0x7FFFFC00, v2;
	v9 =	vadd.s32 v0, v13;
	v13 =	vor.u32 v39, v15;
	[tilespmem:s26+$0xFFFFFF70] =	vst v8  }
0x22e: {  	p0 =	slt.u32 s28, $0x3E;
	v15 =	vand.u32 $0x7FFFFC00, v25;
	v8 =	vadd.s32 v0, v13;
	v13 =	vor.u32 v40, v2;
	v2 =	vld.idx.msk [tilespmem:v17+s22+$0x0], $0xffff;
	[tilespmem:s26+$0xFFFFFF80] =	vst v7  }
0x22f: {  	v7 =	vld.idx.msk [tilespmem:v12+s22+$0x0], $0xffff;
	v12 =	vadd.s32 v0, v13;
	v13 =	vor.u32 v41, v15;
	v15 =	vand.u32 $0x7FFFFC00, v26;
	[tilespmem:s26+$0xFFFFFF90] =	vst v6  }
0x230: {  	v6 =	vld.idx.msk [tilespmem:v11+s22+$0x0], $0xffff;
	v11 =	vadd.s32 v0, v13;
	v13 =	vor.u32 v42, v15;
	v15 =	vand.u32 $0x7FFFFC00, v20;
	[tilespmem:s26+$0xFFFFFFA0] =	vst v5  }
0x231: {  	v5 =	vld.idx.msk [tilespmem:v10+s22+$0x0], $0xffff;
	v10 =	vadd.s32 v0, v13;
	v13 =	vand.u32 $0x7FFFFC00, v27;
	v15 =	vor.u32 v49, v15;
	[tilespmem:s26+$0xFFFFFFB0] =	vst v4  }
0x232: {  	v4 =	vld.idx.msk [tilespmem:v9+s22+$0x0], $0xffff;
	v9 =	vor.u32 v43, v13;
	v13 =	vand.u32 $0x7FFFFC00, v28;
	v15 =	vadd.s32 v0, v15;
	[tilespmem:s26+$0xFFFFFFC0] =	vst v3  }
0x233: {  	v3 =	vld.idx.msk [tilespmem:v8+s22+$0x0], $0xffff;
	v8 =	vadd.s32 v0, v9;
	v9 =	vor.u32 v44, v13;
	v13 =	vand.u32 $0x7FFFFC00, v29;
	[tilespmem:s26+$0xFFFFFFD0] =	vst v50  }
0x234: {  	v16 =	vand.u32 $0x7FFFFC00, v16;
	v12 =	vld.idx.msk [tilespmem:v12+s22+$0x0], $0xffff;
	v9 =	vadd.s32 v0, v9;
	v13 =	vor.u32 v45, v13;
	[tilespmem:s26+$0xFFFFFFE0] =	vst v18  }
0x235: {  	v16 =	vor.u32 v46, v16;
	v17 =	vand.u32 $0x7FFFFC00, v30;
	v11 =	vld.idx.msk [tilespmem:v11+s22+$0x0], $0xffff;
	v13 =	vadd.s32 v0, v13;
	[tilespmem:s26+$0xFFFFFFF0] =	vst v14  }
0x236: {  	v14 =	vadd.s32 v0, v16;
	v16 =	vor.u32 v47, v17;
	v17 =	vand.u32 $0x7FFFFC00, v31;
	v10 =	vld.idx.msk [tilespmem:v10+s22+$0x0], $0xffff  }
0x237: {  	v18 =	vmov s6;
	v16 =	vadd.s32 v0, v16;
	v17 =	vor.u32 v48, v17;
	v15 =	vld.idx.msk [tilespmem:v15+s22+$0x0], $0xffff  }
0x238: {  	v19 =	vmov s1;
	v20 =	vmov s3;
	v17 =	vadd.s32 v0, v17;
	v8 =	vld.idx.msk [tilespmem:v8+s22+$0x0], $0xffff  }
0x239: {  	v21 =	vmov s10;
	v22 =	vmov s13;
	v23 =	vmov s15;
	v9 =	vld.idx.msk [tilespmem:v9+s22+$0x0], $0xffff  }
0x23a: {  	v24 =	vmov s8;
	v25 =	vmov s11;
	v26 =	vmov s12;
	v13 =	vld.idx.msk [tilespmem:v13+s22+$0x0], $0xffff  }
0x23b: {  	v27 =	vmov s0;
	v28 =	vmov s9;
	v29 =	vmov s23;
	v14 =	vld.idx.msk [tilespmem:v14+s22+$0x0], $0xffff  }
0x23c: {  	v32 =	vmov s18;
	v30 =	vmov s2;
	v31 =	vmov s17;
	s26 =	sadd.s32 $0x200, s26;
	v16 =	vld.idx.msk [tilespmem:v16+s22+$0x0], $0xffff  }
0x23d: {  	v34 =	vshll.u32 v1, $0x3;
	v35 =	vshll.u32 v19, $0x3;
	v33 =	vshll.u32 v18, $0x3;
	v17 =	vld.idx.msk [tilespmem:v17+s22+$0x0], $0xffff;
	[tilespmem:s26+$0xE0] =	vst v15  }
0x23e: {  	v36 =	vshll.u32 v21, $0x3;
	v37 =	vshll.u32 v22, $0x3;
	v15 =	vshll.u32 v20, $0x3;
	[tilespmem:s26+$0x0] =	vst v7  }
0x23f: {  	v38 =	vshll.u32 v24, $0x3;
	v39 =	vshll.u32 v25, $0x3;
	v7 =	vshll.u32 v23, $0x3;
	[tilespmem:s26+$0x10] =	vst v6  }
0x240: {  	v40 =	vshll.u32 v27, $0x3;
	v41 =	vshll.u32 v28, $0x3;
	v6 =	vshll.u32 v26, $0x3;
	[tilespmem:s26+$0x20] =	vst v5  }
0x241: {  	v42 =	vshll.u32 v30, $0x3;
	v43 =	vshll.u32 v31, $0x3;
	v5 =	vshll.u32 v29, $0x3;
	[tilespmem:s26+$0x30] =	vst v4  }
0x242: {  	v4 =	vand.u32 $0x1C00, v33;
	v33 =	vand.u32 $0x1C00, v34;
	v34 =	vshll.u32 v32, $0x3;
	[tilespmem:s26+$0x40] =	vst v3  }
0x243: {  	v15 =	vand.u32 $0x1C00, v15;
	v3 =	vand.u32 $0x1C00, v35;
	v35 =	vand.u32 $0x1C00, v36;
	[tilespmem:s26+$0x50] =	vst v12  }
0x244: {  	v7 =	vand.u32 $0x1C00, v7;
	v36 =	vand.u32 $0x1C00, v38;
	v12 =	vand.u32 $0x1C00, v37;
	[tilespmem:s26+$0x60] =	vst v11  }
0x245: {  	v6 =	vand.u32 $0x1C00, v6;
	v37 =	vand.u32 $0x1C00, v40;
	v11 =	vand.u32 $0x1C00, v39;
	[tilespmem:s26+$0x70] =	vst v10  }
0x246: {  	v5 =	vand.u32 $0x1C00, v5;
	v38 =	vand.u32 $0x1C00, v42;
	v10 =	vand.u32 $0x1C00, v41;
	[tilespmem:s26+$0x80] =	vst v8  }
0x247: {  	v34 =	vand.u32 $0x1C00, v34;
	v8 =	vand.u32 $0x60, v18;
	v18 =	vand.u32 $0x1C00, v43;
	[tilespmem:s26+$0x90] =	vst v9  }
0x248: {  	v1 =	vand.u32 $0x61, v1;
	v9 =	vand.u32 $0x62, v19;
	v19 =	vand.u32 $0x63, v20;
	[tilespmem:s26+$0xA0] =	vst v13  }
0x249: {  	v20 =	vand.u32 $0x65, v22;
	v13 =	vand.u32 $0x64, v21;
	v21 =	vand.u32 $0x66, v23;
	[tilespmem:s26+$0xB0] =	vst v14  }
0x24a: {  	v22 =	vand.u32 $0x68, v25;
	v23 =	vand.u32 $0x69, v26;
	v14 =	vand.u32 $0x67, v24;
	[tilespmem:s26+$0xC0] =	vst v16  }
0x24b: {  	v25 =	vand.u32 $0x6C, v29;
	v24 =	vand.u32 $0x6B, v28;
	v16 =	vand.u32 $0x6A, v27;
	[tilespmem:s26+$0xD0] =	vst v17  }
0x24c: {  	v26 =	vand.u32 $0x6E, v31;
	v27 =	vand.u32 $0x6F, v32;
	v17 =	vand.u32 $0x6D, v30;
	[tilespmem:s26+$0xF0] =	vst v2  }
0x24d: {  	v3 =	vor.u32 v9, v3;
	v2 =	vor.u32 v8, v4;
	v4 =	vor.u32 v1, v33  }
0x24e: {  	v9 =	vor.u32 v13, v35;
	v8 =	vor.u32 v19, v15;
	v19 =	vor.u32 v20, v12  }
0x24f: {  	v7 =	vor.u32 v21, v7;
	v21 =	vor.u32 v22, v11;
	v20 =	vor.u32 v14, v36  }
0x250: {  	v6 =	vor.u32 v23, v6;
	v23 =	vor.u32 v24, v10;
	v22 =	vor.u32 v16, v37  }
0x251: {  	v24 =	vor.u32 v25, v5;
	v17 =	vor.u32 v17, v38;
	v1 =	vor.u32 v26, v18  }
.Ltmp9:
0x252: {  	v14 =	vor.u32 v27, v34;
	v16 =	vadd.s32 v0, v2;
	v15 =	vadd.s32 v0, v4;
	(pc) =	sbr.rel @p0 .LBB2_11-.Ltmp9, $4  }
0x253: {  	v13 =	vadd.s32 v0, v3;
	v11 =	vadd.s32 v0, v9;
	v12 =	vadd.s32 v0, v8  }
0x254: {  	v9 =	vadd.s32 v0, v7;
	v10 =	vadd.s32 v0, v19;
	v8 =	vadd.s32 v0, v20  }
0x255: {  	v7 =	vadd.s32 v0, v21;
	v6 =	vadd.s32 v0, v6;
	v5 =	vadd.s32 v0, v22  }
0x256: {  	s29 =	sadd.s32 $0x20, s29;
	v3 =	vadd.s32 v0, v24;
	v4 =	vadd.s32 v0, v23;
	v2 =	vadd.s32 v0, v17  }
0x257: {  	_ =	sdelay $0x3  }
0x258: {  	v16 =	vld.idx.msk [tilespmem:v16+s22+$0x0], $0xffff  }
0x259: {  	v15 =	vld.idx.msk [tilespmem:v15+s22+$0x0], $0xffff  }
0x25a: {  	v13 =	vld.idx.msk [tilespmem:v13+s22+$0x0], $0xffff  }
0x25b: {  	v12 =	vld.idx.msk [tilespmem:v12+s22+$0x0], $0xffff  }
0x25c: {  	v11 =	vld.idx.msk [tilespmem:v11+s22+$0x0], $0xffff  }
0x25d: {  	v10 =	vld.idx.msk [tilespmem:v10+s22+$0x0], $0xffff  }
0x25e: {  	v9 =	vld.idx.msk [tilespmem:v9+s22+$0x0], $0xffff  }
0x25f: {  	v8 =	vld.idx.msk [tilespmem:v8+s22+$0x0], $0xffff  }
0x260: {  	v7 =	vld.idx.msk [tilespmem:v7+s22+$0x0], $0xffff  }
0x261: {  	v1 =	vadd.s32 v0, v1;
	v6 =	vld.idx.msk [tilespmem:v6+s22+$0x0], $0xffff  }
0x262: {  	v14 =	vadd.s32 v0, v14;
	v5 =	vld.idx.msk [tilespmem:v5+s22+$0x0], $0xffff  }
0x263: {  	v4 =	vld.idx.msk [tilespmem:v4+s22+$0x0], $0xffff  }
0x264: {  	v3 =	vld.idx.msk [tilespmem:v3+s22+$0x0], $0xffff  }
0x265: {  	v2 =	vld.idx.msk [tilespmem:v2+s22+$0x0], $0xffff  }
0x266: {  	v1 =	vld.idx.msk [tilespmem:v1+s22+$0x0], $0xffff  }
0x267: {  	v14 =	vld.idx.msk [tilespmem:v14+s22+$0x0], $0xffff;
	[tilespmem:s26+$0xFFFFFF00] =	vst v16  }
0x268: {  	[tilespmem:s26+$0xFFFFFF10] =	vst v15  }
0x269: {  	[tilespmem:s26+$0xFFFFFF20] =	vst v13  }
0x26a: {  	[tilespmem:s26+$0xFFFFFF30] =	vst v12  }
0x26b: {  	[tilespmem:s26+$0xFFFFFF40] =	vst v11  }
0x26c: {  	[tilespmem:s26+$0xFFFFFF50] =	vst v10  }
0x26d: {  	[tilespmem:s26+$0xFFFFFF60] =	vst v9  }
0x26e: {  	[tilespmem:s26+$0xFFFFFF70] =	vst v8  }
0x26f: {  	[tilespmem:s26+$0xFFFFFF80] =	vst v7  }
0x270: {  	[tilespmem:s26+$0xFFFFFF90] =	vst v6  }
0x271: {  	[tilespmem:s26+$0xFFFFFFA0] =	vst v5  }
0x272: {  	[tilespmem:s26+$0xFFFFFFB0] =	vst v4  }
.Ltmp10:
0x273: {  	[tilespmem:s26+$0xFFFFFFC0] =	vst v3;
	(pc) =	sbr.rel .LBB2_13-.Ltmp10, $4  }
0x274: {  	[tilespmem:s26+$0xFFFFFFD0] =	vst v2  }
0x275: {  	[tilespmem:s26+$0xFFFFFFE0] =	vst v1  }
0x276: {  	s0 =	sadd.s32 s7, s25;
	s1 =	simm.s32 $0x16000;
	[tilespmem:s26+$0xFFFFFFF0] =	vst v14  }
0x277: {  	[hbm4b:s0+s4] =	stream.linear.scatter [tilespmem:s1], [sflag:$0x3], $0x4000, $0x38;
	[tilespmem:$0x1A000] =	vst v63  }
.LBB2_15:
0x278: {  	_ =	sfence.sel $0x180000  }
0x279: {  	[bflag:$0x0] =	sbarrier.arrive $0xFFFF  }
0x27a: {  	_ =	strace $0x90000047  }
0x27b: {  	s0 =	stileid.u32;
	[bflag:$0x2] =	sbarrier.arrive $0xFFFF  }
0x27c: {  	p0 =	sne.s32 s0, $0x0;
	s0 =	rddreg [dreg:$0x3]  }
0x27d: {  	s0 =	sadd.s32 @!p0 $0x100000, s0  }
0x27e: {  	[sflag:s0] =	ssyncadd.tile.s32 @!p0 $0x1;
	_ =	shalt  }
.Lfunc_end2:
_tile_overlayer_lowered:
.L_overlay_start_2:
0x27f: {  	(tag) =	ssettag $0x2  }
0x280: {  	s0 =	rddreg [dreg:$0x0];
	s2 =	stileid.u32  }
0x281: {  	s1 =	rddreg [dreg:$0x1];
	p0 =	sne.s32 s2, $0x0  }
0x282: {  	s3 =	rddreg [dreg:$0x2];
	[bflag:$0x3] =	sbarrier.arrive $0xFFFF;
	s2 =	simm.s32 @!p0 $0x1C04  }
0x283: {  	[timem:s3], [sflag:s2] =	dma.local @!p0 [hbm:s0], s1  }
0x284: {  	s0 =	simm.s32 @!p0 $0x4  }
0x285: {  	_ =	swait.ge @!p0 [sflag:s0], s1  }
0x286: {  	s1 =	ssub.s32 @!p0 $0x0, s1;
	[sflag:s0] =	ssyncset.done @!p0 $0x0  }
0x287: {  	[sflag:s0] =	ssyncadd.s32 @!p0 s1  }
0x288: {  	[bflag:$0x3] =	sbarrier.arrive $0xFFFF  }
0x289: {  	_ =	shalt  }

// kernel: _run.7.cloned.1.call-start
scs
__scs_entry_jumppad:
0x0: {  	(pc) =	sbr.rel $0x88, $3  }
0x1: {  	(tag) =	ssettag $0x0;
	lr =	simm.s32 $0x1  }
0x2: {  	[smem:$0x3F9A] =	sst lr;
	_ =	strace $0xD0000000  }
0x3: {  	_ = 	snop  }
0x4: {  	_ = 	snop  }
0x5: {  	_ = 	snop  }
0x6: {  	_ = 	snop  }
0x7: {  	_ = 	snop  }
__scs_overlays_trampoline_lowered:
0x8: {  	[smem:$0x3FA9] =	sst s0  }
0x9: {  	[smem:$0x3FAA] =	sst s1  }
0xa: {  	[smem:$0x3FAB] =	sst s2  }
0xb: {  	[smem:$0x3FAC] =	sst s3  }
0xc: {  	[smem:$0x3FAD] =	sst s4  }
0xd: {  	[smem:$0x3FAE] =	sst s5  }
0xe: {  	[smem:$0x3FAF] =	sst s6  }
0xf: {  	[smem:$0x3FB0] =	sst s7  }
0x10: {  	[smem:$0x3FB1] =	sst s8  }
0x11: {  	[smem:$0x3FB2] =	sst s9;
	s0 =	simm.s32 @!p0 $0x0  }
0x12: {  	s1 =	sld [smem:$0x3F98];
	s0 =	simm.s32 @p0 $0x1  }
0x13: {  	[smem:$0x3FB3] =	sst s0;
	s0 =	simm.s32 @!p1 $0x0  }
0x14: {  	s2 =	sld [smem:$0x3F97];
	s0 =	simm.s32 @p1 $0x1  }
0x15: {  	[smem:$0x3FB4] =	sst s0;
	s0 =	simm.s32 @!p2 $0x0  }
0x16: {  	s3 =	sld [smem:$0x3FDB];
	s0 =	simm.s32 @p2 $0x1  }
0x17: {  	s4 =	simm.s32 $0x1BF5;
	[smem:$0x3FB6] =	sst s0  }
0x18: {  	s0 =	sld [smem:$0x3F99];
	_ =	swait.ge [sflag:s4], $0x0  }
0x19: {  	s7 =	sld [smem:$0x3F9A]  }
0x1a: {  	s8 =	sadd.s32 $0xFFFFE003, lr  }
0x1b: {  	s9 =	sadd.s32 $0xFFFFFEF7, lr;
	s5 =	simm.s32 $0xFFFFFFFF;
	p2 =	slt.u32 s8, $0xFFFFF086  }
0x1c: {  	p1 =	slt.u32 s9, $0xF7A;
	s5 =	simm.s32 @!p2 $0x0  }
0x1d: {  	s5 =	simm.s32 @p1 $0x1;
	p0 =	seq.s32 s7, s2  }
0x1e: {  	s7 =	smul.u32 @!p0 $0xF7A, s2;
	p2 =	seq.s32 @!p0 s5, $0x0  }
0x1f: {  	s9 =	smul.u32 $0xF7A, s1;
	s8 =	simm.s32 @!p0 $0x1BF5;
	p2 =	por !p2, p0  }
0x20: {  	[sflag:s8] =	ssyncset.s32 @!p0 $0xFFFFF086;
	s6 =	sadd.s32 @!p0 s3, s7;
	s7 =	simm.s32 @!p0 $0x108  }
0x21: {  	s3 =	sadd.s32 s3, s9;
	s6 =	sadd.s32 @!p0 $0x88, s6;
	s7 =	simm.s32 @p2 $0x1082  }
0x22: {  	[simem:s7], [sflag:s8] =	dma.local @!p0 [hbm:s6], $0xF7A  }
0x23: {  	s9 =	sor.u32 $0xD0000000, s2;
	s6 =	simm.s32 $0x108;
	_ =	swait.ge @!p0 [sflag:s8], $0x0  }
0x24: {  	s3 =	sadd.s32 $0x88, s3;
	s6 =	simm.s32 @!p1 $0x1082;
	[sflag:s4] =	ssyncset.s32 $0xFFFFF086  }
0x25: {  	[simem:s6], [sflag:s4] =	dma.local [hbm:s3], $0xF7A  }
0x26: {  	[smem:$0x3F9A] =	sst s1;
	(tag) =	ssettag s2;
	_ =	strace s9  }
0x27: {  	s1 =	sld [smem:$0x3FAA]  }
0x28: {  	s2 =	sld [smem:$0x3FAB]  }
0x29: {  	s4 =	sld [smem:$0x3FAD]  }
0x2a: {  	p0 =	seq.s32 s5, $0x0;
	s5 =	sld [smem:$0x3FAE]  }
0x2b: {  	s6 =	sld [smem:$0x3FAF]  }
0x2c: {  	s7 =	sld [smem:$0x3FB0]  }
0x2d: {  	s3 =	simm.s32 $0x108;
	s8 =	sld [smem:$0x3FB1]  }
0x2e: {  	s3 =	simm.s32 @!p0 $0x1082;
	s9 =	sld [smem:$0x3FB2]  }
0x2f: {  	lr =	sadd.s32 s0, s3;
	s0 =	sld [smem:$0x3FA9]  }
0x30: {  	s3 =	sld [smem:$0x3FAC]  }
0x31: {  	[smem:$0x3FB5] =	sst s10  }
0x32: {  	s10 =	sld [smem:$0x3FB3];
	_ =	sdelay $0x3  }
0x33: {  	p0 =	seq.s32 s10, $0x1;
	s10 =	sld [smem:$0x3FB5];
	_ =	sdelay $0x3  }
0x34: {  	[smem:$0x3FB5] =	sst s10  }
0x35: {  	s10 =	sld [smem:$0x3FB4];
	_ =	sdelay $0x3  }
0x36: {  	p1 =	seq.s32 s10, $0x1;
	s10 =	sld [smem:$0x3FB5];
	_ =	sdelay $0x3  }
0x37: {  	[smem:$0x3FB5] =	sst s10  }
0x38: {  	s10 =	sld [smem:$0x3FB6]  }
0x39: {  	_ = 	snop;
	(pc) =	sbr.ind lr, $3  }
0x3a: {  	_ = 	snop  }
0x3b: {  	_ = 	snop  }
0x3c: {  	p2 =	seq.s32 s10, $0x1;
	s10 =	sld [smem:$0x3FB5]  }
0x3d: {  	_ =	shalt  }
0x3e: {  	_ =	shalt  }
0x3f: {  	_ =	shalt  }
0x40: {  	_ =	shalt  }
0x41: {  	_ =	shalt  }
0x42: {  	_ =	shalt  }
0x43: {  	_ =	shalt  }
0x44: {  	_ =	shalt  }
0x45: {  	_ =	shalt  }
0x46: {  	_ =	shalt  }
0x47: {  	_ =	shalt  }
0x48: {  	_ =	shalt  }
0x49: {  	_ =	shalt  }
0x4a: {  	_ =	shalt  }
0x4b: {  	_ =	shalt  }
0x4c: {  	_ =	shalt  }
0x4d: {  	_ =	shalt  }
0x4e: {  	_ =	shalt  }
0x4f: {  	_ =	shalt  }
0x50: {  	_ =	shalt  }
0x51: {  	_ =	shalt  }
0x52: {  	_ =	shalt  }
0x53: {  	_ =	shalt  }
0x54: {  	_ =	shalt  }
0x55: {  	_ =	shalt  }
0x56: {  	_ =	shalt  }
0x57: {  	_ =	shalt  }
0x58: {  	_ =	shalt  }
0x59: {  	_ =	shalt  }
0x5a: {  	_ =	shalt  }
0x5b: {  	_ =	shalt  }
0x5c: {  	_ =	shalt  }
0x5d: {  	_ =	shalt  }
0x5e: {  	_ =	shalt  }
0x5f: {  	_ =	shalt  }
0x60: {  	_ =	shalt  }
0x61: {  	_ =	shalt  }
0x62: {  	_ =	shalt  }
0x63: {  	_ =	shalt  }
0x64: {  	_ =	shalt  }
0x65: {  	_ =	shalt  }
0x66: {  	_ =	shalt  }
0x67: {  	_ =	shalt  }
0x68: {  	_ =	shalt  }
0x69: {  	_ =	shalt  }
0x6a: {  	_ =	shalt  }
0x6b: {  	_ =	shalt  }
0x6c: {  	_ =	shalt  }
0x6d: {  	_ =	shalt  }
0x6e: {  	_ =	shalt  }
0x6f: {  	_ =	shalt  }
0x70: {  	_ =	shalt  }
0x71: {  	_ =	shalt  }
0x72: {  	_ =	shalt  }
0x73: {  	_ =	shalt  }
0x74: {  	_ =	shalt  }
0x75: {  	_ =	shalt  }
0x76: {  	_ =	shalt  }
0x77: {  	_ =	shalt  }
0x78: {  	_ =	shalt  }
0x79: {  	_ =	shalt  }
0x7a: {  	_ =	shalt  }
0x7b: {  	_ =	shalt  }
0x7c: {  	_ =	shalt  }
0x7d: {  	_ =	shalt  }
0x7e: {  	_ =	shalt  }
0x7f: {  	_ =	shalt  }
0x80: {  	_ =	shalt  }
0x81: {  	_ =	shalt  }
0x82: {  	_ =	shalt  }
0x83: {  	_ =	shalt  }
0x84: {  	_ =	shalt  }
0x85: {  	_ =	shalt  }
0x86: {  	_ =	shalt  }
0x87: {  	_ =	shalt  }
.Lfunc_end0:
.L_simem_size_0:
called_computation.1_lowered:
.L_overlay_start_0:
0x88: {  	s2 =	sld [smem:$0x3FD9]  }
0x89: {  	s3 =	sld [smem:$0x3FFE];
	_ =	sdelay $0x1  }
0x8a: {  	s1 =	srdreg.scid  }
0x8b: {  	s0 =	sand.u32 $0x1, s1  }
0x8c: {  	s14 =	sshll.u32 s0, $0xA;
	s2 =	sadd.s32 s3, s2  }
0x8d: {  	s2 =	sadd.s32 s2, s14  }
0x8e: {  	[smem:$0x3FC1] =	sst s2  }
0x8f: {  	_ = 	snop  }
0x90: {  	s2 =	sld [smem:$0x3FC9]  }
0x91: {  	s15 =	sld [smem:$0x3FC8]  }
0x92: {  	s4 =	sld [smem:$0x3FD0]  }
0x93: {  	s5 =	sld [smem:$0x3FC5]  }
0x94: {  	s6 =	sld [smem:$0x3FC4]  }
0x95: {  	s8 =	simm.s32 $0xA;
	s9 =	simm.s32 $0x10;
	s7 =	sld [smem:$0x3FC3]  }
0x96: {  	[smem:s9], [sflag:s8] =	dma.local [hbm:s4], $0x1  }
0x97: {  	_ =	swait.eq [sflag:s8], $0x1  }
0x98: {  	[sflag:s8] =	ssyncset.done $0x0  }
0x99: {  	s16 =	sld [smem:$0x10];
	[sflag:s8] =	ssyncadd.s32 $0xFFFFFFFF  }
0x9a: {  	s17 =	sld [smem:$0x11];
	(tm) =	ssettm $0x1  }
0x9b: {  	s18 =	sld [smem:$0x3FFB];
	_ =	sdelay $0x3  }
0x9c: {  	_ =	strace s18  }
0x9d: {  	s9 =	sld [smem:$0x3FFC];
	_ =	sdelay $0x3  }
0x9e: {  	_ =	strace s9  }
0x9f: {  	s9 =	sld [smem:$0x3FFD];
	_ =	sdelay $0x3  }
0xa0: {  	_ =	strace s9  }
0xa1: {  	_ =	strace $0x8FFFFFFF  }
0xa2: {  	s19 =	sld [smem:$0x3FDB];
	_ =	sdelay $0x1  }
0xa3: {  	s10 =	simm.s32 $_scs_section_size  }
0xa4: {  	s11 =	simm.s32 $_size__tile_overlayer_lowered;
	s12 =	simm.s32 $_tile_overlayer_lowered  }
0xa5: {  	s22 =	simm.s32 $0x1BFF;
	s21 =	sshll.u32 s12, $0x1;
	s9 =	sadd.s32 s10, s19  }
0xa6: {  	s13 =	simm.s32 $0x0;
	s20 =	sshll.u32 s11, $0x1;
	s11 =	sadd.s32 s21, s9  }
0xa7: {  	[timem:s13], [sflag:s22] =	dma.local [hbm:s11], s20  }
0xa8: {  	_ =	swait.ge [sflag:s22], s20  }
0xa9: {  	s10 =	ssub.s32 $0x0, s20;
	[sflag:s22] =	ssyncset.done $0x0  }
0xaa: {  	[sflag:s22] =	ssyncadd.s32 s10;
	_ =	sdelay $0x1  }
0xab: {  	s23 =	simm.s32 $0x1B8B  }
0xac: {  	_ =	swait.ge [sflag:s23], $0x1  }
0xad: {  	[sflag:s23] =	ssyncset.done $0x0  }
0xae: {  	s25 =	simm.s32 $0x1B8E;
	s24 =	sld [smem:$0x3FFE];
	[sflag:s23] =	ssyncadd.s32 $0xFFFFFFFF  }
0xaf: {  	s26 =	simm.s32 $execute0_lowered;
	[smem:$0x3FD2] =	sst s25  }
0xb0: {  	s11 =	sshll.u32 s26, $0x1;
	_ =	strace $0x80000049;
	[dreg:$0x1] =	wrdreg $0xFFFFFFFF  }
0xb1: {  	s28 =	simm.s32 $_size_execute0_lowered;
	s9 =	sadd.s32 s9, s11;
	[dreg:$0x0] =	wrdreg $0x0  }
0xb2: {  	s11 =	sshll.u32 s28, $0x1;
	[dreg:$0x2] =	wrdreg s9  }
0xb3: {  	[dreg:$0x3] =	wrdreg s11  }
0xb4: {  	[dreg:$0x4] =	wrdreg $0xC0  }
0xb5: {  	_ =	task [dreg:s13], $0x5FFFF  }
0xb6: {  	[dreg:$0x1] =	wrdreg $0xFFFFFFFF  }
0xb7: {  	[dreg:$0x0] =	wrdreg $0x60  }
0xb8: {  	[dreg:$0x2] =	wrdreg s2  }
0xb9: {  	[dreg:$0x3] =	wrdreg s15  }
0xba: {  	[dreg:$0x4] =	wrdreg s24  }
0xbb: {  	[dreg:$0x5] =	wrdreg s5  }
0xbc: {  	[dreg:$0x6] =	wrdreg s6  }
0xbd: {  	[dreg:$0x7] =	wrdreg s7  }
0xbe: {  	[dreg:$0x8] =	wrdreg s16  }
0xbf: {  	[dreg:$0x9] =	wrdreg s17  }
0xc0: {  	[dreg:$0xa] =	wrdreg $0x9  }
0xc1: {  	_ =	task.clear_ibuf [dreg:s13], $0xBFFFF;
	_ =	strace $0x90000049  }
0xc2: {  	s29 =	simm.s32 $0x9;
	_ =	strace $0x8000004B  }
0xc3: {  	_ =	swait.ge [sflag:s29], $0x1  }
0xc4: {  	[sflag:s29] =	ssyncadd.s32 $0xFFFFFFFF  }
0xc5: {  	_ =	strace $0x9000004B  }
0xc6: {  	_ =	sfence  }
0xc7: {  	s30 =	sld [smem:$0x0];
	_ =	sdelay $0x2  }
0xc8: {  	s31 =	sshll.u32 s1, $0xD;
	s1 =	sshrl.u32 s1, $0x2  }
0xc9: {  	s3 =	sand.u32 $0x4000, s31;
	s1 =	sadd.s32 s1, s30  }
0xca: {  	s0 =	sor.u32 s3, s0;
	s1 =	sshll.u32 s1, $0x11  }
0xcb: {  	s0 =	sor.u32 s1, s0  }
0xcc: {  	s0 =	sadd.s32 $0x8F2B, s0  }
0xcd: {  	[sflag:s0] =	ssyncadd.remote.s32 $0x1  }
0xce: {  	_ =	sfence.sel $0xFFFF  }
0xcf: {  	[dreg:$0x0] =	wrdreg $0xFFFFFFFF;
	(pc) =	sbr.abs _section_cstart, $3  }
0xd0: {  	[dreg:$0x1] =	wrdreg $0xFFFFFFFF  }
0xd1: {  	_ =	task.clear_ibuf [dreg:s13], $0x2FFFF;
	_ =	strace $0x9FFFFFFF  }
0xd2: {  	(tm) =	ssettm $0x7FFFFFFF  }
0xd3: {  	_ =	shalt  }
tec
execute0_lowered:
.L_overlay_start_1:
0x0: {  	(tag) =	ssettag $0x1  }
0x1: {  	s0 =	rddreg [dreg:$0x0]  }
0x2: {  	s1 =	rddreg [dreg:$0x1]  }
0x3: {  	s2 =	rddreg [dreg:$0x2]  }
0x4: {  	s3 =	rddreg [dreg:$0x6]  }
0x5: {  	s5 =	rddreg [dreg:$0x7]  }
0x6: {  	s4 =	simm.s32 $0x0;
	s8 =	srdreg.scid;
	s12 =	stileid.u32  }
0x7: {  	s15 =	simm.s32 $0x2;
	s18 =	simm.s32 $0x10800;
	s19 =	simm.s32 $0x13000  }
0x8: {  	s20 =	simm.s32 $0x100;
	s22 =	simm.s32 $0x800;
	s24 =	simm.s32 $0x8800  }
0x9: {  	s25 =	simm.s32 $0x1;
	s28 =	simm.s32 $0x700;
	s29 =	simm.s32 $0x15C00  }
0xa: {  	s30 =	simm.s32 $0x15E00;
	s31 =	simm.s32 $0x0;
	[smem:$0x7FF] =	sst s4  }
0xb: {  	s6 =	sadd.s32 $0x1000, s2;
	s7 =	sadd.s32 $0x1E9600, s2;
	s9 =	sand.u32 $0x1, s8  }
0xc: {  	s8 =	sadd.s32 $0x3D2200, s2;
	s12 =	sshll.u32 s12, $0x7;
	s10 =	ssub.s32 $0x2, s9  }
0xd: {  	v0 =	vlaneseq.u32;
	_ =	strace $0x8000004A;
	s13 =	sshll.u32 s9, $0x6;
	s11 =	sshrl.u32 s10, $0x1  }
0xe: {  	v51 =	vmul.u32 $0x80, v0;
	s9 =	sadd.s32 $0x3D1C00, s2;
	s13 =	sor.u32 s13, s12;
	s26 =	ssub.s32 s10, s11  }
0xf: {  	s10 =	sadd.s32 s0, s13;
	s11 =	sadd.s32 s1, s13;
	s12 =	sadd.s32 s3, s13  }
0x10: {  	[tilespmem:$0x1FFF0] =	vst v51;
	s13 =	sadd.s32 s5, s13;
	s14 =	smax.u32 s26, $0x1;
	s26 =	simm.s32 $0x500  }
.LBB2_1:
0x11: {  	[tilespmem:s4], [sflag:$0x2] =	stream.linear.gather [hbm4b:s10+s4], $0x200, $0x38;
	[tilespmem:$0x16080] =	vst v63  }
0x12: {  	_ =	swait.ge [sflag:s15], $0x200  }
0x13: {  	[sflag:s15] =	ssyncset.done $0x0  }
0x14: {  	s0 =	simm.s32 $0x200;
	[sflag:s15] =	ssyncadd.s32 $0xFFFFFE00  }
0x15: {  	[tilespmem:s0], [sflag:$0x2] =	stream.linear.gather [hbm4b:s11+s4], $0x200, $0x38;
	[tilespmem:$0x16080] =	vst v63  }
0x16: {  	_ =	swait.ge [sflag:s15], $0x200  }
0x17: {  	[sflag:s15] =	ssyncset.done $0x0  }
0x18: {  	[sflag:s15] =	ssyncadd.s32 $0xFFFFFE00  }
0x19: {  	s1 =	simm.s32 $0x16000;
	s23 =	rddreg [dreg:$0x5]  }
0x1a: {  	[tilespmem:s1], [sflag:$0x2] =	stream.linear.gather [hbm4b:s23+s4], $0x80, $0x38;
	[tilespmem:$0x16080] =	vst v63  }
0x1b: {  	_ =	swait.ge [sflag:s15], $0x80  }
0x1c: {  	[sflag:s15] =	ssyncset.done $0x0  }
0x1d: {  	[sflag:s15] =	ssyncadd.s32 $0xFFFFFF80  }
0x1e: {  	[tilespmem:s18], [sflag:$0x2] =	stream.linear.gather [hbm4b:s8+s4], $0x2800, $0x38;
	[tilespmem:$0x16080] =	vst v63  }
0x1f: {  	_ =	swait.ge [sflag:s15], $0x2800  }
0x20: {  	[sflag:s15] =	ssyncset.done $0x0  }
0x21: {  	[sflag:s15] =	ssyncadd.s32 $0xFFFFD800  }
0x22: {  	[tilespmem:s19], [sflag:$0x2] =	stream.linear.gather [hbm4b:s9+s4], $0x2800, $0x38;
	[tilespmem:$0x16080] =	vst v63  }
0x23: {  	_ =	swait.ge [sflag:s15], $0x2800  }
0x24: {  	[sflag:s15] =	ssyncset.done $0x0  }
0x25: {  	s0 =	simm.s32 $0x0;
	[sflag:s15] =	ssyncadd.s32 $0xFFFFD800  }
0x26: {  	v1 =	vld [tilespmem:s0+$0x200]  }
0x27: {  	s1 =	simm.s32 $0x40;
	v2 =	vld [tilespmem:s0+$0x0]  }
.LBB2_2:
0x28: {  	p0 =	sne.s32 s1, $0x7C0  }
.Ltmp0:
0x29: {  	_ = 	snop;
	(pc) =	sbr.rel @p0 .LBB2_2-.Ltmp0, $4  }
0x2a: {  	_ = 	snop  }
0x2b: {  	s2 =	sshra.s32 s1, $0x2;
	s1 =	sadd.s32 $0x40, s1;
	v3 =	vshrl.u32 v1, $0x3  }
0x2c: {  	v1 =	vld [tilespmem:s2+$0x200];
	v4 =	vshrl.u32 v2, $0x3;
	[tilespmem:s0+$0x600] =	vst v3  }
0x2d: {  	v2 =	vld [tilespmem:s2+$0x0];
	[tilespmem:s0+$0x400] =	vst v4;
	s0 =	smov.u32 s2  }
0x2e: {  	_ =	sdelay $0x2  }
0x2f: {  	v1 =	vshrl.u32 v1, $0x3  }
0x30: {  	s5 =	simm.s32 $0x0;
	v2 =	vshrl.u32 v2, $0x3;
	[tilespmem:s0+$0x600] =	vst v1  }
0x31: {  	s1 =	simm.s32 $0x15800;
	s2 =	rddreg [dreg:$0x3];
	[tilespmem:s0+$0x400] =	vst v2;
	s0 =	simm.s32 $0x200  }
0x32: {  	[tilespmem:s1], [sflag:$0x1] =	stream.indirect.gather [hbm4b:s2+s0], $0x1, s5, s0, $0xb8;
	[tilespmem:$0x16080] =	vst v63  }
0x33: {  	s17 =	simm.s32 $0x15A00;
	s3 =	rddreg [dreg:$0x4]  }
0x34: {  	[tilespmem:s17], [sflag:$0x1] =	stream.indirect.gather [hbm4b:s3+s0], $0x1, s0, s0, $0xb8;
	[tilespmem:$0x16080] =	vst v63  }
0x35: {  	s21 =	simm.s32 $0x400  }
0x36: {  	v0 =	vld [tilespmem:$0x16000];
	[tilespmem:s22], [sflag:$0x1] =	stream.indirect.gather [hbm4b:s6+s20], $0x80, s21, s20, $0xb8  }
0x37: {  	s23 =	simm.s32 $0x600  }
0x38: {  	[tilespmem:s24], [sflag:$0x1] =	stream.indirect.gather [hbm4b:s7+s20], $0x80, s23, s20, $0xb8;
	[tilespmem:$0x16080] =	vst v63  }
0x39: {  	_ =	swait.ge [sflag:s25], $0x8000  }
0x3a: {  	[sflag:s25] =	ssyncset.done $0x0  }
0x3b: {  	[sflag:s25] =	ssyncadd.s32 $0xFFFF8000  }
0x3c: {  	_ =	swait.ge [sflag:s25], $0x8000  }
0x3d: {  	[sflag:s25] =	ssyncset.done $0x0  }
0x3e: {  	[sflag:s25] =	ssyncadd.s32 $0xFFFF8000  }
0x3f: {  	_ =	swait.ge [sflag:s25], $0x200  }
0x40: {  	[sflag:s25] =	ssyncset.done $0x0  }
0x41: {  	[sflag:s25] =	ssyncadd.s32 $0xFFFFFE00  }
0x42: {  	_ =	swait.ge [sflag:s25], $0x200  }
0x43: {  	[sflag:s25] =	ssyncset.done $0x0  }
0x44: {  	[sflag:s25] =	ssyncadd.s32 $0xFFFFFE00  }
0x45: {  	v12 =	vld [tilespmem:s0+$0x0]  }
0x46: {  	v14 =	vld [tilespmem:s5+$0x0];
	_ =	sdelay $0x2  }
0x47: {  	v43 =	vmov s5  }
0x48: {  	v2 =	vshll.u32 v43, $0x7;
	v3 =	vshll.u32 v12, $0x4  }
0x49: {  	v10 =	vor.u32 v51, v2;
	v33 =	vshll.u32 v14, $0x4;
	v44 =	vand.u32 $0x70, v3  }
0x4a: {  	v33 =	vand.u32 $0x70, v33;
	v2 =	vor.u32 v10, v44  }
0x4b: {  	v33 =	vor.u32 v10, v33  }
0x4c: {  	v5 =	vor.u32 $0x3, v2  }
0x4d: {  	v13 =	vld [tilespmem:s17+$0x0];
	v6 =	vor.u32 $0x1, v2  }
0x4e: {  	v15 =	vld [tilespmem:s1+$0x0];
	v7 =	vor.u32 $0x2, v2  }
0x4f: {  	v46 =	vor.u32 $0x5, v2;
	v16 =	vld.idx.msk [tilespmem:v2+s24+$0x0], $0xffff  }
0x50: {  	v8 =	vor.u32 $0x4, v2;
	v42 =	vld.idx.msk [tilespmem:v33+s22+$0x0], $0xffff  }
0x51: {  	v50 =	vor.u32 $0x6, v2;
	v17 =	vld.idx.msk [tilespmem:v5+s24+$0x0], $0xffff  }
0x52: {  	v52 =	vor.u32 $0x7, v2;
	v18 =	vld.idx.msk [tilespmem:v6+s24+$0x0], $0xffff  }
0x53: {  	v53 =	vor.u32 $0x8, v2;
	v19 =	vld.idx.msk [tilespmem:v7+s24+$0x0], $0xffff  }
0x54: {  	v26 =	vor.u32 $0xB, v2;
	v21 =	vld.idx.msk [tilespmem:v46+s24+$0x0], $0xffff  }
0x55: {  	v55 =	vor.u32 $0xD, v2;
	v23 =	vld.idx.msk [tilespmem:v8+s24+$0x0], $0xffff  }
0x56: {  	v56 =	vor.u32 $0xC, v2;
	v27 =	vld.idx.msk [tilespmem:v50+s24+$0x0], $0xffff  }
0x57: {  	v32 =	vor.u32 $0xA, v2;
	v28 =	vld.idx.msk [tilespmem:v52+s24+$0x0], $0xffff  }
0x58: {  	v37 =	vor.u32 $0x4, v33;
	v30 =	vld.idx.msk [tilespmem:v53+s24+$0x0], $0xffff  }
0x59: {  	v4 =	vadd.s32 $0xFFF0C040, v12;
	v58 =	vor.u32 $0x1, v33;
	v7 =	vld.idx.msk [tilespmem:v26+s24+$0x0], $0xffff  }
0x5a: {  	vm0 =	vgt.s32 v4, $0x0;
	v38 =	vor.u32 $0x9, v2;
	v5 =	vld.idx.msk [tilespmem:v55+s24+$0x0], $0xffff  }
0x5b: {  	v45 =	vnsel vm0, $0x0, v4;
	v40 =	vor.u32 $0x3, v33;
	v8 =	vld.idx.msk [tilespmem:v56+s24+$0x0], $0xffff  }
0x5c: {  	v4 =	vshll.u32 v45, $0x3;
	v41 =	vor.u32 $0x7, v33;
	v32 =	vld.idx.msk [tilespmem:v32+s24+$0x0], $0xffff  }
0x5d: {  	v3 =	vand.u32 $0x7F, v45;
	v43 =	vor.u32 $0x2, v33;
	v4 =	vand.u32 $0xFFFFFC00, v4;
	v37 =	vld.idx.msk [tilespmem:v37+s22+$0x0], $0xffff  }
0x5e: {  	v4 =	vor.u32 v3, v4;
	v26 =	vld.idx.msk [tilespmem:v58+s22+$0x0], $0xffff  }
0x5f: {  	v47 =	vor.u32 $0x380, v4;
	v38 =	vld.idx.msk [tilespmem:v38+s24+$0x0], $0xffff  }
0x60: {  	v48 =	vadd.s32 $0x1680, v4;
	v40 =	vld.idx.msk [tilespmem:v40+s22+$0x0], $0xffff  }
0x61: {  	v49 =	vor.u32 $0x200, v4;
	v41 =	vld.idx.msk [tilespmem:v41+s22+$0x0], $0xffff  }
0x62: {  	v9 =	vadd.s32 $0x1500, v4;
	v43 =	vld.idx.msk [tilespmem:v43+s22+$0x0], $0xffff  }
0x63: {  	v22 =	vadd.s32 $0x1480, v4;
	v20 =	vld.idx.msk [tilespmem:v4+s19+$0x0], $0xffff  }
0x64: {  	v24 =	vadd.s32 $0x1400, v4;
	v11 =	vld.idx.msk [tilespmem:v47+s19+$0x0], $0xffff  }
0x65: {  	v54 =	vor.u32 $0x280, v4;
	v3 =	vld.idx.msk [tilespmem:v48+s19+$0x0], $0xffff  }
0x66: {  	v36 =	vadd.s32 $0xFFF0C040, v14;
	v29 =	vor.u32 $0x300, v4;
	v25 =	vld.idx.msk [tilespmem:v49+s19+$0x0], $0xffff  }
0x67: {  	vm14 =	vgt.s32 v36, $0x0;
	v31 =	vor.u32 $0x180, v4;
	v6 =	vld.idx.msk [tilespmem:v9+s19+$0x0], $0xffff  }
0x68: {  	v36 =	vnsel vm14, $0x0, v36;
	v57 =	vadd.s32 $0x1600, v4;
	v9 =	vld.idx.msk [tilespmem:v22+s19+$0x0], $0xffff  }
0x69: {  	v39 =	vshll.u32 v36, $0x3;
	v34 =	vor.u32 $0x100, v4;
	v24 =	vld.idx.msk [tilespmem:v24+s19+$0x0], $0xffff  }
0x6a: {  	v36 =	vand.u32 $0x7F, v36;
	v39 =	vand.u32 $0xFFFFFC00, v39;
	v35 =	vor.u32 $0x80, v4;
	v22 =	vld.idx.msk [tilespmem:v54+s19+$0x0], $0xffff  }
0x6b: {  	v36 =	vor.u32 v36, v39;
	v29 =	vld.idx.msk [tilespmem:v29+s19+$0x0], $0xffff  }
0x6c: {  	v39 =	vor.u32 $0x100, v36;
	v31 =	vld.idx.msk [tilespmem:v31+s19+$0x0], $0xffff  }
0x6d: {  	v44 =	vor.u32 $0x80, v36;
	v10 =	vld.idx.msk [tilespmem:v57+s19+$0x0], $0xffff  }
0x6e: {  	v45 =	vor.u32 $0x180, v36;
	v34 =	vld.idx.msk [tilespmem:v34+s19+$0x0], $0xffff  }
0x6f: {  	v59 =	vor.u32 $0x300, v36;
	v35 =	vld.idx.msk [tilespmem:v35+s19+$0x0], $0xffff  }
0x70: {  	v60 =	vadd.s32 $0x1580, v4;
	v47 =	vld.idx.msk [tilespmem:v36+s18+$0x0], $0xffff  }
0x71: {  	v62 =	vor.u32 $0x380, v36;
	v39 =	vld.idx.msk [tilespmem:v39+s18+$0x0], $0xffff  }
0x72: {  	v46 =	vor.u32 $0x200, v36;
	v44 =	vld.idx.msk [tilespmem:v44+s18+$0x0], $0xffff  }
0x73: {  	v13 =	vadd.f32 v13, v15;
	v48 =	vor.u32 $0x5, v33;
	v45 =	vld.idx.msk [tilespmem:v45+s18+$0x0], $0xffff  }
0x74: {  	vm15 =	vgt.s32 v14, $0xF3FFF;
	vm1 =	vgt.s32 v12, $0xF3FFF;
	v50 =	vor.u32 $0x6, v33;
	v15 =	vld.idx.msk [tilespmem:v59+s18+$0x0], $0xffff  }
0x75: {  	v49 =	vor.u32 $0x280, v36;
	v12 =	vld.idx.msk [tilespmem:v60+s19+$0x0], $0xffff;
	v16 =	vsel vm1, v20, v16;
	v61 =	vsel vm15, v47, v42  }
0x76: {  	v13 =	vadd.f32 v13, v0;
	v1 =	vadd.s32 $0x1400, v36;
	v55 =	vld.idx.msk [tilespmem:v62+s18+$0x0], $0xffff;
	v16 =	vmul.f32 v16, v61  }
0x77: {  	v63 =	vor.u32 $0x8, v33;
	v14 =	vld.idx.msk [tilespmem:v46+s18+$0x0], $0xffff;
	v18 =	vsel vm1, v35, v18;
	v26 =	vsel vm15, v44, v26  }
0x78: {  	v52 =	vadd.s32 $0x1480, v36;
	v46 =	vld.idx.msk [tilespmem:v48+s22+$0x0], $0xffff;
	v48 =	vmul.f32 v18, v26;
	v13 =	vadd.f32 v16, v13  }
0x79: {  	v57 =	vadd.s32 $0x1500, v36;
	v44 =	vld.idx.msk [tilespmem:v50+s22+$0x0], $0xffff;
	v19 =	vsel vm1, v34, v19;
	v50 =	vsel vm15, v39, v43  }
0x7a: {  	[tilespmem:$0x1FFE0] =	vst v0;
	v54 =	vor.u32 $0xA, v33;
	v0 =	vld.idx.msk [tilespmem:v49+s18+$0x0], $0xffff;
	v53 =	vmul.f32 v19, v50;
	v13 =	vadd.f32 v48, v13  }
0x7b: {  	v59 =	vor.u32 $0xB, v33;
	v60 =	vld.idx.msk [tilespmem:v1+s18+$0x0], $0xffff;
	v17 =	vsel vm1, v31, v17;
	v56 =	vsel vm15, v45, v40  }
0x7c: {  	v62 =	vor.u32 $0xC, v33;
	v20 =	vld.idx.msk [tilespmem:v63+s22+$0x0], $0xffff;
	v58 =	vmul.f32 v17, v56;
	v13 =	vadd.f32 v53, v13  }
0x7d: {  	v63 =	vld.idx.msk [tilespmem:v52+s18+$0x0], $0xffff;
	v49 =	vor.u32 $0x9, v33;
	v23 =	vsel vm1, v25, v23;
	v14 =	vsel vm15, v14, v37  }
0x7e: {  	v52 =	vor.u32 $0xE, v2;
	v39 =	vld.idx.msk [tilespmem:v57+s18+$0x0], $0xffff;
	v14 =	vmul.f32 v23, v14;
	v13 =	vadd.f32 v58, v13  }
0x7f: {  	v2 =	vor.u32 $0xF, v2;
	v21 =	vsel vm1, v22, v21;
	v19 =	vld.idx.msk [tilespmem:v54+s22+$0x0], $0xffff;
	v0 =	vsel vm15, v0, v46  }
0x80: {  	v1 =	vadd.s32 $0x1600, v36;
	v17 =	vld.idx.msk [tilespmem:v59+s22+$0x0], $0xffff;
	v35 =	vmul.f32 v21, v0;
	v13 =	vadd.f32 v14, v13  }
0x81: {  	v27 =	vsel vm1, v29, v27;
	v61 =	vadd.s32 $0x1580, v36;
	v16 =	vld.idx.msk [tilespmem:v62+s22+$0x0], $0xffff;
	v15 =	vsel vm15, v15, v44  }
0x82: {  	v40 =	vadd.s32 $0x1680, v36;
	v18 =	vld.idx.msk [tilespmem:v49+s22+$0x0], $0xffff;
	v42 =	vmul.f32 v27, v15;
	v13 =	vadd.f32 v35, v13  }
0x83: {  	v11 =	vsel vm1, v11, v28;
	v47 =	vadd.s32 $0x1780, v36;
	v26 =	vsel vm15, v55, v41;
	v57 =	vld.idx.msk [tilespmem:v52+s24+$0x0], $0xffff  }
0x84: {  	v43 =	vor.u32 $0xE, v33;
	v11 =	vmul.f32 v11, v26;
	v2 =	vld.idx.msk [tilespmem:v2+s24+$0x0], $0xffff;
	v13 =	vadd.f32 v42, v13  }
0x85: {  	v24 =	vsel vm1, v24, v30;
	v37 =	vor.u32 $0xD, v33;
	v20 =	vsel vm15, v60, v20;
	v46 =	vld.idx.msk [tilespmem:v1+s18+$0x0], $0xffff  }
0x86: {  	v44 =	vadd.s32 $0x1700, v36;
	v48 =	vmul.f32 v24, v20;
	v25 =	vld.idx.msk [tilespmem:v61+s18+$0x0], $0xffff;
	v11 =	vadd.f32 v11, v13  }
0x87: {  	v9 =	vsel vm1, v9, v38;
	v49 =	vadd.s32 $0x1700, v4;
	v50 =	vld.idx.msk [tilespmem:v40+s18+$0x0], $0xffff;
	v18 =	vsel vm15, v63, v18  }
0x88: {  	v4 =	vadd.s32 $0x1780, v4;
	v55 =	vld.idx.msk [tilespmem:v47+s18+$0x0], $0xffff;
	v9 =	vmul.f32 v9, v18;
	v11 =	vadd.f32 v48, v11  }
0x89: {  	v45 =	vor.u32 $0xF, v33;
	v6 =	vsel vm1, v6, v32;
	v15 =	vld.idx.msk [tilespmem:v43+s22+$0x0], $0xffff;
	v54 =	vsel vm15, v39, v19  }
0x8a: {  	v21 =	vld.idx.msk [tilespmem:v37+s22+$0x0], $0xffff;
	v6 =	vmul.f32 v6, v54;
	v9 =	vadd.f32 v9, v11  }
0x8b: {  	v7 =	vsel vm1, v12, v7;
	v53 =	vld.idx.msk [tilespmem:v44+s18+$0x0], $0xffff;
	v17 =	vsel vm15, v25, v17  }
0x8c: {  	v56 =	vld.idx.msk [tilespmem:v49+s19+$0x0], $0xffff;
	v7 =	vmul.f32 v7, v17;
	v6 =	vadd.f32 v6, v9  }
0x8d: {  	v8 =	vsel vm1, v10, v8;
	v58 =	vsel vm15, v46, v16;
	v4 =	vld.idx.msk [tilespmem:v4+s19+$0x0], $0xffff  }
0x8e: {  	v14 =	vld.idx.msk [tilespmem:v45+s22+$0x0], $0xffff;
	v59 =	vmul.f32 v8, v58;
	v6 =	vadd.f32 v7, v6  }
0x8f: {  	v3 =	vsel vm1, v3, v5;
	v60 =	vsel vm15, v50, v21  }
0x90: {  	v3 =	vmul.f32 v3, v60;
	v6 =	vadd.f32 v59, v6  }
0x91: {  	v61 =	vsel vm15, v53, v15;
	v62 =	vsel vm1, v56, v57  }
0x92: {  	v5 =	vmul.f32 v62, v61;
	v3 =	vadd.f32 v3, v6  }
0x93: {  	v2 =	vsel vm1, v4, v2;
	v63 =	vsel vm15, v55, v14  }
0x94: {  	v2 =	vmul.f32 v2, v63;
	v3 =	vadd.f32 v5, v3;
	_ =	sdelay $0x1  }
0x95: {  	v2 =	vadd.f32 v2, v3;
	_ =	sdelay $0x1  }
0x96: {  	v3 =	vsub.f32 $0.0e+00, v2;
	_ =	sdelay $0x1  }
0x97: {  	v3 =	vmul.f32 $1.442695020e+00, v3;
	_ =	sdelay $0x1  }
0x98: {  	(erf) = vpow2.f32 v3;
	_ =	sdelay $0x8  }
0x99: {  	v3 =	vpop (erf)  }
0x9a: {  	v3 =	vadd.f32 $1.000000000e+00, v3  }
0x9b: {  	s16 =	simm.s32 $0x15C00;
	s2 =	simm.s32 $0x15E00;
	s3 =	simm.s32 $0x10  }
0x9c: {  	s21 =	simm.s32 $0x15E10;
	s17 =	simm.s32 $0x15C10;
	[tilespmem:s16+$0x0] =	vst v2;
	s16 =	simm.s32 $0x15A10;
	(erf) = vrcp.f32 v3  }
.LBB2_4:
0x9d: {  	_ =	sdelay $0x7  }
0x9e: {  	v2 =	vpop (erf)  }
0x9f: {  	s0 =	sadd.s32 $0x10, s0;
	[tilespmem:s2+$0x0] =	vst v2  }
0xa0: {  	v7 =	vld [tilespmem:s0+$0x0];
	_ =	sdelay $0x2  }
0xa1: {  	s23 =	smov.u32 s3  }
0xa2: {  	v59 =	vmov s23  }
0xa3: {  	v2 =	vshll.u32 v59, $0x7;
	v60 =	vshll.u32 v7, $0x4  }
0xa4: {  	v12 =	vor.u32 v51, v2;
	v2 =	vand.u32 $0x70, v60  }
0xa5: {  	v4 =	vor.u32 v12, v2  }
0xa6: {  	v5 =	vor.u32 $0x3, v4  }
0xa7: {  	s5 =	sadd.s32 $0x10, s5;
	v6 =	vld [tilespmem:s16+$0x0];
	v9 =	vor.u32 $0x1, v4  }
0xa8: {  	s1 =	sadd.s32 $0x10, s1;
	v8 =	vld [tilespmem:s5+$0x0];
	v15 =	vor.u32 $0x2, v4  }
0xa9: {  	v13 =	vld [tilespmem:s1+$0x0];
	v14 =	vor.u32 $0x5, v4  }
0xaa: {  	v16 =	vor.u32 $0x4, v4;
	v11 =	vld.idx.msk [tilespmem:v4+s24+$0x0], $0xffff  }
0xab: {  	v17 =	vor.u32 $0x6, v4;
	v10 =	vld.idx.msk [tilespmem:v5+s24+$0x0], $0xffff  }
0xac: {  	v19 =	vor.u32 $0x7, v4;
	v27 =	vld.idx.msk [tilespmem:v9+s24+$0x0], $0xffff  }
0xad: {  	v3 =	vadd.s32 $0xFFF0C040, v7;
	v20 =	vor.u32 $0x8, v4;
	v15 =	vld.idx.msk [tilespmem:v15+s24+$0x0], $0xffff  }
0xae: {  	v38 =	vadd.s32 $0xFFF0C040, v8;
	vm0 =	vgt.s32 v3, $0x0;
	v35 =	vor.u32 $0xB, v4;
	v14 =	vld.idx.msk [tilespmem:v14+s24+$0x0], $0xffff  }
0xaf: {  	vm14 =	vgt.s32 v38, $0x0;
	v3 =	vnsel vm0, $0x0, v3;
	v32 =	vor.u32 $0xD, v4;
	v16 =	vld.idx.msk [tilespmem:v16+s24+$0x0], $0xffff  }
0xb0: {  	v38 =	vnsel vm14, $0x0, v38;
	v61 =	vand.u32 $0x7F, v3;
	v30 =	vor.u32 $0xC, v4;
	v17 =	vld.idx.msk [tilespmem:v17+s24+$0x0], $0xffff  }
0xb1: {  	v3 =	vshll.u32 v3, $0x3;
	v22 =	vor.u32 $0x9, v4;
	v26 =	vor.u32 $0xA, v4;
	v19 =	vld.idx.msk [tilespmem:v19+s24+$0x0], $0xffff  }
0xb2: {  	v42 =	vand.u32 $0x7F, v38;
	v38 =	vshll.u32 v38, $0x3;
	v3 =	vand.u32 $0xFFFFFC00, v3;
	v20 =	vld.idx.msk [tilespmem:v20+s24+$0x0], $0xffff  }
0xb3: {  	v13 =	vadd.f32 v6, v13;
	v38 =	vand.u32 $0xFFFFFC00, v38;
	v18 =	vor.u32 v61, v3;
	v6 =	vld.idx.msk [tilespmem:v35+s24+$0x0], $0xffff  }
0xb4: {  	v38 =	vor.u32 v42, v38;
	v32 =	vld.idx.msk [tilespmem:v32+s24+$0x0], $0xffff  }
0xb5: {  	v25 =	vor.u32 $0x380, v18;
	v30 =	vld.idx.msk [tilespmem:v30+s24+$0x0], $0xffff  }
0xb6: {  	v23 =	vadd.s32 $0x1680, v18;
	v26 =	vld.idx.msk [tilespmem:v26+s24+$0x0], $0xffff  }
0xb7: {  	v21 =	vor.u32 $0x200, v18;
	v22 =	vld.idx.msk [tilespmem:v22+s24+$0x0], $0xffff  }
0xb8: {  	v0 =	vor.u32 $0xE, v4;
	v31 =	vadd.s32 $0x1500, v18;
	v33 =	vld.idx.msk [tilespmem:v18+s19+$0x0], $0xffff  }
0xb9: {  	[tilespmem:$0x1FFB0] =	vst v0;
	v29 =	vadd.s32 $0x1480, v18;
	v0 =	vld.idx.msk [tilespmem:v38+s18+$0x0], $0xffff  }
0xba: {  	v28 =	vadd.s32 $0x1400, v18;
	v25 =	vld.idx.msk [tilespmem:v25+s19+$0x0], $0xffff  }
0xbb: {  	v36 =	vor.u32 $0x280, v18;
	v23 =	vld.idx.msk [tilespmem:v23+s19+$0x0], $0xffff  }
0xbc: {  	v24 =	vor.u32 $0x300, v18;
	v21 =	vld.idx.msk [tilespmem:v21+s19+$0x0], $0xffff  }
0xbd: {  	v34 =	vadd.s32 $0x1600, v18;
	v31 =	vld.idx.msk [tilespmem:v31+s19+$0x0], $0xffff  }
0xbe: {  	v39 =	vor.u32 $0x100, v18;
	v29 =	vld.idx.msk [tilespmem:v29+s19+$0x0], $0xffff  }
0xbf: {  	v49 =	vor.u32 $0x100, v38;
	v28 =	vld.idx.msk [tilespmem:v28+s19+$0x0], $0xffff  }
0xc0: {  	v37 =	vor.u32 $0x180, v18;
	v35 =	vld.idx.msk [tilespmem:v36+s19+$0x0], $0xffff  }
0xc1: {  	v9 =	vadd.s32 $0x1580, v18;
	v24 =	vld.idx.msk [tilespmem:v24+s19+$0x0], $0xffff  }
0xc2: {  	v5 =	vadd.s32 $0x1700, v18;
	v34 =	vld.idx.msk [tilespmem:v34+s19+$0x0], $0xffff  }
0xc3: {  	v3 =	vshll.u32 v8, $0x4;
	v63 =	vadd.s32 $0x1780, v18;
	v18 =	vor.u32 $0x80, v18;
	v39 =	vld.idx.msk [tilespmem:v39+s19+$0x0], $0xffff  }
0xc4: {  	v48 =	vor.u32 $0x80, v38;
	v36 =	vand.u32 $0x70, v3;
	v49 =	vld.idx.msk [tilespmem:v49+s18+$0x0], $0xffff  }
0xc5: {  	v12 =	vor.u32 v12, v36;
	v36 =	vld.idx.msk [tilespmem:v37+s19+$0x0], $0xffff  }
0xc6: {  	v52 =	vor.u32 $0x280, v38;
	v9 =	vld.idx.msk [tilespmem:v9+s19+$0x0], $0xffff  }
0xc7: {  	v60 =	vor.u32 $0x180, v38;
	v5 =	vld.idx.msk [tilespmem:v5+s19+$0x0], $0xffff  }
0xc8: {  	vm15 =	vgt.s32 v7, $0xF3FFF;
	v53 =	vor.u32 $0x300, v38;
	v18 =	vld.idx.msk [tilespmem:v18+s19+$0x0], $0xffff  }
0xc9: {  	vm1 =	vgt.s32 v8, $0xF3FFF;
	v50 =	vor.u32 $0x380, v38;
	v8 =	vsel vm15, v33, v11;
	v11 =	vld.idx.msk [tilespmem:v48+s18+$0x0], $0xffff  }
0xca: {  	v33 =	vld [tilespmem:$0x1FFE0]  }
0xcb: {  	v3 =	vadd.s32 $0x1680, v38;
	v48 =	vld.idx.msk [tilespmem:v52+s18+$0x0], $0xffff  }
0xcc: {  	v62 =	vor.u32 $0xF, v4;
	v4 =	vor.u32 $0x1, v12;
	v15 =	vsel vm15, v39, v15;
	v39 =	vld.idx.msk [tilespmem:v60+s18+$0x0], $0xffff  }
0xcd: {  	v55 =	vadd.s32 $0x1480, v38;
	v60 =	vld.idx.msk [tilespmem:v53+s18+$0x0], $0xffff  }
0xce: {  	v44 =	vor.u32 $0x2, v12;
	v19 =	vsel vm15, v25, v19;
	v25 =	vsel vm15, v31, v26;
	v31 =	vld.idx.msk [tilespmem:v50+s18+$0x0], $0xffff  }
0xcf: {  	v40 =	vor.u32 $0x4, v12;
	v47 =	vld.idx.msk [tilespmem:v12+s22+$0x0], $0xffff  }
0xd0: {  	v45 =	vor.u32 $0x3, v12;
	v3 =	vld.idx.msk [tilespmem:v3+s18+$0x0], $0xffff  }
0xd1: {  	v43 =	vor.u32 $0x7, v12;
	v37 =	vld.idx.msk [tilespmem:v4+s22+$0x0], $0xffff  }
0xd2: {  	v51 =	vor.u32 $0x200, v38;
	v10 =	vsel vm15, v36, v10;
	v36 =	vld.idx.msk [tilespmem:v55+s18+$0x0], $0xffff  }
0xd3: {  	v42 =	vor.u32 $0x6, v12;
	v7 =	vld.idx.msk [tilespmem:v44+s22+$0x0], $0xffff  }
0xd4: {  	v41 =	vor.u32 $0x5, v12;
	v40 =	vld.idx.msk [tilespmem:v40+s22+$0x0], $0xffff;
	v0 =	vsel vm1, v0, v47  }
0xd5: {  	v46 =	vor.u32 $0x8, v12;
	v45 =	vld.idx.msk [tilespmem:v45+s22+$0x0], $0xffff;
	v13 =	vadd.f32 v13, v33;
	v0 =	vmul.f32 v8, v0  }
0xd6: {  	v57 =	vor.u32 $0x9, v12;
	v43 =	vld.idx.msk [tilespmem:v43+s22+$0x0], $0xffff;
	v18 =	vsel vm15, v18, v27;
	v11 =	vsel vm1, v11, v37  }
0xd7: {  	[tilespmem:$0x1FFC0] =	vst v63;
	v63 =	vor.u32 $0xC, v12;
	v44 =	vld.idx.msk [tilespmem:v51+s18+$0x0], $0xffff;
	v11 =	vmul.f32 v18, v11;
	v0 =	vadd.f32 v0, v13  }
0xd8: {  	v54 =	vadd.s32 $0x1400, v38;
	v1 =	vor.u32 $0xD, v12;
	v52 =	vld.idx.msk [tilespmem:v42+s22+$0x0], $0xffff;
	v7 =	vsel vm1, v49, v7  }
0xd9: {  	v56 =	vadd.s32 $0x1500, v38;
	v47 =	vld.idx.msk [tilespmem:v41+s22+$0x0], $0xffff;
	v7 =	vmul.f32 v15, v7;
	v0 =	vadd.f32 v11, v0  }
0xda: {  	v26 =	vsel vm15, v34, v30;
	v23 =	vsel vm15, v23, v32;
	v32 =	vld.idx.msk [tilespmem:v46+s22+$0x0], $0xffff;
	v30 =	vsel vm1, v39, v45  }
0xdb: {  	v14 =	vsel vm15, v35, v14;
	v35 =	vld.idx.msk [tilespmem:v57+s22+$0x0], $0xffff;
	v34 =	vmul.f32 v10, v30;
	v0 =	vadd.f32 v7, v0  }
0xdc: {  	v16 =	vsel vm15, v21, v16;
	v46 =	vld.idx.msk [tilespmem:v63+s22+$0x0], $0xffff;
	v21 =	vsel vm1, v44, v40  }
0xdd: {  	v58 =	vor.u32 $0xA, v12;
	v1 =	vld.idx.msk [tilespmem:v1+s22+$0x0], $0xffff;
	v37 =	vmul.f32 v16, v21;
	v0 =	vadd.f32 v34, v0  }
0xde: {  	v61 =	vor.u32 $0xB, v12;
	v57 =	vld [tilespmem:$0x1FFC0];
	v8 =	vsel vm1, v48, v47  }
0xdf: {  	v59 =	vadd.s32 $0x1580, v38;
	v33 =	vld.idx.msk [tilespmem:v54+s18+$0x0], $0xffff;
	v42 =	vmul.f32 v14, v8;
	v0 =	vadd.f32 v37, v0  }
0xe0: {  	v17 =	vsel vm15, v24, v17;
	v41 =	vld.idx.msk [tilespmem:v56+s18+$0x0], $0xffff;
	v13 =	vsel vm1, v60, v52  }
0xe1: {  	v2 =	vor.u32 $0xE, v12;
	v56 =	vld [tilespmem:$0x1FFB0];
	v45 =	vmul.f32 v17, v13;
	v0 =	vadd.f32 v42, v0  }
0xe2: {  	[tilespmem:$0x1FFD0] =	vst v62;
	v62 =	vadd.s32 $0x1600, v38;
	v39 =	vld.idx.msk [tilespmem:v58+s22+$0x0], $0xffff;
	v40 =	vsel vm1, v31, v43  }
0xe3: {  	v4 =	vadd.s32 $0x1700, v38;
	v43 =	vld.idx.msk [tilespmem:v61+s22+$0x0], $0xffff;
	v48 =	vmul.f32 v19, v40;
	v0 =	vadd.f32 v45, v0  }
0xe4: {  	v20 =	vsel vm15, v28, v20;
	v38 =	vadd.s32 $0x1780, v38;
	v44 =	vld.idx.msk [tilespmem:v59+s18+$0x0], $0xffff;
	v11 =	vsel vm1, v33, v32  }
0xe5: {  	v12 =	vor.u32 $0xF, v12;
	v58 =	vld [tilespmem:$0x1FFD0];
	v49 =	vmul.f32 v20, v11;
	v0 =	vadd.f32 v48, v0  }
0xe6: {  	v22 =	vsel vm15, v29, v22;
	v2 =	vld.idx.msk [tilespmem:v2+s22+$0x0], $0xffff;
	v10 =	vsel vm1, v36, v35  }
0xe7: {  	v50 =	vmul.f32 v22, v10;
	v47 =	vld.idx.msk [tilespmem:v62+s18+$0x0], $0xffff;
	v0 =	vadd.f32 v49, v0  }
0xe8: {  	v4 =	vld.idx.msk [tilespmem:v4+s18+$0x0], $0xffff;
	v16 =	vsel vm1, v41, v39  }
0xe9: {  	v54 =	vld.idx.msk [tilespmem:v38+s18+$0x0], $0xffff;
	v55 =	vmul.f32 v25, v16;
	v0 =	vadd.f32 v50, v0  }
0xea: {  	v6 =	vsel vm15, v9, v6;
	v52 =	vld.idx.msk [tilespmem:v12+s22+$0x0], $0xffff;
	v8 =	vsel vm1, v44, v43  }
0xeb: {  	v1 =	vsel vm1, v3, v1;
	v6 =	vmul.f32 v6, v8;
	v3 =	vld.idx.msk [tilespmem:v56+s24+$0x0], $0xffff;
	v0 =	vadd.f32 v55, v0  }
0xec: {  	v7 =	vld.idx.msk [tilespmem:v57+s19+$0x0], $0xffff;
	v53 =	vsel vm1, v47, v46  }
0xed: {  	v2 =	vsel vm1, v4, v2;
	v4 =	vld.idx.msk [tilespmem:v58+s24+$0x0], $0xffff;
	v59 =	vmul.f32 v26, v53;
	v0 =	vadd.f32 v6, v0;
	_ =	sdelay $0x1  }
0xee: {  	v1 =	vmul.f32 v23, v1;
	v0 =	vadd.f32 v59, v0  }
0xef: {  	v3 =	vsel vm15, v5, v3  }
0xf0: {  	v61 =	vmul.f32 v3, v2;
	v0 =	vadd.f32 v1, v0  }
0xf1: {  	v60 =	vsel vm1, v54, v52;
	v62 =	vsel vm15, v7, v4  }
0xf2: {  	v63 =	vmul.f32 v62, v60;
	v0 =	vadd.f32 v61, v0;
	_ =	sdelay $0x1  }
0xf3: {  	v0 =	vadd.f32 v63, v0;
	_ =	sdelay $0x1  }
0xf4: {  	[tilespmem:s17+$0x0] =	vst v0;
	v0 =	vsub.f32 $0.0e+00, v0;
	_ =	sdelay $0x1  }
0xf5: {  	v0 =	vmul.f32 $1.442695020e+00, v0;
	_ =	sdelay $0x1  }
0xf6: {  	(erf) = vpow2.f32 v0;
	_ =	sdelay $0x6  }
0xf7: {  	p0 =	sne.s32 s3, $0xF0  }
.Ltmp1:
0xf8: {  	_ = 	snop;
	(pc) =	sbr.rel @p0 .LBB2_4-.Ltmp1, $4  }
0xf9: {  	v0 =	vpop (erf)  }
0xfa: {  	v0 =	vadd.f32 $1.000000000e+00, v0  }
0xfb: {  	s3 =	sadd.s32 $0x10, s3;
	s2 =	smov.u32 s21  }
0xfc: {  	s21 =	sadd.s32 $0x10, s21;
	s16 =	sadd.s32 $0x10, s16;
	v51 =	vld [tilespmem:$0x1FFF0];
	s17 =	sadd.s32 $0x10, s17;
	(erf) = vrcp.f32 v0  }
0xfd: {  	_ =	sdelay $0x7  }
0xfe: {  	v0 =	vpop (erf)  }
0xff: {  	s1 =	simm.s32 $0x100;
	[tilespmem:s2+$0x0] =	vst v0  }
0x100: {  	[tilespmem:s22], [sflag:$0x1] =	stream.indirect.gather [hbm4b:s6+s1], $0x80, s26, s1, $0xb8;
	[tilespmem:$0x16080] =	vst v63  }
0x101: {  	_ = 	snop  }
0x102: {  	[tilespmem:s24], [sflag:$0x1] =	stream.indirect.gather [hbm4b:s7+s1], $0x80, s28, s1, $0xb8;
	[tilespmem:$0x16080] =	vst v63  }
0x103: {  	_ =	swait.ge [sflag:s25], $0x8000  }
0x104: {  	[sflag:s25] =	ssyncset.done $0x0  }
0x105: {  	[sflag:s25] =	ssyncadd.s32 $0xFFFF8000  }
0x106: {  	_ =	swait.ge [sflag:s25], $0x8000  }
0x107: {  	[sflag:s25] =	ssyncset.done $0x0  }
0x108: {  	s0 =	simm.s32 $0x300;
	[sflag:s25] =	ssyncadd.s32 $0xFFFF8000  }
0x109: {  	v63 =	vld [tilespmem:s0+$0x0];
	_ =	sdelay $0x2  }
0x10a: {  	s21 =	simm.s32 $0x0  }
0x10b: {  	v1 =	vmov s21  }
0x10c: {  	v1 =	vshll.u32 v1, $0x7;
	v2 =	vshll.u32 v63, $0x4  }
0x10d: {  	v1 =	vor.u32 v51, v1;
	v2 =	vand.u32 $0x70, v2  }
0x10e: {  	v2 =	vor.u32 v1, v2  }
0x10f: {  	v61 =	vld [tilespmem:$0x1FFE0];
	v5 =	vor.u32 $0x3, v2  }
0x110: {  	s23 =	simm.s32 $0x15900;
	v13 =	vld [tilespmem:s1+$0x0];
	v6 =	vor.u32 $0x1, v2  }
0x111: {  	s0 =	simm.s32 $0x15B00;
	v14 =	vld [tilespmem:s23+$0x0];
	v7 =	vor.u32 $0x2, v2  }
0x112: {  	v12 =	vld [tilespmem:s0+$0x0];
	v42 =	vor.u32 $0x5, v2  }
0x113: {  	v8 =	vor.u32 $0x4, v2;
	v15 =	vld.idx.msk [tilespmem:v2+s24+$0x0], $0xffff  }
0x114: {  	v46 =	vor.u32 $0x6, v2;
	v16 =	vld.idx.msk [tilespmem:v5+s24+$0x0], $0xffff  }
0x115: {  	v47 =	vor.u32 $0x7, v2;
	v17 =	vld.idx.msk [tilespmem:v6+s24+$0x0], $0xffff  }
0x116: {  	v48 =	vor.u32 $0x8, v2;
	v18 =	vld.idx.msk [tilespmem:v7+s24+$0x0], $0xffff  }
0x117: {  	v3 =	vadd.s32 $0xFFF0C040, v63;
	v24 =	vor.u32 $0xB, v2;
	v20 =	vld.idx.msk [tilespmem:v42+s24+$0x0], $0xffff  }
0x118: {  	vm0 =	vgt.s32 v3, $0x0;
	v50 =	vor.u32 $0xD, v2;
	v21 =	vld.idx.msk [tilespmem:v8+s24+$0x0], $0xffff  }
0x119: {  	v3 =	vnsel vm0, $0x0, v3;
	v52 =	vor.u32 $0xC, v2;
	v25 =	vld.idx.msk [tilespmem:v46+s24+$0x0], $0xffff  }
0x11a: {  	v4 =	vshll.u32 v3, $0x3;
	v31 =	vor.u32 $0xA, v2;
	v26 =	vld.idx.msk [tilespmem:v47+s24+$0x0], $0xffff  }
0x11b: {  	v3 =	vand.u32 $0x7F, v3;
	v36 =	vor.u32 $0x9, v2;
	v4 =	vand.u32 $0xFFFFFC00, v4;
	v28 =	vld.idx.msk [tilespmem:v48+s24+$0x0], $0xffff  }
0x11c: {  	v4 =	vor.u32 v3, v4;
	v7 =	vld.idx.msk [tilespmem:v24+s24+$0x0], $0xffff  }
0x11d: {  	v43 =	vor.u32 $0x380, v4;
	v5 =	vld.idx.msk [tilespmem:v50+s24+$0x0], $0xffff  }
0x11e: {  	v44 =	vadd.s32 $0x1680, v4;
	v8 =	vld.idx.msk [tilespmem:v52+s24+$0x0], $0xffff  }
0x11f: {  	v45 =	vor.u32 $0x200, v4;
	v31 =	vld.idx.msk [tilespmem:v31+s24+$0x0], $0xffff  }
0x120: {  	v9 =	vadd.s32 $0x1500, v4;
	v36 =	vld.idx.msk [tilespmem:v36+s24+$0x0], $0xffff  }
0x121: {  	v10 =	vadd.s32 $0x1480, v4;
	v19 =	vld.idx.msk [tilespmem:v4+s19+$0x0], $0xffff  }
0x122: {  	v22 =	vadd.s32 $0x1400, v4;
	v11 =	vld.idx.msk [tilespmem:v43+s19+$0x0], $0xffff  }
0x123: {  	v34 =	vadd.s32 $0xFFF0C040, v13;
	v49 =	vor.u32 $0x280, v4;
	v3 =	vld.idx.msk [tilespmem:v44+s19+$0x0], $0xffff  }
0x124: {  	vm14 =	vgt.s32 v34, $0x0;
	v27 =	vor.u32 $0x300, v4;
	v23 =	vld.idx.msk [tilespmem:v45+s19+$0x0], $0xffff  }
0x125: {  	v34 =	vnsel vm14, $0x0, v34;
	v29 =	vor.u32 $0x180, v4;
	v6 =	vld.idx.msk [tilespmem:v9+s19+$0x0], $0xffff  }
0x126: {  	v37 =	vshll.u32 v34, $0x3;
	v32 =	vor.u32 $0x100, v4;
	v9 =	vld.idx.msk [tilespmem:v10+s19+$0x0], $0xffff  }
0x127: {  	v34 =	vand.u32 $0x7F, v34;
	v37 =	vand.u32 $0xFFFFFC00, v37;
	v33 =	vor.u32 $0x80, v4;
	v22 =	vld.idx.msk [tilespmem:v22+s19+$0x0], $0xffff  }
0x128: {  	v34 =	vor.u32 v34, v37;
	v30 =	vld.idx.msk [tilespmem:v49+s19+$0x0], $0xffff  }
0x129: {  	v37 =	vor.u32 $0x100, v34;
	v27 =	vld.idx.msk [tilespmem:v27+s19+$0x0], $0xffff  }
0x12a: {  	v56 =	vor.u32 $0x300, v34;
	v29 =	vld.idx.msk [tilespmem:v29+s19+$0x0], $0xffff  }
0x12b: {  	v57 =	vadd.s32 $0x1580, v4;
	v32 =	vld.idx.msk [tilespmem:v32+s19+$0x0], $0xffff  }
0x12c: {  	v53 =	vadd.s32 $0x1600, v4;
	v33 =	vld.idx.msk [tilespmem:v33+s19+$0x0], $0xffff  }
0x12d: {  	v54 =	vshll.u32 v13, $0x4;
	v59 =	vor.u32 $0x380, v34;
	v45 =	vld.idx.msk [tilespmem:v34+s18+$0x0], $0xffff  }
0x12e: {  	v42 =	vor.u32 $0x80, v34;
	v10 =	vand.u32 $0x70, v54;
	v37 =	vld.idx.msk [tilespmem:v37+s18+$0x0], $0xffff  }
0x12f: {  	v12 =	vadd.f32 v12, v14;
	v14 =	vld.idx.msk [tilespmem:v56+s18+$0x0], $0xffff;
	v1 =	vor.u32 v1, v10  }
0x130: {  	v43 =	vor.u32 $0x180, v34;
	v0 =	vld.idx.msk [tilespmem:v57+s19+$0x0], $0xffff  }
0x131: {  	v10 =	vld.idx.msk [tilespmem:v53+s19+$0x0], $0xffff;
	v55 =	vor.u32 $0x1, v1  }
0x132: {  	v44 =	vor.u32 $0x200, v34;
	v53 =	vld.idx.msk [tilespmem:v59+s18+$0x0], $0xffff  }
0x133: {  	v41 =	vor.u32 $0x2, v1;
	v42 =	vld.idx.msk [tilespmem:v42+s18+$0x0], $0xffff  }
0x134: {  	v49 =	vadd.s32 $0x1480, v34;
	v40 =	vld.idx.msk [tilespmem:v1+s22+$0x0], $0xffff  }
0x135: {  	v38 =	vor.u32 $0x3, v1;
	v43 =	vld.idx.msk [tilespmem:v43+s18+$0x0], $0xffff  }
0x136: {  	v35 =	vor.u32 $0x4, v1;
	v24 =	vld.idx.msk [tilespmem:v55+s22+$0x0], $0xffff  }
0x137: {  	vm15 =	vgt.s32 v13, $0xF3FFF;
	vm1 =	vgt.s32 v63, $0xF3FFF;
	v46 =	vor.u32 $0x5, v1;
	v13 =	vld.idx.msk [tilespmem:v44+s18+$0x0], $0xffff  }
0x138: {  	v12 =	vadd.f32 v12, v61;
	v63 =	vadd.s32 $0x1400, v34;
	v48 =	vor.u32 $0x6, v1;
	v41 =	vld.idx.msk [tilespmem:v41+s22+$0x0], $0xffff  }
0x139: {  	v47 =	vor.u32 $0x280, v34;
	v15 =	vsel vm1, v19, v15;
	v61 =	vld.idx.msk [tilespmem:v49+s18+$0x0], $0xffff;
	v58 =	vsel vm15, v45, v40  }
0x13a: {  	v59 =	vadd.s32 $0x1580, v34;
	v39 =	vor.u32 $0x7, v1;
	v38 =	vld.idx.msk [tilespmem:v38+s22+$0x0], $0xffff;
	v15 =	vmul.f32 v15, v58  }
0x13b: {  	v60 =	vor.u32 $0x8, v1;
	v17 =	vsel vm1, v33, v17;
	v35 =	vld.idx.msk [tilespmem:v35+s22+$0x0], $0xffff;
	v24 =	vsel vm15, v42, v24  }
0x13c: {  	v18 =	vsel vm1, v32, v18;
	v44 =	vld.idx.msk [tilespmem:v46+s22+$0x0], $0xffff;
	v46 =	vmul.f32 v17, v24;
	v12 =	vadd.f32 v15, v12  }
0x13d: {  	v49 =	vadd.s32 $0x1700, v4;
	v4 =	vadd.s32 $0x1780, v4;
	v42 =	vld.idx.msk [tilespmem:v48+s22+$0x0], $0xffff;
	v48 =	vsel vm15, v37, v41  }
0x13e: {  	v62 =	vld.idx.msk [tilespmem:v47+s18+$0x0], $0xffff;
	v16 =	vsel vm1, v29, v16;
	v50 =	vmul.f32 v18, v48;
	v12 =	vadd.f32 v46, v12  }
0x13f: {  	v21 =	vsel vm1, v23, v21;
	v23 =	vld.idx.msk [tilespmem:v59+s18+$0x0], $0xffff;
	v55 =	vadd.s32 $0x1500, v34;
	v54 =	vsel vm15, v43, v38  }
0x140: {  	v47 =	vor.u32 $0x9, v1;
	v39 =	vld.idx.msk [tilespmem:v39+s22+$0x0], $0xffff;
	v56 =	vmul.f32 v16, v54;
	v12 =	vadd.f32 v50, v12  }
0x141: {  	v52 =	vor.u32 $0xA, v1;
	v57 =	vor.u32 $0xB, v1;
	v19 =	vld.idx.msk [tilespmem:v60+s22+$0x0], $0xffff;
	v13 =	vsel vm15, v13, v35  }
0x142: {  	v20 =	vsel vm1, v30, v20;
	v4 =	vld.idx.msk [tilespmem:v4+s19+$0x0], $0xffff;
	v13 =	vmul.f32 v21, v13;
	v12 =	vadd.f32 v56, v12  }
0x143: {  	v25 =	vsel vm1, v27, v25;
	v60 =	vor.u32 $0xC, v1;
	v58 =	vld.idx.msk [tilespmem:v63+s18+$0x0], $0xffff;
	v62 =	vsel vm15, v62, v44  }
0x144: {  	v40 =	vor.u32 $0xD, v1;
	v41 =	vld.idx.msk [tilespmem:v55+s18+$0x0], $0xffff;
	v38 =	vmul.f32 v20, v62;
	v12 =	vadd.f32 v13, v12  }
0x145: {  	v11 =	vsel vm1, v11, v26;
	v45 =	vadd.s32 $0x1700, v34;
	v17 =	vld.idx.msk [tilespmem:v47+s22+$0x0], $0xffff;
	v14 =	vsel vm15, v14, v42  }
0x146: {  	v63 =	vadd.s32 $0x1600, v34;
	v18 =	vld.idx.msk [tilespmem:v52+s22+$0x0], $0xffff;
	v43 =	vmul.f32 v25, v14;
	v12 =	vadd.f32 v38, v12  }
0x147: {  	v44 =	vor.u32 $0xE, v1;
	v1 =	vor.u32 $0xF, v1;
	v16 =	vld.idx.msk [tilespmem:v57+s22+$0x0], $0xffff;
	v24 =	vsel vm15, v53, v39  }
0x148: {  	v15 =	vld.idx.msk [tilespmem:v60+s22+$0x0], $0xffff;
	v11 =	vmul.f32 v11, v24;
	v12 =	vadd.f32 v43, v12  }
0x149: {  	v22 =	vsel vm1, v22, v28;
	v20 =	vld.idx.msk [tilespmem:v40+s22+$0x0], $0xffff;
	v42 =	vadd.s32 $0x1680, v34;
	v19 =	vsel vm15, v58, v19  }
0x14a: {  	v52 =	vor.u32 $0xE, v2;
	v53 =	vld.idx.msk [tilespmem:v45+s18+$0x0], $0xffff;
	v48 =	vmul.f32 v22, v19;
	v11 =	vadd.f32 v11, v12  }
0x14b: {  	v9 =	vsel vm1, v9, v36;
	v46 =	vld.idx.msk [tilespmem:v63+s18+$0x0], $0xffff;
	v17 =	vsel vm15, v61, v17  }
0x14c: {  	v47 =	vadd.s32 $0x1780, v34;
	v1 =	vld.idx.msk [tilespmem:v1+s22+$0x0], $0xffff;
	v9 =	vmul.f32 v9, v17;
	v11 =	vadd.f32 v48, v11  }
0x14d: {  	v6 =	vsel vm1, v6, v31;
	v2 =	vor.u32 $0xF, v2;
	v14 =	vld.idx.msk [tilespmem:v44+s22+$0x0], $0xffff;
	v54 =	vsel vm15, v41, v18  }
0x14e: {  	v6 =	vmul.f32 v6, v54;
	v50 =	vld.idx.msk [tilespmem:v42+s18+$0x0], $0xffff;
	v9 =	vadd.f32 v9, v11  }
0x14f: {  	v0 =	vsel vm1, v0, v7;
	v16 =	vsel vm15, v23, v16;
	v57 =	vld.idx.msk [tilespmem:v52+s24+$0x0], $0xffff  }
0x150: {  	v0 =	vmul.f32 v0, v16;
	v56 =	vld.idx.msk [tilespmem:v49+s19+$0x0], $0xffff;
	v6 =	vadd.f32 v6, v9  }
0x151: {  	v8 =	vsel vm1, v10, v8;
	v55 =	vld.idx.msk [tilespmem:v47+s18+$0x0], $0xffff;
	v58 =	vsel vm15, v46, v15  }
0x152: {  	v2 =	vld.idx.msk [tilespmem:v2+s24+$0x0], $0xffff;
	v59 =	vmul.f32 v8, v58;
	v0 =	vadd.f32 v0, v6  }
0x153: {  	v3 =	vsel vm1, v3, v5;
	v60 =	vsel vm15, v50, v20  }
0x154: {  	v3 =	vmul.f32 v3, v60;
	v0 =	vadd.f32 v59, v0  }
0x155: {  	v61 =	vsel vm15, v53, v14;
	v62 =	vsel vm1, v56, v57  }
0x156: {  	v63 =	vmul.f32 v62, v61;
	v0 =	vadd.f32 v3, v0  }
0x157: {  	v1 =	vsel vm15, v55, v1;
	v2 =	vsel vm1, v4, v2  }
0x158: {  	v1 =	vmul.f32 v2, v1;
	v0 =	vadd.f32 v63, v0;
	_ =	sdelay $0x1  }
0x159: {  	v0 =	vadd.f32 v1, v0;
	_ =	sdelay $0x1  }
0x15a: {  	v1 =	vsub.f32 $0.0e+00, v0;
	_ =	sdelay $0x1  }
0x15b: {  	v1 =	vmul.f32 $1.442695020e+00, v1;
	_ =	sdelay $0x1  }
0x15c: {  	(erf) = vpow2.f32 v1;
	_ =	sdelay $0x8  }
0x15d: {  	v1 =	vpop (erf)  }
0x15e: {  	s5 =	simm.s32 $0x10;
	v1 =	vadd.f32 $1.000000000e+00, v1  }
0x15f: {  	s3 =	simm.s32 $0x15910;
	s16 =	simm.s32 $0x310;
	s2 =	simm.s32 $0x15D00  }
0x160: {  	s17 =	simm.s32 $0x15F00;
	s21 =	simm.s32 $0x110;
	s1 =	simm.s32 $0x15F00;
	[tilespmem:s2+$0x0] =	vst v0;
	(erf) = vrcp.f32 v1  }
.LBB2_6:
0x161: {  	_ =	sdelay $0x7  }
0x162: {  	v0 =	vpop (erf)  }
0x163: {  	[tilespmem:s17+$0x0] =	vst v0  }
0x164: {  	v7 =	vld [tilespmem:s16+$0x0];
	_ =	sdelay $0x2  }
0x165: {  	s23 =	smov.u32 s5  }
0x166: {  	v60 =	vmov s23  }
0x167: {  	v0 =	vshll.u32 v60, $0x7;
	v1 =	vshll.u32 v7, $0x4  }
0x168: {  	v0 =	vor.u32 v51, v0;
	v1 =	vand.u32 $0x70, v1  }
0x169: {  	v1 =	vor.u32 v0, v1  }
0x16a: {  	s0 =	sadd.s32 $0x10, s0;
	v4 =	vor.u32 $0x3, v1  }
0x16b: {  	v6 =	vld [tilespmem:s0+$0x0];
	v9 =	vor.u32 $0x1, v1  }
0x16c: {  	v8 =	vld [tilespmem:s21+$0x0];
	v13 =	vor.u32 $0x2, v1  }
0x16d: {  	v12 =	vld [tilespmem:s3+$0x0];
	v5 =	vor.u32 $0x5, v1  }
0x16e: {  	v14 =	vor.u32 $0x4, v1;
	v11 =	vld.idx.msk [tilespmem:v1+s24+$0x0], $0xffff  }
0x16f: {  	v15 =	vor.u32 $0x6, v1;
	v10 =	vld.idx.msk [tilespmem:v4+s24+$0x0], $0xffff  }
0x170: {  	v17 =	vor.u32 $0x7, v1;
	v25 =	vld.idx.msk [tilespmem:v9+s24+$0x0], $0xffff  }
0x171: {  	v2 =	vadd.s32 $0xFFF0C040, v7;
	v18 =	vor.u32 $0x8, v1;
	v13 =	vld.idx.msk [tilespmem:v13+s24+$0x0], $0xffff  }
0x172: {  	vm0 =	vgt.s32 v2, $0x0;
	v30 =	vor.u32 $0xD, v1;
	v33 =	vld.idx.msk [tilespmem:v5+s24+$0x0], $0xffff  }
0x173: {  	v2 =	vnsel vm0, $0x0, v2;
	v28 =	vor.u32 $0xC, v1;
	v14 =	vld.idx.msk [tilespmem:v14+s24+$0x0], $0xffff  }
0x174: {  	v3 =	vand.u32 $0x7F, v2;
	v2 =	vshll.u32 v2, $0x3;
	v24 =	vor.u32 $0xA, v1;
	v15 =	vld.idx.msk [tilespmem:v15+s24+$0x0], $0xffff  }
0x175: {  	v20 =	vor.u32 $0x9, v1;
	v2 =	vand.u32 $0xFFFFFC00, v2;
	v17 =	vld.idx.msk [tilespmem:v17+s24+$0x0], $0xffff  }
0x176: {  	v16 =	vor.u32 v3, v2;
	v18 =	vld.idx.msk [tilespmem:v18+s24+$0x0], $0xffff  }
0x177: {  	v23 =	vor.u32 $0x380, v16;
	v30 =	vld.idx.msk [tilespmem:v30+s24+$0x0], $0xffff  }
0x178: {  	v21 =	vadd.s32 $0x1680, v16;
	v28 =	vld.idx.msk [tilespmem:v28+s24+$0x0], $0xffff  }
0x179: {  	v19 =	vor.u32 $0x200, v16;
	v24 =	vld.idx.msk [tilespmem:v24+s24+$0x0], $0xffff  }
0x17a: {  	v29 =	vadd.s32 $0x1500, v16;
	v20 =	vld.idx.msk [tilespmem:v20+s24+$0x0], $0xffff  }
0x17b: {  	v36 =	vadd.s32 $0xFFF0C040, v8;
	v27 =	vadd.s32 $0x1480, v16;
	v31 =	vld.idx.msk [tilespmem:v16+s19+$0x0], $0xffff  }
0x17c: {  	vm14 =	vgt.s32 v36, $0x0;
	v26 =	vadd.s32 $0x1400, v16;
	v23 =	vld.idx.msk [tilespmem:v23+s19+$0x0], $0xffff  }
0x17d: {  	v36 =	vnsel vm14, $0x0, v36;
	v34 =	vor.u32 $0x280, v16;
	v21 =	vld.idx.msk [tilespmem:v21+s19+$0x0], $0xffff  }
0x17e: {  	v40 =	vand.u32 $0x7F, v36;
	v36 =	vshll.u32 v36, $0x3;
	v22 =	vor.u32 $0x300, v16;
	v19 =	vld.idx.msk [tilespmem:v19+s19+$0x0], $0xffff  }
0x17f: {  	v36 =	vand.u32 $0xFFFFFC00, v36;
	v32 =	vadd.s32 $0x1600, v16;
	v29 =	vld.idx.msk [tilespmem:v29+s19+$0x0], $0xffff  }
0x180: {  	v36 =	vor.u32 v40, v36;
	v37 =	vor.u32 $0x100, v16;
	v27 =	vld.idx.msk [tilespmem:v27+s19+$0x0], $0xffff  }
0x181: {  	v47 =	vor.u32 $0x100, v36;
	v26 =	vld.idx.msk [tilespmem:v26+s19+$0x0], $0xffff  }
0x182: {  	v61 =	vor.u32 $0xE, v1;
	v62 =	vor.u32 $0xF, v1;
	v1 =	vor.u32 $0xB, v1;
	v3 =	vld.idx.msk [tilespmem:v34+s19+$0x0], $0xffff  }
0x183: {  	v35 =	vor.u32 $0x180, v16;
	v22 =	vld.idx.msk [tilespmem:v22+s19+$0x0], $0xffff  }
0x184: {  	v32 =	vld.idx.msk [tilespmem:v32+s19+$0x0], $0xffff  }
0x185: {  	v9 =	vadd.s32 $0x1580, v16;
	v37 =	vld.idx.msk [tilespmem:v37+s19+$0x0], $0xffff  }
0x186: {  	v12 =	vadd.f32 v6, v12;
	v2 =	vshll.u32 v8, $0x4;
	v5 =	vadd.s32 $0x1700, v16;
	v47 =	vld.idx.msk [tilespmem:v47+s18+$0x0], $0xffff  }
0x187: {  	v63 =	vadd.s32 $0x1780, v16;
	v16 =	vor.u32 $0x80, v16;
	v34 =	vand.u32 $0x70, v2;
	v6 =	vld.idx.msk [tilespmem:v1+s24+$0x0], $0xffff  }
0x188: {  	v46 =	vor.u32 $0x80, v36;
	v0 =	vor.u32 v0, v34;
	v34 =	vld.idx.msk [tilespmem:v35+s19+$0x0], $0xffff  }
0x189: {  	v1 =	vld.idx.msk [tilespmem:v36+s18+$0x0], $0xffff  }
0x18a: {  	v50 =	vor.u32 $0x280, v36;
	v9 =	vld.idx.msk [tilespmem:v9+s19+$0x0], $0xffff  }
0x18b: {  	[tilespmem:$0x1FF90] =	vst v63;
	v63 =	vadd.s32 $0x1700, v36;
	v5 =	vld.idx.msk [tilespmem:v5+s19+$0x0], $0xffff  }
0x18c: {  	vm15 =	vgt.s32 v7, $0xF3FFF;
	v58 =	vor.u32 $0x180, v36;
	v16 =	vld.idx.msk [tilespmem:v16+s19+$0x0], $0xffff  }
0x18d: {  	vm1 =	vgt.s32 v8, $0xF3FFF;
	v51 =	vor.u32 $0x300, v36;
	v8 =	vsel vm15, v31, v11;
	v11 =	vld.idx.msk [tilespmem:v46+s18+$0x0], $0xffff  }
0x18e: {  	v31 =	vld [tilespmem:$0x1FFE0]  }
0x18f: {  	v48 =	vor.u32 $0x380, v36;
	v46 =	vld.idx.msk [tilespmem:v50+s18+$0x0], $0xffff  }
0x190: {  	v4 =	vor.u32 $0x1, v0;
	v50 =	vld.idx.msk [tilespmem:v63+s18+$0x0], $0xffff  }
0x191: {  	v52 =	vadd.s32 $0x1400, v36;
	v42 =	vor.u32 $0x2, v0;
	v13 =	vsel vm15, v37, v13;
	v37 =	vld.idx.msk [tilespmem:v58+s18+$0x0], $0xffff  }
0x192: {  	v17 =	vsel vm15, v23, v17;
	v23 =	vsel vm15, v29, v24;
	v24 =	vsel vm15, v32, v28;
	v28 =	vld.idx.msk [tilespmem:v51+s18+$0x0], $0xffff  }
0x193: {  	[tilespmem:$0x1FFA0] =	vst v62;
	v62 =	vadd.s32 $0x1680, v36;
	v45 =	vld.idx.msk [tilespmem:v0+s22+$0x0], $0xffff  }
0x194: {  	v43 =	vor.u32 $0x3, v0;
	v21 =	vsel vm15, v21, v30;
	v30 =	vld.idx.msk [tilespmem:v48+s18+$0x0], $0xffff  }
0x195: {  	v38 =	vor.u32 $0x4, v0;
	v35 =	vld.idx.msk [tilespmem:v4+s22+$0x0], $0xffff  }
0x196: {  	v49 =	vor.u32 $0x200, v36;
	v32 =	vld.idx.msk [tilespmem:v52+s18+$0x0], $0xffff  }
0x197: {  	v41 =	vor.u32 $0x7, v0;
	v7 =	vld.idx.msk [tilespmem:v42+s22+$0x0], $0xffff  }
0x198: {  	v39 =	vor.u32 $0x5, v0;
	v48 =	vld.idx.msk [tilespmem:v62+s18+$0x0], $0xffff;
	v1 =	vsel vm1, v1, v45  }
0x199: {  	v40 =	vor.u32 $0x6, v0;
	v43 =	vld.idx.msk [tilespmem:v43+s22+$0x0], $0xffff;
	v12 =	vadd.f32 v12, v31;
	v1 =	vmul.f32 v8, v1  }
0x19a: {  	v55 =	vor.u32 $0x9, v0;
	v38 =	vld.idx.msk [tilespmem:v38+s22+$0x0], $0xffff;
	v16 =	vsel vm15, v16, v25;
	v11 =	vsel vm1, v11, v35  }
0x19b: {  	v54 =	vadd.s32 $0x1500, v36;
	v42 =	vld.idx.msk [tilespmem:v49+s18+$0x0], $0xffff;
	v11 =	vmul.f32 v16, v11;
	v1 =	vadd.f32 v1, v12  }
0x19c: {  	v53 =	vadd.s32 $0x1480, v36;
	v2 =	vor.u32 $0xD, v0;
	v41 =	vld.idx.msk [tilespmem:v41+s22+$0x0], $0xffff;
	v7 =	vsel vm1, v47, v7  }
0x19d: {  	v44 =	vor.u32 $0x8, v0;
	v45 =	vld.idx.msk [tilespmem:v39+s22+$0x0], $0xffff;
	v7 =	vmul.f32 v13, v7;
	v1 =	vadd.f32 v11, v1  }
0x19e: {  	v56 =	vor.u32 $0xA, v0;
	v10 =	vsel vm15, v34, v10;
	v58 =	vld.idx.msk [tilespmem:v40+s22+$0x0], $0xffff;
	v29 =	vsel vm1, v37, v43  }
0x19f: {  	v3 =	vsel vm15, v3, v33;
	v34 =	vld.idx.msk [tilespmem:v55+s22+$0x0], $0xffff;
	v33 =	vmul.f32 v10, v29;
	v1 =	vadd.f32 v7, v1  }
0x1a0: {  	v59 =	vor.u32 $0xB, v0;
	v14 =	vsel vm15, v19, v14;
	v40 =	vld.idx.msk [tilespmem:v54+s18+$0x0], $0xffff;
	v19 =	vsel vm1, v42, v38  }
0x1a1: {  	v57 =	vadd.s32 $0x1580, v36;
	v2 =	vld.idx.msk [tilespmem:v2+s22+$0x0], $0xffff;
	v37 =	vmul.f32 v14, v19;
	v1 =	vadd.f32 v33, v1  }
0x1a2: {  	v31 =	vld.idx.msk [tilespmem:v44+s22+$0x0], $0xffff;
	v8 =	vsel vm1, v46, v45  }
0x1a3: {  	v35 =	vld.idx.msk [tilespmem:v53+s18+$0x0], $0xffff;
	v3 =	vmul.f32 v3, v8;
	v1 =	vadd.f32 v37, v1  }
0x1a4: {  	[tilespmem:$0x1FF80] =	vst v61;
	v61 =	vor.u32 $0xC, v0;
	v15 =	vsel vm15, v22, v15;
	v38 =	vld.idx.msk [tilespmem:v56+s22+$0x0], $0xffff;
	v12 =	vsel vm1, v28, v58  }
0x1a5: {  	v39 =	vsel vm1, v30, v41;
	v41 =	vld.idx.msk [tilespmem:v59+s22+$0x0], $0xffff;
	v44 =	vmul.f32 v15, v12;
	v1 =	vadd.f32 v3, v1  }
0x1a6: {  	v60 =	vadd.s32 $0x1600, v36;
	v43 =	vld.idx.msk [tilespmem:v57+s18+$0x0], $0xffff  }
0x1a7: {  	v36 =	vadd.s32 $0x1780, v36;
	v56 =	vld [tilespmem:$0x1FF80];
	v47 =	vmul.f32 v17, v39;
	v1 =	vadd.f32 v44, v1  }
0x1a8: {  	v18 =	vsel vm15, v26, v18;
	v4 =	vor.u32 $0xE, v0;
	v59 =	vld [tilespmem:$0x1FFA0];
	v42 =	vsel vm1, v32, v31  }
0x1a9: {  	v0 =	vor.u32 $0xF, v0;
	v58 =	vld [tilespmem:$0x1FF90];
	v49 =	vmul.f32 v18, v42;
	v1 =	vadd.f32 v47, v1  }
0x1aa: {  	v20 =	vsel vm15, v27, v20;
	v45 =	vld.idx.msk [tilespmem:v61+s22+$0x0], $0xffff;
	v10 =	vsel vm1, v35, v34  }
0x1ab: {  	v46 =	vld.idx.msk [tilespmem:v60+s18+$0x0], $0xffff;
	v52 =	vmul.f32 v20, v10;
	v1 =	vadd.f32 v49, v1  }
0x1ac: {  	v54 =	vld.idx.msk [tilespmem:v36+s18+$0x0], $0xffff;
	v14 =	vsel vm1, v40, v38  }
0x1ad: {  	v4 =	vld.idx.msk [tilespmem:v4+s22+$0x0], $0xffff;
	v55 =	vmul.f32 v23, v14;
	v1 =	vadd.f32 v52, v1  }
0x1ae: {  	v6 =	vsel vm15, v9, v6;
	v0 =	vld.idx.msk [tilespmem:v0+s22+$0x0], $0xffff;
	v7 =	vsel vm1, v43, v41  }
0x1af: {  	v57 =	vmul.f32 v6, v7;
	v9 =	vld.idx.msk [tilespmem:v56+s24+$0x0], $0xffff;
	v1 =	vadd.f32 v55, v1  }
0x1b0: {  	v7 =	vld.idx.msk [tilespmem:v59+s24+$0x0], $0xffff;
	v53 =	vsel vm1, v46, v45  }
0x1b1: {  	v6 =	vld.idx.msk [tilespmem:v58+s19+$0x0], $0xffff;
	v60 =	vmul.f32 v24, v53;
	v1 =	vadd.f32 v57, v1  }
0x1b2: {  	v2 =	vsel vm1, v48, v2  }
0x1b3: {  	v2 =	vmul.f32 v21, v2;
	v1 =	vadd.f32 v60, v1  }
0x1b4: {  	v4 =	vsel vm1, v50, v4;
	v61 =	vsel vm15, v5, v9  }
0x1b5: {  	v62 =	vmul.f32 v61, v4;
	v1 =	vadd.f32 v2, v1  }
0x1b6: {  	v0 =	vsel vm1, v54, v0;
	v63 =	vsel vm15, v6, v7  }
0x1b7: {  	v0 =	vmul.f32 v63, v0;
	v1 =	vadd.f32 v62, v1;
	_ =	sdelay $0x1  }
0x1b8: {  	v0 =	vadd.f32 v0, v1  }
0x1b9: {  	s2 =	sadd.s32 $0x10, s2  }
0x1ba: {  	[tilespmem:s2+$0x0] =	vst v0;
	v0 =	vsub.f32 $0.0e+00, v0;
	_ =	sdelay $0x1  }
0x1bb: {  	v0 =	vmul.f32 $1.442695020e+00, v0;
	_ =	sdelay $0x1  }
0x1bc: {  	(erf) = vpow2.f32 v0;
	_ =	sdelay $0x6  }
0x1bd: {  	p0 =	sne.s32 s5, $0xF0  }
.Ltmp2:
0x1be: {  	_ = 	snop;
	(pc) =	sbr.rel @p0 .LBB2_6-.Ltmp2, $4  }
0x1bf: {  	v0 =	vpop (erf)  }
0x1c0: {  	s1 =	sadd.s32 $0x10, s1;
	v0 =	vadd.f32 $1.000000000e+00, v0  }
0x1c1: {  	s5 =	sadd.s32 $0x10, s5;
	s17 =	smov.u32 s1  }
0x1c2: {  	s3 =	sadd.s32 $0x10, s3;
	s16 =	sadd.s32 $0x10, s16;
	s21 =	sadd.s32 $0x10, s21;
	v51 =	vld [tilespmem:$0x1FFF0];
	(erf) = vrcp.f32 v0  }
0x1c3: {  	_ =	sdelay $0x7  }
0x1c4: {  	v0 =	vpop (erf)  }
0x1c5: {  	[tilespmem:s17+$0x0] =	vst v0  }
0x1c6: {  	[hbm4b:s12+s4] =	stream.linear.scatter [tilespmem:s29], [sflag:$0x2], $0x200, $0x38;
	[tilespmem:$0x16080] =	vst v63  }
0x1c7: {  	s31 =	sadd.s32 $0x1, s31;
	_ =	swait.ge [sflag:s15], $0x200  }
0x1c8: {  	p0 =	sne.s32 s31, s14;
	[sflag:s15] =	ssyncset.done $0x0  }
.Ltmp3:
0x1c9: {  	[sflag:s15] =	ssyncadd.s32 $0xFFFFFE00;
	(pc) =	sbr.rel @p0 .LBB2_1-.Ltmp3, $4  }
0x1ca: {  	[hbm4b:s13+s4] =	stream.linear.scatter [tilespmem:s30], [sflag:$0x2], $0x200, $0x38;
	[tilespmem:$0x16080] =	vst v63  }
0x1cb: {  	_ =	swait.ge [sflag:s15], $0x200  }
0x1cc: {  	[sflag:s15] =	ssyncset.done $0x0  }
0x1cd: {  	[sflag:s15] =	ssyncadd.s32 $0xFFFFFE00  }
0x1ce: {  	_ =	sfence.sel $0x180000  }
0x1cf: {  	[bflag:$0x0] =	sbarrier.arrive $0xFFFF  }
0x1d0: {  	_ =	strace $0x9000004A  }
0x1d1: {  	s0 =	stileid.u32;
	[bflag:$0x2] =	sbarrier.arrive $0xFFFF  }
0x1d2: {  	p0 =	sne.s32 s0, $0x0;
	s0 =	rddreg [dreg:$0x8]  }
0x1d3: {  	s0 =	sadd.s32 @!p0 $0x100000, s0  }
0x1d4: {  	[sflag:s0] =	ssyncadd.tile.s32 @!p0 $0x1;
	_ =	shalt  }
.Lfunc_end2:
_tile_overlayer_lowered:
.L_overlay_start_2:
0x1d5: {  	(tag) =	ssettag $0x2  }
0x1d6: {  	s0 =	rddreg [dreg:$0x0];
	s2 =	stileid.u32  }
0x1d7: {  	s1 =	rddreg [dreg:$0x1];
	p0 =	sne.s32 s2, $0x0  }
0x1d8: {  	s3 =	rddreg [dreg:$0x2];
	[bflag:$0x3] =	sbarrier.arrive $0xFFFF;
	s2 =	simm.s32 @!p0 $0x1C02  }
0x1d9: {  	[timem:s3], [sflag:s2] =	dma.local @!p0 [hbm:s0], s1  }
0x1da: {  	s0 =	simm.s32 @!p0 $0x2  }
0x1db: {  	_ =	swait.ge @!p0 [sflag:s0], s1  }
0x1dc: {  	s1 =	ssub.s32 @!p0 $0x0, s1;
	[sflag:s0] =	ssyncset.done @!p0 $0x0  }
0x1dd: {  	[sflag:s0] =	ssyncadd.s32 @!p0 s1  }
0x1de: {  	[bflag:$0x3] =	sbarrier.arrive $0xFFFF  }
0x1df: {  	_ =	shalt  }

</sc_bundles>
